<compile_context>
chip_gen: v7x
topology: tpu7x:2x2x1
jax: 0.10.2.dev20260603
libtpu: 0.0.44.dev20260713+nightly
codegen_flags: <defaults>
</compile_context>

<pallas_src>
import functools

import jax
import jax.numpy as jnp
from jax import lax
from jax.experimental import pallas as pl
from jax.experimental.pallas import tpu as pltpu
from jax.experimental.pallas import tpu_sc as plsc

N = 10000
E = 320000
D_IN = 128
H = 32
D_OUT = 128

NC = 2
NS = 16
NW = NC * NS
MC = 128
NCH = 80
EPW = NCH * MC
E_PAD = NW * EPW
N_PAD = 10240
RPT = N_PAD // NS

BLK = 1280
GRID = N_PAD // BLK

_mesh = plsc.VectorSubcoreMesh(core_axis_name="c", subcore_axis_name="s")
_sc_params = pltpu.CompilerParams(use_tc_tiling_on_sc=False)


def _zero16():
    return jnp.zeros((16,), jnp.float32)


def _sc_edge1_body(tab, srcs, dsts, vs, aggp, cntp,
                   src_vm, dst_vm, v_vm, rows0, rows1, msg0, msg1, ones, zer16,
                   sem0, sem1, smsg0, smsg1, sones, acc_sh, cnt_sh, tab_sh):
    c = lax.axis_index("c")
    s = lax.axis_index("s")
    wid = s * NC + c
    rows_bufs = (rows0, rows1)
    msg_bufs = (msg0, msg1)
    sems = (sem0, sem1)
    smsgs = (smsg0, smsg1)
    msg = msg0

    one16 = jnp.ones((16,), jnp.float32)

    def init_row(i, _):
        msg[i, pl.ds(0, 16)] = _zero16()
        msg[i, pl.ds(16, 16)] = _zero16()
        ones[i, pl.ds(0, 16)] = one16
        zer16[i, pl.ds(0, 16)] = _zero16()
        return 0
    lax.fori_loop(0, MC, init_row, 0)

    for r in range(RPT // MC):
        base = s * RPT + r * MC
        pltpu.sync_copy(msg, acc_sh.at[pl.ds(base, MC)])
        pltpu.sync_copy(zer16, cnt_sh.at[pl.ds(base, MC)])
    pltpu.sync_copy(tab.at[pl.ds(s * RPT, RPT)], tab_sh.at[pl.ds(s * RPT, RPT)])
    plsc.subcore_barrier()

    pltpu.sync_copy(srcs.at[wid], src_vm)
    pltpu.sync_copy(dsts.at[wid], dst_vm)
    pltpu.sync_copy(vs.at[wid], v_vm)

    pltpu.async_copy(tab_sh.at[src_vm.at[0]], rows0, sem0)

    def pair(t, _):
        for b in range(2):
            j = t * 2 + b
            rows = rows_bufs[b]
            msg = msg_bufs[b]
            pltpu.make_async_copy(tab_sh.at[src_vm.at[j]], rows, sems[b]).wait()

            @pl.when(j + 1 < NCH)
            def _prefetch():
                pltpu.async_copy(tab_sh.at[src_vm.at[j + 1]],
                                 rows_bufs[1 - b], sems[1 - b])

            @pl.when(j >= 2)
            def _drain_msg():
                pltpu.make_async_copy(msg, acc_sh.at[dst_vm.at[j]],
                                      smsgs[b]).wait()

            def grp(g, _):
                v16 = v_vm[j, pl.ds(g * 16, 16)]
                v16 = jnp.minimum(jnp.maximum(v16, 0.0), 1.0)
                r0 = g * 16
                for e in range(16):
                    ve = v16[e]
                    a0 = rows[r0 + e, pl.ds(0, 16)]
                    a1 = rows[r0 + e, pl.ds(16, 16)]
                    d0 = rows[r0 + e, pl.ds(32, 16)]
                    d1 = rows[r0 + e, pl.ds(48, 16)]
                    msg[r0 + e, pl.ds(0, 16)] = a0 + ve * d0
                    msg[r0 + e, pl.ds(16, 16)] = a1 + ve * d1
                return 0
            lax.fori_loop(0, MC // 16, grp, 0)

            pltpu.async_copy(msg, acc_sh.at[dst_vm.at[j]], smsgs[b], add=True)
            pltpu.async_copy(ones, cnt_sh.at[dst_vm.at[j]], sones, add=True)

            @pl.when(j >= 1)
            def _drain_ones():
                pltpu.make_async_copy(ones, cnt_sh.at[dst_vm.at[j]],
                                      sones).wait()
        return 0
    lax.fori_loop(0, NCH // 2, pair, 0)
    pltpu.make_async_copy(msg0, acc_sh.at[dst_vm.at[0]], smsg0).wait()
    pltpu.make_async_copy(msg1, acc_sh.at[dst_vm.at[0]], smsg1).wait()
    pltpu.make_async_copy(ones, cnt_sh.at[dst_vm.at[0]], sones).wait()

    plsc.subcore_barrier()
    pltpu.sync_copy(acc_sh.at[pl.ds(s * RPT, RPT)], aggp.at[c, pl.ds(s * RPT, RPT)])
    pltpu.sync_copy(cnt_sh.at[pl.ds(s * RPT, RPT)], cntp.at[c, pl.ds(s * RPT, RPT)])


_sc_edge1 = pl.kernel(
    _sc_edge1_body,
    out_type=(jax.ShapeDtypeStruct((NC, N_PAD, 32), jnp.float32),
              jax.ShapeDtypeStruct((NC, N_PAD, 16), jnp.float32)),
    mesh=_mesh,
    scratch_types=[
        pltpu.VMEM((NCH, MC), jnp.int32),
        pltpu.VMEM((NCH, MC), jnp.int32),
        pltpu.VMEM((NCH, MC), jnp.float32),
        pltpu.VMEM((MC, 64), jnp.float32),
        pltpu.VMEM((MC, 64), jnp.float32),
        pltpu.VMEM((MC, 32), jnp.float32),
        pltpu.VMEM((MC, 32), jnp.float32),
        pltpu.VMEM((MC, 16), jnp.float32),
        pltpu.VMEM((MC, 16), jnp.float32),
        pltpu.SemaphoreType.DMA,
        pltpu.SemaphoreType.DMA,
        pltpu.SemaphoreType.DMA,
        pltpu.SemaphoreType.DMA,
        pltpu.SemaphoreType.DMA,
        pltpu.VMEM_SHARED((N_PAD, 32), jnp.float32),
        pltpu.VMEM_SHARED((N_PAD, 16), jnp.float32),
        pltpu.VMEM_SHARED((N_PAD, 64), jnp.float32),
    ],
    compiler_params=_sc_params,
)


def _sc_edge2_body(tab, srcs, dsts, vs, sp,
                   src_vm, dst_vm, v_vm, rows0, rows1, msg0, msg1,
                   sem0, sem1, smsg0, smsg1, acc_sh, tab_sh):
    c = lax.axis_index("c")
    s = lax.axis_index("s")
    wid = s * NC + c
    rows_bufs = (rows0, rows1)
    msg_bufs = (msg0, msg1)
    sems = (sem0, sem1)
    smsgs = (smsg0, smsg1)
    msg = msg0

    def init_row(i, _):
        msg[i, pl.ds(0, 16)] = _zero16()
        msg[i, pl.ds(16, 16)] = _zero16()
        msg[i, pl.ds(32, 16)] = _zero16()
        msg[i, pl.ds(48, 16)] = _zero16()
        return 0
    lax.fori_loop(0, MC, init_row, 0)

    for r in range(RPT // MC):
        pltpu.sync_copy(msg, acc_sh.at[pl.ds(s * RPT + r * MC, MC)])
    pltpu.sync_copy(tab.at[pl.ds(s * RPT, RPT)], tab_sh.at[pl.ds(s * RPT, RPT)])
    plsc.subcore_barrier()

    pltpu.sync_copy(srcs.at[wid], src_vm)
    pltpu.sync_copy(dsts.at[wid], dst_vm)
    pltpu.sync_copy(vs.at[wid], v_vm)

    pltpu.async_copy(tab_sh.at[src_vm.at[0]], rows0, sem0)

    def pair(t, _):
        for b in range(2):
            j = t * 2 + b
            rows = rows_bufs[b]
            msg = msg_bufs[b]
            pltpu.make_async_copy(tab_sh.at[src_vm.at[j]], rows, sems[b]).wait()

            @pl.when(j + 1 < NCH)
            def _prefetch():
                pltpu.async_copy(tab_sh.at[src_vm.at[j + 1]],
                                 rows_bufs[1 - b], sems[1 - b])

            @pl.when(j >= 2)
            def _drain_msg():
                pltpu.make_async_copy(msg, acc_sh.at[dst_vm.at[j]],
                                      smsgs[b]).wait()

            def grp(g, _):
                v16 = v_vm[j, pl.ds(g * 16, 16)]
                v16 = jnp.minimum(jnp.maximum(v16, 0.0), 1.0)
                r0 = g * 16
                for e in range(16):
                    ve = v16[e]
                    a0 = rows[r0 + e, pl.ds(0, 16)]
                    a1 = rows[r0 + e, pl.ds(16, 16)]
                    t0 = ve * a0
                    t1 = ve * a1
                    msg[r0 + e, pl.ds(0, 16)] = a0 - t0
                    msg[r0 + e, pl.ds(16, 16)] = a1 - t1
                    msg[r0 + e, pl.ds(32, 16)] = t0
                    msg[r0 + e, pl.ds(48, 16)] = t1
                return 0
            lax.fori_loop(0, MC // 16, grp, 0)

            pltpu.async_copy(msg, acc_sh.at[dst_vm.at[j]], smsgs[b], add=True)
        return 0
    lax.fori_loop(0, NCH // 2, pair, 0)
    pltpu.make_async_copy(msg0, acc_sh.at[dst_vm.at[0]], smsg0).wait()
    pltpu.make_async_copy(msg1, acc_sh.at[dst_vm.at[0]], smsg1).wait()

    plsc.subcore_barrier()
    pltpu.sync_copy(acc_sh.at[pl.ds(s * RPT, RPT)], sp.at[c, pl.ds(s * RPT, RPT)])


_sc_edge2 = pl.kernel(
    _sc_edge2_body,
    out_type=jax.ShapeDtypeStruct((NC, N_PAD, 64), jnp.float32),
    mesh=_mesh,
    scratch_types=[
        pltpu.VMEM((NCH, MC), jnp.int32),
        pltpu.VMEM((NCH, MC), jnp.int32),
        pltpu.VMEM((NCH, MC), jnp.float32),
        pltpu.VMEM((MC, 32), jnp.float32),
        pltpu.VMEM((MC, 32), jnp.float32),
        pltpu.VMEM((MC, 64), jnp.float32),
        pltpu.VMEM((MC, 64), jnp.float32),
        pltpu.SemaphoreType.DMA,
        pltpu.SemaphoreType.DMA,
        pltpu.SemaphoreType.DMA,
        pltpu.SemaphoreType.DMA,
        pltpu.VMEM_SHARED((N_PAD, 64), jnp.float32),
        pltpu.VMEM_SHARED((N_PAD, 32), jnp.float32),
    ],
    compiler_params=_sc_params,
)


def _tc_pre_body(x_ref, wcat_ref, r1_ref, b1_ref, tab_ref, xr_ref):
    xb = x_ref[...]
    tab_ref[...] = jnp.dot(xb, wcat_ref[...], preferred_element_type=jnp.float32)
    xr_ref[...] = jnp.dot(xb, r1_ref[...], preferred_element_type=jnp.float32) + b1_ref[...]


_tc_pre = pl.pallas_call(
    _tc_pre_body,
    grid=(GRID,),
    in_specs=[
        pl.BlockSpec((BLK, D_IN), lambda i: (i, 0)),
        pl.BlockSpec((D_IN, 64), lambda i: (0, 0)),
        pl.BlockSpec((D_IN, H), lambda i: (0, 0)),
        pl.BlockSpec((1, H), lambda i: (0, 0)),
    ],
    out_specs=[
        pl.BlockSpec((BLK, 64), lambda i: (i, 0)),
        pl.BlockSpec((BLK, H), lambda i: (i, 0)),
    ],
    out_shape=[
        jax.ShapeDtypeStruct((N_PAD, 64), jnp.float32),
        jax.ShapeDtypeStruct((N_PAD, H), jnp.float32),
    ],
)


def _deg(cntp_blk):
    d = jnp.sum(cntp_blk[0] + cntp_blk[1], axis=1, keepdims=True) * (1.0 / 16.0)
    return jnp.maximum(d, 1.0)


def _tc_mid_body(aggp_ref, cntp_ref, xr_ref, r2_ref, b2_ref, h_ref, base_ref):
    aggp = aggp_ref[...]
    agg = (aggp[0] + aggp[1]) / _deg(cntp_ref[...])
    h = jnp.maximum(agg + xr_ref[...], 0.0)
    h_ref[...] = h
    base_ref[...] = jnp.dot(h, r2_ref[...], preferred_element_type=jnp.float32) + b2_ref[...]


_tc_mid = pl.pallas_call(
    _tc_mid_body,
    grid=(GRID,),
    in_specs=[
        pl.BlockSpec((NC, BLK, 32), lambda i: (0, i, 0)),
        pl.BlockSpec((NC, BLK, 16), lambda i: (0, i, 0)),
        pl.BlockSpec((BLK, H), lambda i: (i, 0)),
        pl.BlockSpec((H, D_OUT), lambda i: (0, 0)),
        pl.BlockSpec((1, D_OUT), lambda i: (0, 0)),
    ],
    out_specs=[
        pl.BlockSpec((BLK, H), lambda i: (i, 0)),
        pl.BlockSpec((BLK, D_OUT), lambda i: (i, 0)),
    ],
    out_shape=[
        jax.ShapeDtypeStruct((N_PAD, H), jnp.float32),
        jax.ShapeDtypeStruct((N_PAD, D_OUT), jnp.float32),
    ],
)


def _tc_out_body(sp_ref, cntp_ref, w2_ref, base_ref, out_ref):
    sp = sp_ref[...]
    sblk = (sp[0] + sp[1]) / _deg(cntp_ref[...])
    out_ref[...] = jnp.dot(sblk, w2_ref[...], preferred_element_type=jnp.float32) + base_ref[...]


_tc_out = pl.pallas_call(
    _tc_out_body,
    grid=(GRID,),
    in_specs=[
        pl.BlockSpec((NC, BLK, 64), lambda i: (0, i, 0)),
        pl.BlockSpec((NC, BLK, 16), lambda i: (0, i, 0)),
        pl.BlockSpec((2 * H, D_OUT), lambda i: (0, 0)),
        pl.BlockSpec((BLK, D_OUT), lambda i: (i, 0)),
    ],
    out_specs=pl.BlockSpec((BLK, D_OUT), lambda i: (i, 0)),
    out_shape=jax.ShapeDtypeStruct((N_PAD, D_OUT), jnp.float32),
)


@jax.jit
def _run(x, edge_index, edge_attr, W1, R1, b1, W2, R2, b2):
    src = edge_index[0]
    dst = edge_index[1]
    v = edge_attr[:, 0]
    pad_e = E_PAD - E
    srcp = jnp.concatenate([src, jnp.zeros((pad_e,), jnp.int32)]).reshape(NW, NCH, MC)
    dstp = jnp.concatenate([dst, jnp.full((pad_e,), N, jnp.int32)]).reshape(NW, NCH, MC)
    vp = jnp.concatenate([v, jnp.zeros((pad_e,), jnp.float32)]).reshape(NW, NCH, MC)
    xpad = jnp.pad(x, ((0, N_PAD - N), (0, 0)))

    wcat = jnp.concatenate([W1[0], W1[1] - W1[0]], axis=1)
    w2cat = W2.reshape(2 * H, D_OUT)

    tab1, xr = _tc_pre(xpad, wcat, R1, b1.reshape(1, H))
    aggp, cntp = _sc_edge1(tab1, srcp, dstp, vp)
    h, base = _tc_mid(aggp, cntp, xr, R2, b2.reshape(1, D_OUT))
    sp = _sc_edge2(h, srcp, dstp, vp)
    out = _tc_out(sp, cntp, w2cat, base)
    return out[:N]


def kernel(x, edge_index, edge_attr, W1, R1, b1, W2, R2, b2):
    return _run(x, edge_index, edge_attr, W1, R1, b1, W2, R2, b2)

# --- scband reference (transcript-rebuilt; emitter-appended) ---
"""Pipeline reference for scband-splineconv-model-8169027797597 (READ-ONLY COPY).

The authoritative reference and input builder live on the scoring server;
editing this copy changes nothing except your own understanding.
"""

import jax, jax.numpy as jnp
import numpy as np

N = 10000
E = 320000
D_IN = 128
H = 32
D_OUT = 128
K = 2


def setup_inputs(seed: int = 0) -> dict:
    key = jax.random.key(seed)
    ks = jax.random.split(key, 9)
    x = jax.random.normal(ks[0], (N, D_IN), dtype=jnp.float32)
    edge_index = jax.random.randint(ks[1], (2, E), 0, N, dtype=jnp.int32)
    edge_attr = jax.random.uniform(ks[2], (E, 1), dtype=jnp.float32)
    # SplineConv layer 1: weight [K, in, out], root weight, bias
    W1 = jax.random.normal(ks[3], (K, D_IN, H), dtype=jnp.float32) * (1.0 / np.sqrt(K * D_IN))
    R1 = jax.random.normal(ks[4], (D_IN, H), dtype=jnp.float32) * (1.0 / np.sqrt(D_IN))
    b1 = jnp.zeros((H,), dtype=jnp.float32)
    # SplineConv layer 2
    W2 = jax.random.normal(ks[5], (K, H, D_OUT), dtype=jnp.float32) * (1.0 / np.sqrt(K * H))
    R2 = jax.random.normal(ks[6], (H, D_OUT), dtype=jnp.float32) * (1.0 / np.sqrt(H))
    b2 = jnp.zeros((D_OUT,), dtype=jnp.float32)
    return {"x": x, "edge_index": edge_index, "edge_attr": edge_attr,
            "W1": W1, "R1": R1, "b1": b1, "W2": W2, "R2": R2, "b2": b2}


def _spline_conv(x, edge_index, pseudo, W, Wr, b):
    # SplineConv with dim=1, degree=1 (linear B-spline), open spline, aggr='mean',
    # root_weight=True, bias=True.
    Kc = W.shape[0]
    src = edge_index[0]
    dst = edge_index[1]
    n = x.shape[0]
    v = jnp.clip(pseudo[:, 0], 0.0, 1.0) * (Kc - 1)
    i0 = jnp.clip(jnp.floor(v), 0, Kc - 2).astype(jnp.int32)
    frac = v - i0.astype(v.dtype)
    # Per-node transform by each kernel weight matrix: [K, N, out]
    xw = jnp.einsum('nd,kdo->kno', x, W)
    # Per-edge B-spline blended messages (gather from source nodes)
    m = (1.0 - frac)[:, None] * xw[i0, src] + frac[:, None] * xw[i0 + 1, src]
    # Mean aggregation over incoming edges (scatter-add + degree normalize)
    agg = jax.ops.segment_sum(m, dst, num_segments=n)
    cnt = jax.ops.segment_sum(jnp.ones((edge_index.shape[1],), dtype=x.dtype), dst, num_segments=n)
    agg = agg / jnp.clip(cnt, 1.0)[:, None]
    return agg + x @ Wr + b


def reference(x, edge_index, edge_attr, W1, R1, b1, W2, R2, b2):
    h = _spline_conv(x, edge_index, edge_attr, W1, R1, b1)
    h = jax.nn.relu(h)
    # dropout p=0.5 is identity in eval mode (training=False)
    out = _spline_conv(h, edge_index, edge_attr, W2, R2, b2)
    return out

if __name__ == "__main__":
    import jax
    _d = setup_inputs()
    print(jax.jit(kernel)(*tuple(_d.values())))

</pallas_src>

<mosaic_0001>
#map = affine_map<(d0, d1) -> (0, 0)>
#map1 = affine_map<(d0, d1) -> (0, 0, 0)>
module attributes {stable_mosaic.version = 14 : i64} {
  func.func @_sc_edge1_body(%arg0: i32, %arg1: i32, %arg2: memref<10240x64xf32, #tpu.memory_space<hbm>>, %arg3: memref<32x80x128xi32, #tpu.memory_space<hbm>>, %arg4: memref<32x80x128xi32, #tpu.memory_space<hbm>>, %arg5: memref<32x80x128xf32, #tpu.memory_space<hbm>>, %arg6: memref<2x10240x32xf32, #tpu.memory_space<hbm>>, %arg7: memref<2x10240x16xf32, #tpu.memory_space<hbm>>, %arg8: memref<80x128xi32, #tpu.memory_space<vmem>>, %arg9: memref<80x128xi32, #tpu.memory_space<vmem>>, %arg10: memref<80x128xf32, #tpu.memory_space<vmem>>, %arg11: memref<128x64xf32, #tpu.memory_space<vmem>>, %arg12: memref<128x64xf32, #tpu.memory_space<vmem>>, %arg13: memref<128x32xf32, #tpu.memory_space<vmem>>, %arg14: memref<128x32xf32, #tpu.memory_space<vmem>>, %arg15: memref<128x16xf32, #tpu.memory_space<vmem>>, %arg16: memref<128x16xf32, #tpu.memory_space<vmem>>, %arg17: memref<!tpu.dma_semaphore, #tpu.memory_space<semaphore_mem>>, %arg18: memref<!tpu.dma_semaphore, #tpu.memory_space<semaphore_mem>>, %arg19: memref<!tpu.dma_semaphore, #tpu.memory_space<semaphore_mem>>, %arg20: memref<!tpu.dma_semaphore, #tpu.memory_space<semaphore_mem>>, %arg21: memref<!tpu.dma_semaphore, #tpu.memory_space<semaphore_mem>>, %arg22: memref<10240x32xf32, #tpu.memory_space<vmem_shared>>, %arg23: memref<10240x16xf32, #tpu.memory_space<vmem_shared>>, %arg24: memref<10240x64xf32, #tpu.memory_space<vmem_shared>>) attributes {dimension_semantics = [#tpu.dimension_semantics<core_parallel>, #tpu.dimension_semantics<subcore_parallel>], iteration_bounds = array<i64: 2, 16>, scalar_prefetch = 0 : i64, scratch_operands = 17 : i64, tpu.core_type = #tpu.core_type<sc_vector_subcore>, window_params = [{transform_indices = #map}, {transform_indices = #map1}, {transform_indices = #map1}, {transform_indices = #map1}, {transform_indices = #map1}, {transform_indices = #map1}]} {
    %mul3A = arith.constant 2 : i32
    %mul3A_0 = arith.muli %arg1, %mul3A : i32
    %add3A = arith.addi %mul3A_0, %arg0 : i32
    %broadcast_in_dim3A = arith.constant 1.000000e+00 : f32
    %broadcast_in_dim3A_1 = vector.broadcast %broadcast_in_dim3A : f32 to vector<16xf32>
    %scan3A = arith.constant 0 : i32
    %scan3A_2 = arith.constant 0 : i32
    %scan3A_3 = arith.constant 128 : i32
    %scan3A_4 = arith.addi %scan3A_2, %scan3A_3 : i32
    %scan3A_5 = arith.constant 1 : i32
    %scan3A_6 = scf.for %scan3A_74 = %scan3A_2 to %scan3A_4 step %scan3A_5 iter_args(%scan3A_75 = %scan3A) -> (i32)  : i32 {
      %broadcast_in_dim3A_76 = arith.constant 0.000000e+00 : f32
      %broadcast_in_dim3A_77 = vector.broadcast %broadcast_in_dim3A_76 : f32 to vector<16xf32>
      %swap3A = arith.index_cast %scan3A_74 : i32 to index
      %swap3A_78 = arith.constant 0 : index
      %swap3A_79 = tpu.vector_load %arg13[%swap3A, %swap3A_78] {strides = array<i32>} : memref<128x32xf32, #tpu.memory_space<vmem>>, vector<1x16xf32>,
      %swap3A_80 = vector.shape_cast %swap3A_79 : vector<1x16xf32> to vector<16xf32>
      %swap3A_81 = vector.shape_cast %broadcast_in_dim3A_77 : vector<16xf32> to vector<1x16xf32>
      tpu.vector_store %arg13[%swap3A, %swap3A_78], %swap3A_81 {strides = array<i32>} : memref<128x32xf32, #tpu.memory_space<vmem>>, vector<1x16xf32>,
      %broadcast_in_dim3A_82 = arith.constant 0.000000e+00 : f32
      %broadcast_in_dim3A_83 = vector.broadcast %broadcast_in_dim3A_82 : f32 to vector<16xf32>
      %swap3A_84 = arith.index_cast %scan3A_74 : i32 to index
      %swap3A_85 = arith.constant 16 : index
      %swap3A_86 = tpu.vector_load %arg13[%swap3A_84, %swap3A_85] {strides = array<i32>} : memref<128x32xf32, #tpu.memory_space<vmem>>, vector<1x16xf32>,
      %swap3A_87 = vector.shape_cast %swap3A_86 : vector<1x16xf32> to vector<16xf32>
      %swap3A_88 = vector.shape_cast %broadcast_in_dim3A_83 : vector<16xf32> to vector<1x16xf32>
      tpu.vector_store %arg13[%swap3A_84, %swap3A_85], %swap3A_88 {strides = array<i32>} : memref<128x32xf32, #tpu.memory_space<vmem>>, vector<1x16xf32>,
      %swap3A_89 = arith.index_cast %scan3A_74 : i32 to index
      %swap3A_90 = arith.constant 0 : index
      %swap3A_91 = tpu.vector_load %arg15[%swap3A_89, %swap3A_90] {strides = array<i32>} : memref<128x16xf32, #tpu.memory_space<vmem>>, vector<1x16xf32>,
      %swap3A_92 = vector.shape_cast %swap3A_91 : vector<1x16xf32> to vector<16xf32>
      %swap3A_93 = vector.shape_cast %broadcast_in_dim3A_1 : vector<16xf32> to vector<1x16xf32>
      tpu.vector_store %arg15[%swap3A_89, %swap3A_90], %swap3A_93 {strides = array<i32>} : memref<128x16xf32, #tpu.memory_space<vmem>>, vector<1x16xf32>,
      %broadcast_in_dim3A_94 = arith.constant 0.000000e+00 : f32
      %broadcast_in_dim3A_95 = vector.broadcast %broadcast_in_dim3A_94 : f32 to vector<16xf32>
      %swap3A_96 = arith.index_cast %scan3A_74 : i32 to index
      %swap3A_97 = arith.constant 0 : index
      %swap3A_98 = tpu.vector_load %arg16[%swap3A_96, %swap3A_97] {strides = array<i32>} : memref<128x16xf32, #tpu.memory_space<vmem>>, vector<1x16xf32>,
      %swap3A_99 = vector.shape_cast %swap3A_98 : vector<1x16xf32> to vector<16xf32>
      %swap3A_100 = vector.shape_cast %broadcast_in_dim3A_95 : vector<16xf32> to vector<1x16xf32>
      tpu.vector_store %arg16[%swap3A_96, %swap3A_97], %swap3A_100 {strides = array<i32>} : memref<128x16xf32, #tpu.memory_space<vmem>>, vector<1x16xf32>,
      %scan3A_101 = arith.constant 0 : i32
      scf.yield %scan3A_101 : i32
    }
    %scan3A_7 = arith.constant 128 : i32
    %mul3A_8 = arith.constant 640 : i32
    %mul3A_9 = arith.muli %arg1, %mul3A_8 : i32
    %add3A_10 = arith.constant 0 : i32
    %add3A_11 = arith.addi %mul3A_9, %add3A_10 : i32
    "tpu.region"() ({
      %run_scoped3A = tpu.sem_alloc : memref<!tpu.dma_semaphore, #tpu.memory_space<semaphore_mem>>
      %dma_start3A_74 = arith.constant 0 : i32
      %dma_start3A_75 = tpu.memref_slice %arg22[%add3A_11, %dma_start3A_74] : memref<10240x32xf32, #tpu.memory_space<vmem_shared>> -> memref<128x32xf32, #tpu.memory_space<vmem_shared>>
      %dma_start3A_76 = arith.constant 0 : i32
      %dma_start3A_77 = tpu.memref_slice %arg22[%add3A_11, %dma_start3A_76] : memref<10240x32xf32, #tpu.memory_space<vmem_shared>> -> memref<128x32xf32, #tpu.memory_space<vmem_shared>>
      tpu.enqueue_dma source(%arg13 : memref<128x32xf32, #tpu.memory_space<vmem>>) target(%dma_start3A_77 : memref<128x32xf32, #tpu.memory_space<vmem_shared>>) target_semaphore(%run_scoped3A : memref<!tpu.dma_semaphore, #tpu.memory_space<semaphore_mem>>)
      %dma_wait3A_78 = arith.constant 0 : i32
      %dma_wait3A_79 = tpu.memref_slice %arg22[%add3A_11, %dma_wait3A_78] : memref<10240x32xf32, #tpu.memory_space<vmem_shared>> -> memref<128x32xf32, #tpu.memory_space<vmem_shared>>
      %dma_wait3A_80 = arith.constant 0 : i32
      %dma_wait3A_81 = tpu.memref_slice %arg22[%add3A_11, %dma_wait3A_80] : memref<10240x32xf32, #tpu.memory_space<vmem_shared>> -> memref<128x32xf32, #tpu.memory_space<vmem_shared>>
      tpu.wait_dma2 semaphore(%run_scoped3A : memref<!tpu.dma_semaphore, #tpu.memory_space<semaphore_mem>>) src(%arg13 : memref<128x32xf32, #tpu.memory_space<vmem>>) dst(%dma_wait3A_81 : memref<128x32xf32, #tpu.memory_space<vmem_shared>>)
      tpu.yield
    }) : () -> ()
    "tpu.region"() ({
      %run_scoped3A = tpu.sem_alloc : memref<!tpu.dma_semaphore, #tpu.memory_space<semaphore_mem>>
      %dma_start3A_74 = arith.constant 0 : i32
      %dma_start3A_75 = tpu.memref_slice %arg23[%add3A_11, %dma_start3A_74] : memref<10240x16xf32, #tpu.memory_space<vmem_shared>> -> memref<128x16xf32, #tpu.memory_space<vmem_shared>>
      %dma_start3A_76 = arith.constant 0 : i32
      %dma_start3A_77 = tpu.memref_slice %arg23[%add3A_11, %dma_start3A_76] : memref<10240x16xf32, #tpu.memory_space<vmem_shared>> -> memref<128x16xf32, #tpu.memory_space<vmem_shared>>
      tpu.enqueue_dma source(%arg16 : memref<128x16xf32, #tpu.memory_space<vmem>>) target(%dma_start3A_77 : memref<128x16xf32, #tpu.memory_space<vmem_shared>>) target_semaphore(%run_scoped3A : memref<!tpu.dma_semaphore, #tpu.memory_space<semaphore_mem>>)
      %dma_wait3A_78 = arith.constant 0 : i32
      %dma_wait3A_79 = tpu.memref_slice %arg23[%add3A_11, %dma_wait3A_78] : memref<10240x16xf32, #tpu.memory_space<vmem_shared>> -> memref<128x16xf32, #tpu.memory_space<vmem_shared>>
      %dma_wait3A_80 = arith.constant 0 : i32
      %dma_wait3A_81 = tpu.memref_slice %arg23[%add3A_11, %dma_wait3A_80] : memref<10240x16xf32, #tpu.memory_space<vmem_shared>> -> memref<128x16xf32, #tpu.memory_space<vmem_shared>>
      tpu.wait_dma2 semaphore(%run_scoped3A : memref<!tpu.dma_semaphore, #tpu.memory_space<semaphore_mem>>) src(%arg16 : memref<128x16xf32, #tpu.memory_space<vmem>>) dst(%dma_wait3A_81 : memref<128x16xf32, #tpu.memory_space<vmem_shared>>)
      tpu.yield
    }) : () -> ()
    %mul3A_12 = arith.constant 640 : i32
    %mul3A_13 = arith.muli %arg1, %mul3A_12 : i32
    %add3A_14 = arith.constant 128 : i32
    %add3A_15 = arith.addi %mul3A_13, %add3A_14 : i32
    "tpu.region"() ({
      %run_scoped3A = tpu.sem_alloc : memref<!tpu.dma_semaphore, #tpu.memory_space<semaphore_mem>>
      %dma_start3A_74 = arith.constant 0 : i32
      %dma_start3A_75 = tpu.memref_slice %arg22[%add3A_15, %dma_start3A_74] : memref<10240x32xf32, #tpu.memory_space<vmem_shared>> -> memref<128x32xf32, #tpu.memory_space<vmem_shared>>
      %dma_start3A_76 = arith.constant 0 : i32
      %dma_start3A_77 = tpu.memref_slice %arg22[%add3A_15, %dma_start3A_76] : memref<10240x32xf32, #tpu.memory_space<vmem_shared>> -> memref<128x32xf32, #tpu.memory_space<vmem_shared>>
      tpu.enqueue_dma source(%arg13 : memref<128x32xf32, #tpu.memory_space<vmem>>) target(%dma_start3A_77 : memref<128x32xf32, #tpu.memory_space<vmem_shared>>) target_semaphore(%run_scoped3A : memref<!tpu.dma_semaphore, #tpu.memory_space<semaphore_mem>>)
      %dma_wait3A_78 = arith.constant 0 : i32
      %dma_wait3A_79 = tpu.memref_slice %arg22[%add3A_15, %dma_wait3A_78] : memref<10240x32xf32, #tpu.memory_space<vmem_shared>> -> memref<128x32xf32, #tpu.memory_space<vmem_shared>>
      %dma_wait3A_80 = arith.constant 0 : i32
      %dma_wait3A_81 = tpu.memref_slice %arg22[%add3A_15, %dma_wait3A_80] : memref<10240x32xf32, #tpu.memory_space<vmem_shared>> -> memref<128x32xf32, #tpu.memory_space<vmem_shared>>
      tpu.wait_dma2 semaphore(%run_scoped3A : memref<!tpu.dma_semaphore, #tpu.memory_space<semaphore_mem>>) src(%arg13 : memref<128x32xf32, #tpu.memory_space<vmem>>) dst(%dma_wait3A_81 : memref<128x32xf32, #tpu.memory_space<vmem_shared>>)
      tpu.yield
    }) : () -> ()
    "tpu.region"() ({
      %run_scoped3A = tpu.sem_alloc : memref<!tpu.dma_semaphore, #tpu.memory_space<semaphore_mem>>
      %dma_start3A_74 = arith.constant 0 : i32
      %dma_start3A_75 = tpu.memref_slice %arg23[%add3A_15, %dma_start3A_74] : memref<10240x16xf32, #tpu.memory_space<vmem_shared>> -> memref<128x16xf32, #tpu.memory_space<vmem_shared>>
      %dma_start3A_76 = arith.constant 0 : i32
      %dma_start3A_77 = tpu.memref_slice %arg23[%add3A_15, %dma_start3A_76] : memref<10240x16xf32, #tpu.memory_space<vmem_shared>> -> memref<128x16xf32, #tpu.memory_space<vmem_shared>>
      tpu.enqueue_dma source(%arg16 : memref<128x16xf32, #tpu.memory_space<vmem>>) target(%dma_start3A_77 : memref<128x16xf32, #tpu.memory_space<vmem_shared>>) target_semaphore(%run_scoped3A : memref<!tpu.dma_semaphore, #tpu.memory_space<semaphore_mem>>)
      %dma_wait3A_78 = arith.constant 0 : i32
      %dma_wait3A_79 = tpu.memref_slice %arg23[%add3A_15, %dma_wait3A_78] : memref<10240x16xf32, #tpu.memory_space<vmem_shared>> -> memref<128x16xf32, #tpu.memory_space<vmem_shared>>
      %dma_wait3A_80 = arith.constant 0 : i32
      %dma_wait3A_81 = tpu.memref_slice %arg23[%add3A_15, %dma_wait3A_80] : memref<10240x16xf32, #tpu.memory_space<vmem_shared>> -> memref<128x16xf32, #tpu.memory_space<vmem_shared>>
      tpu.wait_dma2 semaphore(%run_scoped3A : memref<!tpu.dma_semaphore, #tpu.memory_space<semaphore_mem>>) src(%arg16 : memref<128x16xf32, #tpu.memory_space<vmem>>) dst(%dma_wait3A_81 : memref<128x16xf32, #tpu.memory_space<vmem_shared>>)
      tpu.yield
    }) : () -> ()
    %mul3A_16 = arith.constant 640 : i32
    %mul3A_17 = arith.muli %arg1, %mul3A_16 : i32
    %add3A_18 = arith.constant 256 : i32
    %add3A_19 = arith.addi %mul3A_17, %add3A_18 : i32
    "tpu.region"() ({
      %run_scoped3A = tpu.sem_alloc : memref<!tpu.dma_semaphore, #tpu.memory_space<semaphore_mem>>
      %dma_start3A_74 = arith.constant 0 : i32
      %dma_start3A_75 = tpu.memref_slice %arg22[%add3A_19, %dma_start3A_74] : memref<10240x32xf32, #tpu.memory_space<vmem_shared>> -> memref<128x32xf32, #tpu.memory_space<vmem_shared>>
      %dma_start3A_76 = arith.constant 0 : i32
      %dma_start3A_77 = tpu.memref_slice %arg22[%add3A_19, %dma_start3A_76] : memref<10240x32xf32, #tpu.memory_space<vmem_shared>> -> memref<128x32xf32, #tpu.memory_space<vmem_shared>>
      tpu.enqueue_dma source(%arg13 : memref<128x32xf32, #tpu.memory_space<vmem>>) target(%dma_start3A_77 : memref<128x32xf32, #tpu.memory_space<vmem_shared>>) target_semaphore(%run_scoped3A : memref<!tpu.dma_semaphore, #tpu.memory_space<semaphore_mem>>)
      %dma_wait3A_78 = arith.constant 0 : i32
      %dma_wait3A_79 = tpu.memref_slice %arg22[%add3A_19, %dma_wait3A_78] : memref<10240x32xf32, #tpu.memory_space<vmem_shared>> -> memref<128x32xf32, #tpu.memory_space<vmem_shared>>
      %dma_wait3A_80 = arith.constant 0 : i32
      %dma_wait3A_81 = tpu.memref_slice %arg22[%add3A_19, %dma_wait3A_80] : memref<10240x32xf32, #tpu.memory_space<vmem_shared>> -> memref<128x32xf32, #tpu.memory_space<vmem_shared>>
      tpu.wait_dma2 semaphore(%run_scoped3A : memref<!tpu.dma_semaphore, #tpu.memory_space<semaphore_mem>>) src(%arg13 : memref<128x32xf32, #tpu.memory_space<vmem>>) dst(%dma_wait3A_81 : memref<128x32xf32, #tpu.memory_space<vmem_shared>>)
      tpu.yield
    }) : () -> ()
    "tpu.region"() ({
      %run_scoped3A = tpu.sem_alloc : memref<!tpu.dma_semaphore, #tpu.memory_space<semaphore_mem>>
      %dma_start3A_74 = arith.constant 0 : i32
      %dma_start3A_75 = tpu.memref_slice %arg23[%add3A_19, %dma_start3A_74] : memref<10240x16xf32, #tpu.memory_space<vmem_shared>> -> memref<128x16xf32, #tpu.memory_space<vmem_shared>>
      %dma_start3A_76 = arith.constant 0 : i32
      %dma_start3A_77 = tpu.memref_slice %arg23[%add3A_19, %dma_start3A_76] : memref<10240x16xf32, #tpu.memory_space<vmem_shared>> -> memref<128x16xf32, #tpu.memory_space<vmem_shared>>
      tpu.enqueue_dma source(%arg16 : memref<128x16xf32, #tpu.memory_space<vmem>>) target(%dma_start3A_77 : memref<128x16xf32, #tpu.memory_space<vmem_shared>>) target_semaphore(%run_scoped3A : memref<!tpu.dma_semaphore, #tpu.memory_space<semaphore_mem>>)
      %dma_wait3A_78 = arith.constant 0 : i32
      %dma_wait3A_79 = tpu.memref_slice %arg23[%add3A_19, %dma_wait3A_78] : memref<10240x16xf32, #tpu.memory_space<vmem_shared>> -> memref<128x16xf32, #tpu.memory_space<vmem_shared>>
      %dma_wait3A_80 = arith.constant 0 : i32
      %dma_wait3A_81 = tpu.memref_slice %arg23[%add3A_19, %dma_wait3A_80] : memref<10240x16xf32, #tpu.memory_space<vmem_shared>> -> memref<128x16xf32, #tpu.memory_space<vmem_shared>>
      tpu.wait_dma2 semaphore(%run_scoped3A : memref<!tpu.dma_semaphore, #tpu.memory_space<semaphore_mem>>) src(%arg16 : memref<128x16xf32, #tpu.memory_space<vmem>>) dst(%dma_wait3A_81 : memref<128x16xf32, #tpu.memory_space<vmem_shared>>)
      tpu.yield
    }) : () -> ()
    %mul3A_20 = arith.constant 640 : i32
    %mul3A_21 = arith.muli %arg1, %mul3A_20 : i32
    %add3A_22 = arith.constant 384 : i32
    %add3A_23 = arith.addi %mul3A_21, %add3A_22 : i32
    "tpu.region"() ({
      %run_scoped3A = tpu.sem_alloc : memref<!tpu.dma_semaphore, #tpu.memory_space<semaphore_mem>>
      %dma_start3A_74 = arith.constant 0 : i32
      %dma_start3A_75 = tpu.memref_slice %arg22[%add3A_23, %dma_start3A_74] : memref<10240x32xf32, #tpu.memory_space<vmem_shared>> -> memref<128x32xf32, #tpu.memory_space<vmem_shared>>
      %dma_start3A_76 = arith.constant 0 : i32
      %dma_start3A_77 = tpu.memref_slice %arg22[%add3A_23, %dma_start3A_76] : memref<10240x32xf32, #tpu.memory_space<vmem_shared>> -> memref<128x32xf32, #tpu.memory_space<vmem_shared>>
      tpu.enqueue_dma source(%arg13 : memref<128x32xf32, #tpu.memory_space<vmem>>) target(%dma_start3A_77 : memref<128x32xf32, #tpu.memory_space<vmem_shared>>) target_semaphore(%run_scoped3A : memref<!tpu.dma_semaphore, #tpu.memory_space<semaphore_mem>>)
      %dma_wait3A_78 = arith.constant 0 : i32
      %dma_wait3A_79 = tpu.memref_slice %arg22[%add3A_23, %dma_wait3A_78] : memref<10240x32xf32, #tpu.memory_space<vmem_shared>> -> memref<128x32xf32, #tpu.memory_space<vmem_shared>>
      %dma_wait3A_80 = arith.constant 0 : i32
      %dma_wait3A_81 = tpu.memref_slice %arg22[%add3A_23, %dma_wait3A_80] : memref<10240x32xf32, #tpu.memory_space<vmem_shared>> -> memref<128x32xf32, #tpu.memory_space<vmem_shared>>
      tpu.wait_dma2 semaphore(%run_scoped3A : memref<!tpu.dma_semaphore, #tpu.memory_space<semaphore_mem>>) src(%arg13 : memref<128x32xf32, #tpu.memory_space<vmem>>) dst(%dma_wait3A_81 : memref<128x32xf32, #tpu.memory_space<vmem_shared>>)
      tpu.yield
    }) : () -> ()
    "tpu.region"() ({
      %run_scoped3A = tpu.sem_alloc : memref<!tpu.dma_semaphore, #tpu.memory_space<semaphore_mem>>
      %dma_start3A_74 = arith.constant 0 : i32
      %dma_start3A_75 = tpu.memref_slice %arg23[%add3A_23, %dma_start3A_74] : memref<10240x16xf32, #tpu.memory_space<vmem_shared>> -> memref<128x16xf32, #tpu.memory_space<vmem_shared>>
      %dma_start3A_76 = arith.constant 0 : i32
      %dma_start3A_77 = tpu.memref_slice %arg23[%add3A_23, %dma_start3A_76] : memref<10240x16xf32, #tpu.memory_space<vmem_shared>> -> memref<128x16xf32, #tpu.memory_space<vmem_shared>>
      tpu.enqueue_dma source(%arg16 : memref<128x16xf32, #tpu.memory_space<vmem>>) target(%dma_start3A_77 : memref<128x16xf32, #tpu.memory_space<vmem_shared>>) target_semaphore(%run_scoped3A : memref<!tpu.dma_semaphore, #tpu.memory_space<semaphore_mem>>)
      %dma_wait3A_78 = arith.constant 0 : i32
      %dma_wait3A_79 = tpu.memref_slice %arg23[%add3A_23, %dma_wait3A_78] : memref<10240x16xf32, #tpu.memory_space<vmem_shared>> -> memref<128x16xf32, #tpu.memory_space<vmem_shared>>
      %dma_wait3A_80 = arith.constant 0 : i32
      %dma_wait3A_81 = tpu.memref_slice %arg23[%add3A_23, %dma_wait3A_80] : memref<10240x16xf32, #tpu.memory_space<vmem_shared>> -> memref<128x16xf32, #tpu.memory_space<vmem_shared>>
      tpu.wait_dma2 semaphore(%run_scoped3A : memref<!tpu.dma_semaphore, #tpu.memory_space<semaphore_mem>>) src(%arg16 : memref<128x16xf32, #tpu.memory_space<vmem>>) dst(%dma_wait3A_81 : memref<128x16xf32, #tpu.memory_space<vmem_shared>>)
      tpu.yield
    }) : () -> ()
    %mul3A_24 = arith.constant 640 : i32
    %mul3A_25 = arith.muli %arg1, %mul3A_24 : i32
    %add3A_26 = arith.constant 512 : i32
    %add3A_27 = arith.addi %mul3A_25, %add3A_26 : i32
    "tpu.region"() ({
      %run_scoped3A = tpu.sem_alloc : memref<!tpu.dma_semaphore, #tpu.memory_space<semaphore_mem>>
      %dma_start3A_74 = arith.constant 0 : i32
      %dma_start3A_75 = tpu.memref_slice %arg22[%add3A_27, %dma_start3A_74] : memref<10240x32xf32, #tpu.memory_space<vmem_shared>> -> memref<128x32xf32, #tpu.memory_space<vmem_shared>>
      %dma_start3A_76 = arith.constant 0 : i32
      %dma_start3A_77 = tpu.memref_slice %arg22[%add3A_27, %dma_start3A_76] : memref<10240x32xf32, #tpu.memory_space<vmem_shared>> -> memref<128x32xf32, #tpu.memory_space<vmem_shared>>
      tpu.enqueue_dma source(%arg13 : memref<128x32xf32, #tpu.memory_space<vmem>>) target(%dma_start3A_77 : memref<128x32xf32, #tpu.memory_space<vmem_shared>>) target_semaphore(%run_scoped3A : memref<!tpu.dma_semaphore, #tpu.memory_space<semaphore_mem>>)
      %dma_wait3A_78 = arith.constant 0 : i32
      %dma_wait3A_79 = tpu.memref_slice %arg22[%add3A_27, %dma_wait3A_78] : memref<10240x32xf32, #tpu.memory_space<vmem_shared>> -> memref<128x32xf32, #tpu.memory_space<vmem_shared>>
      %dma_wait3A_80 = arith.constant 0 : i32
      %dma_wait3A_81 = tpu.memref_slice %arg22[%add3A_27, %dma_wait3A_80] : memref<10240x32xf32, #tpu.memory_space<vmem_shared>> -> memref<128x32xf32, #tpu.memory_space<vmem_shared>>
      tpu.wait_dma2 semaphore(%run_scoped3A : memref<!tpu.dma_semaphore, #tpu.memory_space<semaphore_mem>>) src(%arg13 : memref<128x32xf32, #tpu.memory_space<vmem>>) dst(%dma_wait3A_81 : memref<128x32xf32, #tpu.memory_space<vmem_shared>>)
      tpu.yield
    }) : () -> ()
    "tpu.region"() ({
      %run_scoped3A = tpu.sem_alloc : memref<!tpu.dma_semaphore, #tpu.memory_space<semaphore_mem>>
      %dma_start3A_74 = arith.constant 0 : i32
      %dma_start3A_75 = tpu.memref_slice %arg23[%add3A_27, %dma_start3A_74] : memref<10240x16xf32, #tpu.memory_space<vmem_shared>> -> memref<128x16xf32, #tpu.memory_space<vmem_shared>>
      %dma_start3A_76 = arith.constant 0 : i32
      %dma_start3A_77 = tpu.memref_slice %arg23[%add3A_27, %dma_start3A_76] : memref<10240x16xf32, #tpu.memory_space<vmem_shared>> -> memref<128x16xf32, #tpu.memory_space<vmem_shared>>
      tpu.enqueue_dma source(%arg16 : memref<128x16xf32, #tpu.memory_space<vmem>>) target(%dma_start3A_77 : memref<128x16xf32, #tpu.memory_space<vmem_shared>>) target_semaphore(%run_scoped3A : memref<!tpu.dma_semaphore, #tpu.memory_space<semaphore_mem>>)
      %dma_wait3A_78 = arith.constant 0 : i32
      %dma_wait3A_79 = tpu.memref_slice %arg23[%add3A_27, %dma_wait3A_78] : memref<10240x16xf32, #tpu.memory_space<vmem_shared>> -> memref<128x16xf32, #tpu.memory_space<vmem_shared>>
      %dma_wait3A_80 = arith.constant 0 : i32
      %dma_wait3A_81 = tpu.memref_slice %arg23[%add3A_27, %dma_wait3A_80] : memref<10240x16xf32, #tpu.memory_space<vmem_shared>> -> memref<128x16xf32, #tpu.memory_space<vmem_shared>>
      tpu.wait_dma2 semaphore(%run_scoped3A : memref<!tpu.dma_semaphore, #tpu.memory_space<semaphore_mem>>) src(%arg16 : memref<128x16xf32, #tpu.memory_space<vmem>>) dst(%dma_wait3A_81 : memref<128x16xf32, #tpu.memory_space<vmem_shared>>)
      tpu.yield
    }) : () -> ()
    %mul3A_28 = arith.constant 640 : i32
    %mul3A_29 = arith.muli %arg1, %mul3A_28 : i32
    %mul3A_30 = arith.constant 640 : i32
    %mul3A_31 = arith.muli %arg1, %mul3A_30 : i32
    "tpu.region"() ({
      %run_scoped3A = tpu.sem_alloc : memref<!tpu.dma_semaphore, #tpu.memory_space<semaphore_mem>>
      %dma_start3A_74 = arith.constant 0 : i32
      %dma_start3A_75 = tpu.memref_slice %arg24[%mul3A_31, %dma_start3A_74] : memref<10240x64xf32, #tpu.memory_space<vmem_shared>> -> memref<640x64xf32, #tpu.memory_space<vmem_shared>>
      %dma_start3A_76 = arith.constant 0 : i32
      %dma_start3A_77 = tpu.memref_slice %arg2[%mul3A_29, %dma_start3A_76] : memref<10240x64xf32, #tpu.memory_space<hbm>> -> memref<640x64xf32, #tpu.memory_space<hbm>>
      tpu.enqueue_dma source(%dma_start3A_77 : memref<640x64xf32, #tpu.memory_space<hbm>>) target(%dma_start3A_75 : memref<640x64xf32, #tpu.memory_space<vmem_shared>>) target_semaphore(%run_scoped3A : memref<!tpu.dma_semaphore, #tpu.memory_space<semaphore_mem>>)
      %dma_wait3A_78 = arith.constant 0 : i32
      %dma_wait3A_79 = tpu.memref_slice %arg24[%mul3A_31, %dma_wait3A_78] : memref<10240x64xf32, #tpu.memory_space<vmem_shared>> -> memref<640x64xf32, #tpu.memory_space<vmem_shared>>
      %dma_wait3A_80 = arith.constant 0 : i32
      %dma_wait3A_81 = tpu.memref_slice %arg2[%mul3A_29, %dma_wait3A_80] : memref<10240x64xf32, #tpu.memory_space<hbm>> -> memref<640x64xf32, #tpu.memory_space<hbm>>
      tpu.wait_dma2 semaphore(%run_scoped3A : memref<!tpu.dma_semaphore, #tpu.memory_space<semaphore_mem>>) src(%dma_wait3A_81 : memref<640x64xf32, #tpu.memory_space<hbm>>) dst(%dma_wait3A_79 : memref<640x64xf32, #tpu.memory_space<vmem_shared>>)
      tpu.yield
    }) : () -> ()
    %barrier3A = arith.constant 0 : index
    tpu.barrier barrier_id(%barrier3A)
    "tpu.region"() ({
      %run_scoped3A = tpu.sem_alloc : memref<!tpu.dma_semaphore, #tpu.memory_space<semaphore_mem>>
      %dma_start3A_74 = arith.constant 0 : i32
      %dma_start3A_75 = arith.constant 0 : i32
      %dma_start3A_76 = tpu.memref_slice %arg3[%add3A, %dma_start3A_74, %dma_start3A_75] : memref<32x80x128xi32, #tpu.memory_space<hbm>> -> memref<1x80x128xi32, #tpu.memory_space<hbm>>
      %dma_start3A_77 = tpu.memref_squeeze %dma_start3A_76 : memref<1x80x128xi32, #tpu.memory_space<hbm>> -> memref<80x128xi32, #tpu.memory_space<hbm>>
      %dma_start3A_78 = arith.constant 0 : i32
      %dma_start3A_79 = arith.constant 0 : i32
      %dma_start3A_80 = tpu.memref_slice %arg3[%add3A, %dma_start3A_78, %dma_start3A_79] : memref<32x80x128xi32, #tpu.memory_space<hbm>> -> memref<1x80x128xi32, #tpu.memory_space<hbm>>
      %dma_start3A_81 = tpu.memref_squeeze %dma_start3A_80 : memref<1x80x128xi32, #tpu.memory_space<hbm>> -> memref<80x128xi32, #tpu.memory_space<hbm>>
      tpu.enqueue_dma source(%dma_start3A_81 : memref<80x128xi32, #tpu.memory_space<hbm>>) target(%arg8 : memref<80x128xi32, #tpu.memory_space<vmem>>) target_semaphore(%run_scoped3A : memref<!tpu.dma_semaphore, #tpu.memory_space<semaphore_mem>>)
      %dma_wait3A_82 = arith.constant 0 : i32
      %dma_wait3A_83 = arith.constant 0 : i32
      %dma_wait3A_84 = tpu.memref_slice %arg3[%add3A, %dma_wait3A_82, %dma_wait3A_83] : memref<32x80x128xi32, #tpu.memory_space<hbm>> -> memref<1x80x128xi32, #tpu.memory_space<hbm>>
      %dma_wait3A_85 = tpu.memref_squeeze %dma_wait3A_84 : memref<1x80x128xi32, #tpu.memory_space<hbm>> -> memref<80x128xi32, #tpu.memory_space<hbm>>
      %dma_wait3A_86 = arith.constant 0 : i32
      %dma_wait3A_87 = arith.constant 0 : i32
      %dma_wait3A_88 = tpu.memref_slice %arg3[%add3A, %dma_wait3A_86, %dma_wait3A_87] : memref<32x80x128xi32, #tpu.memory_space<hbm>> -> memref<1x80x128xi32, #tpu.memory_space<hbm>>
      %dma_wait3A_89 = tpu.memref_squeeze %dma_wait3A_88 : memref<1x80x128xi32, #tpu.memory_space<hbm>> -> memref<80x128xi32, #tpu.memory_space<hbm>>
      tpu.wait_dma2 semaphore(%run_scoped3A : memref<!tpu.dma_semaphore, #tpu.memory_space<semaphore_mem>>) src(%dma_wait3A_89 : memref<80x128xi32, #tpu.memory_space<hbm>>) dst(%arg8 : memref<80x128xi32, #tpu.memory_space<vmem>>)
      tpu.yield
    }) : () -> ()
    "tpu.region"() ({
      %run_scoped3A = tpu.sem_alloc : memref<!tpu.dma_semaphore, #tpu.memory_space<semaphore_mem>>
      %dma_start3A_74 = arith.constant 0 : i32
      %dma_start3A_75 = arith.constant 0 : i32
      %dma_start3A_76 = tpu.memref_slice %arg4[%add3A, %dma_start3A_74, %dma_start3A_75] : memref<32x80x128xi32, #tpu.memory_space<hbm>> -> memref<1x80x128xi32, #tpu.memory_space<hbm>>
      %dma_start3A_77 = tpu.memref_squeeze %dma_start3A_76 : memref<1x80x128xi32, #tpu.memory_space<hbm>> -> memref<80x128xi32, #tpu.memory_space<hbm>>
      %dma_start3A_78 = arith.constant 0 : i32
      %dma_start3A_79 = arith.constant 0 : i32
      %dma_start3A_80 = tpu.memref_slice %arg4[%add3A, %dma_start3A_78, %dma_start3A_79] : memref<32x80x128xi32, #tpu.memory_space<hbm>> -> memref<1x80x128xi32, #tpu.memory_space<hbm>>
      %dma_start3A_81 = tpu.memref_squeeze %dma_start3A_80 : memref<1x80x128xi32, #tpu.memory_space<hbm>> -> memref<80x128xi32, #tpu.memory_space<hbm>>
      tpu.enqueue_dma source(%dma_start3A_81 : memref<80x128xi32, #tpu.memory_space<hbm>>) target(%arg9 : memref<80x128xi32, #tpu.memory_space<vmem>>) target_semaphore(%run_scoped3A : memref<!tpu.dma_semaphore, #tpu.memory_space<semaphore_mem>>)
      %dma_wait3A_82 = arith.constant 0 : i32
      %dma_wait3A_83 = arith.constant 0 : i32
      %dma_wait3A_84 = tpu.memref_slice %arg4[%add3A, %dma_wait3A_82, %dma_wait3A_83] : memref<32x80x128xi32, #tpu.memory_space<hbm>> -> memref<1x80x128xi32, #tpu.memory_space<hbm>>
      %dma_wait3A_85 = tpu.memref_squeeze %dma_wait3A_84 : memref<1x80x128xi32, #tpu.memory_space<hbm>> -> memref<80x128xi32, #tpu.memory_space<hbm>>
      %dma_wait3A_86 = arith.constant 0 : i32
      %dma_wait3A_87 = arith.constant 0 : i32
      %dma_wait3A_88 = tpu.memref_slice %arg4[%add3A, %dma_wait3A_86, %dma_wait3A_87] : memref<32x80x128xi32, #tpu.memory_space<hbm>> -> memref<1x80x128xi32, #tpu.memory_space<hbm>>
      %dma_wait3A_89 = tpu.memref_squeeze %dma_wait3A_88 : memref<1x80x128xi32, #tpu.memory_space<hbm>> -> memref<80x128xi32, #tpu.memory_space<hbm>>
      tpu.wait_dma2 semaphore(%run_scoped3A : memref<!tpu.dma_semaphore, #tpu.memory_space<semaphore_mem>>) src(%dma_wait3A_89 : memref<80x128xi32, #tpu.memory_space<hbm>>) dst(%arg9 : memref<80x128xi32, #tpu.memory_space<vmem>>)
      tpu.yield
    }) : () -> ()
    "tpu.region"() ({
      %run_scoped3A = tpu.sem_alloc : memref<!tpu.dma_semaphore, #tpu.memory_space<semaphore_mem>>
      %dma_start3A_74 = arith.constant 0 : i32
      %dma_start3A_75 = arith.constant 0 : i32
      %dma_start3A_76 = tpu.memref_slice %arg5[%add3A, %dma_start3A_74, %dma_start3A_75] : memref<32x80x128xf32, #tpu.memory_space<hbm>> -> memref<1x80x128xf32, #tpu.memory_space<hbm>>
      %dma_start3A_77 = tpu.memref_squeeze %dma_start3A_76 : memref<1x80x128xf32, #tpu.memory_space<hbm>> -> memref<80x128xf32, #tpu.memory_space<hbm>>
      %dma_start3A_78 = arith.constant 0 : i32
      %dma_start3A_79 = arith.constant 0 : i32
      %dma_start3A_80 = tpu.memref_slice %arg5[%add3A, %dma_start3A_78, %dma_start3A_79] : memref<32x80x128xf32, #tpu.memory_space<hbm>> -> memref<1x80x128xf32, #tpu.memory_space<hbm>>
      %dma_start3A_81 = tpu.memref_squeeze %dma_start3A_80 : memref<1x80x128xf32, #tpu.memory_space<hbm>> -> memref<80x128xf32, #tpu.memory_space<hbm>>
      tpu.enqueue_dma source(%dma_start3A_81 : memref<80x128xf32, #tpu.memory_space<hbm>>) target(%arg10 : memref<80x128xf32, #tpu.memory_space<vmem>>) target_semaphore(%run_scoped3A : memref<!tpu.dma_semaphore, #tpu.memory_space<semaphore_mem>>)
      %dma_wait3A_82 = arith.constant 0 : i32
      %dma_wait3A_83 = arith.constant 0 : i32
      %dma_wait3A_84 = tpu.memref_slice %arg5[%add3A, %dma_wait3A_82, %dma_wait3A_83] : memref<32x80x128xf32, #tpu.memory_space<hbm>> -> memref<1x80x128xf32, #tpu.memory_space<hbm>>
      %dma_wait3A_85 = tpu.memref_squeeze %dma_wait3A_84 : memref<1x80x128xf32, #tpu.memory_space<hbm>> -> memref<80x128xf32, #tpu.memory_space<hbm>>
      %dma_wait3A_86 = arith.constant 0 : i32
      %dma_wait3A_87 = arith.constant 0 : i32
      %dma_wait3A_88 = tpu.memref_slice %arg5[%add3A, %dma_wait3A_86, %dma_wait3A_87] : memref<32x80x128xf32, #tpu.memory_space<hbm>> -> memref<1x80x128xf32, #tpu.memory_space<hbm>>
      %dma_wait3A_89 = tpu.memref_squeeze %dma_wait3A_88 : memref<1x80x128xf32, #tpu.memory_space<hbm>> -> memref<80x128xf32, #tpu.memory_space<hbm>>
      tpu.wait_dma2 semaphore(%run_scoped3A : memref<!tpu.dma_semaphore, #tpu.memory_space<semaphore_mem>>) src(%dma_wait3A_89 : memref<80x128xf32, #tpu.memory_space<hbm>>) dst(%arg10 : memref<80x128xf32, #tpu.memory_space<vmem>>)
      tpu.yield
    }) : () -> ()
    %dma_start3A = arith.constant 0 : i32
    %dma_start3A_32 = arith.constant 0 : i32
    %dma_start3A_33 = tpu.memref_slice %arg8[%dma_start3A, %dma_start3A_32] : memref<80x128xi32, #tpu.memory_space<vmem>> -> memref<1x128xi32, #tpu.memory_space<vmem>>
    %dma_start3A_34 = tpu.memref_squeeze %dma_start3A_33 : memref<1x128xi32, #tpu.memory_space<vmem>> -> memref<128xi32, #tpu.memory_space<vmem>>
    %dma_start3A_35 = arith.constant 0 : i32
    %dma_start3A_36 = arith.constant 0 : i32
    %dma_start3A_37 = tpu.memref_slice %arg24[%dma_start3A_35, %dma_start3A_36] : memref<10240x64xf32, #tpu.memory_space<vmem_shared>> -> memref<10240x64xf32, #tpu.memory_space<vmem_shared>>
    tpu.enqueue_indirect_dma source(%dma_start3A_37 : memref<10240x64xf32, #tpu.memory_space<vmem_shared>>) target(%arg11 : memref<128x64xf32, #tpu.memory_space<vmem>>) offsets(%dma_start3A_34 : memref<128xi32, #tpu.memory_space<vmem>>) semaphore(%arg17 : memref<!tpu.dma_semaphore, #tpu.memory_space<semaphore_mem>>)
    %scan3A_38 = arith.constant 0 : i32
    %scan3A_39 = arith.constant 0 : i32
    %scan3A_40 = arith.constant 40 : i32
    %scan3A_41 = arith.addi %scan3A_39, %scan3A_40 : i32
    %scan3A_42 = arith.constant 1 : i32
    %scan3A_43 = scf.for %scan3A_74 = %scan3A_39 to %scan3A_41 step %scan3A_42 iter_args(%scan3A_75 = %scan3A_38) -> (i32)  : i32 {
      %mul3A_76 = arith.constant 2 : i32
      %mul3A_77 = arith.muli %scan3A_74, %mul3A_76 : i32
      %add3A_78 = arith.constant 0 : i32
      %add3A_79 = arith.addi %mul3A_77, %add3A_78 : i32
      %dma_wait3A_80 = arith.constant 0 : i32
      %dma_wait3A_81 = tpu.memref_slice %arg8[%add3A_79, %dma_wait3A_80] : memref<80x128xi32, #tpu.memory_space<vmem>> -> memref<1x128xi32, #tpu.memory_space<vmem>>
      %dma_wait3A_82 = tpu.memref_squeeze %dma_wait3A_81 : memref<1x128xi32, #tpu.memory_space<vmem>> -> memref<128xi32, #tpu.memory_space<vmem>>
      %dma_wait3A_83 = arith.constant 0 : i32
      %dma_wait3A_84 = arith.constant 0 : i32
      %dma_wait3A_85 = tpu.memref_slice %arg24[%dma_wait3A_83, %dma_wait3A_84] : memref<10240x64xf32, #tpu.memory_space<vmem_shared>> -> memref<10240x64xf32, #tpu.memory_space<vmem_shared>>
      tpu.wait_indirect_dma semaphore(%arg17 : memref<!tpu.dma_semaphore, #tpu.memory_space<semaphore_mem>>) src(%dma_wait3A_85 : memref<10240x64xf32, #tpu.memory_space<vmem_shared>>) dst(%arg11 : memref<128x64xf32, #tpu.memory_space<vmem>>)
      %add3A_86 = arith.constant 1 : i32
      %add3A_87 = arith.addi %add3A_79, %add3A_86 : i32
      %lt3A = arith.constant 80 : i32
      %lt3A_88 = arith.cmpi slt, %add3A_87, %lt3A : i32
      %convert_element_type3A = arith.extui %lt3A_88 : i1 to i32
      %cond3A = arith.constant 0 : i32
      %cond3A_89 = arith.cmpi ne, %convert_element_type3A, %cond3A : i32
      scf.if %cond3A_89 {
        %add3A_165 = arith.constant 1 : i32
        %add3A_166 = arith.addi %add3A_79, %add3A_165 : i32
        %dma_start3A_167 = arith.constant 0 : i32
        %dma_start3A_168 = tpu.memref_slice %arg8[%add3A_166, %dma_start3A_167] : memref<80x128xi32, #tpu.memory_space<vmem>> -> memref<1x128xi32, #tpu.memory_space<vmem>>
        %dma_start3A_169 = tpu.memref_squeeze %dma_start3A_168 : memref<1x128xi32, #tpu.memory_space<vmem>> -> memref<128xi32, #tpu.memory_space<vmem>>
        %dma_start3A_170 = arith.constant 0 : i32
        %dma_start3A_171 = arith.constant 0 : i32
        %dma_start3A_172 = tpu.memref_slice %arg24[%dma_start3A_170, %dma_start3A_171] : memref<10240x64xf32, #tpu.memory_space<vmem_shared>> -> memref<10240x64xf32, #tpu.memory_space<vmem_shared>>
        tpu.enqueue_indirect_dma source(%dma_start3A_172 : memref<10240x64xf32, #tpu.memory_space<vmem_shared>>) target(%arg12 : memref<128x64xf32, #tpu.memory_space<vmem>>) offsets(%dma_start3A_169 : memref<128xi32, #tpu.memory_space<vmem>>) semaphore(%arg18 : memref<!tpu.dma_semaphore, #tpu.memory_space<semaphore_mem>>)
      } else {
      }
      %ge3A = arith.constant 2 : i32
      %ge3A_90 = arith.cmpi sge, %add3A_79, %ge3A : i32
      %convert_element_type3A_91 = arith.extui %ge3A_90 : i1 to i32
      %cond3A_92 = arith.constant 0 : i32
      %cond3A_93 = arith.cmpi ne, %convert_element_type3A_91, %cond3A_92 : i32
      scf.if %cond3A_93 {
        %dma_wait3A_165 = arith.constant 0 : i32
        %dma_wait3A_166 = tpu.memref_slice %arg9[%add3A_79, %dma_wait3A_165] : memref<80x128xi32, #tpu.memory_space<vmem>> -> memref<1x128xi32, #tpu.memory_space<vmem>>
        %dma_wait3A_167 = tpu.memref_squeeze %dma_wait3A_166 : memref<1x128xi32, #tpu.memory_space<vmem>> -> memref<128xi32, #tpu.memory_space<vmem>>
        %dma_wait3A_168 = arith.constant 0 : i32
        %dma_wait3A_169 = arith.constant 0 : i32
        %dma_wait3A_170 = tpu.memref_slice %arg22[%dma_wait3A_168, %dma_wait3A_169] : memref<10240x32xf32, #tpu.memory_space<vmem_shared>> -> memref<10240x32xf32, #tpu.memory_space<vmem_shared>>
        tpu.wait_indirect_dma semaphore(%arg19 : memref<!tpu.dma_semaphore, #tpu.memory_space<semaphore_mem>>) src(%arg13 : memref<128x32xf32, #tpu.memory_space<vmem>>) dst(%dma_wait3A_170 : memref<10240x32xf32, #tpu.memory_space<vmem_shared>>)
      } else {
      }
      %scan3A_94 = arith.constant 0 : i32
      %scan3A_95 = arith.constant 0 : i32
      %scan3A_96 = arith.constant 8 : i32
      %scan3A_97 = arith.addi %scan3A_95, %scan3A_96 : i32
      %scan3A_98 = arith.constant 1 : i32
      %scan3A_99 = scf.for %scan3A_165 = %scan3A_95 to %scan3A_97 step %scan3A_98 iter_args(%scan3A_166 = %scan3A_94) -> (i32)  : i32 {
        %mul3A_167 = arith.constant 16 : i32
        %mul3A_168 = arith.muli %scan3A_165, %mul3A_167 : i32
        %get3A = arith.index_cast %add3A_79 : i32 to index
        %get3A_169 = arith.index_cast %mul3A_168 : i32 to index
        %get3A_170 = tpu.vector_load %arg10[%get3A, %get3A_169] {strides = array<i32>} : memref<80x128xf32, #tpu.memory_space<vmem>>, vector<1x16xf32>,
        %get3A_171 = vector.shape_cast %get3A_170 : vector<1x16xf32> to vector<16xf32>
        %max3A = arith.constant 0.000000e+00 : f32
        %max3A_172 = vector.broadcast %max3A : f32 to vector<16xf32>
        %max3A_173 = arith.maximumf %get3A_171, %max3A_172 : vector<16xf32>
        %min3A = arith.constant 1.000000e+00 : f32
        %min3A_174 = vector.broadcast %min3A : f32 to vector<16xf32>
        %min3A_175 = arith.minimumf %max3A_173, %min3A_174 : vector<16xf32>
        %mul3A_176 = arith.constant 16 : i32
        %mul3A_177 = arith.muli %scan3A_165, %mul3A_176 : i32
        %slice3A = vector.extract_strided_slice %min3A_175 {offsets = [0], sizes = [1], strides = [1]} : vector<16xf32> to vector<1xf32>
        %squeeze3A = vector.extract %slice3A[0] : f32 from vector<1xf32>
        %add3A_178 = arith.constant 0 : i32
        %add3A_179 = arith.addi %mul3A_177, %add3A_178 : i32
        %get3A_180 = arith.index_cast %add3A_179 : i32 to index
        %get3A_181 = arith.constant 0 : index
        %get3A_182 = tpu.vector_load %arg11[%get3A_180, %get3A_181] {strides = array<i32>} : memref<128x64xf32, #tpu.memory_space<vmem>>, vector<1x16xf32>,
        %get3A_183 = vector.shape_cast %get3A_182 : vector<1x16xf32> to vector<16xf32>
        %add3A_184 = arith.constant 0 : i32
        %add3A_185 = arith.addi %mul3A_177, %add3A_184 : i32
        %get3A_186 = arith.index_cast %add3A_185 : i32 to index
        %get3A_187 = arith.constant 16 : index
        %get3A_188 = tpu.vector_load %arg11[%get3A_186, %get3A_187] {strides = array<i32>} : memref<128x64xf32, #tpu.memory_space<vmem>>, vector<1x16xf32>,
        %get3A_189 = vector.shape_cast %get3A_188 : vector<1x16xf32> to vector<16xf32>
        %add3A_190 = arith.constant 0 : i32
        %add3A_191 = arith.addi %mul3A_177, %add3A_190 : i32
        %get3A_192 = arith.index_cast %add3A_191 : i32 to index
        %get3A_193 = arith.constant 32 : index
        %get3A_194 = tpu.vector_load %arg11[%get3A_192, %get3A_193] {strides = array<i32>} : memref<128x64xf32, #tpu.memory_space<vmem>>, vector<1x16xf32>,
        %get3A_195 = vector.shape_cast %get3A_194 : vector<1x16xf32> to vector<16xf32>
        %add3A_196 = arith.constant 0 : i32
        %add3A_197 = arith.addi %mul3A_177, %add3A_196 : i32
        %get3A_198 = arith.index_cast %add3A_197 : i32 to index
        %get3A_199 = arith.constant 48 : index
        %get3A_200 = tpu.vector_load %arg11[%get3A_198, %get3A_199] {strides = array<i32>} : memref<128x64xf32, #tpu.memory_space<vmem>>, vector<1x16xf32>,
        %get3A_201 = vector.shape_cast %get3A_200 : vector<1x16xf32> to vector<16xf32>
        %mul3A_202 = vector.broadcast %squeeze3A : f32 to vector<16xf32>
        %mul3A_203 = arith.mulf %mul3A_202, %get3A_195 : vector<16xf32>
        %add3A_204 = arith.addf %get3A_183, %mul3A_203 : vector<16xf32>
        %add3A_205 = arith.constant 0 : i32
        %add3A_206 = arith.addi %mul3A_177, %add3A_205 : i32
        %swap3A = arith.index_cast %add3A_206 : i32 to index
        %swap3A_207 = arith.constant 0 : index
        %swap3A_208 = tpu.vector_load %arg13[%swap3A, %swap3A_207] {strides = array<i32>} : memref<128x32xf32, #tpu.memory_space<vmem>>, vector<1x16xf32>,
        %swap3A_209 = vector.shape_cast %swap3A_208 : vector<1x16xf32> to vector<16xf32>
        %swap3A_210 = vector.shape_cast %add3A_204 : vector<16xf32> to vector<1x16xf32>
        tpu.vector_store %arg13[%swap3A, %swap3A_207], %swap3A_210 {strides = array<i32>} : memref<128x32xf32, #tpu.memory_space<vmem>>, vector<1x16xf32>,
        %mul3A_211 = vector.broadcast %squeeze3A : f32 to vector<16xf32>
        %mul3A_212 = arith.mulf %mul3A_211, %get3A_201 : vector<16xf32>
        %add3A_213 = arith.addf %get3A_189, %mul3A_212 : vector<16xf32>
        %add3A_214 = arith.constant 0 : i32
        %add3A_215 = arith.addi %mul3A_177, %add3A_214 : i32
        %swap3A_216 = arith.index_cast %add3A_215 : i32 to index
        %swap3A_217 = arith.constant 16 : index
        %swap3A_218 = tpu.vector_load %arg13[%swap3A_216, %swap3A_217] {strides = array<i32>} : memref<128x32xf32, #tpu.memory_space<vmem>>, vector<1x16xf32>,
        %swap3A_219 = vector.shape_cast %swap3A_218 : vector<1x16xf32> to vector<16xf32>
        %swap3A_220 = vector.shape_cast %add3A_213 : vector<16xf32> to vector<1x16xf32>
        tpu.vector_store %arg13[%swap3A_216, %swap3A_217], %swap3A_220 {strides = array<i32>} : memref<128x32xf32, #tpu.memory_space<vmem>>, vector<1x16xf32>,
        %slice3A_221 = vector.extract_strided_slice %min3A_175 {offsets = [1], sizes = [1], strides = [1]} : vector<16xf32> to vector<1xf32>
        %squeeze3A_222 = vector.extract %slice3A_221[0] : f32 from vector<1xf32>
        %add3A_223 = arith.constant 1 : i32
        %add3A_224 = arith.addi %mul3A_177, %add3A_223 : i32
        %get3A_225 = arith.index_cast %add3A_224 : i32 to index
        %get3A_226 = arith.constant 0 : index
        %get3A_227 = tpu.vector_load %arg11[%get3A_225, %get3A_226] {strides = array<i32>} : memref<128x64xf32, #tpu.memory_space<vmem>>, vector<1x16xf32>,
        %get3A_228 = vector.shape_cast %get3A_227 : vector<1x16xf32> to vector<16xf32>
        %add3A_229 = arith.constant 1 : i32
        %add3A_230 = arith.addi %mul3A_177, %add3A_229 : i32
        %get3A_231 = arith.index_cast %add3A_230 : i32 to index
        %get3A_232 = arith.constant 16 : index
        %get3A_233 = tpu.vector_load %arg11[%get3A_231, %get3A_232] {strides = array<i32>} : memref<128x64xf32, #tpu.memory_space<vmem>>, vector<1x16xf32>,
        %get3A_234 = vector.shape_cast %get3A_233 : vector<1x16xf32> to vector<16xf32>
        %add3A_235 = arith.constant 1 : i32
        %add3A_236 = arith.addi %mul3A_177, %add3A_235 : i32
        %get3A_237 = arith.index_cast %add3A_236 : i32 to index
        %get3A_238 = arith.constant 32 : index
        %get3A_239 = tpu.vector_load %arg11[%get3A_237, %get3A_238] {strides = array<i32>} : memref<128x64xf32, #tpu.memory_space<vmem>>, vector<1x16xf32>,
        %get3A_240 = vector.shape_cast %get3A_239 : vector<1x16xf32> to vector<16xf32>
        %add3A_241 = arith.constant 1 : i32
        %add3A_242 = arith.addi %mul3A_177, %add3A_241 : i32
        %get3A_243 = arith.index_cast %add3A_242 : i32 to index
        %get3A_244 = arith.constant 48 : index
        %get3A_245 = tpu.vector_load %arg11[%get3A_243, %get3A_244] {strides = array<i32>} : memref<128x64xf32, #tpu.memory_space<vmem>>, vector<1x16xf32>,
        %get3A_246 = vector.shape_cast %get3A_245 : vector<1x16xf32> to vector<16xf32>
        %mul3A_247 = vector.broadcast %squeeze3A_222 : f32 to vector<16xf32>
        %mul3A_248 = arith.mulf %mul3A_247, %get3A_240 : vector<16xf32>
        %add3A_249 = arith.addf %get3A_228, %mul3A_248 : vector<16xf32>
        %add3A_250 = arith.constant 1 : i32
        %add3A_251 = arith.addi %mul3A_177, %add3A_250 : i32
        %swap3A_252 = arith.index_cast %add3A_251 : i32 to index
        %swap3A_253 = arith.constant 0 : index
        %swap3A_254 = tpu.vector_load %arg13[%swap3A_252, %swap3A_253] {strides = array<i32>} : memref<128x32xf32, #tpu.memory_space<vmem>>, vector<1x16xf32>,
        %swap3A_255 = vector.shape_cast %swap3A_254 : vector<1x16xf32> to vector<16xf32>
        %swap3A_256 = vector.shape_cast %add3A_249 : vector<16xf32> to vector<1x16xf32>
        tpu.vector_store %arg13[%swap3A_252, %swap3A_253], %swap3A_256 {strides = array<i32>} : memref<128x32xf32, #tpu.memory_space<vmem>>, vector<1x16xf32>,
        %mul3A_257 = vector.broadcast %squeeze3A_222 : f32 to vector<16xf32>
        %mul3A_258 = arith.mulf %mul3A_257, %get3A_246 : vector<16xf32>
        %add3A_259 = arith.addf %get3A_234, %mul3A_258 : vector<16xf32>
        %add3A_260 = arith.constant 1 : i32
        %add3A_261 = arith.addi %mul3A_177, %add3A_260 : i32
        %swap3A_262 = arith.index_cast %add3A_261 : i32 to index
        %swap3A_263 = arith.constant 16 : index
        %swap3A_264 = tpu.vector_load %arg13[%swap3A_262, %swap3A_263] {strides = array<i32>} : memref<128x32xf32, #tpu.memory_space<vmem>>, vector<1x16xf32>,
        %swap3A_265 = vector.shape_cast %swap3A_264 : vector<1x16xf32> to vector<16xf32>
        %swap3A_266 = vector.shape_cast %add3A_259 : vector<16xf32> to vector<1x16xf32>
        tpu.vector_store %arg13[%swap3A_262, %swap3A_263], %swap3A_266 {strides = array<i32>} : memref<128x32xf32, #tpu.memory_space<vmem>>, vector<1x16xf32>,
        %slice3A_267 = vector.extract_strided_slice %min3A_175 {offsets = [2], sizes = [1], strides = [1]} : vector<16xf32> to vector<1xf32>
        %squeeze3A_268 = vector.extract %slice3A_267[0] : f32 from vector<1xf32>
        %add3A_269 = arith.constant 2 : i32
        %add3A_270 = arith.addi %mul3A_177, %add3A_269 : i32
        %get3A_271 = arith.index_cast %add3A_270 : i32 to index
        %get3A_272 = arith.constant 0 : index
        %get3A_273 = tpu.vector_load %arg11[%get3A_271, %get3A_272] {strides = array<i32>} : memref<128x64xf32, #tpu.memory_space<vmem>>, vector<1x16xf32>,
        %get3A_274 = vector.shape_cast %get3A_273 : vector<1x16xf32> to vector<16xf32>
        %add3A_275 = arith.constant 2 : i32
        %add3A_276 = arith.addi %mul3A_177, %add3A_275 : i32
        %get3A_277 = arith.index_cast %add3A_276 : i32 to index
        %get3A_278 = arith.constant 16 : index
        %get3A_279 = tpu.vector_load %arg11[%get3A_277, %get3A_278] {strides = array<i32>} : memref<128x64xf32, #tpu.memory_space<vmem>>, vector<1x16xf32>,
        %get3A_280 = vector.shape_cast %get3A_279 : vector<1x16xf32> to vector<16xf32>
        %add3A_281 = arith.constant 2 : i32
        %add3A_282 = arith.addi %mul3A_177, %add3A_281 : i32
        %get3A_283 = arith.index_cast %add3A_282 : i32 to index
        %get3A_284 = arith.constant 32 : index
        %get3A_285 = tpu.vector_load %arg11[%get3A_283, %get3A_284] {strides = array<i32>} : memref<128x64xf32, #tpu.memory_space<vmem>>, vector<1x16xf32>,
        %get3A_286 = vector.shape_cast %get3A_285 : vector<1x16xf32> to vector<16xf32>
        %add3A_287 = arith.constant 2 : i32
        %add3A_288 = arith.addi %mul3A_177, %add3A_287 : i32
        %get3A_289 = arith.index_cast %add3A_288 : i32 to index
        %get3A_290 = arith.constant 48 : index
        %get3A_291 = tpu.vector_load %arg11[%get3A_289, %get3A_290] {strides = array<i32>} : memref<128x64xf32, #tpu.memory_space<vmem>>, vector<1x16xf32>,
        %get3A_292 = vector.shape_cast %get3A_291 : vector<1x16xf32> to vector<16xf32>
        %mul3A_293 = vector.broadcast %squeeze3A_268 : f32 to vector<16xf32>
        %mul3A_294 = arith.mulf %mul3A_293, %get3A_286 : vector<16xf32>
        %add3A_295 = arith.addf %get3A_274, %mul3A_294 : vector<16xf32>
        %add3A_296 = arith.constant 2 : i32
        %add3A_297 = arith.addi %mul3A_177, %add3A_296 : i32
        %swap3A_298 = arith.index_cast %add3A_297 : i32 to index
        %swap3A_299 = arith.constant 0 : index
        %swap3A_300 = tpu.vector_load %arg13[%swap3A_298, %swap3A_299] {strides = array<i32>} : memref<128x32xf32, #tpu.memory_space<vmem>>, vector<1x16xf32>,
        %swap3A_301 = vector.shape_cast %swap3A_300 : vector<1x16xf32> to vector<16xf32>
        %swap3A_302 = vector.shape_cast %add3A_295 : vector<16xf32> to vector<1x16xf32>
        tpu.vector_store %arg13[%swap3A_298, %swap3A_299], %swap3A_302 {strides = array<i32>} : memref<128x32xf32, #tpu.memory_space<vmem>>, vector<1x16xf32>,
        %mul3A_303 = vector.broadcast %squeeze3A_268 : f32 to vector<16xf32>
        %mul3A_304 = arith.mulf %mul3A_303, %get3A_292 : vector<16xf32>
        %add3A_305 = arith.addf %get3A_280, %mul3A_304 : vector<16xf32>
        %add3A_306 = arith.constant 2 : i32
        %add3A_307 = arith.addi %mul3A_177, %add3A_306 : i32
        %swap3A_308 = arith.index_cast %add3A_307 : i32 to index
        %swap3A_309 = arith.constant 16 : index
        %swap3A_310 = tpu.vector_load %arg13[%swap3A_308, %swap3A_309] {strides = array<i32>} : memref<128x32xf32, #tpu.memory_space<vmem>>, vector<1x16xf32>,
        %swap3A_311 = vector.shape_cast %swap3A_310 : vector<1x16xf32> to vector<16xf32>
        %swap3A_312 = vector.shape_cast %add3A_305 : vector<16xf32> to vector<1x16xf32>
        tpu.vector_store %arg13[%swap3A_308, %swap3A_309], %swap3A_312 {strides = array<i32>} : memref<128x32xf32, #tpu.memory_space<vmem>>, vector<1x16xf32>,
        %slice3A_313 = vector.extract_strided_slice %min3A_175 {offsets = [3], sizes = [1], strides = [1]} : vector<16xf32> to vector<1xf32>
        %squeeze3A_314 = vector.extract %slice3A_313[0] : f32 from vector<1xf32>
        %add3A_315 = arith.constant 3 : i32
        %add3A_316 = arith.addi %mul3A_177, %add3A_315 : i32
        %get3A_317 = arith.index_cast %add3A_316 : i32 to index
        %get3A_318 = arith.constant 0 : index
        %get3A_319 = tpu.vector_load %arg11[%get3A_317, %get3A_318] {strides = array<i32>} : memref<128x64xf32, #tpu.memory_space<vmem>>, vector<1x16xf32>,
        %get3A_320 = vector.shape_cast %get3A_319 : vector<1x16xf32> to vector<16xf32>
        %add3A_321 = arith.constant 3 : i32
        %add3A_322 = arith.addi %mul3A_177, %add3A_321 : i32
        %get3A_323 = arith.index_cast %add3A_322 : i32 to index
        %get3A_324 = arith.constant 16 : index
        %get3A_325 = tpu.vector_load %arg11[%get3A_323, %get3A_324] {strides = array<i32>} : memref<128x64xf32, #tpu.memory_space<vmem>>, vector<1x16xf32>,
        %get3A_326 = vector.shape_cast %get3A_325 : vector<1x16xf32> to vector<16xf32>
        %add3A_327 = arith.constant 3 : i32
        %add3A_328 = arith.addi %mul3A_177, %add3A_327 : i32
        %get3A_329 = arith.index_cast %add3A_328 : i32 to index
        %get3A_330 = arith.constant 32 : index
        %get3A_331 = tpu.vector_load %arg11[%get3A_329, %get3A_330] {strides = array<i32>} : memref<128x64xf32, #tpu.memory_space<vmem>>, vector<1x16xf32>,
        %get3A_332 = vector.shape_cast %get3A_331 : vector<1x16xf32> to vector<16xf32>
        %add3A_333 = arith.constant 3 : i32
        %add3A_334 = arith.addi %mul3A_177, %add3A_333 : i32
        %get3A_335 = arith.index_cast %add3A_334 : i32 to index
        %get3A_336 = arith.constant 48 : index
        %get3A_337 = tpu.vector_load %arg11[%get3A_335, %get3A_336] {strides = array<i32>} : memref<128x64xf32, #tpu.memory_space<vmem>>, vector<1x16xf32>,
        %get3A_338 = vector.shape_cast %get3A_337 : vector<1x16xf32> to vector<16xf32>
        %mul3A_339 = vector.broadcast %squeeze3A_314 : f32 to vector<16xf32>
        %mul3A_340 = arith.mulf %mul3A_339, %get3A_332 : vector<16xf32>
        %add3A_341 = arith.addf %get3A_320, %mul3A_340 : vector<16xf32>
        %add3A_342 = arith.constant 3 : i32
        %add3A_343 = arith.addi %mul3A_177, %add3A_342 : i32
        %swap3A_344 = arith.index_cast %add3A_343 : i32 to index
        %swap3A_345 = arith.constant 0 : index
        %swap3A_346 = tpu.vector_load %arg13[%swap3A_344, %swap3A_345] {strides = array<i32>} : memref<128x32xf32, #tpu.memory_space<vmem>>, vector<1x16xf32>,
        %swap3A_347 = vector.shape_cast %swap3A_346 : vector<1x16xf32> to vector<16xf32>
        %swap3A_348 = vector.shape_cast %add3A_341 : vector<16xf32> to vector<1x16xf32>
        tpu.vector_store %arg13[%swap3A_344, %swap3A_345], %swap3A_348 {strides = array<i32>} : memref<128x32xf32, #tpu.memory_space<vmem>>, vector<1x16xf32>,
        %mul3A_349 = vector.broadcast %squeeze3A_314 : f32 to vector<16xf32>
        %mul3A_350 = arith.mulf %mul3A_349, %get3A_338 : vector<16xf32>
        %add3A_351 = arith.addf %get3A_326, %mul3A_350 : vector<16xf32>
        %add3A_352 = arith.constant 3 : i32
        %add3A_353 = arith.addi %mul3A_177, %add3A_352 : i32
        %swap3A_354 = arith.index_cast %add3A_353 : i32 to index
        %swap3A_355 = arith.constant 16 : index
        %swap3A_356 = tpu.vector_load %arg13[%swap3A_354, %swap3A_355] {strides = array<i32>} : memref<128x32xf32, #tpu.memory_space<vmem>>, vector<1x16xf32>,
        %swap3A_357 = vector.shape_cast %swap3A_356 : vector<1x16xf32> to vector<16xf32>
        %swap3A_358 = vector.shape_cast %add3A_351 : vector<16xf32> to vector<1x16xf32>
        tpu.vector_store %arg13[%swap3A_354, %swap3A_355], %swap3A_358 {strides = array<i32>} : memref<128x32xf32, #tpu.memory_space<vmem>>, vector<1x16xf32>,
        %slice3A_359 = vector.extract_strided_slice %min3A_175 {offsets = [4], sizes = [1], strides = [1]} : vector<16xf32> to vector<1xf32>
        %squeeze3A_360 = vector.extract %slice3A_359[0] : f32 from vector<1xf32>
        %add3A_361 = arith.constant 4 : i32
        %add3A_362 = arith.addi %mul3A_177, %add3A_361 : i32
        %get3A_363 = arith.index_cast %add3A_362 : i32 to index
        %get3A_364 = arith.constant 0 : index
        %get3A_365 = tpu.vector_load %arg11[%get3A_363, %get3A_364] {strides = array<i32>} : memref<128x64xf32, #tpu.memory_space<vmem>>, vector<1x16xf32>,
        %get3A_366 = vector.shape_cast %get3A_365 : vector<1x16xf32> to vector<16xf32>
        %add3A_367 = arith.constant 4 : i32
        %add3A_368 = arith.addi %mul3A_177, %add3A_367 : i32
        %get3A_369 = arith.index_cast %add3A_368 : i32 to index
        %get3A_370 = arith.constant 16 : index
        %get3A_371 = tpu.vector_load %arg11[%get3A_369, %get3A_370] {strides = array<i32>} : memref<128x64xf32, #tpu.memory_space<vmem>>, vector<1x16xf32>,
        %get3A_372 = vector.shape_cast %get3A_371 : vector<1x16xf32> to vector<16xf32>
        %add3A_373 = arith.constant 4 : i32
        %add3A_374 = arith.addi %mul3A_177, %add3A_373 : i32
        %get3A_375 = arith.index_cast %add3A_374 : i32 to index
        %get3A_376 = arith.constant 32 : index
        %get3A_377 = tpu.vector_load %arg11[%get3A_375, %get3A_376] {strides = array<i32>} : memref<128x64xf32, #tpu.memory_space<vmem>>, vector<1x16xf32>,
        %get3A_378 = vector.shape_cast %get3A_377 : vector<1x16xf32> to vector<16xf32>
        %add3A_379 = arith.constant 4 : i32
        %add3A_380 = arith.addi %mul3A_177, %add3A_379 : i32
        %get3A_381 = arith.index_cast %add3A_380 : i32 to index
        %get3A_382 = arith.constant 48 : index
        %get3A_383 = tpu.vector_load %arg11[%get3A_381, %get3A_382] {strides = array<i32>} : memref<128x64xf32, #tpu.memory_space<vmem>>, vector<1x16xf32>,
        %get3A_384 = vector.shape_cast %get3A_383 : vector<1x16xf32> to vector<16xf32>
        %mul3A_385 = vector.broadcast %squeeze3A_360 : f32 to vector<16xf32>
        %mul3A_386 = arith.mulf %mul3A_385, %get3A_378 : vector<16xf32>
        %add3A_387 = arith.addf %get3A_366, %mul3A_386 : vector<16xf32>
        %add3A_388 = arith.constant 4 : i32
        %add3A_389 = arith.addi %mul3A_177, %add3A_388 : i32
        %swap3A_390 = arith.index_cast %add3A_389 : i32 to index
        %swap3A_391 = arith.constant 0 : index
        %swap3A_392 = tpu.vector_load %arg13[%swap3A_390, %swap3A_391] {strides = array<i32>} : memref<128x32xf32, #tpu.memory_space<vmem>>, vector<1x16xf32>,
        %swap3A_393 = vector.shape_cast %swap3A_392 : vector<1x16xf32> to vector<16xf32>
        %swap3A_394 = vector.shape_cast %add3A_387 : vector<16xf32> to vector<1x16xf32>
        tpu.vector_store %arg13[%swap3A_390, %swap3A_391], %swap3A_394 {strides = array<i32>} : memref<128x32xf32, #tpu.memory_space<vmem>>, vector<1x16xf32>,
        %mul3A_395 = vector.broadcast %squeeze3A_360 : f32 to vector<16xf32>
        %mul3A_396 = arith.mulf %mul3A_395, %get3A_384 : vector<16xf32>
        %add3A_397 = arith.addf %get3A_372, %mul3A_396 : vector<16xf32>
        %add3A_398 = arith.constant 4 : i32
        %add3A_399 = arith.addi %mul3A_177, %add3A_398 : i32
        %swap3A_400 = arith.index_cast %add3A_399 : i32 to index
        %swap3A_401 = arith.constant 16 : index
        %swap3A_402 = tpu.vector_load %arg13[%swap3A_400, %swap3A_401] {strides = array<i32>} : memref<128x32xf32, #tpu.memory_space<vmem>>, vector<1x16xf32>,
        %swap3A_403 = vector.shape_cast %swap3A_402 : vector<1x16xf32> to vector<16xf32>
        %swap3A_404 = vector.shape_cast %add3A_397 : vector<16xf32> to vector<1x16xf32>
        tpu.vector_store %arg13[%swap3A_400, %swap3A_401], %swap3A_404 {strides = array<i32>} : memref<128x32xf32, #tpu.memory_space<vmem>>, vector<1x16xf32>,
        %slice3A_405 = vector.extract_strided_slice %min3A_175 {offsets = [5], sizes = [1], strides = [1]} : vector<16xf32> to vector<1xf32>
        %squeeze3A_406 = vector.extract %slice3A_405[0] : f32 from vector<1xf32>
        %add3A_407 = arith.constant 5 : i32
        %add3A_408 = arith.addi %mul3A_177, %add3A_407 : i32
        %get3A_409 = arith.index_cast %add3A_408 : i32 to index
        %get3A_410 = arith.constant 0 : index
        %get3A_411 = tpu.vector_load %arg11[%get3A_409, %get3A_410] {strides = array<i32>} : memref<128x64xf32, #tpu.memory_space<vmem>>, vector<1x16xf32>,
        %get3A_412 = vector.shape_cast %get3A_411 : vector<1x16xf32> to vector<16xf32>
        %add3A_413 = arith.constant 5 : i32
        %add3A_414 = arith.addi %mul3A_177, %add3A_413 : i32
        %get3A_415 = arith.index_cast %add3A_414 : i32 to index
        %get3A_416 = arith.constant 16 : index
        %get3A_417 = tpu.vector_load %arg11[%get3A_415, %get3A_416] {strides = array<i32>} : memref<128x64xf32, #tpu.memory_space<vmem>>, vector<1x16xf32>,
        %get3A_418 = vector.shape_cast %get3A_417 : vector<1x16xf32> to vector<16xf32>
        %add3A_419 = arith.constant 5 : i32
        %add3A_420 = arith.addi %mul3A_177, %add3A_419 : i32
        %get3A_421 = arith.index_cast %add3A_420 : i32 to index
        %get3A_422 = arith.constant 32 : index
        %get3A_423 = tpu.vector_load %arg11[%get3A_421, %get3A_422] {strides = array<i32>} : memref<128x64xf32, #tpu.memory_space<vmem>>, vector<1x16xf32>,
        %get3A_424 = vector.shape_cast %get3A_423 : vector<1x16xf32> to vector<16xf32>
        %add3A_425 = arith.constant 5 : i32
        %add3A_426 = arith.addi %mul3A_177, %add3A_425 : i32
        %get3A_427 = arith.index_cast %add3A_426 : i32 to index
        %get3A_428 = arith.constant 48 : index
        %get3A_429 = tpu.vector_load %arg11[%get3A_427, %get3A_428] {strides = array<i32>} : memref<128x64xf32, #tpu.memory_space<vmem>>, vector<1x16xf32>,
        %get3A_430 = vector.shape_cast %get3A_429 : vector<1x16xf32> to vector<16xf32>
        %mul3A_431 = vector.broadcast %squeeze3A_406 : f32 to vector<16xf32>
        %mul3A_432 = arith.mulf %mul3A_431, %get3A_424 : vector<16xf32>
        %add3A_433 = arith.addf %get3A_412, %mul3A_432 : vector<16xf32>
        %add3A_434 = arith.constant 5 : i32
        %add3A_435 = arith.addi %mul3A_177, %add3A_434 : i32
        %swap3A_436 = arith.index_cast %add3A_435 : i32 to index
        %swap3A_437 = arith.constant 0 : index
        %swap3A_438 = tpu.vector_load %arg13[%swap3A_436, %swap3A_437] {strides = array<i32>} : memref<128x32xf32, #tpu.memory_space<vmem>>, vector<1x16xf32>,
        %swap3A_439 = vector.shape_cast %swap3A_438 : vector<1x16xf32> to vector<16xf32>
        %swap3A_440 = vector.shape_cast %add3A_433 : vector<16xf32> to vector<1x16xf32>
        tpu.vector_store %arg13[%swap3A_436, %swap3A_437], %swap3A_440 {strides = array<i32>} : memref<128x32xf32, #tpu.memory_space<vmem>>, vector<1x16xf32>,
        %mul3A_441 = vector.broadcast %squeeze3A_406 : f32 to vector<16xf32>
        %mul3A_442 = arith.mulf %mul3A_441, %get3A_430 : vector<16xf32>
        %add3A_443 = arith.addf %get3A_418, %mul3A_442 : vector<16xf32>
        %add3A_444 = arith.constant 5 : i32
        %add3A_445 = arith.addi %mul3A_177, %add3A_444 : i32
        %swap3A_446 = arith.index_cast %add3A_445 : i32 to index
        %swap3A_447 = arith.constant 16 : index
        %swap3A_448 = tpu.vector_load %arg13[%swap3A_446, %swap3A_447] {strides = array<i32>} : memref<128x32xf32, #tpu.memory_space<vmem>>, vector<1x16xf32>,
        %swap3A_449 = vector.shape_cast %swap3A_448 : vector<1x16xf32> to vector<16xf32>
        %swap3A_450 = vector.shape_cast %add3A_443 : vector<16xf32> to vector<1x16xf32>
        tpu.vector_store %arg13[%swap3A_446, %swap3A_447], %swap3A_450 {strides = array<i32>} : memref<128x32xf32, #tpu.memory_space<vmem>>, vector<1x16xf32>,
        %slice3A_451 = vector.extract_strided_slice %min3A_175 {offsets = [6], sizes = [1], strides = [1]} : vector<16xf32> to vector<1xf32>
        %squeeze3A_452 = vector.extract %slice3A_451[0] : f32 from vector<1xf32>
        %add3A_453 = arith.constant 6 : i32
        %add3A_454 = arith.addi %mul3A_177, %add3A_453 : i32
        %get3A_455 = arith.index_cast %add3A_454 : i32 to index
        %get3A_456 = arith.constant 0 : index
        %get3A_457 = tpu.vector_load %arg11[%get3A_455, %get3A_456] {strides = array<i32>} : memref<128x64xf32, #tpu.memory_space<vmem>>, vector<1x16xf32>,
        %get3A_458 = vector.shape_cast %get3A_457 : vector<1x16xf32> to vector<16xf32>
        %add3A_459 = arith.constant 6 : i32
        %add3A_460 = arith.addi %mul3A_177, %add3A_459 : i32
        %get3A_461 = arith.index_cast %add3A_460 : i32 to index
        %get3A_462 = arith.constant 16 : index
        %get3A_463 = tpu.vector_load %arg11[%get3A_461, %get3A_462] {strides = array<i32>} : memref<128x64xf32, #tpu.memory_space<vmem>>, vector<1x16xf32>,
        %get3A_464 = vector.shape_cast %get3A_463 : vector<1x16xf32> to vector<16xf32>
        %add3A_465 = arith.constant 6 : i32
        %add3A_466 = arith.addi %mul3A_177, %add3A_465 : i32
        %get3A_467 = arith.index_cast %add3A_466 : i32 to index
        %get3A_468 = arith.constant 32 : index
        %get3A_469 = tpu.vector_load %arg11[%get3A_467, %get3A_468] {strides = array<i32>} : memref<128x64xf32, #tpu.memory_space<vmem>>, vector<1x16xf32>,
        %get3A_470 = vector.shape_cast %get3A_469 : vector<1x16xf32> to vector<16xf32>
        %add3A_471 = arith.constant 6 : i32
        %add3A_472 = arith.addi %mul3A_177, %add3A_471 : i32
        %get3A_473 = arith.index_cast %add3A_472 : i32 to index
        %get3A_474 = arith.constant 48 : index
        %get3A_475 = tpu.vector_load %arg11[%get3A_473, %get3A_474] {strides = array<i32>} : memref<128x64xf32, #tpu.memory_space<vmem>>, vector<1x16xf32>,
        %get3A_476 = vector.shape_cast %get3A_475 : vector<1x16xf32> to vector<16xf32>
        %mul3A_477 = vector.broadcast %squeeze3A_452 : f32 to vector<16xf32>
        %mul3A_478 = arith.mulf %mul3A_477, %get3A_470 : vector<16xf32>
        %add3A_479 = arith.addf %get3A_458, %mul3A_478 : vector<16xf32>
        %add3A_480 = arith.constant 6 : i32
        %add3A_481 = arith.addi %mul3A_177, %add3A_480 : i32
        %swap3A_482 = arith.index_cast %add3A_481 : i32 to index
        %swap3A_483 = arith.constant 0 : index
        %swap3A_484 = tpu.vector_load %arg13[%swap3A_482, %swap3A_483] {strides = array<i32>} : memref<128x32xf32, #tpu.memory_space<vmem>>, vector<1x16xf32>,
        %swap3A_485 = vector.shape_cast %swap3A_484 : vector<1x16xf32> to vector<16xf32>
        %swap3A_486 = vector.shape_cast %add3A_479 : vector<16xf32> to vector<1x16xf32>
        tpu.vector_store %arg13[%swap3A_482, %swap3A_483], %swap3A_486 {strides = array<i32>} : memref<128x32xf32, #tpu.memory_space<vmem>>, vector<1x16xf32>,
        %mul3A_487 = vector.broadcast %squeeze3A_452 : f32 to vector<16xf32>
        %mul3A_488 = arith.mulf %mul3A_487, %get3A_476 : vector<16xf32>
        %add3A_489 = arith.addf %get3A_464, %mul3A_488 : vector<16xf32>
        %add3A_490 = arith.constant 6 : i32
        %add3A_491 = arith.addi %mul3A_177, %add3A_490 : i32
        %swap3A_492 = arith.index_cast %add3A_491 : i32 to index
        %swap3A_493 = arith.constant 16 : index
        %swap3A_494 = tpu.vector_load %arg13[%swap3A_492, %swap3A_493] {strides = array<i32>} : memref<128x32xf32, #tpu.memory_space<vmem>>, vector<1x16xf32>,
        %swap3A_495 = vector.shape_cast %swap3A_494 : vector<1x16xf32> to vector<16xf32>
        %swap3A_496 = vector.shape_cast %add3A_489 : vector<16xf32> to vector<1x16xf32>
        tpu.vector_store %arg13[%swap3A_492, %swap3A_493], %swap3A_496 {strides = array<i32>} : memref<128x32xf32, #tpu.memory_space<vmem>>, vector<1x16xf32>,
        %slice3A_497 = vector.extract_strided_slice %min3A_175 {offsets = [7], sizes = [1], strides = [1]} : vector<16xf32> to vector<1xf32>
        %squeeze3A_498 = vector.extract %slice3A_497[0] : f32 from vector<1xf32>
        %add3A_499 = arith.constant 7 : i32
        %add3A_500 = arith.addi %mul3A_177, %add3A_499 : i32
        %get3A_501 = arith.index_cast %add3A_500 : i32 to index
        %get3A_502 = arith.constant 0 : index
        %get3A_503 = tpu.vector_load %arg11[%get3A_501, %get3A_502] {strides = array<i32>} : memref<128x64xf32, #tpu.memory_space<vmem>>, vector<1x16xf32>,
        %get3A_504 = vector.shape_cast %get3A_503 : vector<1x16xf32> to vector<16xf32>
        %add3A_505 = arith.constant 7 : i32
        %add3A_506 = arith.addi %mul3A_177, %add3A_505 : i32
        %get3A_507 = arith.index_cast %add3A_506 : i32 to index
        %get3A_508 = arith.constant 16 : index
        %get3A_509 = tpu.vector_load %arg11[%get3A_507, %get3A_508] {strides = array<i32>} : memref<128x64xf32, #tpu.memory_space<vmem>>, vector<1x16xf32>,
        %get3A_510 = vector.shape_cast %get3A_509 : vector<1x16xf32> to vector<16xf32>
        %add3A_511 = arith.constant 7 : i32
        %add3A_512 = arith.addi %mul3A_177, %add3A_511 : i32
        %get3A_513 = arith.index_cast %add3A_512 : i32 to index
        %get3A_514 = arith.constant 32 : index
        %get3A_515 = tpu.vector_load %arg11[%get3A_513, %get3A_514] {strides = array<i32>} : memref<128x64xf32, #tpu.memory_space<vmem>>, vector<1x16xf32>,
        %get3A_516 = vector.shape_cast %get3A_515 : vector<1x16xf32> to vector<16xf32>
        %add3A_517 = arith.constant 7 : i32
        %add3A_518 = arith.addi %mul3A_177, %add3A_517 : i32
        %get3A_519 = arith.index_cast %add3A_518 : i32 to index
        %get3A_520 = arith.constant 48 : index
        %get3A_521 = tpu.vector_load %arg11[%get3A_519, %get3A_520] {strides = array<i32>} : memref<128x64xf32, #tpu.memory_space<vmem>>, vector<1x16xf32>,
        %get3A_522 = vector.shape_cast %get3A_521 : vector<1x16xf32> to vector<16xf32>
        %mul3A_523 = vector.broadcast %squeeze3A_498 : f32 to vector<16xf32>
        %mul3A_524 = arith.mulf %mul3A_523, %get3A_516 : vector<16xf32>
        %add3A_525 = arith.addf %get3A_504, %mul3A_524 : vector<16xf32>
        %add3A_526 = arith.constant 7 : i32
        %add3A_527 = arith.addi %mul3A_177, %add3A_526 : i32
        %swap3A_528 = arith.index_cast %add3A_527 : i32 to index
        %swap3A_529 = arith.constant 0 : index
        %swap3A_530 = tpu.vector_load %arg13[%swap3A_528, %swap3A_529] {strides = array<i32>} : memref<128x32xf32, #tpu.memory_space<vmem>>, vector<1x16xf32>,
        %swap3A_531 = vector.shape_cast %swap3A_530 : vector<1x16xf32> to vector<16xf32>
        %swap3A_532 = vector.shape_cast %add3A_525 : vector<16xf32> to vector<1x16xf32>
        tpu.vector_store %arg13[%swap3A_528, %swap3A_529], %swap3A_532 {strides = array<i32>} : memref<128x32xf32, #tpu.memory_space<vmem>>, vector<1x16xf32>,
        %mul3A_533 = vector.broadcast %squeeze3A_498 : f32 to vector<16xf32>
        %mul3A_534 = arith.mulf %mul3A_533, %get3A_522 : vector<16xf32>
        %add3A_535 = arith.addf %get3A_510, %mul3A_534 : vector<16xf32>
        %add3A_536 = arith.constant 7 : i32
        %add3A_537 = arith.addi %mul3A_177, %add3A_536 : i32
        %swap3A_538 = arith.index_cast %add3A_537 : i32 to index
        %swap3A_539 = arith.constant 16 : index
        %swap3A_540 = tpu.vector_load %arg13[%swap3A_538, %swap3A_539] {strides = array<i32>} : memref<128x32xf32, #tpu.memory_space<vmem>>, vector<1x16xf32>,
        %swap3A_541 = vector.shape_cast %swap3A_540 : vector<1x16xf32> to vector<16xf32>
        %swap3A_542 = vector.shape_cast %add3A_535 : vector<16xf32> to vector<1x16xf32>
        tpu.vector_store %arg13[%swap3A_538, %swap3A_539], %swap3A_542 {strides = array<i32>} : memref<128x32xf32, #tpu.memory_space<vmem>>, vector<1x16xf32>,
        %slice3A_543 = vector.extract_strided_slice %min3A_175 {offsets = [8], sizes = [1], strides = [1]} : vector<16xf32> to vector<1xf32>
        %squeeze3A_544 = vector.extract %slice3A_543[0] : f32 from vector<1xf32>
        %add3A_545 = arith.constant 8 : i32
        %add3A_546 = arith.addi %mul3A_177, %add3A_545 : i32
        %get3A_547 = arith.index_cast %add3A_546 : i32 to index
        %get3A_548 = arith.constant 0 : index
        %get3A_549 = tpu.vector_load %arg11[%get3A_547, %get3A_548] {strides = array<i32>} : memref<128x64xf32, #tpu.memory_space<vmem>>, vector<1x16xf32>,
        %get3A_550 = vector.shape_cast %get3A_549 : vector<1x16xf32> to vector<16xf32>
        %add3A_551 = arith.constant 8 : i32
        %add3A_552 = arith.addi %mul3A_177, %add3A_551 : i32
        %get3A_553 = arith.index_cast %add3A_552 : i32 to index
        %get3A_554 = arith.constant 16 : index
        %get3A_555 = tpu.vector_load %arg11[%get3A_553, %get3A_554] {strides = array<i32>} : memref<128x64xf32, #tpu.memory_space<vmem>>, vector<1x16xf32>,
        %get3A_556 = vector.shape_cast %get3A_555 : vector<1x16xf32> to vector<16xf32>
        %add3A_557 = arith.constant 8 : i32
        %add3A_558 = arith.addi %mul3A_177, %add3A_557 : i32
        %get3A_559 = arith.index_cast %add3A_558 : i32 to index
        %get3A_560 = arith.constant 32 : index
        %get3A_561 = tpu.vector_load %arg11[%get3A_559, %get3A_560] {strides = array<i32>} : memref<128x64xf32, #tpu.memory_space<vmem>>, vector<1x16xf32>,
        %get3A_562 = vector.shape_cast %get3A_561 : vector<1x16xf32> to vector<16xf32>
        %add3A_563 = arith.constant 8 : i32
        %add3A_564 = arith.addi %mul3A_177, %add3A_563 : i32
        %get3A_565 = arith.index_cast %add3A_564 : i32 to index
        %get3A_566 = arith.constant 48 : index
        %get3A_567 = tpu.vector_load %arg11[%get3A_565, %get3A_566] {strides = array<i32>} : memref<128x64xf32, #tpu.memory_space<vmem>>, vector<1x16xf32>,
        %get3A_568 = vector.shape_cast %get3A_567 : vector<1x16xf32> to vector<16xf32>
        %mul3A_569 = vector.broadcast %squeeze3A_544 : f32 to vector<16xf32>
        %mul3A_570 = arith.mulf %mul3A_569, %get3A_562 : vector<16xf32>
        %add3A_571 = arith.addf %get3A_550, %mul3A_570 : vector<16xf32>
        %add3A_572 = arith.constant 8 : i32
        %add3A_573 = arith.addi %mul3A_177, %add3A_572 : i32
        %swap3A_574 = arith.index_cast %add3A_573 : i32 to index
        %swap3A_575 = arith.constant 0 : index
        %swap3A_576 = tpu.vector_load %arg13[%swap3A_574, %swap3A_575] {strides = array<i32>} : memref<128x32xf32, #tpu.memory_space<vmem>>, vector<1x16xf32>,
        %swap3A_577 = vector.shape_cast %swap3A_576 : vector<1x16xf32> to vector<16xf32>
        %swap3A_578 = vector.shape_cast %add3A_571 : vector<16xf32> to vector<1x16xf32>
        tpu.vector_store %arg13[%swap3A_574, %swap3A_575], %swap3A_578 {strides = array<i32>} : memref<128x32xf32, #tpu.memory_space<vmem>>, vector<1x16xf32>,
        %mul3A_579 = vector.broadcast %squeeze3A_544 : f32 to vector<16xf32>
        %mul3A_580 = arith.mulf %mul3A_579, %get3A_568 : vector<16xf32>
        %add3A_581 = arith.addf %get3A_556, %mul3A_580 : vector<16xf32>
        %add3A_582 = arith.constant 8 : i32
        %add3A_583 = arith.addi %mul3A_177, %add3A_582 : i32
        %swap3A_584 = arith.index_cast %add3A_583 : i32 to index
        %swap3A_585 = arith.constant 16 : index
        %swap3A_586 = tpu.vector_load %arg13[%swap3A_584, %swap3A_585] {strides = array<i32>} : memref<128x32xf32, #tpu.memory_space<vmem>>, vector<1x16xf32>,
        %swap3A_587 = vector.shape_cast %swap3A_586 : vector<1x16xf32> to vector<16xf32>
        %swap3A_588 = vector.shape_cast %add3A_581 : vector<16xf32> to vector<1x16xf32>
        tpu.vector_store %arg13[%swap3A_584, %swap3A_585], %swap3A_588 {strides = array<i32>} : memref<128x32xf32, #tpu.memory_space<vmem>>, vector<1x16xf32>,
        %slice3A_589 = vector.extract_strided_slice %min3A_175 {offsets = [9], sizes = [1], strides = [1]} : vector<16xf32> to vector<1xf32>
        %squeeze3A_590 = vector.extract %slice3A_589[0] : f32 from vector<1xf32>
        %add3A_591 = arith.constant 9 : i32
        %add3A_592 = arith.addi %mul3A_177, %add3A_591 : i32
        %get3A_593 = arith.index_cast %add3A_592 : i32 to index
        %get3A_594 = arith.constant 0 : index
        %get3A_595 = tpu.vector_load %arg11[%get3A_593, %get3A_594] {strides = array<i32>} : memref<128x64xf32, #tpu.memory_space<vmem>>, vector<1x16xf32>,
        %get3A_596 = vector.shape_cast %get3A_595 : vector<1x16xf32> to vector<16xf32>
        %add3A_597 = arith.constant 9 : i32
        %add3A_598 = arith.addi %mul3A_177, %add3A_597 : i32
        %get3A_599 = arith.index_cast %add3A_598 : i32 to index
        %get3A_600 = arith.constant 16 : index
        %get3A_601 = tpu.vector_load %arg11[%get3A_599, %get3A_600] {strides = array<i32>} : memref<128x64xf32, #tpu.memory_space<vmem>>, vector<1x16xf32>,
        %get3A_602 = vector.shape_cast %get3A_601 : vector<1x16xf32> to vector<16xf32>
        %add3A_603 = arith.constant 9 : i32
        %add3A_604 = arith.addi %mul3A_177, %add3A_603 : i32
        %get3A_605 = arith.index_cast %add3A_604 : i32 to index
        %get3A_606 = arith.constant 32 : index
        %get3A_607 = tpu.vector_load %arg11[%get3A_605, %get3A_606] {strides = array<i32>} : memref<128x64xf32, #tpu.memory_space<vmem>>, vector<1x16xf32>,
        %get3A_608 = vector.shape_cast %get3A_607 : vector<1x16xf32> to vector<16xf32>
        %add3A_609 = arith.constant 9 : i32
        %add3A_610 = arith.addi %mul3A_177, %add3A_609 : i32
        %get3A_611 = arith.index_cast %add3A_610 : i32 to index
        %get3A_612 = arith.constant 48 : index
        %get3A_613 = tpu.vector_load %arg11[%get3A_611, %get3A_612] {strides = array<i32>} : memref<128x64xf32, #tpu.memory_space<vmem>>, vector<1x16xf32>,
        %get3A_614 = vector.shape_cast %get3A_613 : vector<1x16xf32> to vector<16xf32>
        %mul3A_615 = vector.broadcast %squeeze3A_590 : f32 to vector<16xf32>
        %mul3A_616 = arith.mulf %mul3A_615, %get3A_608 : vector<16xf32>
        %add3A_617 = arith.addf %get3A_596, %mul3A_616 : vector<16xf32>
        %add3A_618 = arith.constant 9 : i32
        %add3A_619 = arith.addi %mul3A_177, %add3A_618 : i32
        %swap3A_620 = arith.index_cast %add3A_619 : i32 to index
        %swap3A_621 = arith.constant 0 : index
        %swap3A_622 = tpu.vector_load %arg13[%swap3A_620, %swap3A_621] {strides = array<i32>} : memref<128x32xf32, #tpu.memory_space<vmem>>, vector<1x16xf32>,
        %swap3A_623 = vector.shape_cast %swap3A_622 : vector<1x16xf32> to vector<16xf32>
        %swap3A_624 = vector.shape_cast %add3A_617 : vector<16xf32> to vector<1x16xf32>
        tpu.vector_store %arg13[%swap3A_620, %swap3A_621], %swap3A_624 {strides = array<i32>} : memref<128x32xf32, #tpu.memory_space<vmem>>, vector<1x16xf32>,
        %mul3A_625 = vector.broadcast %squeeze3A_590 : f32 to vector<16xf32>
        %mul3A_626 = arith.mulf %mul3A_625, %get3A_614 : vector<16xf32>
        %add3A_627 = arith.addf %get3A_602, %mul3A_626 : vector<16xf32>
        %add3A_628 = arith.constant 9 : i32
        %add3A_629 = arith.addi %mul3A_177, %add3A_628 : i32
        %swap3A_630 = arith.index_cast %add3A_629 : i32 to index
        %swap3A_631 = arith.constant 16 : index
        %swap3A_632 = tpu.vector_load %arg13[%swap3A_630, %swap3A_631] {strides = array<i32>} : memref<128x32xf32, #tpu.memory_space<vmem>>, vector<1x16xf32>,
        %swap3A_633 = vector.shape_cast %swap3A_632 : vector<1x16xf32> to vector<16xf32>
        %swap3A_634 = vector.shape_cast %add3A_627 : vector<16xf32> to vector<1x16xf32>
        tpu.vector_store %arg13[%swap3A_630, %swap3A_631], %swap3A_634 {strides = array<i32>} : memref<128x32xf32, #tpu.memory_space<vmem>>, vector<1x16xf32>,
        %slice3A_635 = vector.extract_strided_slice %min3A_175 {offsets = [10], sizes = [1], strides = [1]} : vector<16xf32> to vector<1xf32>
        %squeeze3A_636 = vector.extract %slice3A_635[0] : f32 from vector<1xf32>
        %add3A_637 = arith.constant 10 : i32
        %add3A_638 = arith.addi %mul3A_177, %add3A_637 : i32
        %get3A_639 = arith.index_cast %add3A_638 : i32 to index
        %get3A_640 = arith.constant 0 : index
        %get3A_641 = tpu.vector_load %arg11[%get3A_639, %get3A_640] {strides = array<i32>} : memref<128x64xf32, #tpu.memory_space<vmem>>, vector<1x16xf32>,
        %get3A_642 = vector.shape_cast %get3A_641 : vector<1x16xf32> to vector<16xf32>
        %add3A_643 = arith.constant 10 : i32
        %add3A_644 = arith.addi %mul3A_177, %add3A_643 : i32
        %get3A_645 = arith.index_cast %add3A_644 : i32 to index
        %get3A_646 = arith.constant 16 : index
        %get3A_647 = tpu.vector_load %arg11[%get3A_645, %get3A_646] {strides = array<i32>} : memref<128x64xf32, #tpu.memory_space<vmem>>, vector<1x16xf32>,
        %get3A_648 = vector.shape_cast %get3A_647 : vector<1x16xf32> to vector<16xf32>
        %add3A_649 = arith.constant 10 : i32
        %add3A_650 = arith.addi %mul3A_177, %add3A_649 : i32
        %get3A_651 = arith.index_cast %add3A_650 : i32 to index
        %get3A_652 = arith.constant 32 : index
        %get3A_653 = tpu.vector_load %arg11[%get3A_651, %get3A_652] {strides = array<i32>} : memref<128x64xf32, #tpu.memory_space<vmem>>, vector<1x16xf32>,
        %get3A_654 = vector.shape_cast %get3A_653 : vector<1x16xf32> to vector<16xf32>
        %add3A_655 = arith.constant 10 : i32
        %add3A_656 = arith.addi %mul3A_177, %add3A_655 : i32
        %get3A_657 = arith.index_cast %add3A_656 : i32 to index
        %get3A_658 = arith.constant 48 : index
        %get3A_659 = tpu.vector_load %arg11[%get3A_657, %get3A_658] {strides = array<i32>} : memref<128x64xf32, #tpu.memory_space<vmem>>, vector<1x16xf32>,
        %get3A_660 = vector.shape_cast %get3A_659 : vector<1x16xf32> to vector<16xf32>
        %mul3A_661 = vector.broadcast %squeeze3A_636 : f32 to vector<16xf32>
        %mul3A_662 = arith.mulf %mul3A_661, %get3A_654 : vector<16xf32>
        %add3A_663 = arith.addf %get3A_642, %mul3A_662 : vector<16xf32>
        %add3A_664 = arith.constant 10 : i32
        %add3A_665 = arith.addi %mul3A_177, %add3A_664 : i32
        %swap3A_666 = arith.index_cast %add3A_665 : i32 to index
        %swap3A_667 = arith.constant 0 : index
        %swap3A_668 = tpu.vector_load %arg13[%swap3A_666, %swap3A_667] {strides = array<i32>} : memref<128x32xf32, #tpu.memory_space<vmem>>, vector<1x16xf32>,
        %swap3A_669 = vector.shape_cast %swap3A_668 : vector<1x16xf32> to vector<16xf32>
        %swap3A_670 = vector.shape_cast %add3A_663 : vector<16xf32> to vector<1x16xf32>
        tpu.vector_store %arg13[%swap3A_666, %swap3A_667], %swap3A_670 {strides = array<i32>} : memref<128x32xf32, #tpu.memory_space<vmem>>, vector<1x16xf32>,
        %mul3A_671 = vector.broadcast %squeeze3A_636 : f32 to vector<16xf32>
        %mul3A_672 = arith.mulf %mul3A_671, %get3A_660 : vector<16xf32>
        %add3A_673 = arith.addf %get3A_648, %mul3A_672 : vector<16xf32>
        %add3A_674 = arith.constant 10 : i32
        %add3A_675 = arith.addi %mul3A_177, %add3A_674 : i32
        %swap3A_676 = arith.index_cast %add3A_675 : i32 to index
        %swap3A_677 = arith.constant 16 : index
        %swap3A_678 = tpu.vector_load %arg13[%swap3A_676, %swap3A_677] {strides = array<i32>} : memref<128x32xf32, #tpu.memory_space<vmem>>, vector<1x16xf32>,
        %swap3A_679 = vector.shape_cast %swap3A_678 : vector<1x16xf32> to vector<16xf32>
        %swap3A_680 = vector.shape_cast %add3A_673 : vector<16xf32> to vector<1x16xf32>
        tpu.vector_store %arg13[%swap3A_676, %swap3A_677], %swap3A_680 {strides = array<i32>} : memref<128x32xf32, #tpu.memory_space<vmem>>, vector<1x16xf32>,
        %slice3A_681 = vector.extract_strided_slice %min3A_175 {offsets = [11], sizes = [1], strides = [1]} : vector<16xf32> to vector<1xf32>
        %squeeze3A_682 = vector.extract %slice3A_681[0] : f32 from vector<1xf32>
        %add3A_683 = arith.constant 11 : i32
        %add3A_684 = arith.addi %mul3A_177, %add3A_683 : i32
        %get3A_685 = arith.index_cast %add3A_684 : i32 to index
        %get3A_686 = arith.constant 0 : index
        %get3A_687 = tpu.vector_load %arg11[%get3A_685, %get3A_686] {strides = array<i32>} : memref<128x64xf32, #tpu.memory_space<vmem>>, vector<1x16xf32>,
        %get3A_688 = vector.shape_cast %get3A_687 : vector<1x16xf32> to vector<16xf32>
        %add3A_689 = arith.constant 11 : i32
        %add3A_690 = arith.addi %mul3A_177, %add3A_689 : i32
        %get3A_691 = arith.index_cast %add3A_690 : i32 to index
        %get3A_692 = arith.constant 16 : index
        %get3A_693 = tpu.vector_load %arg11[%get3A_691, %get3A_692] {strides = array<i32>} : memref<128x64xf32, #tpu.memory_space<vmem>>, vector<1x16xf32>,
        %get3A_694 = vector.shape_cast %get3A_693 : vector<1x16xf32> to vector<16xf32>
        %add3A_695 = arith.constant 11 : i32
        %add3A_696 = arith.addi %mul3A_177, %add3A_695 : i32
        %get3A_697 = arith.index_cast %add3A_696 : i32 to index
        %get3A_698 = arith.constant 32 : index
        %get3A_699 = tpu.vector_load %arg11[%get3A_697, %get3A_698] {strides = array<i32>} : memref<128x64xf32, #tpu.memory_space<vmem>>, vector<1x16xf32>,
        %get3A_700 = vector.shape_cast %get3A_699 : vector<1x16xf32> to vector<16xf32>
        %add3A_701 = arith.constant 11 : i32
        %add3A_702 = arith.addi %mul3A_177, %add3A_701 : i32
        %get3A_703 = arith.index_cast %add3A_702 : i32 to index
        %get3A_704 = arith.constant 48 : index
        %get3A_705 = tpu.vector_load %arg11[%get3A_703, %get3A_704] {strides = array<i32>} : memref<128x64xf32, #tpu.memory_space<vmem>>, vector<1x16xf32>,
        %get3A_706 = vector.shape_cast %get3A_705 : vector<1x16xf32> to vector<16xf32>
        %mul3A_707 = vector.broadcast %squeeze3A_682 : f32 to vector<16xf32>
        %mul3A_708 = arith.mulf %mul3A_707, %get3A_700 : vector<16xf32>
        %add3A_709 = arith.addf %get3A_688, %mul3A_708 : vector<16xf32>
        %add3A_710 = arith.constant 11 : i32
        %add3A_711 = arith.addi %mul3A_177, %add3A_710 : i32
        %swap3A_712 = arith.index_cast %add3A_711 : i32 to index
        %swap3A_713 = arith.constant 0 : index
        %swap3A_714 = tpu.vector_load %arg13[%swap3A_712, %swap3A_713] {strides = array<i32>} : memref<128x32xf32, #tpu.memory_space<vmem>>, vector<1x16xf32>,
        %swap3A_715 = vector.shape_cast %swap3A_714 : vector<1x16xf32> to vector<16xf32>
        %swap3A_716 = vector.shape_cast %add3A_709 : vector<16xf32> to vector<1x16xf32>
        tpu.vector_store %arg13[%swap3A_712, %swap3A_713], %swap3A_716 {strides = array<i32>} : memref<128x32xf32, #tpu.memory_space<vmem>>, vector<1x16xf32>,
        %mul3A_717 = vector.broadcast %squeeze3A_682 : f32 to vector<16xf32>
        %mul3A_718 = arith.mulf %mul3A_717, %get3A_706 : vector<16xf32>
        %add3A_719 = arith.addf %get3A_694, %mul3A_718 : vector<16xf32>
        %add3A_720 = arith.constant 11 : i32
        %add3A_721 = arith.addi %mul3A_177, %add3A_720 : i32
        %swap3A_722 = arith.index_cast %add3A_721 : i32 to index
        %swap3A_723 = arith.constant 16 : index
        %swap3A_724 = tpu.vector_load %arg13[%swap3A_722, %swap3A_723] {strides = array<i32>} : memref<128x32xf32, #tpu.memory_space<vmem>>, vector<1x16xf32>,
        %swap3A_725 = vector.shape_cast %swap3A_724 : vector<1x16xf32> to vector<16xf32>
        %swap3A_726 = vector.shape_cast %add3A_719 : vector<16xf32> to vector<1x16xf32>
        tpu.vector_store %arg13[%swap3A_722, %swap3A_723], %swap3A_726 {strides = array<i32>} : memref<128x32xf32, #tpu.memory_space<vmem>>, vector<1x16xf32>,
        %slice3A_727 = vector.extract_strided_slice %min3A_175 {offsets = [12], sizes = [1], strides = [1]} : vector<16xf32> to vector<1xf32>
        %squeeze3A_728 = vector.extract %slice3A_727[0] : f32 from vector<1xf32>
        %add3A_729 = arith.constant 12 : i32
        %add3A_730 = arith.addi %mul3A_177, %add3A_729 : i32
        %get3A_731 = arith.index_cast %add3A_730 : i32 to index
        %get3A_732 = arith.constant 0 : index
        %get3A_733 = tpu.vector_load %arg11[%get3A_731, %get3A_732] {strides = array<i32>} : memref<128x64xf32, #tpu.memory_space<vmem>>, vector<1x16xf32>,
        %get3A_734 = vector.shape_cast %get3A_733 : vector<1x16xf32> to vector<16xf32>
        %add3A_735 = arith.constant 12 : i32
        %add3A_736 = arith.addi %mul3A_177, %add3A_735 : i32
        %get3A_737 = arith.index_cast %add3A_736 : i32 to index
        %get3A_738 = arith.constant 16 : index
        %get3A_739 = tpu.vector_load %arg11[%get3A_737, %get3A_738] {strides = array<i32>} : memref<128x64xf32, #tpu.memory_space<vmem>>, vector<1x16xf32>,
        %get3A_740 = vector.shape_cast %get3A_739 : vector<1x16xf32> to vector<16xf32>
        %add3A_741 = arith.constant 12 : i32
        %add3A_742 = arith.addi %mul3A_177, %add3A_741 : i32
        %get3A_743 = arith.index_cast %add3A_742 : i32 to index
        %get3A_744 = arith.constant 32 : index
        %get3A_745 = tpu.vector_load %arg11[%get3A_743, %get3A_744] {strides = array<i32>} : memref<128x64xf32, #tpu.memory_space<vmem>>, vector<1x16xf32>,
        %get3A_746 = vector.shape_cast %get3A_745 : vector<1x16xf32> to vector<16xf32>
        %add3A_747 = arith.constant 12 : i32
        %add3A_748 = arith.addi %mul3A_177, %add3A_747 : i32
        %get3A_749 = arith.index_cast %add3A_748 : i32 to index
        %get3A_750 = arith.constant 48 : index
        %get3A_751 = tpu.vector_load %arg11[%get3A_749, %get3A_750] {strides = array<i32>} : memref<128x64xf32, #tpu.memory_space<vmem>>, vector<1x16xf32>,
        %get3A_752 = vector.shape_cast %get3A_751 : vector<1x16xf32> to vector<16xf32>
        %mul3A_753 = vector.broadcast %squeeze3A_728 : f32 to vector<16xf32>
        %mul3A_754 = arith.mulf %mul3A_753, %get3A_746 : vector<16xf32>
        %add3A_755 = arith.addf %get3A_734, %mul3A_754 : vector<16xf32>
        %add3A_756 = arith.constant 12 : i32
        %add3A_757 = arith.addi %mul3A_177, %add3A_756 : i32
        %swap3A_758 = arith.index_cast %add3A_757 : i32 to index
        %swap3A_759 = arith.constant 0 : index
        %swap3A_760 = tpu.vector_load %arg13[%swap3A_758, %swap3A_759] {strides = array<i32>} : memref<128x32xf32, #tpu.memory_space<vmem>>, vector<1x16xf32>,
        %swap3A_761 = vector.shape_cast %swap3A_760 : vector<1x16xf32> to vector<16xf32>
        %swap3A_762 = vector.shape_cast %add3A_755 : vector<16xf32> to vector<1x16xf32>
        tpu.vector_store %arg13[%swap3A_758, %swap3A_759], %swap3A_762 {strides = array<i32>} : memref<128x32xf32, #tpu.memory_space<vmem>>, vector<1x16xf32>,
        %mul3A_763 = vector.broadcast %squeeze3A_728 : f32 to vector<16xf32>
        %mul3A_764 = arith.mulf %mul3A_763, %get3A_752 : vector<16xf32>
        %add3A_765 = arith.addf %get3A_740, %mul3A_764 : vector<16xf32>
        %add3A_766 = arith.constant 12 : i32
        %add3A_767 = arith.addi %mul3A_177, %add3A_766 : i32
        %swap3A_768 = arith.index_cast %add3A_767 : i32 to index
        %swap3A_769 = arith.constant 16 : index
        %swap3A_770 = tpu.vector_load %arg13[%swap3A_768, %swap3A_769] {strides = array<i32>} : memref<128x32xf32, #tpu.memory_space<vmem>>, vector<1x16xf32>,
        %swap3A_771 = vector.shape_cast %swap3A_770 : vector<1x16xf32> to vector<16xf32>
        %swap3A_772 = vector.shape_cast %add3A_765 : vector<16xf32> to vector<1x16xf32>
        tpu.vector_store %arg13[%swap3A_768, %swap3A_769], %swap3A_772 {strides = array<i32>} : memref<128x32xf32, #tpu.memory_space<vmem>>, vector<1x16xf32>,
        %slice3A_773 = vector.extract_strided_slice %min3A_175 {offsets = [13], sizes = [1], strides = [1]} : vector<16xf32> to vector<1xf32>
        %squeeze3A_774 = vector.extract %slice3A_773[0] : f32 from vector<1xf32>
        %add3A_775 = arith.constant 13 : i32
        %add3A_776 = arith.addi %mul3A_177, %add3A_775 : i32
        %get3A_777 = arith.index_cast %add3A_776 : i32 to index
        %get3A_778 = arith.constant 0 : index
        %get3A_779 = tpu.vector_load %arg11[%get3A_777, %get3A_778] {strides = array<i32>} : memref<128x64xf32, #tpu.memory_space<vmem>>, vector<1x16xf32>,
        %get3A_780 = vector.shape_cast %get3A_779 : vector<1x16xf32> to vector<16xf32>
        %add3A_781 = arith.constant 13 : i32
        %add3A_782 = arith.addi %mul3A_177, %add3A_781 : i32
        %get3A_783 = arith.index_cast %add3A_782 : i32 to index
        %get3A_784 = arith.constant 16 : index
        %get3A_785 = tpu.vector_load %arg11[%get3A_783, %get3A_784] {strides = array<i32>} : memref<128x64xf32, #tpu.memory_space<vmem>>, vector<1x16xf32>,
        %get3A_786 = vector.shape_cast %get3A_785 : vector<1x16xf32> to vector<16xf32>
        %add3A_787 = arith.constant 13 : i32
        %add3A_788 = arith.addi %mul3A_177, %add3A_787 : i32
        %get3A_789 = arith.index_cast %add3A_788 : i32 to index
        %get3A_790 = arith.constant 32 : index
        %get3A_791 = tpu.vector_load %arg11[%get3A_789, %get3A_790] {strides = array<i32>} : memref<128x64xf32, #tpu.memory_space<vmem>>, vector<1x16xf32>,
        %get3A_792 = vector.shape_cast %get3A_791 : vector<1x16xf32> to vector<16xf32>
        %add3A_793 = arith.constant 13 : i32
        %add3A_794 = arith.addi %mul3A_177, %add3A_793 : i32
        %get3A_795 = arith.index_cast %add3A_794 : i32 to index
        %get3A_796 = arith.constant 48 : index
        %get3A_797 = tpu.vector_load %arg11[%get3A_795, %get3A_796] {strides = array<i32>} : memref<128x64xf32, #tpu.memory_space<vmem>>, vector<1x16xf32>,
        %get3A_798 = vector.shape_cast %get3A_797 : vector<1x16xf32> to vector<16xf32>
        %mul3A_799 = vector.broadcast %squeeze3A_774 : f32 to vector<16xf32>
        %mul3A_800 = arith.mulf %mul3A_799, %get3A_792 : vector<16xf32>
        %add3A_801 = arith.addf %get3A_780, %mul3A_800 : vector<16xf32>
        %add3A_802 = arith.constant 13 : i32
        %add3A_803 = arith.addi %mul3A_177, %add3A_802 : i32
        %swap3A_804 = arith.index_cast %add3A_803 : i32 to index
        %swap3A_805 = arith.constant 0 : index
        %swap3A_806 = tpu.vector_load %arg13[%swap3A_804, %swap3A_805] {strides = array<i32>} : memref<128x32xf32, #tpu.memory_space<vmem>>, vector<1x16xf32>,
        %swap3A_807 = vector.shape_cast %swap3A_806 : vector<1x16xf32> to vector<16xf32>
        %swap3A_808 = vector.shape_cast %add3A_801 : vector<16xf32> to vector<1x16xf32>
        tpu.vector_store %arg13[%swap3A_804, %swap3A_805], %swap3A_808 {strides = array<i32>} : memref<128x32xf32, #tpu.memory_space<vmem>>, vector<1x16xf32>,
        %mul3A_809 = vector.broadcast %squeeze3A_774 : f32 to vector<16xf32>
        %mul3A_810 = arith.mulf %mul3A_809, %get3A_798 : vector<16xf32>
        %add3A_811 = arith.addf %get3A_786, %mul3A_810 : vector<16xf32>
        %add3A_812 = arith.constant 13 : i32
        %add3A_813 = arith.addi %mul3A_177, %add3A_812 : i32
        %swap3A_814 = arith.index_cast %add3A_813 : i32 to index
        %swap3A_815 = arith.constant 16 : index
        %swap3A_816 = tpu.vector_load %arg13[%swap3A_814, %swap3A_815] {strides = array<i32>} : memref<128x32xf32, #tpu.memory_space<vmem>>, vector<1x16xf32>,
        %swap3A_817 = vector.shape_cast %swap3A_816 : vector<1x16xf32> to vector<16xf32>
        %swap3A_818 = vector.shape_cast %add3A_811 : vector<16xf32> to vector<1x16xf32>
        tpu.vector_store %arg13[%swap3A_814, %swap3A_815], %swap3A_818 {strides = array<i32>} : memref<128x32xf32, #tpu.memory_space<vmem>>, vector<1x16xf32>,
        %slice3A_819 = vector.extract_strided_slice %min3A_175 {offsets = [14], sizes = [1], strides = [1]} : vector<16xf32> to vector<1xf32>
        %squeeze3A_820 = vector.extract %slice3A_819[0] : f32 from vector<1xf32>
        %add3A_821 = arith.constant 14 : i32
        %add3A_822 = arith.addi %mul3A_177, %add3A_821 : i32
        %get3A_823 = arith.index_cast %add3A_822 : i32 to index
        %get3A_824 = arith.constant 0 : index
        %get3A_825 = tpu.vector_load %arg11[%get3A_823, %get3A_824] {strides = array<i32>} : memref<128x64xf32, #tpu.memory_space<vmem>>, vector<1x16xf32>,
        %get3A_826 = vector.shape_cast %get3A_825 : vector<1x16xf32> to vector<16xf32>
        %add3A_827 = arith.constant 14 : i32
        %add3A_828 = arith.addi %mul3A_177, %add3A_827 : i32
        %get3A_829 = arith.index_cast %add3A_828 : i32 to index
        %get3A_830 = arith.constant 16 : index
        %get3A_831 = tpu.vector_load %arg11[%get3A_829, %get3A_830] {strides = array<i32>} : memref<128x64xf32, #tpu.memory_space<vmem>>, vector<1x16xf32>,
        %get3A_832 = vector.shape_cast %get3A_831 : vector<1x16xf32> to vector<16xf32>
        %add3A_833 = arith.constant 14 : i32
        %add3A_834 = arith.addi %mul3A_177, %add3A_833 : i32
        %get3A_835 = arith.index_cast %add3A_834 : i32 to index
        %get3A_836 = arith.constant 32 : index
        %get3A_837 = tpu.vector_load %arg11[%get3A_835, %get3A_836] {strides = array<i32>} : memref<128x64xf32, #tpu.memory_space<vmem>>, vector<1x16xf32>,
        %get3A_838 = vector.shape_cast %get3A_837 : vector<1x16xf32> to vector<16xf32>
        %add3A_839 = arith.constant 14 : i32
        %add3A_840 = arith.addi %mul3A_177, %add3A_839 : i32
        %get3A_841 = arith.index_cast %add3A_840 : i32 to index
        %get3A_842 = arith.constant 48 : index
        %get3A_843 = tpu.vector_load %arg11[%get3A_841, %get3A_842] {strides = array<i32>} : memref<128x64xf32, #tpu.memory_space<vmem>>, vector<1x16xf32>,
        %get3A_844 = vector.shape_cast %get3A_843 : vector<1x16xf32> to vector<16xf32>
        %mul3A_845 = vector.broadcast %squeeze3A_820 : f32 to vector<16xf32>
        %mul3A_846 = arith.mulf %mul3A_845, %get3A_838 : vector<16xf32>
        %add3A_847 = arith.addf %get3A_826, %mul3A_846 : vector<16xf32>
        %add3A_848 = arith.constant 14 : i32
        %add3A_849 = arith.addi %mul3A_177, %add3A_848 : i32
        %swap3A_850 = arith.index_cast %add3A_849 : i32 to index
        %swap3A_851 = arith.constant 0 : index
        %swap3A_852 = tpu.vector_load %arg13[%swap3A_850, %swap3A_851] {strides = array<i32>} : memref<128x32xf32, #tpu.memory_space<vmem>>, vector<1x16xf32>,
        %swap3A_853 = vector.shape_cast %swap3A_852 : vector<1x16xf32> to vector<16xf32>
        %swap3A_854 = vector.shape_cast %add3A_847 : vector<16xf32> to vector<1x16xf32>
        tpu.vector_store %arg13[%swap3A_850, %swap3A_851], %swap3A_854 {strides = array<i32>} : memref<128x32xf32, #tpu.memory_space<vmem>>, vector<1x16xf32>,
        %mul3A_855 = vector.broadcast %squeeze3A_820 : f32 to vector<16xf32>
        %mul3A_856 = arith.mulf %mul3A_855, %get3A_844 : vector<16xf32>
        %add3A_857 = arith.addf %get3A_832, %mul3A_856 : vector<16xf32>
        %add3A_858 = arith.constant 14 : i32
        %add3A_859 = arith.addi %mul3A_177, %add3A_858 : i32
        %swap3A_860 = arith.index_cast %add3A_859 : i32 to index
        %swap3A_861 = arith.constant 16 : index
        %swap3A_862 = tpu.vector_load %arg13[%swap3A_860, %swap3A_861] {strides = array<i32>} : memref<128x32xf32, #tpu.memory_space<vmem>>, vector<1x16xf32>,
        %swap3A_863 = vector.shape_cast %swap3A_862 : vector<1x16xf32> to vector<16xf32>
        %swap3A_864 = vector.shape_cast %add3A_857 : vector<16xf32> to vector<1x16xf32>
        tpu.vector_store %arg13[%swap3A_860, %swap3A_861], %swap3A_864 {strides = array<i32>} : memref<128x32xf32, #tpu.memory_space<vmem>>, vector<1x16xf32>,
        %slice3A_865 = vector.extract_strided_slice %min3A_175 {offsets = [15], sizes = [1], strides = [1]} : vector<16xf32> to vector<1xf32>
        %squeeze3A_866 = vector.extract %slice3A_865[0] : f32 from vector<1xf32>
        %add3A_867 = arith.constant 15 : i32
        %add3A_868 = arith.addi %mul3A_177, %add3A_867 : i32
        %get3A_869 = arith.index_cast %add3A_868 : i32 to index
        %get3A_870 = arith.constant 0 : index
        %get3A_871 = tpu.vector_load %arg11[%get3A_869, %get3A_870] {strides = array<i32>} : memref<128x64xf32, #tpu.memory_space<vmem>>, vector<1x16xf32>,
        %get3A_872 = vector.shape_cast %get3A_871 : vector<1x16xf32> to vector<16xf32>
        %add3A_873 = arith.constant 15 : i32
        %add3A_874 = arith.addi %mul3A_177, %add3A_873 : i32
        %get3A_875 = arith.index_cast %add3A_874 : i32 to index
        %get3A_876 = arith.constant 16 : index
        %get3A_877 = tpu.vector_load %arg11[%get3A_875, %get3A_876] {strides = array<i32>} : memref<128x64xf32, #tpu.memory_space<vmem>>, vector<1x16xf32>,
        %get3A_878 = vector.shape_cast %get3A_877 : vector<1x16xf32> to vector<16xf32>
        %add3A_879 = arith.constant 15 : i32
        %add3A_880 = arith.addi %mul3A_177, %add3A_879 : i32
        %get3A_881 = arith.index_cast %add3A_880 : i32 to index
        %get3A_882 = arith.constant 32 : index
        %get3A_883 = tpu.vector_load %arg11[%get3A_881, %get3A_882] {strides = array<i32>} : memref<128x64xf32, #tpu.memory_space<vmem>>, vector<1x16xf32>,
        %get3A_884 = vector.shape_cast %get3A_883 : vector<1x16xf32> to vector<16xf32>
        %add3A_885 = arith.constant 15 : i32
        %add3A_886 = arith.addi %mul3A_177, %add3A_885 : i32
        %get3A_887 = arith.index_cast %add3A_886 : i32 to index
        %get3A_888 = arith.constant 48 : index
        %get3A_889 = tpu.vector_load %arg11[%get3A_887, %get3A_888] {strides = array<i32>} : memref<128x64xf32, #tpu.memory_space<vmem>>, vector<1x16xf32>,
        %get3A_890 = vector.shape_cast %get3A_889 : vector<1x16xf32> to vector<16xf32>
        %mul3A_891 = vector.broadcast %squeeze3A_866 : f32 to vector<16xf32>
        %mul3A_892 = arith.mulf %mul3A_891, %get3A_884 : vector<16xf32>
        %add3A_893 = arith.addf %get3A_872, %mul3A_892 : vector<16xf32>
        %add3A_894 = arith.constant 15 : i32
        %add3A_895 = arith.addi %mul3A_177, %add3A_894 : i32
        %swap3A_896 = arith.index_cast %add3A_895 : i32 to index
        %swap3A_897 = arith.constant 0 : index
        %swap3A_898 = tpu.vector_load %arg13[%swap3A_896, %swap3A_897] {strides = array<i32>} : memref<128x32xf32, #tpu.memory_space<vmem>>, vector<1x16xf32>,
        %swap3A_899 = vector.shape_cast %swap3A_898 : vector<1x16xf32> to vector<16xf32>
        %swap3A_900 = vector.shape_cast %add3A_893 : vector<16xf32> to vector<1x16xf32>
        tpu.vector_store %arg13[%swap3A_896, %swap3A_897], %swap3A_900 {strides = array<i32>} : memref<128x32xf32, #tpu.memory_space<vmem>>, vector<1x16xf32>,
        %mul3A_901 = vector.broadcast %squeeze3A_866 : f32 to vector<16xf32>
        %mul3A_902 = arith.mulf %mul3A_901, %get3A_890 : vector<16xf32>
        %add3A_903 = arith.addf %get3A_878, %mul3A_902 : vector<16xf32>
        %add3A_904 = arith.constant 15 : i32
        %add3A_905 = arith.addi %mul3A_177, %add3A_904 : i32
        %swap3A_906 = arith.index_cast %add3A_905 : i32 to index
        %swap3A_907 = arith.constant 16 : index
        %swap3A_908 = tpu.vector_load %arg13[%swap3A_906, %swap3A_907] {strides = array<i32>} : memref<128x32xf32, #tpu.memory_space<vmem>>, vector<1x16xf32>,
        %swap3A_909 = vector.shape_cast %swap3A_908 : vector<1x16xf32> to vector<16xf32>
        %swap3A_910 = vector.shape_cast %add3A_903 : vector<16xf32> to vector<1x16xf32>
        tpu.vector_store %arg13[%swap3A_906, %swap3A_907], %swap3A_910 {strides = array<i32>} : memref<128x32xf32, #tpu.memory_space<vmem>>, vector<1x16xf32>,
        %scan3A_911 = arith.constant 0 : i32
        scf.yield %scan3A_911 : i32
      }
      %scan3A_100 = arith.constant 8 : i32
      %dma_start3A_101 = arith.constant 0 : i32
      %dma_start3A_102 = tpu.memref_slice %arg9[%add3A_79, %dma_start3A_101] : memref<80x128xi32, #tpu.memory_space<vmem>> -> memref<1x128xi32, #tpu.memory_space<vmem>>
      %dma_start3A_103 = tpu.memref_squeeze %dma_start3A_102 : memref<1x128xi32, #tpu.memory_space<vmem>> -> memref<128xi32, #tpu.memory_space<vmem>>
      %dma_start3A_104 = arith.constant 0 : i32
      %dma_start3A_105 = arith.constant 0 : i32
      %dma_start3A_106 = tpu.memref_slice %arg22[%dma_start3A_104, %dma_start3A_105] : memref<10240x32xf32, #tpu.memory_space<vmem_shared>> -> memref<10240x32xf32, #tpu.memory_space<vmem_shared>>
      tpu.enqueue_indirect_dma source(%arg13 : memref<128x32xf32, #tpu.memory_space<vmem>>) target(%dma_start3A_106 : memref<10240x32xf32, #tpu.memory_space<vmem_shared>>) offsets(%dma_start3A_103 : memref<128xi32, #tpu.memory_space<vmem>>) semaphore(%arg19 : memref<!tpu.dma_semaphore, #tpu.memory_space<semaphore_mem>>) {add = true}
      %dma_start3A_107 = arith.constant 0 : i32
      %dma_start3A_108 = tpu.memref_slice %arg9[%add3A_79, %dma_start3A_107] : memref<80x128xi32, #tpu.memory_space<vmem>> -> memref<1x128xi32, #tpu.memory_space<vmem>>
      %dma_start3A_109 = tpu.memref_squeeze %dma_start3A_108 : memref<1x128xi32, #tpu.memory_space<vmem>> -> memref<128xi32, #tpu.memory_space<vmem>>
      %dma_start3A_110 = arith.constant 0 : i32
      %dma_start3A_111 = arith.constant 0 : i32
      %dma_start3A_112 = tpu.memref_slice %arg23[%dma_start3A_110, %dma_start3A_111] : memref<10240x16xf32, #tpu.memory_space<vmem_shared>> -> memref<10240x16xf32, #tpu.memory_space<vmem_shared>>
      tpu.enqueue_indirect_dma source(%arg15 : memref<128x16xf32, #tpu.memory_space<vmem>>) target(%dma_start3A_112 : memref<10240x16xf32, #tpu.memory_space<vmem_shared>>) offsets(%dma_start3A_109 : memref<128xi32, #tpu.memory_space<vmem>>) semaphore(%arg21 : memref<!tpu.dma_semaphore, #tpu.memory_space<semaphore_mem>>) {add = true}
      %ge3A_113 = arith.constant 1 : i32
      %ge3A_114 = arith.cmpi sge, %add3A_79, %ge3A_113 : i32
      %convert_element_type3A_115 = arith.extui %ge3A_114 : i1 to i32
      %cond3A_116 = arith.constant 0 : i32
      %cond3A_117 = arith.cmpi ne, %convert_element_type3A_115, %cond3A_116 : i32
      scf.if %cond3A_117 {
        %dma_wait3A_165 = arith.constant 0 : i32
        %dma_wait3A_166 = tpu.memref_slice %arg9[%add3A_79, %dma_wait3A_165] : memref<80x128xi32, #tpu.memory_space<vmem>> -> memref<1x128xi32, #tpu.memory_space<vmem>>
        %dma_wait3A_167 = tpu.memref_squeeze %dma_wait3A_166 : memref<1x128xi32, #tpu.memory_space<vmem>> -> memref<128xi32, #tpu.memory_space<vmem>>
        %dma_wait3A_168 = arith.constant 0 : i32
        %dma_wait3A_169 = arith.constant 0 : i32
        %dma_wait3A_170 = tpu.memref_slice %arg23[%dma_wait3A_168, %dma_wait3A_169] : memref<10240x16xf32, #tpu.memory_space<vmem_shared>> -> memref<10240x16xf32, #tpu.memory_space<vmem_shared>>
        tpu.wait_indirect_dma semaphore(%arg21 : memref<!tpu.dma_semaphore, #tpu.memory_space<semaphore_mem>>) src(%arg15 : memref<128x16xf32, #tpu.memory_space<vmem>>) dst(%dma_wait3A_170 : memref<10240x16xf32, #tpu.memory_space<vmem_shared>>)
      } else {
      }
      %mul3A_118 = arith.constant 2 : i32
      %mul3A_119 = arith.muli %scan3A_74, %mul3A_118 : i32
      %add3A_120 = arith.constant 1 : i32
      %add3A_121 = arith.addi %mul3A_119, %add3A_120 : i32
      %dma_wait3A_122 = arith.constant 0 : i32
      %dma_wait3A_123 = tpu.memref_slice %arg8[%add3A_121, %dma_wait3A_122] : memref<80x128xi32, #tpu.memory_space<vmem>> -> memref<1x128xi32, #tpu.memory_space<vmem>>
      %dma_wait3A_124 = tpu.memref_squeeze %dma_wait3A_123 : memref<1x128xi32, #tpu.memory_space<vmem>> -> memref<128xi32, #tpu.memory_space<vmem>>
      %dma_wait3A_125 = arith.constant 0 : i32
      %dma_wait3A_126 = arith.constant 0 : i32
      %dma_wait3A_127 = tpu.memref_slice %arg24[%dma_wait3A_125, %dma_wait3A_126] : memref<10240x64xf32, #tpu.memory_space<vmem_shared>> -> memref<10240x64xf32, #tpu.memory_space<vmem_shared>>
      tpu.wait_indirect_dma semaphore(%arg18 : memref<!tpu.dma_semaphore, #tpu.memory_space<semaphore_mem>>) src(%dma_wait3A_127 : memref<10240x64xf32, #tpu.memory_space<vmem_shared>>) dst(%arg12 : memref<128x64xf32, #tpu.memory_space<vmem>>)
      %add3A_128 = arith.constant 1 : i32
      %add3A_129 = arith.addi %add3A_121, %add3A_128 : i32
      %lt3A_130 = arith.constant 80 : i32
      %lt3A_131 = arith.cmpi slt, %add3A_129, %lt3A_130 : i32
      %convert_element_type3A_132 = arith.extui %lt3A_131 : i1 to i32
      %cond3A_133 = arith.constant 0 : i32
      %cond3A_134 = arith.cmpi ne, %convert_element_type3A_132, %cond3A_133 : i32
      scf.if %cond3A_134 {
        %add3A_165 = arith.constant 1 : i32
        %add3A_166 = arith.addi %add3A_121, %add3A_165 : i32
        %dma_start3A_167 = arith.constant 0 : i32
        %dma_start3A_168 = tpu.memref_slice %arg8[%add3A_166, %dma_start3A_167] : memref<80x128xi32, #tpu.memory_space<vmem>> -> memref<1x128xi32, #tpu.memory_space<vmem>>
        %dma_start3A_169 = tpu.memref_squeeze %dma_start3A_168 : memref<1x128xi32, #tpu.memory_space<vmem>> -> memref<128xi32, #tpu.memory_space<vmem>>
        %dma_start3A_170 = arith.constant 0 : i32
        %dma_start3A_171 = arith.constant 0 : i32
        %dma_start3A_172 = tpu.memref_slice %arg24[%dma_start3A_170, %dma_start3A_171] : memref<10240x64xf32, #tpu.memory_space<vmem_shared>> -> memref<10240x64xf32, #tpu.memory_space<vmem_shared>>
        tpu.enqueue_indirect_dma source(%dma_start3A_172 : memref<10240x64xf32, #tpu.memory_space<vmem_shared>>) target(%arg11 : memref<128x64xf32, #tpu.memory_space<vmem>>) offsets(%dma_start3A_169 : memref<128xi32, #tpu.memory_space<vmem>>) semaphore(%arg17 : memref<!tpu.dma_semaphore, #tpu.memory_space<semaphore_mem>>)
      } else {
      }
      %ge3A_135 = arith.constant 2 : i32
      %ge3A_136 = arith.cmpi sge, %add3A_121, %ge3A_135 : i32
      %convert_element_type3A_137 = arith.extui %ge3A_136 : i1 to i32
      %cond3A_138 = arith.constant 0 : i32
      %cond3A_139 = arith.cmpi ne, %convert_element_type3A_137, %cond3A_138 : i32
      scf.if %cond3A_139 {
        %dma_wait3A_165 = arith.constant 0 : i32
        %dma_wait3A_166 = tpu.memref_slice %arg9[%add3A_121, %dma_wait3A_165] : memref<80x128xi32, #tpu.memory_space<vmem>> -> memref<1x128xi32, #tpu.memory_space<vmem>>
        %dma_wait3A_167 = tpu.memref_squeeze %dma_wait3A_166 : memref<1x128xi32, #tpu.memory_space<vmem>> -> memref<128xi32, #tpu.memory_space<vmem>>
        %dma_wait3A_168 = arith.constant 0 : i32
        %dma_wait3A_169 = arith.constant 0 : i32
        %dma_wait3A_170 = tpu.memref_slice %arg22[%dma_wait3A_168, %dma_wait3A_169] : memref<10240x32xf32, #tpu.memory_space<vmem_shared>> -> memref<10240x32xf32, #tpu.memory_space<vmem_shared>>
        tpu.wait_indirect_dma semaphore(%arg20 : memref<!tpu.dma_semaphore, #tpu.memory_space<semaphore_mem>>) src(%arg14 : memref<128x32xf32, #tpu.memory_space<vmem>>) dst(%dma_wait3A_170 : memref<10240x32xf32, #tpu.memory_space<vmem_shared>>)
      } else {
      }
      %scan3A_140 = arith.constant 0 : i32
      %scan3A_141 = arith.constant 0 : i32
      %scan3A_142 = arith.constant 8 : i32
      %scan3A_143 = arith.addi %scan3A_141, %scan3A_142 : i32
      %scan3A_144 = arith.constant 1 : i32
      %scan3A_145 = scf.for %scan3A_165 = %scan3A_141 to %scan3A_143 step %scan3A_144 iter_args(%scan3A_166 = %scan3A_140) -> (i32)  : i32 {
        %mul3A_167 = arith.constant 16 : i32
        %mul3A_168 = arith.muli %scan3A_165, %mul3A_167 : i32
        %get3A = arith.index_cast %add3A_121 : i32 to index
        %get3A_169 = arith.index_cast %mul3A_168 : i32 to index
        %get3A_170 = tpu.vector_load %arg10[%get3A, %get3A_169] {strides = array<i32>} : memref<80x128xf32, #tpu.memory_space<vmem>>, vector<1x16xf32>,
        %get3A_171 = vector.shape_cast %get3A_170 : vector<1x16xf32> to vector<16xf32>
        %max3A = arith.constant 0.000000e+00 : f32
        %max3A_172 = vector.broadcast %max3A : f32 to vector<16xf32>
        %max3A_173 = arith.maximumf %get3A_171, %max3A_172 : vector<16xf32>
        %min3A = arith.constant 1.000000e+00 : f32
        %min3A_174 = vector.broadcast %min3A : f32 to vector<16xf32>
        %min3A_175 = arith.minimumf %max3A_173, %min3A_174 : vector<16xf32>
        %mul3A_176 = arith.constant 16 : i32
        %mul3A_177 = arith.muli %scan3A_165, %mul3A_176 : i32
        %slice3A = vector.extract_strided_slice %min3A_175 {offsets = [0], sizes = [1], strides = [1]} : vector<16xf32> to vector<1xf32>
        %squeeze3A = vector.extract %slice3A[0] : f32 from vector<1xf32>
        %add3A_178 = arith.constant 0 : i32
        %add3A_179 = arith.addi %mul3A_177, %add3A_178 : i32
        %get3A_180 = arith.index_cast %add3A_179 : i32 to index
        %get3A_181 = arith.constant 0 : index
        %get3A_182 = tpu.vector_load %arg12[%get3A_180, %get3A_181] {strides = array<i32>} : memref<128x64xf32, #tpu.memory_space<vmem>>, vector<1x16xf32>,
        %get3A_183 = vector.shape_cast %get3A_182 : vector<1x16xf32> to vector<16xf32>
        %add3A_184 = arith.constant 0 : i32
        %add3A_185 = arith.addi %mul3A_177, %add3A_184 : i32
        %get3A_186 = arith.index_cast %add3A_185 : i32 to index
        %get3A_187 = arith.constant 16 : index
        %get3A_188 = tpu.vector_load %arg12[%get3A_186, %get3A_187] {strides = array<i32>} : memref<128x64xf32, #tpu.memory_space<vmem>>, vector<1x16xf32>,
        %get3A_189 = vector.shape_cast %get3A_188 : vector<1x16xf32> to vector<16xf32>
        %add3A_190 = arith.constant 0 : i32
        %add3A_191 = arith.addi %mul3A_177, %add3A_190 : i32
        %get3A_192 = arith.index_cast %add3A_191 : i32 to index
        %get3A_193 = arith.constant 32 : index
        %get3A_194 = tpu.vector_load %arg12[%get3A_192, %get3A_193] {strides = array<i32>} : memref<128x64xf32, #tpu.memory_space<vmem>>, vector<1x16xf32>,
        %get3A_195 = vector.shape_cast %get3A_194 : vector<1x16xf32> to vector<16xf32>
        %add3A_196 = arith.constant 0 : i32
        %add3A_197 = arith.addi %mul3A_177, %add3A_196 : i32
        %get3A_198 = arith.index_cast %add3A_197 : i32 to index
        %get3A_199 = arith.constant 48 : index
        %get3A_200 = tpu.vector_load %arg12[%get3A_198, %get3A_199] {strides = array<i32>} : memref<128x64xf32, #tpu.memory_space<vmem>>, vector<1x16xf32>,
        %get3A_201 = vector.shape_cast %get3A_200 : vector<1x16xf32> to vector<16xf32>
        %mul3A_202 = vector.broadcast %squeeze3A : f32 to vector<16xf32>
        %mul3A_203 = arith.mulf %mul3A_202, %get3A_195 : vector<16xf32>
        %add3A_204 = arith.addf %get3A_183, %mul3A_203 : vector<16xf32>
        %add3A_205 = arith.constant 0 : i32
        %add3A_206 = arith.addi %mul3A_177, %add3A_205 : i32
        %swap3A = arith.index_cast %add3A_206 : i32 to index
        %swap3A_207 = arith.constant 0 : index
        %swap3A_208 = tpu.vector_load %arg14[%swap3A, %swap3A_207] {strides = array<i32>} : memref<128x32xf32, #tpu.memory_space<vmem>>, vector<1x16xf32>,
        %swap3A_209 = vector.shape_cast %swap3A_208 : vector<1x16xf32> to vector<16xf32>
        %swap3A_210 = vector.shape_cast %add3A_204 : vector<16xf32> to vector<1x16xf32>
        tpu.vector_store %arg14[%swap3A, %swap3A_207], %swap3A_210 {strides = array<i32>} : memref<128x32xf32, #tpu.memory_space<vmem>>, vector<1x16xf32>,
        %mul3A_211 = vector.broadcast %squeeze3A : f32 to vector<16xf32>
        %mul3A_212 = arith.mulf %mul3A_211, %get3A_201 : vector<16xf32>
        %add3A_213 = arith.addf %get3A_189, %mul3A_212 : vector<16xf32>
        %add3A_214 = arith.constant 0 : i32
        %add3A_215 = arith.addi %mul3A_177, %add3A_214 : i32
        %swap3A_216 = arith.index_cast %add3A_215 : i32 to index
        %swap3A_217 = arith.constant 16 : index
        %swap3A_218 = tpu.vector_load %arg14[%swap3A_216, %swap3A_217] {strides = array<i32>} : memref<128x32xf32, #tpu.memory_space<vmem>>, vector<1x16xf32>,
        %swap3A_219 = vector.shape_cast %swap3A_218 : vector<1x16xf32> to vector<16xf32>
        %swap3A_220 = vector.shape_cast %add3A_213 : vector<16xf32> to vector<1x16xf32>
        tpu.vector_store %arg14[%swap3A_216, %swap3A_217], %swap3A_220 {strides = array<i32>} : memref<128x32xf32, #tpu.memory_space<vmem>>, vector<1x16xf32>,
        %slice3A_221 = vector.extract_strided_slice %min3A_175 {offsets = [1], sizes = [1], strides = [1]} : vector<16xf32> to vector<1xf32>
        %squeeze3A_222 = vector.extract %slice3A_221[0] : f32 from vector<1xf32>
        %add3A_223 = arith.constant 1 : i32
        %add3A_224 = arith.addi %mul3A_177, %add3A_223 : i32
        %get3A_225 = arith.index_cast %add3A_224 : i32 to index
        %get3A_226 = arith.constant 0 : index
        %get3A_227 = tpu.vector_load %arg12[%get3A_225, %get3A_226] {strides = array<i32>} : memref<128x64xf32, #tpu.memory_space<vmem>>, vector<1x16xf32>,
        %get3A_228 = vector.shape_cast %get3A_227 : vector<1x16xf32> to vector<16xf32>
        %add3A_229 = arith.constant 1 : i32
        %add3A_230 = arith.addi %mul3A_177, %add3A_229 : i32
        %get3A_231 = arith.index_cast %add3A_230 : i32 to index
        %get3A_232 = arith.constant 16 : index
        %get3A_233 = tpu.vector_load %arg12[%get3A_231, %get3A_232] {strides = array<i32>} : memref<128x64xf32, #tpu.memory_space<vmem>>, vector<1x16xf32>,
        %get3A_234 = vector.shape_cast %get3A_233 : vector<1x16xf32> to vector<16xf32>
        %add3A_235 = arith.constant 1 : i32
        %add3A_236 = arith.addi %mul3A_177, %add3A_235 : i32
        %get3A_237 = arith.index_cast %add3A_236 : i32 to index
        %get3A_238 = arith.constant 32 : index
        %get3A_239 = tpu.vector_load %arg12[%get3A_237, %get3A_238] {strides = array<i32>} : memref<128x64xf32, #tpu.memory_space<vmem>>, vector<1x16xf32>,
        %get3A_240 = vector.shape_cast %get3A_239 : vector<1x16xf32> to vector<16xf32>
        %add3A_241 = arith.constant 1 : i32
        %add3A_242 = arith.addi %mul3A_177, %add3A_241 : i32
        %get3A_243 = arith.index_cast %add3A_242 : i32 to index
        %get3A_244 = arith.constant 48 : index
        %get3A_245 = tpu.vector_load %arg12[%get3A_243, %get3A_244] {strides = array<i32>} : memref<128x64xf32, #tpu.memory_space<vmem>>, vector<1x16xf32>,
        %get3A_246 = vector.shape_cast %get3A_245 : vector<1x16xf32> to vector<16xf32>
        %mul3A_247 = vector.broadcast %squeeze3A_222 : f32 to vector<16xf32>
        %mul3A_248 = arith.mulf %mul3A_247, %get3A_240 : vector<16xf32>
        %add3A_249 = arith.addf %get3A_228, %mul3A_248 : vector<16xf32>
        %add3A_250 = arith.constant 1 : i32
        %add3A_251 = arith.addi %mul3A_177, %add3A_250 : i32
        %swap3A_252 = arith.index_cast %add3A_251 : i32 to index
        %swap3A_253 = arith.constant 0 : index
        %swap3A_254 = tpu.vector_load %arg14[%swap3A_252, %swap3A_253] {strides = array<i32>} : memref<128x32xf32, #tpu.memory_space<vmem>>, vector<1x16xf32>,
        %swap3A_255 = vector.shape_cast %swap3A_254 : vector<1x16xf32> to vector<16xf32>
        %swap3A_256 = vector.shape_cast %add3A_249 : vector<16xf32> to vector<1x16xf32>
        tpu.vector_store %arg14[%swap3A_252, %swap3A_253], %swap3A_256 {strides = array<i32>} : memref<128x32xf32, #tpu.memory_space<vmem>>, vector<1x16xf32>,
        %mul3A_257 = vector.broadcast %squeeze3A_222 : f32 to vector<16xf32>
        %mul3A_258 = arith.mulf %mul3A_257, %get3A_246 : vector<16xf32>
        %add3A_259 = arith.addf %get3A_234, %mul3A_258 : vector<16xf32>
        %add3A_260 = arith.constant 1 : i32
        %add3A_261 = arith.addi %mul3A_177, %add3A_260 : i32
        %swap3A_262 = arith.index_cast %add3A_261 : i32 to index
        %swap3A_263 = arith.constant 16 : index
        %swap3A_264 = tpu.vector_load %arg14[%swap3A_262, %swap3A_263] {strides = array<i32>} : memref<128x32xf32, #tpu.memory_space<vmem>>, vector<1x16xf32>,
        %swap3A_265 = vector.shape_cast %swap3A_264 : vector<1x16xf32> to vector<16xf32>
        %swap3A_266 = vector.shape_cast %add3A_259 : vector<16xf32> to vector<1x16xf32>
        tpu.vector_store %arg14[%swap3A_262, %swap3A_263], %swap3A_266 {strides = array<i32>} : memref<128x32xf32, #tpu.memory_space<vmem>>, vector<1x16xf32>,
        %slice3A_267 = vector.extract_strided_slice %min3A_175 {offsets = [2], sizes = [1], strides = [1]} : vector<16xf32> to vector<1xf32>
        %squeeze3A_268 = vector.extract %slice3A_267[0] : f32 from vector<1xf32>
        %add3A_269 = arith.constant 2 : i32
        %add3A_270 = arith.addi %mul3A_177, %add3A_269 : i32
        %get3A_271 = arith.index_cast %add3A_270 : i32 to index
        %get3A_272 = arith.constant 0 : index
        %get3A_273 = tpu.vector_load %arg12[%get3A_271, %get3A_272] {strides = array<i32>} : memref<128x64xf32, #tpu.memory_space<vmem>>, vector<1x16xf32>,
        %get3A_274 = vector.shape_cast %get3A_273 : vector<1x16xf32> to vector<16xf32>
        %add3A_275 = arith.constant 2 : i32
        %add3A_276 = arith.addi %mul3A_177, %add3A_275 : i32
        %get3A_277 = arith.index_cast %add3A_276 : i32 to index
        %get3A_278 = arith.constant 16 : index
        %get3A_279 = tpu.vector_load %arg12[%get3A_277, %get3A_278] {strides = array<i32>} : memref<128x64xf32, #tpu.memory_space<vmem>>, vector<1x16xf32>,
        %get3A_280 = vector.shape_cast %get3A_279 : vector<1x16xf32> to vector<16xf32>
        %add3A_281 = arith.constant 2 : i32
        %add3A_282 = arith.addi %mul3A_177, %add3A_281 : i32
        %get3A_283 = arith.index_cast %add3A_282 : i32 to index
        %get3A_284 = arith.constant 32 : index
        %get3A_285 = tpu.vector_load %arg12[%get3A_283, %get3A_284] {strides = array<i32>} : memref<128x64xf32, #tpu.memory_space<vmem>>, vector<1x16xf32>,
        %get3A_286 = vector.shape_cast %get3A_285 : vector<1x16xf32> to vector<16xf32>
        %add3A_287 = arith.constant 2 : i32
        %add3A_288 = arith.addi %mul3A_177, %add3A_287 : i32
        %get3A_289 = arith.index_cast %add3A_288 : i32 to index
        %get3A_290 = arith.constant 48 : index
        %get3A_291 = tpu.vector_load %arg12[%get3A_289, %get3A_290] {strides = array<i32>} : memref<128x64xf32, #tpu.memory_space<vmem>>, vector<1x16xf32>,
        %get3A_292 = vector.shape_cast %get3A_291 : vector<1x16xf32> to vector<16xf32>
        %mul3A_293 = vector.broadcast %squeeze3A_268 : f32 to vector<16xf32>
        %mul3A_294 = arith.mulf %mul3A_293, %get3A_286 : vector<16xf32>
        %add3A_295 = arith.addf %get3A_274, %mul3A_294 : vector<16xf32>
        %add3A_296 = arith.constant 2 : i32
        %add3A_297 = arith.addi %mul3A_177, %add3A_296 : i32
        %swap3A_298 = arith.index_cast %add3A_297 : i32 to index
        %swap3A_299 = arith.constant 0 : index
        %swap3A_300 = tpu.vector_load %arg14[%swap3A_298, %swap3A_299] {strides = array<i32>} : memref<128x32xf32, #tpu.memory_space<vmem>>, vector<1x16xf32>,
        %swap3A_301 = vector.shape_cast %swap3A_300 : vector<1x16xf32> to vector<16xf32>
        %swap3A_302 = vector.shape_cast %add3A_295 : vector<16xf32> to vector<1x16xf32>
        tpu.vector_store %arg14[%swap3A_298, %swap3A_299], %swap3A_302 {strides = array<i32>} : memref<128x32xf32, #tpu.memory_space<vmem>>, vector<1x16xf32>,
        %mul3A_303 = vector.broadcast %squeeze3A_268 : f32 to vector<16xf32>
        %mul3A_304 = arith.mulf %mul3A_303, %get3A_292 : vector<16xf32>
        %add3A_305 = arith.addf %get3A_280, %mul3A_304 : vector<16xf32>
        %add3A_306 = arith.constant 2 : i32
        %add3A_307 = arith.addi %mul3A_177, %add3A_306 : i32
        %swap3A_308 = arith.index_cast %add3A_307 : i32 to index
        %swap3A_309 = arith.constant 16 : index
        %swap3A_310 = tpu.vector_load %arg14[%swap3A_308, %swap3A_309] {strides = array<i32>} : memref<128x32xf32, #tpu.memory_space<vmem>>, vector<1x16xf32>,
        %swap3A_311 = vector.shape_cast %swap3A_310 : vector<1x16xf32> to vector<16xf32>
        %swap3A_312 = vector.shape_cast %add3A_305 : vector<16xf32> to vector<1x16xf32>
        tpu.vector_store %arg14[%swap3A_308, %swap3A_309], %swap3A_312 {strides = array<i32>} : memref<128x32xf32, #tpu.memory_space<vmem>>, vector<1x16xf32>,
        %slice3A_313 = vector.extract_strided_slice %min3A_175 {offsets = [3], sizes = [1], strides = [1]} : vector<16xf32> to vector<1xf32>
        %squeeze3A_314 = vector.extract %slice3A_313[0] : f32 from vector<1xf32>
        %add3A_315 = arith.constant 3 : i32
        %add3A_316 = arith.addi %mul3A_177, %add3A_315 : i32
        %get3A_317 = arith.index_cast %add3A_316 : i32 to index
        %get3A_318 = arith.constant 0 : index
        %get3A_319 = tpu.vector_load %arg12[%get3A_317, %get3A_318] {strides = array<i32>} : memref<128x64xf32, #tpu.memory_space<vmem>>, vector<1x16xf32>,
        %get3A_320 = vector.shape_cast %get3A_319 : vector<1x16xf32> to vector<16xf32>
        %add3A_321 = arith.constant 3 : i32
        %add3A_322 = arith.addi %mul3A_177, %add3A_321 : i32
        %get3A_323 = arith.index_cast %add3A_322 : i32 to index
        %get3A_324 = arith.constant 16 : index
        %get3A_325 = tpu.vector_load %arg12[%get3A_323, %get3A_324] {strides = array<i32>} : memref<128x64xf32, #tpu.memory_space<vmem>>, vector<1x16xf32>,
        %get3A_326 = vector.shape_cast %get3A_325 : vector<1x16xf32> to vector<16xf32>
        %add3A_327 = arith.constant 3 : i32
        %add3A_328 = arith.addi %mul3A_177, %add3A_327 : i32
        %get3A_329 = arith.index_cast %add3A_328 : i32 to index
        %get3A_330 = arith.constant 32 : index
        %get3A_331 = tpu.vector_load %arg12[%get3A_329, %get3A_330] {strides = array<i32>} : memref<128x64xf32, #tpu.memory_space<vmem>>, vector<1x16xf32>,
        %get3A_332 = vector.shape_cast %get3A_331 : vector<1x16xf32> to vector<16xf32>
        %add3A_333 = arith.constant 3 : i32
        %add3A_334 = arith.addi %mul3A_177, %add3A_333 : i32
        %get3A_335 = arith.index_cast %add3A_334 : i32 to index
        %get3A_336 = arith.constant 48 : index
        %get3A_337 = tpu.vector_load %arg12[%get3A_335, %get3A_336] {strides = array<i32>} : memref<128x64xf32, #tpu.memory_space<vmem>>, vector<1x16xf32>,
        %get3A_338 = vector.shape_cast %get3A_337 : vector<1x16xf32> to vector<16xf32>
        %mul3A_339 = vector.broadcast %squeeze3A_314 : f32 to vector<16xf32>
        %mul3A_340 = arith.mulf %mul3A_339, %get3A_332 : vector<16xf32>
        %add3A_341 = arith.addf %get3A_320, %mul3A_340 : vector<16xf32>
        %add3A_342 = arith.constant 3 : i32
        %add3A_343 = arith.addi %mul3A_177, %add3A_342 : i32
        %swap3A_344 = arith.index_cast %add3A_343 : i32 to index
        %swap3A_345 = arith.constant 0 : index
        %swap3A_346 = tpu.vector_load %arg14[%swap3A_344, %swap3A_345] {strides = array<i32>} : memref<128x32xf32, #tpu.memory_space<vmem>>, vector<1x16xf32>,
        %swap3A_347 = vector.shape_cast %swap3A_346 : vector<1x16xf32> to vector<16xf32>
        %swap3A_348 = vector.shape_cast %add3A_341 : vector<16xf32> to vector<1x16xf32>
        tpu.vector_store %arg14[%swap3A_344, %swap3A_345], %swap3A_348 {strides = array<i32>} : memref<128x32xf32, #tpu.memory_space<vmem>>, vector<1x16xf32>,
        %mul3A_349 = vector.broadcast %squeeze3A_314 : f32 to vector<16xf32>
        %mul3A_350 = arith.mulf %mul3A_349, %get3A_338 : vector<16xf32>
        %add3A_351 = arith.addf %get3A_326, %mul3A_350 : vector<16xf32>
        %add3A_352 = arith.constant 3 : i32
        %add3A_353 = arith.addi %mul3A_177, %add3A_352 : i32
        %swap3A_354 = arith.index_cast %add3A_353 : i32 to index
        %swap3A_355 = arith.constant 16 : index
        %swap3A_356 = tpu.vector_load %arg14[%swap3A_354, %swap3A_355] {strides = array<i32>} : memref<128x32xf32, #tpu.memory_space<vmem>>, vector<1x16xf32>,
        %swap3A_357 = vector.shape_cast %swap3A_356 : vector<1x16xf32> to vector<16xf32>
        %swap3A_358 = vector.shape_cast %add3A_351 : vector<16xf32> to vector<1x16xf32>
        tpu.vector_store %arg14[%swap3A_354, %swap3A_355], %swap3A_358 {strides = array<i32>} : memref<128x32xf32, #tpu.memory_space<vmem>>, vector<1x16xf32>,
        %slice3A_359 = vector.extract_strided_slice %min3A_175 {offsets = [4], sizes = [1], strides = [1]} : vector<16xf32> to vector<1xf32>
        %squeeze3A_360 = vector.extract %slice3A_359[0] : f32 from vector<1xf32>
        %add3A_361 = arith.constant 4 : i32
        %add3A_362 = arith.addi %mul3A_177, %add3A_361 : i32
        %get3A_363 = arith.index_cast %add3A_362 : i32 to index
        %get3A_364 = arith.constant 0 : index
        %get3A_365 = tpu.vector_load %arg12[%get3A_363, %get3A_364] {strides = array<i32>} : memref<128x64xf32, #tpu.memory_space<vmem>>, vector<1x16xf32>,
        %get3A_366 = vector.shape_cast %get3A_365 : vector<1x16xf32> to vector<16xf32>
        %add3A_367 = arith.constant 4 : i32
        %add3A_368 = arith.addi %mul3A_177, %add3A_367 : i32
        %get3A_369 = arith.index_cast %add3A_368 : i32 to index
        %get3A_370 = arith.constant 16 : index
        %get3A_371 = tpu.vector_load %arg12[%get3A_369, %get3A_370] {strides = array<i32>} : memref<128x64xf32, #tpu.memory_space<vmem>>, vector<1x16xf32>,
        %get3A_372 = vector.shape_cast %get3A_371 : vector<1x16xf32> to vector<16xf32>
        %add3A_373 = arith.constant 4 : i32
        %add3A_374 = arith.addi %mul3A_177, %add3A_373 : i32
        %get3A_375 = arith.index_cast %add3A_374 : i32 to index
        %get3A_376 = arith.constant 32 : index
        %get3A_377 = tpu.vector_load %arg12[%get3A_375, %get3A_376] {strides = array<i32>} : memref<128x64xf32, #tpu.memory_space<vmem>>, vector<1x16xf32>,
        %get3A_378 = vector.shape_cast %get3A_377 : vector<1x16xf32> to vector<16xf32>
        %add3A_379 = arith.constant 4 : i32
        %add3A_380 = arith.addi %mul3A_177, %add3A_379 : i32
        %get3A_381 = arith.index_cast %add3A_380 : i32 to index
        %get3A_382 = arith.constant 48 : index
        %get3A_383 = tpu.vector_load %arg12[%get3A_381, %get3A_382] {strides = array<i32>} : memref<128x64xf32, #tpu.memory_space<vmem>>, vector<1x16xf32>,
        %get3A_384 = vector.shape_cast %get3A_383 : vector<1x16xf32> to vector<16xf32>
        %mul3A_385 = vector.broadcast %squeeze3A_360 : f32 to vector<16xf32>
        %mul3A_386 = arith.mulf %mul3A_385, %get3A_378 : vector<16xf32>
        %add3A_387 = arith.addf %get3A_366, %mul3A_386 : vector<16xf32>
        %add3A_388 = arith.constant 4 : i32
        %add3A_389 = arith.addi %mul3A_177, %add3A_388 : i32
        %swap3A_390 = arith.index_cast %add3A_389 : i32 to index
        %swap3A_391 = arith.constant 0 : index
        %swap3A_392 = tpu.vector_load %arg14[%swap3A_390, %swap3A_391] {strides = array<i32>} : memref<128x32xf32, #tpu.memory_space<vmem>>, vector<1x16xf32>,
        %swap3A_393 = vector.shape_cast %swap3A_392 : vector<1x16xf32> to vector<16xf32>
        %swap3A_394 = vector.shape_cast %add3A_387 : vector<16xf32> to vector<1x16xf32>
        tpu.vector_store %arg14[%swap3A_390, %swap3A_391], %swap3A_394 {strides = array<i32>} : memref<128x32xf32, #tpu.memory_space<vmem>>, vector<1x16xf32>,
        %mul3A_395 = vector.broadcast %squeeze3A_360 : f32 to vector<16xf32>
        %mul3A_396 = arith.mulf %mul3A_395, %get3A_384 : vector<16xf32>
        %add3A_397 = arith.addf %get3A_372, %mul3A_396 : vector<16xf32>
        %add3A_398 = arith.constant 4 : i32
        %add3A_399 = arith.addi %mul3A_177, %add3A_398 : i32
        %swap3A_400 = arith.index_cast %add3A_399 : i32 to index
        %swap3A_401 = arith.constant 16 : index
        %swap3A_402 = tpu.vector_load %arg14[%swap3A_400, %swap3A_401] {strides = array<i32>} : memref<128x32xf32, #tpu.memory_space<vmem>>, vector<1x16xf32>,
        %swap3A_403 = vector.shape_cast %swap3A_402 : vector<1x16xf32> to vector<16xf32>
        %swap3A_404 = vector.shape_cast %add3A_397 : vector<16xf32> to vector<1x16xf32>
        tpu.vector_store %arg14[%swap3A_400, %swap3A_401], %swap3A_404 {strides = array<i32>} : memref<128x32xf32, #tpu.memory_space<vmem>>, vector<1x16xf32>,
        %slice3A_405 = vector.extract_strided_slice %min3A_175 {offsets = [5], sizes = [1], strides = [1]} : vector<16xf32> to vector<1xf32>
        %squeeze3A_406 = vector.extract %slice3A_405[0] : f32 from vector<1xf32>
        %add3A_407 = arith.constant 5 : i32
        %add3A_408 = arith.addi %mul3A_177, %add3A_407 : i32
        %get3A_409 = arith.index_cast %add3A_408 : i32 to index
        %get3A_410 = arith.constant 0 : index
        %get3A_411 = tpu.vector_load %arg12[%get3A_409, %get3A_410] {strides = array<i32>} : memref<128x64xf32, #tpu.memory_space<vmem>>, vector<1x16xf32>,
        %get3A_412 = vector.shape_cast %get3A_411 : vector<1x16xf32> to vector<16xf32>
        %add3A_413 = arith.constant 5 : i32
        %add3A_414 = arith.addi %mul3A_177, %add3A_413 : i32
        %get3A_415 = arith.index_cast %add3A_414 : i32 to index
        %get3A_416 = arith.constant 16 : index
        %get3A_417 = tpu.vector_load %arg12[%get3A_415, %get3A_416] {strides = array<i32>} : memref<128x64xf32, #tpu.memory_space<vmem>>, vector<1x16xf32>,
        %get3A_418 = vector.shape_cast %get3A_417 : vector<1x16xf32> to vector<16xf32>
        %add3A_419 = arith.constant 5 : i32
        %add3A_420 = arith.addi %mul3A_177, %add3A_419 : i32
        %get3A_421 = arith.index_cast %add3A_420 : i32 to index
        %get3A_422 = arith.constant 32 : index
        %get3A_423 = tpu.vector_load %arg12[%get3A_421, %get3A_422] {strides = array<i32>} : memref<128x64xf32, #tpu.memory_space<vmem>>, vector<1x16xf32>,
        %get3A_424 = vector.shape_cast %get3A_423 : vector<1x16xf32> to vector<16xf32>
        %add3A_425 = arith.constant 5 : i32
        %add3A_426 = arith.addi %mul3A_177, %add3A_425 : i32
        %get3A_427 = arith.index_cast %add3A_426 : i32 to index
        %get3A_428 = arith.constant 48 : index
        %get3A_429 = tpu.vector_load %arg12[%get3A_427, %get3A_428] {strides = array<i32>} : memref<128x64xf32, #tpu.memory_space<vmem>>, vector<1x16xf32>,
        %get3A_430 = vector.shape_cast %get3A_429 : vector<1x16xf32> to vector<16xf32>
        %mul3A_431 = vector.broadcast %squeeze3A_406 : f32 to vector<16xf32>
        %mul3A_432 = arith.mulf %mul3A_431, %get3A_424 : vector<16xf32>
        %add3A_433 = arith.addf %get3A_412, %mul3A_432 : vector<16xf32>
        %add3A_434 = arith.constant 5 : i32
        %add3A_435 = arith.addi %mul3A_177, %add3A_434 : i32
        %swap3A_436 = arith.index_cast %add3A_435 : i32 to index
        %swap3A_437 = arith.constant 0 : index
        %swap3A_438 = tpu.vector_load %arg14[%swap3A_436, %swap3A_437] {strides = array<i32>} : memref<128x32xf32, #tpu.memory_space<vmem>>, vector<1x16xf32>,
        %swap3A_439 = vector.shape_cast %swap3A_438 : vector<1x16xf32> to vector<16xf32>
        %swap3A_440 = vector.shape_cast %add3A_433 : vector<16xf32> to vector<1x16xf32>
        tpu.vector_store %arg14[%swap3A_436, %swap3A_437], %swap3A_440 {strides = array<i32>} : memref<128x32xf32, #tpu.memory_space<vmem>>, vector<1x16xf32>,
        %mul3A_441 = vector.broadcast %squeeze3A_406 : f32 to vector<16xf32>
        %mul3A_442 = arith.mulf %mul3A_441, %get3A_430 : vector<16xf32>
        %add3A_443 = arith.addf %get3A_418, %mul3A_442 : vector<16xf32>
        %add3A_444 = arith.constant 5 : i32
        %add3A_445 = arith.addi %mul3A_177, %add3A_444 : i32
        %swap3A_446 = arith.index_cast %add3A_445 : i32 to index
        %swap3A_447 = arith.constant 16 : index
        %swap3A_448 = tpu.vector_load %arg14[%swap3A_446, %swap3A_447] {strides = array<i32>} : memref<128x32xf32, #tpu.memory_space<vmem>>, vector<1x16xf32>,
        %swap3A_449 = vector.shape_cast %swap3A_448 : vector<1x16xf32> to vector<16xf32>
        %swap3A_450 = vector.shape_cast %add3A_443 : vector<16xf32> to vector<1x16xf32>
        tpu.vector_store %arg14[%swap3A_446, %swap3A_447], %swap3A_450 {strides = array<i32>} : memref<128x32xf32, #tpu.memory_space<vmem>>, vector<1x16xf32>,
        %slice3A_451 = vector.extract_strided_slice %min3A_175 {offsets = [6], sizes = [1], strides = [1]} : vector<16xf32> to vector<1xf32>
        %squeeze3A_452 = vector.extract %slice3A_451[0] : f32 from vector<1xf32>
        %add3A_453 = arith.constant 6 : i32
        %add3A_454 = arith.addi %mul3A_177, %add3A_453 : i32
        %get3A_455 = arith.index_cast %add3A_454 : i32 to index
        %get3A_456 = arith.constant 0 : index
        %get3A_457 = tpu.vector_load %arg12[%get3A_455, %get3A_456] {strides = array<i32>} : memref<128x64xf32, #tpu.memory_space<vmem>>, vector<1x16xf32>,
        %get3A_458 = vector.shape_cast %get3A_457 : vector<1x16xf32> to vector<16xf32>
        %add3A_459 = arith.constant 6 : i32
        %add3A_460 = arith.addi %mul3A_177, %add3A_459 : i32
        %get3A_461 = arith.index_cast %add3A_460 : i32 to index
        %get3A_462 = arith.constant 16 : index
        %get3A_463 = tpu.vector_load %arg12[%get3A_461, %get3A_462] {strides = array<i32>} : memref<128x64xf32, #tpu.memory_space<vmem>>, vector<1x16xf32>,
        %get3A_464 = vector.shape_cast %get3A_463 : vector<1x16xf32> to vector<16xf32>
        %add3A_465 = arith.constant 6 : i32
        %add3A_466 = arith.addi %mul3A_177, %add3A_465 : i32
        %get3A_467 = arith.index_cast %add3A_466 : i32 to index
        %get3A_468 = arith.constant 32 : index
        %get3A_469 = tpu.vector_load %arg12[%get3A_467, %get3A_468] {strides = array<i32>} : memref<128x64xf32, #tpu.memory_space<vmem>>, vector<1x16xf32>,
        %get3A_470 = vector.shape_cast %get3A_469 : vector<1x16xf32> to vector<16xf32>
        %add3A_471 = arith.constant 6 : i32
        %add3A_472 = arith.addi %mul3A_177, %add3A_471 : i32
        %get3A_473 = arith.index_cast %add3A_472 : i32 to index
        %get3A_474 = arith.constant 48 : index
        %get3A_475 = tpu.vector_load %arg12[%get3A_473, %get3A_474] {strides = array<i32>} : memref<128x64xf32, #tpu.memory_space<vmem>>, vector<1x16xf32>,
        %get3A_476 = vector.shape_cast %get3A_475 : vector<1x16xf32> to vector<16xf32>
        %mul3A_477 = vector.broadcast %squeeze3A_452 : f32 to vector<16xf32>
        %mul3A_478 = arith.mulf %mul3A_477, %get3A_470 : vector<16xf32>
        %add3A_479 = arith.addf %get3A_458, %mul3A_478 : vector<16xf32>
        %add3A_480 = arith.constant 6 : i32
        %add3A_481 = arith.addi %mul3A_177, %add3A_480 : i32
        %swap3A_482 = arith.index_cast %add3A_481 : i32 to index
        %swap3A_483 = arith.constant 0 : index
        %swap3A_484 = tpu.vector_load %arg14[%swap3A_482, %swap3A_483] {strides = array<i32>} : memref<128x32xf32, #tpu.memory_space<vmem>>, vector<1x16xf32>,
        %swap3A_485 = vector.shape_cast %swap3A_484 : vector<1x16xf32> to vector<16xf32>
        %swap3A_486 = vector.shape_cast %add3A_479 : vector<16xf32> to vector<1x16xf32>
        tpu.vector_store %arg14[%swap3A_482, %swap3A_483], %swap3A_486 {strides = array<i32>} : memref<128x32xf32, #tpu.memory_space<vmem>>, vector<1x16xf32>,
        %mul3A_487 = vector.broadcast %squeeze3A_452 : f32 to vector<16xf32>
        %mul3A_488 = arith.mulf %mul3A_487, %get3A_476 : vector<16xf32>
        %add3A_489 = arith.addf %get3A_464, %mul3A_488 : vector<16xf32>
        %add3A_490 = arith.constant 6 : i32
        %add3A_491 = arith.addi %mul3A_177, %add3A_490 : i32
        %swap3A_492 = arith.index_cast %add3A_491 : i32 to index
        %swap3A_493 = arith.constant 16 : index
        %swap3A_494 = tpu.vector_load %arg14[%swap3A_492, %swap3A_493] {strides = array<i32>} : memref<128x32xf32, #tpu.memory_space<vmem>>, vector<1x16xf32>,
        %swap3A_495 = vector.shape_cast %swap3A_494 : vector<1x16xf32> to vector<16xf32>
        %swap3A_496 = vector.shape_cast %add3A_489 : vector<16xf32> to vector<1x16xf32>
        tpu.vector_store %arg14[%swap3A_492, %swap3A_493], %swap3A_496 {strides = array<i32>} : memref<128x32xf32, #tpu.memory_space<vmem>>, vector<1x16xf32>,
        %slice3A_497 = vector.extract_strided_slice %min3A_175 {offsets = [7], sizes = [1], strides = [1]} : vector<16xf32> to vector<1xf32>
        %squeeze3A_498 = vector.extract %slice3A_497[0] : f32 from vector<1xf32>
        %add3A_499 = arith.constant 7 : i32
        %add3A_500 = arith.addi %mul3A_177, %add3A_499 : i32
        %get3A_501 = arith.index_cast %add3A_500 : i32 to index
        %get3A_502 = arith.constant 0 : index
        %get3A_503 = tpu.vector_load %arg12[%get3A_501, %get3A_502] {strides = array<i32>} : memref<128x64xf32, #tpu.memory_space<vmem>>, vector<1x16xf32>,
        %get3A_504 = vector.shape_cast %get3A_503 : vector<1x16xf32> to vector<16xf32>
        %add3A_505 = arith.constant 7 : i32
        %add3A_506 = arith.addi %mul3A_177, %add3A_505 : i32
        %get3A_507 = arith.index_cast %add3A_506 : i32 to index
        %get3A_508 = arith.constant 16 : index
        %get3A_509 = tpu.vector_load %arg12[%get3A_507, %get3A_508] {strides = array<i32>} : memref<128x64xf32, #tpu.memory_space<vmem>>, vector<1x16xf32>,
        %get3A_510 = vector.shape_cast %get3A_509 : vector<1x16xf32> to vector<16xf32>
        %add3A_511 = arith.constant 7 : i32
        %add3A_512 = arith.addi %mul3A_177, %add3A_511 : i32
        %get3A_513 = arith.index_cast %add3A_512 : i32 to index
        %get3A_514 = arith.constant 32 : index
        %get3A_515 = tpu.vector_load %arg12[%get3A_513, %get3A_514] {strides = array<i32>} : memref<128x64xf32, #tpu.memory_space<vmem>>, vector<1x16xf32>,
        %get3A_516 = vector.shape_cast %get3A_515 : vector<1x16xf32> to vector<16xf32>
        %add3A_517 = arith.constant 7 : i32
        %add3A_518 = arith.addi %mul3A_177, %add3A_517 : i32
        %get3A_519 = arith.index_cast %add3A_518 : i32 to index
        %get3A_520 = arith.constant 48 : index
        %get3A_521 = tpu.vector_load %arg12[%get3A_519, %get3A_520] {strides = array<i32>} : memref<128x64xf32, #tpu.memory_space<vmem>>, vector<1x16xf32>,
        %get3A_522 = vector.shape_cast %get3A_521 : vector<1x16xf32> to vector<16xf32>
        %mul3A_523 = vector.broadcast %squeeze3A_498 : f32 to vector<16xf32>
        %mul3A_524 = arith.mulf %mul3A_523, %get3A_516 : vector<16xf32>
        %add3A_525 = arith.addf %get3A_504, %mul3A_524 : vector<16xf32>
        %add3A_526 = arith.constant 7 : i32
        %add3A_527 = arith.addi %mul3A_177, %add3A_526 : i32
        %swap3A_528 = arith.index_cast %add3A_527 : i32 to index
        %swap3A_529 = arith.constant 0 : index
        %swap3A_530 = tpu.vector_load %arg14[%swap3A_528, %swap3A_529] {strides = array<i32>} : memref<128x32xf32, #tpu.memory_space<vmem>>, vector<1x16xf32>,
        %swap3A_531 = vector.shape_cast %swap3A_530 : vector<1x16xf32> to vector<16xf32>
        %swap3A_532 = vector.shape_cast %add3A_525 : vector<16xf32> to vector<1x16xf32>
        tpu.vector_store %arg14[%swap3A_528, %swap3A_529], %swap3A_532 {strides = array<i32>} : memref<128x32xf32, #tpu.memory_space<vmem>>, vector<1x16xf32>,
        %mul3A_533 = vector.broadcast %squeeze3A_498 : f32 to vector<16xf32>
        %mul3A_534 = arith.mulf %mul3A_533, %get3A_522 : vector<16xf32>
        %add3A_535 = arith.addf %get3A_510, %mul3A_534 : vector<16xf32>
        %add3A_536 = arith.constant 7 : i32
        %add3A_537 = arith.addi %mul3A_177, %add3A_536 : i32
        %swap3A_538 = arith.index_cast %add3A_537 : i32 to index
        %swap3A_539 = arith.constant 16 : index
        %swap3A_540 = tpu.vector_load %arg14[%swap3A_538, %swap3A_539] {strides = array<i32>} : memref<128x32xf32, #tpu.memory_space<vmem>>, vector<1x16xf32>,
        %swap3A_541 = vector.shape_cast %swap3A_540 : vector<1x16xf32> to vector<16xf32>
        %swap3A_542 = vector.shape_cast %add3A_535 : vector<16xf32> to vector<1x16xf32>
        tpu.vector_store %arg14[%swap3A_538, %swap3A_539], %swap3A_542 {strides = array<i32>} : memref<128x32xf32, #tpu.memory_space<vmem>>, vector<1x16xf32>,
        %slice3A_543 = vector.extract_strided_slice %min3A_175 {offsets = [8], sizes = [1], strides = [1]} : vector<16xf32> to vector<1xf32>
        %squeeze3A_544 = vector.extract %slice3A_543[0] : f32 from vector<1xf32>
        %add3A_545 = arith.constant 8 : i32
        %add3A_546 = arith.addi %mul3A_177, %add3A_545 : i32
        %get3A_547 = arith.index_cast %add3A_546 : i32 to index
        %get3A_548 = arith.constant 0 : index
        %get3A_549 = tpu.vector_load %arg12[%get3A_547, %get3A_548] {strides = array<i32>} : memref<128x64xf32, #tpu.memory_space<vmem>>, vector<1x16xf32>,
        %get3A_550 = vector.shape_cast %get3A_549 : vector<1x16xf32> to vector<16xf32>
        %add3A_551 = arith.constant 8 : i32
        %add3A_552 = arith.addi %mul3A_177, %add3A_551 : i32
        %get3A_553 = arith.index_cast %add3A_552 : i32 to index
        %get3A_554 = arith.constant 16 : index
        %get3A_555 = tpu.vector_load %arg12[%get3A_553, %get3A_554] {strides = array<i32>} : memref<128x64xf32, #tpu.memory_space<vmem>>, vector<1x16xf32>,
        %get3A_556 = vector.shape_cast %get3A_555 : vector<1x16xf32> to vector<16xf32>
        %add3A_557 = arith.constant 8 : i32
        %add3A_558 = arith.addi %mul3A_177, %add3A_557 : i32
        %get3A_559 = arith.index_cast %add3A_558 : i32 to index
        %get3A_560 = arith.constant 32 : index
        %get3A_561 = tpu.vector_load %arg12[%get3A_559, %get3A_560] {strides = array<i32>} : memref<128x64xf32, #tpu.memory_space<vmem>>, vector<1x16xf32>,
        %get3A_562 = vector.shape_cast %get3A_561 : vector<1x16xf32> to vector<16xf32>
        %add3A_563 = arith.constant 8 : i32
        %add3A_564 = arith.addi %mul3A_177, %add3A_563 : i32
        %get3A_565 = arith.index_cast %add3A_564 : i32 to index
        %get3A_566 = arith.constant 48 : index
        %get3A_567 = tpu.vector_load %arg12[%get3A_565, %get3A_566] {strides = array<i32>} : memref<128x64xf32, #tpu.memory_space<vmem>>, vector<1x16xf32>,
        %get3A_568 = vector.shape_cast %get3A_567 : vector<1x16xf32> to vector<16xf32>
        %mul3A_569 = vector.broadcast %squeeze3A_544 : f32 to vector<16xf32>
        %mul3A_570 = arith.mulf %mul3A_569, %get3A_562 : vector<16xf32>
        %add3A_571 = arith.addf %get3A_550, %mul3A_570 : vector<16xf32>
        %add3A_572 = arith.constant 8 : i32
        %add3A_573 = arith.addi %mul3A_177, %add3A_572 : i32
        %swap3A_574 = arith.index_cast %add3A_573 : i32 to index
        %swap3A_575 = arith.constant 0 : index
        %swap3A_576 = tpu.vector_load %arg14[%swap3A_574, %swap3A_575] {strides = array<i32>} : memref<128x32xf32, #tpu.memory_space<vmem>>, vector<1x16xf32>,
        %swap3A_577 = vector.shape_cast %swap3A_576 : vector<1x16xf32> to vector<16xf32>
        %swap3A_578 = vector.shape_cast %add3A_571 : vector<16xf32> to vector<1x16xf32>
        tpu.vector_store %arg14[%swap3A_574, %swap3A_575], %swap3A_578 {strides = array<i32>} : memref<128x32xf32, #tpu.memory_space<vmem>>, vector<1x16xf32>,
        %mul3A_579 = vector.broadcast %squeeze3A_544 : f32 to vector<16xf32>
        %mul3A_580 = arith.mulf %mul3A_579, %get3A_568 : vector<16xf32>
        %add3A_581 = arith.addf %get3A_556, %mul3A_580 : vector<16xf32>
        %add3A_582 = arith.constant 8 : i32
        %add3A_583 = arith.addi %mul3A_177, %add3A_582 : i32
        %swap3A_584 = arith.index_cast %add3A_583 : i32 to index
        %swap3A_585 = arith.constant 16 : index
        %swap3A_586 = tpu.vector_load %arg14[%swap3A_584, %swap3A_585] {strides = array<i32>} : memref<128x32xf32, #tpu.memory_space<vmem>>, vector<1x16xf32>,
        %swap3A_587 = vector.shape_cast %swap3A_586 : vector<1x16xf32> to vector<16xf32>
        %swap3A_588 = vector.shape_cast %add3A_581 : vector<16xf32> to vector<1x16xf32>
        tpu.vector_store %arg14[%swap3A_584, %swap3A_585], %swap3A_588 {strides = array<i32>} : memref<128x32xf32, #tpu.memory_space<vmem>>, vector<1x16xf32>,
        %slice3A_589 = vector.extract_strided_slice %min3A_175 {offsets = [9], sizes = [1], strides = [1]} : vector<16xf32> to vector<1xf32>
        %squeeze3A_590 = vector.extract %slice3A_589[0] : f32 from vector<1xf32>
        %add3A_591 = arith.constant 9 : i32
        %add3A_592 = arith.addi %mul3A_177, %add3A_591 : i32
        %get3A_593 = arith.index_cast %add3A_592 : i32 to index
        %get3A_594 = arith.constant 0 : index
        %get3A_595 = tpu.vector_load %arg12[%get3A_593, %get3A_594] {strides = array<i32>} : memref<128x64xf32, #tpu.memory_space<vmem>>, vector<1x16xf32>,
        %get3A_596 = vector.shape_cast %get3A_595 : vector<1x16xf32> to vector<16xf32>
        %add3A_597 = arith.constant 9 : i32
        %add3A_598 = arith.addi %mul3A_177, %add3A_597 : i32
        %get3A_599 = arith.index_cast %add3A_598 : i32 to index
        %get3A_600 = arith.constant 16 : index
        %get3A_601 = tpu.vector_load %arg12[%get3A_599, %get3A_600] {strides = array<i32>} : memref<128x64xf32, #tpu.memory_space<vmem>>, vector<1x16xf32>,
        %get3A_602 = vector.shape_cast %get3A_601 : vector<1x16xf32> to vector<16xf32>
        %add3A_603 = arith.constant 9 : i32
        %add3A_604 = arith.addi %mul3A_177, %add3A_603 : i32
        %get3A_605 = arith.index_cast %add3A_604 : i32 to index
        %get3A_606 = arith.constant 32 : index
        %get3A_607 = tpu.vector_load %arg12[%get3A_605, %get3A_606] {strides = array<i32>} : memref<128x64xf32, #tpu.memory_space<vmem>>, vector<1x16xf32>,
        %get3A_608 = vector.shape_cast %get3A_607 : vector<1x16xf32> to vector<16xf32>
        %add3A_609 = arith.constant 9 : i32
        %add3A_610 = arith.addi %mul3A_177, %add3A_609 : i32
        %get3A_611 = arith.index_cast %add3A_610 : i32 to index
        %get3A_612 = arith.constant 48 : index
        %get3A_613 = tpu.vector_load %arg12[%get3A_611, %get3A_612] {strides = array<i32>} : memref<128x64xf32, #tpu.memory_space<vmem>>, vector<1x16xf32>,
        %get3A_614 = vector.shape_cast %get3A_613 : vector<1x16xf32> to vector<16xf32>
        %mul3A_615 = vector.broadcast %squeeze3A_590 : f32 to vector<16xf32>
        %mul3A_616 = arith.mulf %mul3A_615, %get3A_608 : vector<16xf32>
        %add3A_617 = arith.addf %get3A_596, %mul3A_616 : vector<16xf32>
        %add3A_618 = arith.constant 9 : i32
        %add3A_619 = arith.addi %mul3A_177, %add3A_618 : i32
        %swap3A_620 = arith.index_cast %add3A_619 : i32 to index
        %swap3A_621 = arith.constant 0 : index
        %swap3A_622 = tpu.vector_load %arg14[%swap3A_620, %swap3A_621] {strides = array<i32>} : memref<128x32xf32, #tpu.memory_space<vmem>>, vector<1x16xf32>,
        %swap3A_623 = vector.shape_cast %swap3A_622 : vector<1x16xf32> to vector<16xf32>
        %swap3A_624 = vector.shape_cast %add3A_617 : vector<16xf32> to vector<1x16xf32>
        tpu.vector_store %arg14[%swap3A_620, %swap3A_621], %swap3A_624 {strides = array<i32>} : memref<128x32xf32, #tpu.memory_space<vmem>>, vector<1x16xf32>,
        %mul3A_625 = vector.broadcast %squeeze3A_590 : f32 to vector<16xf32>
        %mul3A_626 = arith.mulf %mul3A_625, %get3A_614 : vector<16xf32>
        %add3A_627 = arith.addf %get3A_602, %mul3A_626 : vector<16xf32>
        %add3A_628 = arith.constant 9 : i32
        %add3A_629 = arith.addi %mul3A_177, %add3A_628 : i32
        %swap3A_630 = arith.index_cast %add3A_629 : i32 to index
        %swap3A_631 = arith.constant 16 : index
        %swap3A_632 = tpu.vector_load %arg14[%swap3A_630, %swap3A_631] {strides = array<i32>} : memref<128x32xf32, #tpu.memory_space<vmem>>, vector<1x16xf32>,
        %swap3A_633 = vector.shape_cast %swap3A_632 : vector<1x16xf32> to vector<16xf32>
        %swap3A_634 = vector.shape_cast %add3A_627 : vector<16xf32> to vector<1x16xf32>
        tpu.vector_store %arg14[%swap3A_630, %swap3A_631], %swap3A_634 {strides = array<i32>} : memref<128x32xf32, #tpu.memory_space<vmem>>, vector<1x16xf32>,
        %slice3A_635 = vector.extract_strided_slice %min3A_175 {offsets = [10], sizes = [1], strides = [1]} : vector<16xf32> to vector<1xf32>
        %squeeze3A_636 = vector.extract %slice3A_635[0] : f32 from vector<1xf32>
        %add3A_637 = arith.constant 10 : i32
        %add3A_638 = arith.addi %mul3A_177, %add3A_637 : i32
        %get3A_639 = arith.index_cast %add3A_638 : i32 to index
        %get3A_640 = arith.constant 0 : index
        %get3A_641 = tpu.vector_load %arg12[%get3A_639, %get3A_640] {strides = array<i32>} : memref<128x64xf32, #tpu.memory_space<vmem>>, vector<1x16xf32>,
        %get3A_642 = vector.shape_cast %get3A_641 : vector<1x16xf32> to vector<16xf32>
        %add3A_643 = arith.constant 10 : i32
        %add3A_644 = arith.addi %mul3A_177, %add3A_643 : i32
        %get3A_645 = arith.index_cast %add3A_644 : i32 to index
        %get3A_646 = arith.constant 16 : index
        %get3A_647 = tpu.vector_load %arg12[%get3A_645, %get3A_646] {strides = array<i32>} : memref<128x64xf32, #tpu.memory_space<vmem>>, vector<1x16xf32>,
        %get3A_648 = vector.shape_cast %get3A_647 : vector<1x16xf32> to vector<16xf32>
        %add3A_649 = arith.constant 10 : i32
        %add3A_650 = arith.addi %mul3A_177, %add3A_649 : i32
        %get3A_651 = arith.index_cast %add3A_650 : i32 to index
        %get3A_652 = arith.constant 32 : index
        %get3A_653 = tpu.vector_load %arg12[%get3A_651, %get3A_652] {strides = array<i32>} : memref<128x64xf32, #tpu.memory_space<vmem>>, vector<1x16xf32>,
        %get3A_654 = vector.shape_cast %get3A_653 : vector<1x16xf32> to vector<16xf32>
        %add3A_655 = arith.constant 10 : i32
        %add3A_656 = arith.addi %mul3A_177, %add3A_655 : i32
        %get3A_657 = arith.index_cast %add3A_656 : i32 to index
        %get3A_658 = arith.constant 48 : index
        %get3A_659 = tpu.vector_load %arg12[%get3A_657, %get3A_658] {strides = array<i32>} : memref<128x64xf32, #tpu.memory_space<vmem>>, vector<1x16xf32>,
        %get3A_660 = vector.shape_cast %get3A_659 : vector<1x16xf32> to vector<16xf32>
        %mul3A_661 = vector.broadcast %squeeze3A_636 : f32 to vector<16xf32>
        %mul3A_662 = arith.mulf %mul3A_661, %get3A_654 : vector<16xf32>
        %add3A_663 = arith.addf %get3A_642, %mul3A_662 : vector<16xf32>
        %add3A_664 = arith.constant 10 : i32
        %add3A_665 = arith.addi %mul3A_177, %add3A_664 : i32
        %swap3A_666 = arith.index_cast %add3A_665 : i32 to index
        %swap3A_667 = arith.constant 0 : index
        %swap3A_668 = tpu.vector_load %arg14[%swap3A_666, %swap3A_667] {strides = array<i32>} : memref<128x32xf32, #tpu.memory_space<vmem>>, vector<1x16xf32>,
        %swap3A_669 = vector.shape_cast %swap3A_668 : vector<1x16xf32> to vector<16xf32>
        %swap3A_670 = vector.shape_cast %add3A_663 : vector<16xf32> to vector<1x16xf32>
        tpu.vector_store %arg14[%swap3A_666, %swap3A_667], %swap3A_670 {strides = array<i32>} : memref<128x32xf32, #tpu.memory_space<vmem>>, vector<1x16xf32>,
        %mul3A_671 = vector.broadcast %squeeze3A_636 : f32 to vector<16xf32>
        %mul3A_672 = arith.mulf %mul3A_671, %get3A_660 : vector<16xf32>
        %add3A_673 = arith.addf %get3A_648, %mul3A_672 : vector<16xf32>
        %add3A_674 = arith.constant 10 : i32
        %add3A_675 = arith.addi %mul3A_177, %add3A_674 : i32
        %swap3A_676 = arith.index_cast %add3A_675 : i32 to index
        %swap3A_677 = arith.constant 16 : index
        %swap3A_678 = tpu.vector_load %arg14[%swap3A_676, %swap3A_677] {strides = array<i32>} : memref<128x32xf32, #tpu.memory_space<vmem>>, vector<1x16xf32>,
        %swap3A_679 = vector.shape_cast %swap3A_678 : vector<1x16xf32> to vector<16xf32>
        %swap3A_680 = vector.shape_cast %add3A_673 : vector<16xf32> to vector<1x16xf32>
        tpu.vector_store %arg14[%swap3A_676, %swap3A_677], %swap3A_680 {strides = array<i32>} : memref<128x32xf32, #tpu.memory_space<vmem>>, vector<1x16xf32>,
        %slice3A_681 = vector.extract_strided_slice %min3A_175 {offsets = [11], sizes = [1], strides = [1]} : vector<16xf32> to vector<1xf32>
        %squeeze3A_682 = vector.extract %slice3A_681[0] : f32 from vector<1xf32>
        %add3A_683 = arith.constant 11 : i32
        %add3A_684 = arith.addi %mul3A_177, %add3A_683 : i32
        %get3A_685 = arith.index_cast %add3A_684 : i32 to index
        %get3A_686 = arith.constant 0 : index
        %get3A_687 = tpu.vector_load %arg12[%get3A_685, %get3A_686] {strides = array<i32>} : memref<128x64xf32, #tpu.memory_space<vmem>>, vector<1x16xf32>,
        %get3A_688 = vector.shape_cast %get3A_687 : vector<1x16xf32> to vector<16xf32>
        %add3A_689 = arith.constant 11 : i32
        %add3A_690 = arith.addi %mul3A_177, %add3A_689 : i32
        %get3A_691 = arith.index_cast %add3A_690 : i32 to index
        %get3A_692 = arith.constant 16 : index
        %get3A_693 = tpu.vector_load %arg12[%get3A_691, %get3A_692] {strides = array<i32>} : memref<128x64xf32, #tpu.memory_space<vmem>>, vector<1x16xf32>,
        %get3A_694 = vector.shape_cast %get3A_693 : vector<1x16xf32> to vector<16xf32>
        %add3A_695 = arith.constant 11 : i32
        %add3A_696 = arith.addi %mul3A_177, %add3A_695 : i32
        %get3A_697 = arith.index_cast %add3A_696 : i32 to index
        %get3A_698 = arith.constant 32 : index
        %get3A_699 = tpu.vector_load %arg12[%get3A_697, %get3A_698] {strides = array<i32>} : memref<128x64xf32, #tpu.memory_space<vmem>>, vector<1x16xf32>,
        %get3A_700 = vector.shape_cast %get3A_699 : vector<1x16xf32> to vector<16xf32>
        %add3A_701 = arith.constant 11 : i32
        %add3A_702 = arith.addi %mul3A_177, %add3A_701 : i32
        %get3A_703 = arith.index_cast %add3A_702 : i32 to index
        %get3A_704 = arith.constant 48 : index
        %get3A_705 = tpu.vector_load %arg12[%get3A_703, %get3A_704] {strides = array<i32>} : memref<128x64xf32, #tpu.memory_space<vmem>>, vector<1x16xf32>,
        %get3A_706 = vector.shape_cast %get3A_705 : vector<1x16xf32> to vector<16xf32>
        %mul3A_707 = vector.broadcast %squeeze3A_682 : f32 to vector<16xf32>
        %mul3A_708 = arith.mulf %mul3A_707, %get3A_700 : vector<16xf32>
        %add3A_709 = arith.addf %get3A_688, %mul3A_708 : vector<16xf32>
        %add3A_710 = arith.constant 11 : i32
        %add3A_711 = arith.addi %mul3A_177, %add3A_710 : i32
        %swap3A_712 = arith.index_cast %add3A_711 : i32 to index
        %swap3A_713 = arith.constant 0 : index
        %swap3A_714 = tpu.vector_load %arg14[%swap3A_712, %swap3A_713] {strides = array<i32>} : memref<128x32xf32, #tpu.memory_space<vmem>>, vector<1x16xf32>,
        %swap3A_715 = vector.shape_cast %swap3A_714 : vector<1x16xf32> to vector<16xf32>
        %swap3A_716 = vector.shape_cast %add3A_709 : vector<16xf32> to vector<1x16xf32>
        tpu.vector_store %arg14[%swap3A_712, %swap3A_713], %swap3A_716 {strides = array<i32>} : memref<128x32xf32, #tpu.memory_space<vmem>>, vector<1x16xf32>,
        %mul3A_717 = vector.broadcast %squeeze3A_682 : f32 to vector<16xf32>
        %mul3A_718 = arith.mulf %mul3A_717, %get3A_706 : vector<16xf32>
        %add3A_719 = arith.addf %get3A_694, %mul3A_718 : vector<16xf32>
        %add3A_720 = arith.constant 11 : i32
        %add3A_721 = arith.addi %mul3A_177, %add3A_720 : i32
        %swap3A_722 = arith.index_cast %add3A_721 : i32 to index
        %swap3A_723 = arith.constant 16 : index
        %swap3A_724 = tpu.vector_load %arg14[%swap3A_722, %swap3A_723] {strides = array<i32>} : memref<128x32xf32, #tpu.memory_space<vmem>>, vector<1x16xf32>,
        %swap3A_725 = vector.shape_cast %swap3A_724 : vector<1x16xf32> to vector<16xf32>
        %swap3A_726 = vector.shape_cast %add3A_719 : vector<16xf32> to vector<1x16xf32>
        tpu.vector_store %arg14[%swap3A_722, %swap3A_723], %swap3A_726 {strides = array<i32>} : memref<128x32xf32, #tpu.memory_space<vmem>>, vector<1x16xf32>,
        %slice3A_727 = vector.extract_strided_slice %min3A_175 {offsets = [12], sizes = [1], strides = [1]} : vector<16xf32> to vector<1xf32>
        %squeeze3A_728 = vector.extract %slice3A_727[0] : f32 from vector<1xf32>
        %add3A_729 = arith.constant 12 : i32
        %add3A_730 = arith.addi %mul3A_177, %add3A_729 : i32
        %get3A_731 = arith.index_cast %add3A_730 : i32 to index
        %get3A_732 = arith.constant 0 : index
        %get3A_733 = tpu.vector_load %arg12[%get3A_731, %get3A_732] {strides = array<i32>} : memref<128x64xf32, #tpu.memory_space<vmem>>, vector<1x16xf32>,
        %get3A_734 = vector.shape_cast %get3A_733 : vector<1x16xf32> to vector<16xf32>
        %add3A_735 = arith.constant 12 : i32
        %add3A_736 = arith.addi %mul3A_177, %add3A_735 : i32
        %get3A_737 = arith.index_cast %add3A_736 : i32 to index
        %get3A_738 = arith.constant 16 : index
        %get3A_739 = tpu.vector_load %arg12[%get3A_737, %get3A_738] {strides = array<i32>} : memref<128x64xf32, #tpu.memory_space<vmem>>, vector<1x16xf32>,
        %get3A_740 = vector.shape_cast %get3A_739 : vector<1x16xf32> to vector<16xf32>
        %add3A_741 = arith.constant 12 : i32
        %add3A_742 = arith.addi %mul3A_177, %add3A_741 : i32
        %get3A_743 = arith.index_cast %add3A_742 : i32 to index
        %get3A_744 = arith.constant 32 : index
        %get3A_745 = tpu.vector_load %arg12[%get3A_743, %get3A_744] {strides = array<i32>} : memref<128x64xf32, #tpu.memory_space<vmem>>, vector<1x16xf32>,
        %get3A_746 = vector.shape_cast %get3A_745 : vector<1x16xf32> to vector<16xf32>
        %add3A_747 = arith.constant 12 : i32
        %add3A_748 = arith.addi %mul3A_177, %add3A_747 : i32
        %get3A_749 = arith.index_cast %add3A_748 : i32 to index
        %get3A_750 = arith.constant 48 : index
        %get3A_751 = tpu.vector_load %arg12[%get3A_749, %get3A_750] {strides = array<i32>} : memref<128x64xf32, #tpu.memory_space<vmem>>, vector<1x16xf32>,
        %get3A_752 = vector.shape_cast %get3A_751 : vector<1x16xf32> to vector<16xf32>
        %mul3A_753 = vector.broadcast %squeeze3A_728 : f32 to vector<16xf32>
        %mul3A_754 = arith.mulf %mul3A_753, %get3A_746 : vector<16xf32>
        %add3A_755 = arith.addf %get3A_734, %mul3A_754 : vector<16xf32>
        %add3A_756 = arith.constant 12 : i32
        %add3A_757 = arith.addi %mul3A_177, %add3A_756 : i32
        %swap3A_758 = arith.index_cast %add3A_757 : i32 to index
        %swap3A_759 = arith.constant 0 : index
        %swap3A_760 = tpu.vector_load %arg14[%swap3A_758, %swap3A_759] {strides = array<i32>} : memref<128x32xf32, #tpu.memory_space<vmem>>, vector<1x16xf32>,
        %swap3A_761 = vector.shape_cast %swap3A_760 : vector<1x16xf32> to vector<16xf32>
        %swap3A_762 = vector.shape_cast %add3A_755 : vector<16xf32> to vector<1x16xf32>
        tpu.vector_store %arg14[%swap3A_758, %swap3A_759], %swap3A_762 {strides = array<i32>} : memref<128x32xf32, #tpu.memory_space<vmem>>, vector<1x16xf32>,
        %mul3A_763 = vector.broadcast %squeeze3A_728 : f32 to vector<16xf32>
        %mul3A_764 = arith.mulf %mul3A_763, %get3A_752 : vector<16xf32>
        %add3A_765 = arith.addf %get3A_740, %mul3A_764 : vector<16xf32>
        %add3A_766 = arith.constant 12 : i32
        %add3A_767 = arith.addi %mul3A_177, %add3A_766 : i32
        %swap3A_768 = arith.index_cast %add3A_767 : i32 to index
        %swap3A_769 = arith.constant 16 : index
        %swap3A_770 = tpu.vector_load %arg14[%swap3A_768, %swap3A_769] {strides = array<i32>} : memref<128x32xf32, #tpu.memory_space<vmem>>, vector<1x16xf32>,
        %swap3A_771 = vector.shape_cast %swap3A_770 : vector<1x16xf32> to vector<16xf32>
        %swap3A_772 = vector.shape_cast %add3A_765 : vector<16xf32> to vector<1x16xf32>
        tpu.vector_store %arg14[%swap3A_768, %swap3A_769], %swap3A_772 {strides = array<i32>} : memref<128x32xf32, #tpu.memory_space<vmem>>, vector<1x16xf32>,
        %slice3A_773 = vector.extract_strided_slice %min3A_175 {offsets = [13], sizes = [1], strides = [1]} : vector<16xf32> to vector<1xf32>
        %squeeze3A_774 = vector.extract %slice3A_773[0] : f32 from vector<1xf32>
        %add3A_775 = arith.constant 13 : i32
        %add3A_776 = arith.addi %mul3A_177, %add3A_775 : i32
        %get3A_777 = arith.index_cast %add3A_776 : i32 to index
        %get3A_778 = arith.constant 0 : index
        %get3A_779 = tpu.vector_load %arg12[%get3A_777, %get3A_778] {strides = array<i32>} : memref<128x64xf32, #tpu.memory_space<vmem>>, vector<1x16xf32>,
        %get3A_780 = vector.shape_cast %get3A_779 : vector<1x16xf32> to vector<16xf32>
        %add3A_781 = arith.constant 13 : i32
        %add3A_782 = arith.addi %mul3A_177, %add3A_781 : i32
        %get3A_783 = arith.index_cast %add3A_782 : i32 to index
        %get3A_784 = arith.constant 16 : index
        %get3A_785 = tpu.vector_load %arg12[%get3A_783, %get3A_784] {strides = array<i32>} : memref<128x64xf32, #tpu.memory_space<vmem>>, vector<1x16xf32>,
        %get3A_786 = vector.shape_cast %get3A_785 : vector<1x16xf32> to vector<16xf32>
        %add3A_787 = arith.constant 13 : i32
        %add3A_788 = arith.addi %mul3A_177, %add3A_787 : i32
        %get3A_789 = arith.index_cast %add3A_788 : i32 to index
        %get3A_790 = arith.constant 32 : index
        %get3A_791 = tpu.vector_load %arg12[%get3A_789, %get3A_790] {strides = array<i32>} : memref<128x64xf32, #tpu.memory_space<vmem>>, vector<1x16xf32>,
        %get3A_792 = vector.shape_cast %get3A_791 : vector<1x16xf32> to vector<16xf32>
        %add3A_793 = arith.constant 13 : i32
        %add3A_794 = arith.addi %mul3A_177, %add3A_793 : i32
        %get3A_795 = arith.index_cast %add3A_794 : i32 to index
        %get3A_796 = arith.constant 48 : index
        %get3A_797 = tpu.vector_load %arg12[%get3A_795, %get3A_796] {strides = array<i32>} : memref<128x64xf32, #tpu.memory_space<vmem>>, vector<1x16xf32>,
        %get3A_798 = vector.shape_cast %get3A_797 : vector<1x16xf32> to vector<16xf32>
        %mul3A_799 = vector.broadcast %squeeze3A_774 : f32 to vector<16xf32>
        %mul3A_800 = arith.mulf %mul3A_799, %get3A_792 : vector<16xf32>
        %add3A_801 = arith.addf %get3A_780, %mul3A_800 : vector<16xf32>
        %add3A_802 = arith.constant 13 : i32
        %add3A_803 = arith.addi %mul3A_177, %add3A_802 : i32
        %swap3A_804 = arith.index_cast %add3A_803 : i32 to index
        %swap3A_805 = arith.constant 0 : index
        %swap3A_806 = tpu.vector_load %arg14[%swap3A_804, %swap3A_805] {strides = array<i32>} : memref<128x32xf32, #tpu.memory_space<vmem>>, vector<1x16xf32>,
        %swap3A_807 = vector.shape_cast %swap3A_806 : vector<1x16xf32> to vector<16xf32>
        %swap3A_808 = vector.shape_cast %add3A_801 : vector<16xf32> to vector<1x16xf32>
        tpu.vector_store %arg14[%swap3A_804, %swap3A_805], %swap3A_808 {strides = array<i32>} : memref<128x32xf32, #tpu.memory_space<vmem>>, vector<1x16xf32>,
        %mul3A_809 = vector.broadcast %squeeze3A_774 : f32 to vector<16xf32>
        %mul3A_810 = arith.mulf %mul3A_809, %get3A_798 : vector<16xf32>
        %add3A_811 = arith.addf %get3A_786, %mul3A_810 : vector<16xf32>
        %add3A_812 = arith.constant 13 : i32
        %add3A_813 = arith.addi %mul3A_177, %add3A_812 : i32
        %swap3A_814 = arith.index_cast %add3A_813 : i32 to index
        %swap3A_815 = arith.constant 16 : index
        %swap3A_816 = tpu.vector_load %arg14[%swap3A_814, %swap3A_815] {strides = array<i32>} : memref<128x32xf32, #tpu.memory_space<vmem>>, vector<1x16xf32>,
        %swap3A_817 = vector.shape_cast %swap3A_816 : vector<1x16xf32> to vector<16xf32>
        %swap3A_818 = vector.shape_cast %add3A_811 : vector<16xf32> to vector<1x16xf32>
        tpu.vector_store %arg14[%swap3A_814, %swap3A_815], %swap3A_818 {strides = array<i32>} : memref<128x32xf32, #tpu.memory_space<vmem>>, vector<1x16xf32>,
        %slice3A_819 = vector.extract_strided_slice %min3A_175 {offsets = [14], sizes = [1], strides = [1]} : vector<16xf32> to vector<1xf32>
        %squeeze3A_820 = vector.extract %slice3A_819[0] : f32 from vector<1xf32>
        %add3A_821 = arith.constant 14 : i32
        %add3A_822 = arith.addi %mul3A_177, %add3A_821 : i32
        %get3A_823 = arith.index_cast %add3A_822 : i32 to index
        %get3A_824 = arith.constant 0 : index
        %get3A_825 = tpu.vector_load %arg12[%get3A_823, %get3A_824] {strides = array<i32>} : memref<128x64xf32, #tpu.memory_space<vmem>>, vector<1x16xf32>,
        %get3A_826 = vector.shape_cast %get3A_825 : vector<1x16xf32> to vector<16xf32>
        %add3A_827 = arith.constant 14 : i32
        %add3A_828 = arith.addi %mul3A_177, %add3A_827 : i32
        %get3A_829 = arith.index_cast %add3A_828 : i32 to index
        %get3A_830 = arith.constant 16 : index
        %get3A_831 = tpu.vector_load %arg12[%get3A_829, %get3A_830] {strides = array<i32>} : memref<128x64xf32, #tpu.memory_space<vmem>>, vector<1x16xf32>,
        %get3A_832 = vector.shape_cast %get3A_831 : vector<1x16xf32> to vector<16xf32>
        %add3A_833 = arith.constant 14 : i32
        %add3A_834 = arith.addi %mul3A_177, %add3A_833 : i32
        %get3A_835 = arith.index_cast %add3A_834 : i32 to index
        %get3A_836 = arith.constant 32 : index
        %get3A_837 = tpu.vector_load %arg12[%get3A_835, %get3A_836] {strides = array<i32>} : memref<128x64xf32, #tpu.memory_space<vmem>>, vector<1x16xf32>,
        %get3A_838 = vector.shape_cast %get3A_837 : vector<1x16xf32> to vector<16xf32>
        %add3A_839 = arith.constant 14 : i32
        %add3A_840 = arith.addi %mul3A_177, %add3A_839 : i32
        %get3A_841 = arith.index_cast %add3A_840 : i32 to index
        %get3A_842 = arith.constant 48 : index
        %get3A_843 = tpu.vector_load %arg12[%get3A_841, %get3A_842] {strides = array<i32>} : memref<128x64xf32, #tpu.memory_space<vmem>>, vector<1x16xf32>,
        %get3A_844 = vector.shape_cast %get3A_843 : vector<1x16xf32> to vector<16xf32>
        %mul3A_845 = vector.broadcast %squeeze3A_820 : f32 to vector<16xf32>
        %mul3A_846 = arith.mulf %mul3A_845, %get3A_838 : vector<16xf32>
        %add3A_847 = arith.addf %get3A_826, %mul3A_846 : vector<16xf32>
        %add3A_848 = arith.constant 14 : i32
        %add3A_849 = arith.addi %mul3A_177, %add3A_848 : i32
        %swap3A_850 = arith.index_cast %add3A_849 : i32 to index
        %swap3A_851 = arith.constant 0 : index
        %swap3A_852 = tpu.vector_load %arg14[%swap3A_850, %swap3A_851] {strides = array<i32>} : memref<128x32xf32, #tpu.memory_space<vmem>>, vector<1x16xf32>,
        %swap3A_853 = vector.shape_cast %swap3A_852 : vector<1x16xf32> to vector<16xf32>
        %swap3A_854 = vector.shape_cast %add3A_847 : vector<16xf32> to vector<1x16xf32>
        tpu.vector_store %arg14[%swap3A_850, %swap3A_851], %swap3A_854 {strides = array<i32>} : memref<128x32xf32, #tpu.memory_space<vmem>>, vector<1x16xf32>,
        %mul3A_855 = vector.broadcast %squeeze3A_820 : f32 to vector<16xf32>
        %mul3A_856 = arith.mulf %mul3A_855, %get3A_844 : vector<16xf32>
        %add3A_857 = arith.addf %get3A_832, %mul3A_856 : vector<16xf32>
        %add3A_858 = arith.constant 14 : i32
        %add3A_859 = arith.addi %mul3A_177, %add3A_858 : i32
        %swap3A_860 = arith.index_cast %add3A_859 : i32 to index
        %swap3A_861 = arith.constant 16 : index
        %swap3A_862 = tpu.vector_load %arg14[%swap3A_860, %swap3A_861] {strides = array<i32>} : memref<128x32xf32, #tpu.memory_space<vmem>>, vector<1x16xf32>,
        %swap3A_863 = vector.shape_cast %swap3A_862 : vector<1x16xf32> to vector<16xf32>
        %swap3A_864 = vector.shape_cast %add3A_857 : vector<16xf32> to vector<1x16xf32>
        tpu.vector_store %arg14[%swap3A_860, %swap3A_861], %swap3A_864 {strides = array<i32>} : memref<128x32xf32, #tpu.memory_space<vmem>>, vector<1x16xf32>,
        %slice3A_865 = vector.extract_strided_slice %min3A_175 {offsets = [15], sizes = [1], strides = [1]} : vector<16xf32> to vector<1xf32>
        %squeeze3A_866 = vector.extract %slice3A_865[0] : f32 from vector<1xf32>
        %add3A_867 = arith.constant 15 : i32
        %add3A_868 = arith.addi %mul3A_177, %add3A_867 : i32
        %get3A_869 = arith.index_cast %add3A_868 : i32 to index
        %get3A_870 = arith.constant 0 : index
        %get3A_871 = tpu.vector_load %arg12[%get3A_869, %get3A_870] {strides = array<i32>} : memref<128x64xf32, #tpu.memory_space<vmem>>, vector<1x16xf32>,
        %get3A_872 = vector.shape_cast %get3A_871 : vector<1x16xf32> to vector<16xf32>
        %add3A_873 = arith.constant 15 : i32
        %add3A_874 = arith.addi %mul3A_177, %add3A_873 : i32
        %get3A_875 = arith.index_cast %add3A_874 : i32 to index
        %get3A_876 = arith.constant 16 : index
        %get3A_877 = tpu.vector_load %arg12[%get3A_875, %get3A_876] {strides = array<i32>} : memref<128x64xf32, #tpu.memory_space<vmem>>, vector<1x16xf32>,
        %get3A_878 = vector.shape_cast %get3A_877 : vector<1x16xf32> to vector<16xf32>
        %add3A_879 = arith.constant 15 : i32
        %add3A_880 = arith.addi %mul3A_177, %add3A_879 : i32
        %get3A_881 = arith.index_cast %add3A_880 : i32 to index
        %get3A_882 = arith.constant 32 : index
        %get3A_883 = tpu.vector_load %arg12[%get3A_881, %get3A_882] {strides = array<i32>} : memref<128x64xf32, #tpu.memory_space<vmem>>, vector<1x16xf32>,
        %get3A_884 = vector.shape_cast %get3A_883 : vector<1x16xf32> to vector<16xf32>
        %add3A_885 = arith.constant 15 : i32
        %add3A_886 = arith.addi %mul3A_177, %add3A_885 : i32
        %get3A_887 = arith.index_cast %add3A_886 : i32 to index
        %get3A_888 = arith.constant 48 : index
        %get3A_889 = tpu.vector_load %arg12[%get3A_887, %get3A_888] {strides = array<i32>} : memref<128x64xf32, #tpu.memory_space<vmem>>, vector<1x16xf32>,
        %get3A_890 = vector.shape_cast %get3A_889 : vector<1x16xf32> to vector<16xf32>
        %mul3A_891 = vector.broadcast %squeeze3A_866 : f32 to vector<16xf32>
        %mul3A_892 = arith.mulf %mul3A_891, %get3A_884 : vector<16xf32>
        %add3A_893 = arith.addf %get3A_872, %mul3A_892 : vector<16xf32>
        %add3A_894 = arith.constant 15 : i32
        %add3A_895 = arith.addi %mul3A_177, %add3A_894 : i32
        %swap3A_896 = arith.index_cast %add3A_895 : i32 to index
        %swap3A_897 = arith.constant 0 : index
        %swap3A_898 = tpu.vector_load %arg14[%swap3A_896, %swap3A_897] {strides = array<i32>} : memref<128x32xf32, #tpu.memory_space<vmem>>, vector<1x16xf32>,
        %swap3A_899 = vector.shape_cast %swap3A_898 : vector<1x16xf32> to vector<16xf32>
        %swap3A_900 = vector.shape_cast %add3A_893 : vector<16xf32> to vector<1x16xf32>
        tpu.vector_store %arg14[%swap3A_896, %swap3A_897], %swap3A_900 {strides = array<i32>} : memref<128x32xf32, #tpu.memory_space<vmem>>, vector<1x16xf32>,
        %mul3A_901 = vector.broadcast %squeeze3A_866 : f32 to vector<16xf32>
        %mul3A_902 = arith.mulf %mul3A_901, %get3A_890 : vector<16xf32>
        %add3A_903 = arith.addf %get3A_878, %mul3A_902 : vector<16xf32>
        %add3A_904 = arith.constant 15 : i32
        %add3A_905 = arith.addi %mul3A_177, %add3A_904 : i32
        %swap3A_906 = arith.index_cast %add3A_905 : i32 to index
        %swap3A_907 = arith.constant 16 : index
        %swap3A_908 = tpu.vector_load %arg14[%swap3A_906, %swap3A_907] {strides = array<i32>} : memref<128x32xf32, #tpu.memory_space<vmem>>, vector<1x16xf32>,
        %swap3A_909 = vector.shape_cast %swap3A_908 : vector<1x16xf32> to vector<16xf32>
        %swap3A_910 = vector.shape_cast %add3A_903 : vector<16xf32> to vector<1x16xf32>
        tpu.vector_store %arg14[%swap3A_906, %swap3A_907], %swap3A_910 {strides = array<i32>} : memref<128x32xf32, #tpu.memory_space<vmem>>, vector<1x16xf32>,
        %scan3A_911 = arith.constant 0 : i32
        scf.yield %scan3A_911 : i32
      }
      %scan3A_146 = arith.constant 8 : i32
      %dma_start3A_147 = arith.constant 0 : i32
      %dma_start3A_148 = tpu.memref_slice %arg9[%add3A_121, %dma_start3A_147] : memref<80x128xi32, #tpu.memory_space<vmem>> -> memref<1x128xi32, #tpu.memory_space<vmem>>
      %dma_start3A_149 = tpu.memref_squeeze %dma_start3A_148 : memref<1x128xi32, #tpu.memory_space<vmem>> -> memref<128xi32, #tpu.memory_space<vmem>>
      %dma_start3A_150 = arith.constant 0 : i32
      %dma_start3A_151 = arith.constant 0 : i32
      %dma_start3A_152 = tpu.memref_slice %arg22[%dma_start3A_150, %dma_start3A_151] : memref<10240x32xf32, #tpu.memory_space<vmem_shared>> -> memref<10240x32xf32, #tpu.memory_space<vmem_shared>>
      tpu.enqueue_indirect_dma source(%arg14 : memref<128x32xf32, #tpu.memory_space<vmem>>) target(%dma_start3A_152 : memref<10240x32xf32, #tpu.memory_space<vmem_shared>>) offsets(%dma_start3A_149 : memref<128xi32, #tpu.memory_space<vmem>>) semaphore(%arg20 : memref<!tpu.dma_semaphore, #tpu.memory_space<semaphore_mem>>) {add = true}
      %dma_start3A_153 = arith.constant 0 : i32
      %dma_start3A_154 = tpu.memref_slice %arg9[%add3A_121, %dma_start3A_153] : memref<80x128xi32, #tpu.memory_space<vmem>> -> memref<1x128xi32, #tpu.memory_space<vmem>>
      %dma_start3A_155 = tpu.memref_squeeze %dma_start3A_154 : memref<1x128xi32, #tpu.memory_space<vmem>> -> memref<128xi32, #tpu.memory_space<vmem>>
      %dma_start3A_156 = arith.constant 0 : i32
      %dma_start3A_157 = arith.constant 0 : i32
      %dma_start3A_158 = tpu.memref_slice %arg23[%dma_start3A_156, %dma_start3A_157] : memref<10240x16xf32, #tpu.memory_space<vmem_shared>> -> memref<10240x16xf32, #tpu.memory_space<vmem_shared>>
      tpu.enqueue_indirect_dma source(%arg15 : memref<128x16xf32, #tpu.memory_space<vmem>>) target(%dma_start3A_158 : memref<10240x16xf32, #tpu.memory_space<vmem_shared>>) offsets(%dma_start3A_155 : memref<128xi32, #tpu.memory_space<vmem>>) semaphore(%arg21 : memref<!tpu.dma_semaphore, #tpu.memory_space<semaphore_mem>>) {add = true}
      %ge3A_159 = arith.constant 1 : i32
      %ge3A_160 = arith.cmpi sge, %add3A_121, %ge3A_159 : i32
      %convert_element_type3A_161 = arith.extui %ge3A_160 : i1 to i32
      %cond3A_162 = arith.constant 0 : i32
      %cond3A_163 = arith.cmpi ne, %convert_element_type3A_161, %cond3A_162 : i32
      scf.if %cond3A_163 {
        %dma_wait3A_165 = arith.constant 0 : i32
        %dma_wait3A_166 = tpu.memref_slice %arg9[%add3A_121, %dma_wait3A_165] : memref<80x128xi32, #tpu.memory_space<vmem>> -> memref<1x128xi32, #tpu.memory_space<vmem>>
        %dma_wait3A_167 = tpu.memref_squeeze %dma_wait3A_166 : memref<1x128xi32, #tpu.memory_space<vmem>> -> memref<128xi32, #tpu.memory_space<vmem>>
        %dma_wait3A_168 = arith.constant 0 : i32
        %dma_wait3A_169 = arith.constant 0 : i32
        %dma_wait3A_170 = tpu.memref_slice %arg23[%dma_wait3A_168, %dma_wait3A_169] : memref<10240x16xf32, #tpu.memory_space<vmem_shared>> -> memref<10240x16xf32, #tpu.memory_space<vmem_shared>>
        tpu.wait_indirect_dma semaphore(%arg21 : memref<!tpu.dma_semaphore, #tpu.memory_space<semaphore_mem>>) src(%arg15 : memref<128x16xf32, #tpu.memory_space<vmem>>) dst(%dma_wait3A_170 : memref<10240x16xf32, #tpu.memory_space<vmem_shared>>)
      } else {
      }
      %scan3A_164 = arith.constant 0 : i32
      scf.yield %scan3A_164 : i32
    }
    %scan3A_44 = arith.constant 40 : i32
    %dma_wait3A = arith.constant 0 : i32
    %dma_wait3A_45 = arith.constant 0 : i32
    %dma_wait3A_46 = tpu.memref_slice %arg9[%dma_wait3A, %dma_wait3A_45] : memref<80x128xi32, #tpu.memory_space<vmem>> -> memref<1x128xi32, #tpu.memory_space<vmem>>
    %dma_wait3A_47 = tpu.memref_squeeze %dma_wait3A_46 : memref<1x128xi32, #tpu.memory_space<vmem>> -> memref<128xi32, #tpu.memory_space<vmem>>
    %dma_wait3A_48 = arith.constant 0 : i32
    %dma_wait3A_49 = arith.constant 0 : i32
    %dma_wait3A_50 = tpu.memref_slice %arg22[%dma_wait3A_48, %dma_wait3A_49] : memref<10240x32xf32, #tpu.memory_space<vmem_shared>> -> memref<10240x32xf32, #tpu.memory_space<vmem_shared>>
    tpu.wait_indirect_dma semaphore(%arg19 : memref<!tpu.dma_semaphore, #tpu.memory_space<semaphore_mem>>) src(%arg13 : memref<128x32xf32, #tpu.memory_space<vmem>>) dst(%dma_wait3A_50 : memref<10240x32xf32, #tpu.memory_space<vmem_shared>>)
    %dma_wait3A_51 = arith.constant 0 : i32
    %dma_wait3A_52 = arith.constant 0 : i32
    %dma_wait3A_53 = tpu.memref_slice %arg9[%dma_wait3A_51, %dma_wait3A_52] : memref<80x128xi32, #tpu.memory_space<vmem>> -> memref<1x128xi32, #tpu.memory_space<vmem>>
    %dma_wait3A_54 = tpu.memref_squeeze %dma_wait3A_53 : memref<1x128xi32, #tpu.memory_space<vmem>> -> memref<128xi32, #tpu.memory_space<vmem>>
    %dma_wait3A_55 = arith.constant 0 : i32
    %dma_wait3A_56 = arith.constant 0 : i32
    %dma_wait3A_57 = tpu.memref_slice %arg22[%dma_wait3A_55, %dma_wait3A_56] : memref<10240x32xf32, #tpu.memory_space<vmem_shared>> -> memref<10240x32xf32, #tpu.memory_space<vmem_shared>>
    tpu.wait_indirect_dma semaphore(%arg20 : memref<!tpu.dma_semaphore, #tpu.memory_space<semaphore_mem>>) src(%arg14 : memref<128x32xf32, #tpu.memory_space<vmem>>) dst(%dma_wait3A_57 : memref<10240x32xf32, #tpu.memory_space<vmem_shared>>)
    %dma_wait3A_58 = arith.constant 0 : i32
    %dma_wait3A_59 = arith.constant 0 : i32
    %dma_wait3A_60 = tpu.memref_slice %arg9[%dma_wait3A_58, %dma_wait3A_59] : memref<80x128xi32, #tpu.memory_space<vmem>> -> memref<1x128xi32, #tpu.memory_space<vmem>>
    %dma_wait3A_61 = tpu.memref_squeeze %dma_wait3A_60 : memref<1x128xi32, #tpu.memory_space<vmem>> -> memref<128xi32, #tpu.memory_space<vmem>>
    %dma_wait3A_62 = arith.constant 0 : i32
    %dma_wait3A_63 = arith.constant 0 : i32
    %dma_wait3A_64 = tpu.memref_slice %arg23[%dma_wait3A_62, %dma_wait3A_63] : memref<10240x16xf32, #tpu.memory_space<vmem_shared>> -> memref<10240x16xf32, #tpu.memory_space<vmem_shared>>
    tpu.wait_indirect_dma semaphore(%arg21 : memref<!tpu.dma_semaphore, #tpu.memory_space<semaphore_mem>>) src(%arg15 : memref<128x16xf32, #tpu.memory_space<vmem>>) dst(%dma_wait3A_64 : memref<10240x16xf32, #tpu.memory_space<vmem_shared>>)
    %barrier3A_65 = arith.constant 0 : index
    tpu.barrier barrier_id(%barrier3A_65)
    %mul3A_66 = arith.constant 640 : i32
    %mul3A_67 = arith.muli %arg1, %mul3A_66 : i32
    %mul3A_68 = arith.constant 640 : i32
    %mul3A_69 = arith.muli %arg1, %mul3A_68 : i32
    "tpu.region"() ({
      %run_scoped3A = tpu.sem_alloc : memref<!tpu.dma_semaphore, #tpu.memory_space<semaphore_mem>>
      %dma_start3A_74 = arith.constant 0 : i32
      %dma_start3A_75 = tpu.memref_slice %arg6[%arg0, %mul3A_69, %dma_start3A_74] : memref<2x10240x32xf32, #tpu.memory_space<hbm>> -> memref<1x640x32xf32, #tpu.memory_space<hbm>>
      %dma_start3A_76 = tpu.memref_squeeze %dma_start3A_75 : memref<1x640x32xf32, #tpu.memory_space<hbm>> -> memref<640x32xf32, #tpu.memory_space<hbm>>
      %dma_start3A_77 = arith.constant 0 : i32
      %dma_start3A_78 = tpu.memref_slice %arg22[%mul3A_67, %dma_start3A_77] : memref<10240x32xf32, #tpu.memory_space<vmem_shared>> -> memref<640x32xf32, #tpu.memory_space<vmem_shared>>
      tpu.enqueue_dma source(%dma_start3A_78 : memref<640x32xf32, #tpu.memory_space<vmem_shared>>) target(%dma_start3A_76 : memref<640x32xf32, #tpu.memory_space<hbm>>) target_semaphore(%run_scoped3A : memref<!tpu.dma_semaphore, #tpu.memory_space<semaphore_mem>>)
      %dma_wait3A_79 = arith.constant 0 : i32
      %dma_wait3A_80 = tpu.memref_slice %arg6[%arg0, %mul3A_69, %dma_wait3A_79] : memref<2x10240x32xf32, #tpu.memory_space<hbm>> -> memref<1x640x32xf32, #tpu.memory_space<hbm>>
      %dma_wait3A_81 = tpu.memref_squeeze %dma_wait3A_80 : memref<1x640x32xf32, #tpu.memory_space<hbm>> -> memref<640x32xf32, #tpu.memory_space<hbm>>
      %dma_wait3A_82 = arith.constant 0 : i32
      %dma_wait3A_83 = tpu.memref_slice %arg22[%mul3A_67, %dma_wait3A_82] : memref<10240x32xf32, #tpu.memory_space<vmem_shared>> -> memref<640x32xf32, #tpu.memory_space<vmem_shared>>
      tpu.wait_dma2 semaphore(%run_scoped3A : memref<!tpu.dma_semaphore, #tpu.memory_space<semaphore_mem>>) src(%dma_wait3A_83 : memref<640x32xf32, #tpu.memory_space<vmem_shared>>) dst(%dma_wait3A_81 : memref<640x32xf32, #tpu.memory_space<hbm>>)
      tpu.yield
    }) : () -> ()
    %mul3A_70 = arith.constant 640 : i32
    %mul3A_71 = arith.muli %arg1, %mul3A_70 : i32
    %mul3A_72 = arith.constant 640 : i32
    %mul3A_73 = arith.muli %arg1, %mul3A_72 : i32
    "tpu.region"() ({
      %run_scoped3A = tpu.sem_alloc : memref<!tpu.dma_semaphore, #tpu.memory_space<semaphore_mem>>
      %dma_start3A_74 = arith.constant 0 : i32
      %dma_start3A_75 = tpu.memref_slice %arg7[%arg0, %mul3A_73, %dma_start3A_74] : memref<2x10240x16xf32, #tpu.memory_space<hbm>> -> memref<1x640x16xf32, #tpu.memory_space<hbm>>
      %dma_start3A_76 = tpu.memref_squeeze %dma_start3A_75 : memref<1x640x16xf32, #tpu.memory_space<hbm>> -> memref<640x16xf32, #tpu.memory_space<hbm>>
      %dma_start3A_77 = arith.constant 0 : i32
      %dma_start3A_78 = tpu.memref_slice %arg23[%mul3A_71, %dma_start3A_77] : memref<10240x16xf32, #tpu.memory_space<vmem_shared>> -> memref<640x16xf32, #tpu.memory_space<vmem_shared>>
      tpu.enqueue_dma source(%dma_start3A_78 : memref<640x16xf32, #tpu.memory_space<vmem_shared>>) target(%dma_start3A_76 : memref<640x16xf32, #tpu.memory_space<hbm>>) target_semaphore(%run_scoped3A : memref<!tpu.dma_semaphore, #tpu.memory_space<semaphore_mem>>)
      %dma_wait3A_79 = arith.constant 0 : i32
      %dma_wait3A_80 = tpu.memref_slice %arg7[%arg0, %mul3A_73, %dma_wait3A_79] : memref<2x10240x16xf32, #tpu.memory_space<hbm>> -> memref<1x640x16xf32, #tpu.memory_space<hbm>>
      %dma_wait3A_81 = tpu.memref_squeeze %dma_wait3A_80 : memref<1x640x16xf32, #tpu.memory_space<hbm>> -> memref<640x16xf32, #tpu.memory_space<hbm>>
      %dma_wait3A_82 = arith.constant 0 : i32
      %dma_wait3A_83 = tpu.memref_slice %arg23[%mul3A_71, %dma_wait3A_82] : memref<10240x16xf32, #tpu.memory_space<vmem_shared>> -> memref<640x16xf32, #tpu.memory_space<vmem_shared>>
      tpu.wait_dma2 semaphore(%run_scoped3A : memref<!tpu.dma_semaphore, #tpu.memory_space<semaphore_mem>>) src(%dma_wait3A_83 : memref<640x16xf32, #tpu.memory_space<vmem_shared>>) dst(%dma_wait3A_81 : memref<640x16xf32, #tpu.memory_space<hbm>>)
      tpu.yield
    }) : () -> ()
    return
  }
}

#map = affine_map<(d0, d1) -> (0, 0)>
#map1 = affine_map<(d0, d1) -> (0, 0, 0)>
module attributes {stable_mosaic.version = 14 : i64} {
  func.func @_sc_edge2_body(%arg0: i32, %arg1: i32, %arg2: memref<10240x32xf32, #tpu.memory_space<hbm>>, %arg3: memref<32x80x128xi32, #tpu.memory_space<hbm>>, %arg4: memref<32x80x128xi32, #tpu.memory_space<hbm>>, %arg5: memref<32x80x128xf32, #tpu.memory_space<hbm>>, %arg6: memref<2x10240x64xf32, #tpu.memory_space<hbm>>, %arg7: memref<80x128xi32, #tpu.memory_space<vmem>>, %arg8: memref<80x128xi32, #tpu.memory_space<vmem>>, %arg9: memref<80x128xf32, #tpu.memory_space<vmem>>, %arg10: memref<128x32xf32, #tpu.memory_space<vmem>>, %arg11: memref<128x32xf32, #tpu.memory_space<vmem>>, %arg12: memref<128x64xf32, #tpu.memory_space<vmem>>, %arg13: memref<128x64xf32, #tpu.memory_space<vmem>>, %arg14: memref<!tpu.dma_semaphore, #tpu.memory_space<semaphore_mem>>, %arg15: memref<!tpu.dma_semaphore, #tpu.memory_space<semaphore_mem>>, %arg16: memref<!tpu.dma_semaphore, #tpu.memory_space<semaphore_mem>>, %arg17: memref<!tpu.dma_semaphore, #tpu.memory_space<semaphore_mem>>, %arg18: memref<10240x64xf32, #tpu.memory_space<vmem_shared>>, %arg19: memref<10240x32xf32, #tpu.memory_space<vmem_shared>>) attributes {dimension_semantics = [#tpu.dimension_semantics<core_parallel>, #tpu.dimension_semantics<subcore_parallel>], iteration_bounds = array<i64: 2, 16>, scalar_prefetch = 0 : i64, scratch_operands = 13 : i64, tpu.core_type = #tpu.core_type<sc_vector_subcore>, window_params = [{transform_indices = #map}, {transform_indices = #map1}, {transform_indices = #map1}, {transform_indices = #map1}, {transform_indices = #map1}]} {
    %mul3A = arith.constant 2 : i32
    %mul3A_0 = arith.muli %arg1, %mul3A : i32
    %add3A = arith.addi %mul3A_0, %arg0 : i32
    %scan3A = arith.constant 0 : i32
    %scan3A_1 = arith.constant 0 : i32
    %scan3A_2 = arith.constant 128 : i32
    %scan3A_3 = arith.addi %scan3A_1, %scan3A_2 : i32
    %scan3A_4 = arith.constant 1 : i32
    %scan3A_5 = scf.for %scan3A_62 = %scan3A_1 to %scan3A_3 step %scan3A_4 iter_args(%scan3A_63 = %scan3A) -> (i32)  : i32 {
      %broadcast_in_dim3A = arith.constant 0.000000e+00 : f32
      %broadcast_in_dim3A_64 = vector.broadcast %broadcast_in_dim3A : f32 to vector<16xf32>
      %swap3A = arith.index_cast %scan3A_62 : i32 to index
      %swap3A_65 = arith.constant 0 : index
      %swap3A_66 = tpu.vector_load %arg12[%swap3A, %swap3A_65] {strides = array<i32>} : memref<128x64xf32, #tpu.memory_space<vmem>>, vector<1x16xf32>,
      %swap3A_67 = vector.shape_cast %swap3A_66 : vector<1x16xf32> to vector<16xf32>
      %swap3A_68 = vector.shape_cast %broadcast_in_dim3A_64 : vector<16xf32> to vector<1x16xf32>
      tpu.vector_store %arg12[%swap3A, %swap3A_65], %swap3A_68 {strides = array<i32>} : memref<128x64xf32, #tpu.memory_space<vmem>>, vector<1x16xf32>,
      %broadcast_in_dim3A_69 = arith.constant 0.000000e+00 : f32
      %broadcast_in_dim3A_70 = vector.broadcast %broadcast_in_dim3A_69 : f32 to vector<16xf32>
      %swap3A_71 = arith.index_cast %scan3A_62 : i32 to index
      %swap3A_72 = arith.constant 16 : index
      %swap3A_73 = tpu.vector_load %arg12[%swap3A_71, %swap3A_72] {strides = array<i32>} : memref<128x64xf32, #tpu.memory_space<vmem>>, vector<1x16xf32>,
      %swap3A_74 = vector.shape_cast %swap3A_73 : vector<1x16xf32> to vector<16xf32>
      %swap3A_75 = vector.shape_cast %broadcast_in_dim3A_70 : vector<16xf32> to vector<1x16xf32>
      tpu.vector_store %arg12[%swap3A_71, %swap3A_72], %swap3A_75 {strides = array<i32>} : memref<128x64xf32, #tpu.memory_space<vmem>>, vector<1x16xf32>,
      %broadcast_in_dim3A_76 = arith.constant 0.000000e+00 : f32
      %broadcast_in_dim3A_77 = vector.broadcast %broadcast_in_dim3A_76 : f32 to vector<16xf32>
      %swap3A_78 = arith.index_cast %scan3A_62 : i32 to index
      %swap3A_79 = arith.constant 32 : index
      %swap3A_80 = tpu.vector_load %arg12[%swap3A_78, %swap3A_79] {strides = array<i32>} : memref<128x64xf32, #tpu.memory_space<vmem>>, vector<1x16xf32>,
      %swap3A_81 = vector.shape_cast %swap3A_80 : vector<1x16xf32> to vector<16xf32>
      %swap3A_82 = vector.shape_cast %broadcast_in_dim3A_77 : vector<16xf32> to vector<1x16xf32>
      tpu.vector_store %arg12[%swap3A_78, %swap3A_79], %swap3A_82 {strides = array<i32>} : memref<128x64xf32, #tpu.memory_space<vmem>>, vector<1x16xf32>,
      %broadcast_in_dim3A_83 = arith.constant 0.000000e+00 : f32
      %broadcast_in_dim3A_84 = vector.broadcast %broadcast_in_dim3A_83 : f32 to vector<16xf32>
      %swap3A_85 = arith.index_cast %scan3A_62 : i32 to index
      %swap3A_86 = arith.constant 48 : index
      %swap3A_87 = tpu.vector_load %arg12[%swap3A_85, %swap3A_86] {strides = array<i32>} : memref<128x64xf32, #tpu.memory_space<vmem>>, vector<1x16xf32>,
      %swap3A_88 = vector.shape_cast %swap3A_87 : vector<1x16xf32> to vector<16xf32>
      %swap3A_89 = vector.shape_cast %broadcast_in_dim3A_84 : vector<16xf32> to vector<1x16xf32>
      tpu.vector_store %arg12[%swap3A_85, %swap3A_86], %swap3A_89 {strides = array<i32>} : memref<128x64xf32, #tpu.memory_space<vmem>>, vector<1x16xf32>,
      %scan3A_90 = arith.constant 0 : i32
      scf.yield %scan3A_90 : i32
    }
    %scan3A_6 = arith.constant 128 : i32
    %mul3A_7 = arith.constant 640 : i32
    %mul3A_8 = arith.muli %arg1, %mul3A_7 : i32
    %add3A_9 = arith.constant 0 : i32
    %add3A_10 = arith.addi %mul3A_8, %add3A_9 : i32
    "tpu.region"() ({
      %run_scoped3A = tpu.sem_alloc : memref<!tpu.dma_semaphore, #tpu.memory_space<semaphore_mem>>
      %dma_start3A_62 = arith.constant 0 : i32
      %dma_start3A_63 = tpu.memref_slice %arg18[%add3A_10, %dma_start3A_62] : memref<10240x64xf32, #tpu.memory_space<vmem_shared>> -> memref<128x64xf32, #tpu.memory_space<vmem_shared>>
      %dma_start3A_64 = arith.constant 0 : i32
      %dma_start3A_65 = tpu.memref_slice %arg18[%add3A_10, %dma_start3A_64] : memref<10240x64xf32, #tpu.memory_space<vmem_shared>> -> memref<128x64xf32, #tpu.memory_space<vmem_shared>>
      tpu.enqueue_dma source(%arg12 : memref<128x64xf32, #tpu.memory_space<vmem>>) target(%dma_start3A_65 : memref<128x64xf32, #tpu.memory_space<vmem_shared>>) target_semaphore(%run_scoped3A : memref<!tpu.dma_semaphore, #tpu.memory_space<semaphore_mem>>)
      %dma_wait3A_66 = arith.constant 0 : i32
      %dma_wait3A_67 = tpu.memref_slice %arg18[%add3A_10, %dma_wait3A_66] : memref<10240x64xf32, #tpu.memory_space<vmem_shared>> -> memref<128x64xf32, #tpu.memory_space<vmem_shared>>
      %dma_wait3A_68 = arith.constant 0 : i32
      %dma_wait3A_69 = tpu.memref_slice %arg18[%add3A_10, %dma_wait3A_68] : memref<10240x64xf32, #tpu.memory_space<vmem_shared>> -> memref<128x64xf32, #tpu.memory_space<vmem_shared>>
      tpu.wait_dma2 semaphore(%run_scoped3A : memref<!tpu.dma_semaphore, #tpu.memory_space<semaphore_mem>>) src(%arg12 : memref<128x64xf32, #tpu.memory_space<vmem>>) dst(%dma_wait3A_69 : memref<128x64xf32, #tpu.memory_space<vmem_shared>>)
      tpu.yield
    }) : () -> ()
    %mul3A_11 = arith.constant 640 : i32
    %mul3A_12 = arith.muli %arg1, %mul3A_11 : i32
    %add3A_13 = arith.constant 128 : i32
    %add3A_14 = arith.addi %mul3A_12, %add3A_13 : i32
    "tpu.region"() ({
      %run_scoped3A = tpu.sem_alloc : memref<!tpu.dma_semaphore, #tpu.memory_space<semaphore_mem>>
      %dma_start3A_62 = arith.constant 0 : i32
      %dma_start3A_63 = tpu.memref_slice %arg18[%add3A_14, %dma_start3A_62] : memref<10240x64xf32, #tpu.memory_space<vmem_shared>> -> memref<128x64xf32, #tpu.memory_space<vmem_shared>>
      %dma_start3A_64 = arith.constant 0 : i32
      %dma_start3A_65 = tpu.memref_slice %arg18[%add3A_14, %dma_start3A_64] : memref<10240x64xf32, #tpu.memory_space<vmem_shared>> -> memref<128x64xf32, #tpu.memory_space<vmem_shared>>
      tpu.enqueue_dma source(%arg12 : memref<128x64xf32, #tpu.memory_space<vmem>>) target(%dma_start3A_65 : memref<128x64xf32, #tpu.memory_space<vmem_shared>>) target_semaphore(%run_scoped3A : memref<!tpu.dma_semaphore, #tpu.memory_space<semaphore_mem>>)
      %dma_wait3A_66 = arith.constant 0 : i32
      %dma_wait3A_67 = tpu.memref_slice %arg18[%add3A_14, %dma_wait3A_66] : memref<10240x64xf32, #tpu.memory_space<vmem_shared>> -> memref<128x64xf32, #tpu.memory_space<vmem_shared>>
      %dma_wait3A_68 = arith.constant 0 : i32
      %dma_wait3A_69 = tpu.memref_slice %arg18[%add3A_14, %dma_wait3A_68] : memref<10240x64xf32, #tpu.memory_space<vmem_shared>> -> memref<128x64xf32, #tpu.memory_space<vmem_shared>>
      tpu.wait_dma2 semaphore(%run_scoped3A : memref<!tpu.dma_semaphore, #tpu.memory_space<semaphore_mem>>) src(%arg12 : memref<128x64xf32, #tpu.memory_space<vmem>>) dst(%dma_wait3A_69 : memref<128x64xf32, #tpu.memory_space<vmem_shared>>)
      tpu.yield
    }) : () -> ()
    %mul3A_15 = arith.constant 640 : i32
    %mul3A_16 = arith.muli %arg1, %mul3A_15 : i32
    %add3A_17 = arith.constant 256 : i32
    %add3A_18 = arith.addi %mul3A_16, %add3A_17 : i32
    "tpu.region"() ({
      %run_scoped3A = tpu.sem_alloc : memref<!tpu.dma_semaphore, #tpu.memory_space<semaphore_mem>>
      %dma_start3A_62 = arith.constant 0 : i32
      %dma_start3A_63 = tpu.memref_slice %arg18[%add3A_18, %dma_start3A_62] : memref<10240x64xf32, #tpu.memory_space<vmem_shared>> -> memref<128x64xf32, #tpu.memory_space<vmem_shared>>
      %dma_start3A_64 = arith.constant 0 : i32
      %dma_start3A_65 = tpu.memref_slice %arg18[%add3A_18, %dma_start3A_64] : memref<10240x64xf32, #tpu.memory_space<vmem_shared>> -> memref<128x64xf32, #tpu.memory_space<vmem_shared>>
      tpu.enqueue_dma source(%arg12 : memref<128x64xf32, #tpu.memory_space<vmem>>) target(%dma_start3A_65 : memref<128x64xf32, #tpu.memory_space<vmem_shared>>) target_semaphore(%run_scoped3A : memref<!tpu.dma_semaphore, #tpu.memory_space<semaphore_mem>>)
      %dma_wait3A_66 = arith.constant 0 : i32
      %dma_wait3A_67 = tpu.memref_slice %arg18[%add3A_18, %dma_wait3A_66] : memref<10240x64xf32, #tpu.memory_space<vmem_shared>> -> memref<128x64xf32, #tpu.memory_space<vmem_shared>>
      %dma_wait3A_68 = arith.constant 0 : i32
      %dma_wait3A_69 = tpu.memref_slice %arg18[%add3A_18, %dma_wait3A_68] : memref<10240x64xf32, #tpu.memory_space<vmem_shared>> -> memref<128x64xf32, #tpu.memory_space<vmem_shared>>
      tpu.wait_dma2 semaphore(%run_scoped3A : memref<!tpu.dma_semaphore, #tpu.memory_space<semaphore_mem>>) src(%arg12 : memref<128x64xf32, #tpu.memory_space<vmem>>) dst(%dma_wait3A_69 : memref<128x64xf32, #tpu.memory_space<vmem_shared>>)
      tpu.yield
    }) : () -> ()
    %mul3A_19 = arith.constant 640 : i32
    %mul3A_20 = arith.muli %arg1, %mul3A_19 : i32
    %add3A_21 = arith.constant 384 : i32
    %add3A_22 = arith.addi %mul3A_20, %add3A_21 : i32
    "tpu.region"() ({
      %run_scoped3A = tpu.sem_alloc : memref<!tpu.dma_semaphore, #tpu.memory_space<semaphore_mem>>
      %dma_start3A_62 = arith.constant 0 : i32
      %dma_start3A_63 = tpu.memref_slice %arg18[%add3A_22, %dma_start3A_62] : memref<10240x64xf32, #tpu.memory_space<vmem_shared>> -> memref<128x64xf32, #tpu.memory_space<vmem_shared>>
      %dma_start3A_64 = arith.constant 0 : i32
      %dma_start3A_65 = tpu.memref_slice %arg18[%add3A_22, %dma_start3A_64] : memref<10240x64xf32, #tpu.memory_space<vmem_shared>> -> memref<128x64xf32, #tpu.memory_space<vmem_shared>>
      tpu.enqueue_dma source(%arg12 : memref<128x64xf32, #tpu.memory_space<vmem>>) target(%dma_start3A_65 : memref<128x64xf32, #tpu.memory_space<vmem_shared>>) target_semaphore(%run_scoped3A : memref<!tpu.dma_semaphore, #tpu.memory_space<semaphore_mem>>)
      %dma_wait3A_66 = arith.constant 0 : i32
      %dma_wait3A_67 = tpu.memref_slice %arg18[%add3A_22, %dma_wait3A_66] : memref<10240x64xf32, #tpu.memory_space<vmem_shared>> -> memref<128x64xf32, #tpu.memory_space<vmem_shared>>
      %dma_wait3A_68 = arith.constant 0 : i32
      %dma_wait3A_69 = tpu.memref_slice %arg18[%add3A_22, %dma_wait3A_68] : memref<10240x64xf32, #tpu.memory_space<vmem_shared>> -> memref<128x64xf32, #tpu.memory_space<vmem_shared>>
      tpu.wait_dma2 semaphore(%run_scoped3A : memref<!tpu.dma_semaphore, #tpu.memory_space<semaphore_mem>>) src(%arg12 : memref<128x64xf32, #tpu.memory_space<vmem>>) dst(%dma_wait3A_69 : memref<128x64xf32, #tpu.memory_space<vmem_shared>>)
      tpu.yield
    }) : () -> ()
    %mul3A_23 = arith.constant 640 : i32
    %mul3A_24 = arith.muli %arg1, %mul3A_23 : i32
    %add3A_25 = arith.constant 512 : i32
    %add3A_26 = arith.addi %mul3A_24, %add3A_25 : i32
    "tpu.region"() ({
      %run_scoped3A = tpu.sem_alloc : memref<!tpu.dma_semaphore, #tpu.memory_space<semaphore_mem>>
      %dma_start3A_62 = arith.constant 0 : i32
      %dma_start3A_63 = tpu.memref_slice %arg18[%add3A_26, %dma_start3A_62] : memref<10240x64xf32, #tpu.memory_space<vmem_shared>> -> memref<128x64xf32, #tpu.memory_space<vmem_shared>>
      %dma_start3A_64 = arith.constant 0 : i32
      %dma_start3A_65 = tpu.memref_slice %arg18[%add3A_26, %dma_start3A_64] : memref<10240x64xf32, #tpu.memory_space<vmem_shared>> -> memref<128x64xf32, #tpu.memory_space<vmem_shared>>
      tpu.enqueue_dma source(%arg12 : memref<128x64xf32, #tpu.memory_space<vmem>>) target(%dma_start3A_65 : memref<128x64xf32, #tpu.memory_space<vmem_shared>>) target_semaphore(%run_scoped3A : memref<!tpu.dma_semaphore, #tpu.memory_space<semaphore_mem>>)
      %dma_wait3A_66 = arith.constant 0 : i32
      %dma_wait3A_67 = tpu.memref_slice %arg18[%add3A_26, %dma_wait3A_66] : memref<10240x64xf32, #tpu.memory_space<vmem_shared>> -> memref<128x64xf32, #tpu.memory_space<vmem_shared>>
      %dma_wait3A_68 = arith.constant 0 : i32
      %dma_wait3A_69 = tpu.memref_slice %arg18[%add3A_26, %dma_wait3A_68] : memref<10240x64xf32, #tpu.memory_space<vmem_shared>> -> memref<128x64xf32, #tpu.memory_space<vmem_shared>>
      tpu.wait_dma2 semaphore(%run_scoped3A : memref<!tpu.dma_semaphore, #tpu.memory_space<semaphore_mem>>) src(%arg12 : memref<128x64xf32, #tpu.memory_space<vmem>>) dst(%dma_wait3A_69 : memref<128x64xf32, #tpu.memory_space<vmem_shared>>)
      tpu.yield
    }) : () -> ()
    %mul3A_27 = arith.constant 640 : i32
    %mul3A_28 = arith.muli %arg1, %mul3A_27 : i32
    %mul3A_29 = arith.constant 640 : i32
    %mul3A_30 = arith.muli %arg1, %mul3A_29 : i32
    "tpu.region"() ({
      %run_scoped3A = tpu.sem_alloc : memref<!tpu.dma_semaphore, #tpu.memory_space<semaphore_mem>>
      %dma_start3A_62 = arith.constant 0 : i32
      %dma_start3A_63 = tpu.memref_slice %arg19[%mul3A_30, %dma_start3A_62] : memref<10240x32xf32, #tpu.memory_space<vmem_shared>> -> memref<640x32xf32, #tpu.memory_space<vmem_shared>>
      %dma_start3A_64 = arith.constant 0 : i32
      %dma_start3A_65 = tpu.memref_slice %arg2[%mul3A_28, %dma_start3A_64] : memref<10240x32xf32, #tpu.memory_space<hbm>> -> memref<640x32xf32, #tpu.memory_space<hbm>>
      tpu.enqueue_dma source(%dma_start3A_65 : memref<640x32xf32, #tpu.memory_space<hbm>>) target(%dma_start3A_63 : memref<640x32xf32, #tpu.memory_space<vmem_shared>>) target_semaphore(%run_scoped3A : memref<!tpu.dma_semaphore, #tpu.memory_space<semaphore_mem>>)
      %dma_wait3A_66 = arith.constant 0 : i32
      %dma_wait3A_67 = tpu.memref_slice %arg19[%mul3A_30, %dma_wait3A_66] : memref<10240x32xf32, #tpu.memory_space<vmem_shared>> -> memref<640x32xf32, #tpu.memory_space<vmem_shared>>
      %dma_wait3A_68 = arith.constant 0 : i32
      %dma_wait3A_69 = tpu.memref_slice %arg2[%mul3A_28, %dma_wait3A_68] : memref<10240x32xf32, #tpu.memory_space<hbm>> -> memref<640x32xf32, #tpu.memory_space<hbm>>
      tpu.wait_dma2 semaphore(%run_scoped3A : memref<!tpu.dma_semaphore, #tpu.memory_space<semaphore_mem>>) src(%dma_wait3A_69 : memref<640x32xf32, #tpu.memory_space<hbm>>) dst(%dma_wait3A_67 : memref<640x32xf32, #tpu.memory_space<vmem_shared>>)
      tpu.yield
    }) : () -> ()
    %barrier3A = arith.constant 0 : index
    tpu.barrier barrier_id(%barrier3A)
    "tpu.region"() ({
      %run_scoped3A = tpu.sem_alloc : memref<!tpu.dma_semaphore, #tpu.memory_space<semaphore_mem>>
      %dma_start3A_62 = arith.constant 0 : i32
      %dma_start3A_63 = arith.constant 0 : i32
      %dma_start3A_64 = tpu.memref_slice %arg3[%add3A, %dma_start3A_62, %dma_start3A_63] : memref<32x80x128xi32, #tpu.memory_space<hbm>> -> memref<1x80x128xi32, #tpu.memory_space<hbm>>
      %dma_start3A_65 = tpu.memref_squeeze %dma_start3A_64 : memref<1x80x128xi32, #tpu.memory_space<hbm>> -> memref<80x128xi32, #tpu.memory_space<hbm>>
      %dma_start3A_66 = arith.constant 0 : i32
      %dma_start3A_67 = arith.constant 0 : i32
      %dma_start3A_68 = tpu.memref_slice %arg3[%add3A, %dma_start3A_66, %dma_start3A_67] : memref<32x80x128xi32, #tpu.memory_space<hbm>> -> memref<1x80x128xi32, #tpu.memory_space<hbm>>
      %dma_start3A_69 = tpu.memref_squeeze %dma_start3A_68 : memref<1x80x128xi32, #tpu.memory_space<hbm>> -> memref<80x128xi32, #tpu.memory_space<hbm>>
      tpu.enqueue_dma source(%dma_start3A_69 : memref<80x128xi32, #tpu.memory_space<hbm>>) target(%arg7 : memref<80x128xi32, #tpu.memory_space<vmem>>) target_semaphore(%run_scoped3A : memref<!tpu.dma_semaphore, #tpu.memory_space<semaphore_mem>>)
      %dma_wait3A_70 = arith.constant 0 : i32
      %dma_wait3A_71 = arith.constant 0 : i32
      %dma_wait3A_72 = tpu.memref_slice %arg3[%add3A, %dma_wait3A_70, %dma_wait3A_71] : memref<32x80x128xi32, #tpu.memory_space<hbm>> -> memref<1x80x128xi32, #tpu.memory_space<hbm>>
      %dma_wait3A_73 = tpu.memref_squeeze %dma_wait3A_72 : memref<1x80x128xi32, #tpu.memory_space<hbm>> -> memref<80x128xi32, #tpu.memory_space<hbm>>
      %dma_wait3A_74 = arith.constant 0 : i32
      %dma_wait3A_75 = arith.constant 0 : i32
      %dma_wait3A_76 = tpu.memref_slice %arg3[%add3A, %dma_wait3A_74, %dma_wait3A_75] : memref<32x80x128xi32, #tpu.memory_space<hbm>> -> memref<1x80x128xi32, #tpu.memory_space<hbm>>
      %dma_wait3A_77 = tpu.memref_squeeze %dma_wait3A_76 : memref<1x80x128xi32, #tpu.memory_space<hbm>> -> memref<80x128xi32, #tpu.memory_space<hbm>>
      tpu.wait_dma2 semaphore(%run_scoped3A : memref<!tpu.dma_semaphore, #tpu.memory_space<semaphore_mem>>) src(%dma_wait3A_77 : memref<80x128xi32, #tpu.memory_space<hbm>>) dst(%arg7 : memref<80x128xi32, #tpu.memory_space<vmem>>)
      tpu.yield
    }) : () -> ()
    "tpu.region"() ({
      %run_scoped3A = tpu.sem_alloc : memref<!tpu.dma_semaphore, #tpu.memory_space<semaphore_mem>>
      %dma_start3A_62 = arith.constant 0 : i32
      %dma_start3A_63 = arith.constant 0 : i32
      %dma_start3A_64 = tpu.memref_slice %arg4[%add3A, %dma_start3A_62, %dma_start3A_63] : memref<32x80x128xi32, #tpu.memory_space<hbm>> -> memref<1x80x128xi32, #tpu.memory_space<hbm>>
      %dma_start3A_65 = tpu.memref_squeeze %dma_start3A_64 : memref<1x80x128xi32, #tpu.memory_space<hbm>> -> memref<80x128xi32, #tpu.memory_space<hbm>>
      %dma_start3A_66 = arith.constant 0 : i32
      %dma_start3A_67 = arith.constant 0 : i32
      %dma_start3A_68 = tpu.memref_slice %arg4[%add3A, %dma_start3A_66, %dma_start3A_67] : memref<32x80x128xi32, #tpu.memory_space<hbm>> -> memref<1x80x128xi32, #tpu.memory_space<hbm>>
      %dma_start3A_69 = tpu.memref_squeeze %dma_start3A_68 : memref<1x80x128xi32, #tpu.memory_space<hbm>> -> memref<80x128xi32, #tpu.memory_space<hbm>>
      tpu.enqueue_dma source(%dma_start3A_69 : memref<80x128xi32, #tpu.memory_space<hbm>>) target(%arg8 : memref<80x128xi32, #tpu.memory_space<vmem>>) target_semaphore(%run_scoped3A : memref<!tpu.dma_semaphore, #tpu.memory_space<semaphore_mem>>)
      %dma_wait3A_70 = arith.constant 0 : i32
      %dma_wait3A_71 = arith.constant 0 : i32
      %dma_wait3A_72 = tpu.memref_slice %arg4[%add3A, %dma_wait3A_70, %dma_wait3A_71] : memref<32x80x128xi32, #tpu.memory_space<hbm>> -> memref<1x80x128xi32, #tpu.memory_space<hbm>>
      %dma_wait3A_73 = tpu.memref_squeeze %dma_wait3A_72 : memref<1x80x128xi32, #tpu.memory_space<hbm>> -> memref<80x128xi32, #tpu.memory_space<hbm>>
      %dma_wait3A_74 = arith.constant 0 : i32
      %dma_wait3A_75 = arith.constant 0 : i32
      %dma_wait3A_76 = tpu.memref_slice %arg4[%add3A, %dma_wait3A_74, %dma_wait3A_75] : memref<32x80x128xi32, #tpu.memory_space<hbm>> -> memref<1x80x128xi32, #tpu.memory_space<hbm>>
      %dma_wait3A_77 = tpu.memref_squeeze %dma_wait3A_76 : memref<1x80x128xi32, #tpu.memory_space<hbm>> -> memref<80x128xi32, #tpu.memory_space<hbm>>
      tpu.wait_dma2 semaphore(%run_scoped3A : memref<!tpu.dma_semaphore, #tpu.memory_space<semaphore_mem>>) src(%dma_wait3A_77 : memref<80x128xi32, #tpu.memory_space<hbm>>) dst(%arg8 : memref<80x128xi32, #tpu.memory_space<vmem>>)
      tpu.yield
    }) : () -> ()
    "tpu.region"() ({
      %run_scoped3A = tpu.sem_alloc : memref<!tpu.dma_semaphore, #tpu.memory_space<semaphore_mem>>
      %dma_start3A_62 = arith.constant 0 : i32
      %dma_start3A_63 = arith.constant 0 : i32
      %dma_start3A_64 = tpu.memref_slice %arg5[%add3A, %dma_start3A_62, %dma_start3A_63] : memref<32x80x128xf32, #tpu.memory_space<hbm>> -> memref<1x80x128xf32, #tpu.memory_space<hbm>>
      %dma_start3A_65 = tpu.memref_squeeze %dma_start3A_64 : memref<1x80x128xf32, #tpu.memory_space<hbm>> -> memref<80x128xf32, #tpu.memory_space<hbm>>
      %dma_start3A_66 = arith.constant 0 : i32
      %dma_start3A_67 = arith.constant 0 : i32
      %dma_start3A_68 = tpu.memref_slice %arg5[%add3A, %dma_start3A_66, %dma_start3A_67] : memref<32x80x128xf32, #tpu.memory_space<hbm>> -> memref<1x80x128xf32, #tpu.memory_space<hbm>>
      %dma_start3A_69 = tpu.memref_squeeze %dma_start3A_68 : memref<1x80x128xf32, #tpu.memory_space<hbm>> -> memref<80x128xf32, #tpu.memory_space<hbm>>
      tpu.enqueue_dma source(%dma_start3A_69 : memref<80x128xf32, #tpu.memory_space<hbm>>) target(%arg9 : memref<80x128xf32, #tpu.memory_space<vmem>>) target_semaphore(%run_scoped3A : memref<!tpu.dma_semaphore, #tpu.memory_space<semaphore_mem>>)
      %dma_wait3A_70 = arith.constant 0 : i32
      %dma_wait3A_71 = arith.constant 0 : i32
      %dma_wait3A_72 = tpu.memref_slice %arg5[%add3A, %dma_wait3A_70, %dma_wait3A_71] : memref<32x80x128xf32, #tpu.memory_space<hbm>> -> memref<1x80x128xf32, #tpu.memory_space<hbm>>
      %dma_wait3A_73 = tpu.memref_squeeze %dma_wait3A_72 : memref<1x80x128xf32, #tpu.memory_space<hbm>> -> memref<80x128xf32, #tpu.memory_space<hbm>>
      %dma_wait3A_74 = arith.constant 0 : i32
      %dma_wait3A_75 = arith.constant 0 : i32
      %dma_wait3A_76 = tpu.memref_slice %arg5[%add3A, %dma_wait3A_74, %dma_wait3A_75] : memref<32x80x128xf32, #tpu.memory_space<hbm>> -> memref<1x80x128xf32, #tpu.memory_space<hbm>>
      %dma_wait3A_77 = tpu.memref_squeeze %dma_wait3A_76 : memref<1x80x128xf32, #tpu.memory_space<hbm>> -> memref<80x128xf32, #tpu.memory_space<hbm>>
      tpu.wait_dma2 semaphore(%run_scoped3A : memref<!tpu.dma_semaphore, #tpu.memory_space<semaphore_mem>>) src(%dma_wait3A_77 : memref<80x128xf32, #tpu.memory_space<hbm>>) dst(%arg9 : memref<80x128xf32, #tpu.memory_space<vmem>>)
      tpu.yield
    }) : () -> ()
    %dma_start3A = arith.constant 0 : i32
    %dma_start3A_31 = arith.constant 0 : i32
    %dma_start3A_32 = tpu.memref_slice %arg7[%dma_start3A, %dma_start3A_31] : memref<80x128xi32, #tpu.memory_space<vmem>> -> memref<1x128xi32, #tpu.memory_space<vmem>>
    %dma_start3A_33 = tpu.memref_squeeze %dma_start3A_32 : memref<1x128xi32, #tpu.memory_space<vmem>> -> memref<128xi32, #tpu.memory_space<vmem>>
    %dma_start3A_34 = arith.constant 0 : i32
    %dma_start3A_35 = arith.constant 0 : i32
    %dma_start3A_36 = tpu.memref_slice %arg19[%dma_start3A_34, %dma_start3A_35] : memref<10240x32xf32, #tpu.memory_space<vmem_shared>> -> memref<10240x32xf32, #tpu.memory_space<vmem_shared>>
    tpu.enqueue_indirect_dma source(%dma_start3A_36 : memref<10240x32xf32, #tpu.memory_space<vmem_shared>>) target(%arg10 : memref<128x32xf32, #tpu.memory_space<vmem>>) offsets(%dma_start3A_33 : memref<128xi32, #tpu.memory_space<vmem>>) semaphore(%arg14 : memref<!tpu.dma_semaphore, #tpu.memory_space<semaphore_mem>>)
    %scan3A_37 = arith.constant 0 : i32
    %scan3A_38 = arith.constant 0 : i32
    %scan3A_39 = arith.constant 40 : i32
    %scan3A_40 = arith.addi %scan3A_38, %scan3A_39 : i32
    %scan3A_41 = arith.constant 1 : i32
    %scan3A_42 = scf.for %scan3A_62 = %scan3A_38 to %scan3A_40 step %scan3A_41 iter_args(%scan3A_63 = %scan3A_37) -> (i32)  : i32 {
      %mul3A_64 = arith.constant 2 : i32
      %mul3A_65 = arith.muli %scan3A_62, %mul3A_64 : i32
      %add3A_66 = arith.constant 0 : i32
      %add3A_67 = arith.addi %mul3A_65, %add3A_66 : i32
      %dma_wait3A_68 = arith.constant 0 : i32
      %dma_wait3A_69 = tpu.memref_slice %arg7[%add3A_67, %dma_wait3A_68] : memref<80x128xi32, #tpu.memory_space<vmem>> -> memref<1x128xi32, #tpu.memory_space<vmem>>
      %dma_wait3A_70 = tpu.memref_squeeze %dma_wait3A_69 : memref<1x128xi32, #tpu.memory_space<vmem>> -> memref<128xi32, #tpu.memory_space<vmem>>
      %dma_wait3A_71 = arith.constant 0 : i32
      %dma_wait3A_72 = arith.constant 0 : i32
      %dma_wait3A_73 = tpu.memref_slice %arg19[%dma_wait3A_71, %dma_wait3A_72] : memref<10240x32xf32, #tpu.memory_space<vmem_shared>> -> memref<10240x32xf32, #tpu.memory_space<vmem_shared>>
      tpu.wait_indirect_dma semaphore(%arg14 : memref<!tpu.dma_semaphore, #tpu.memory_space<semaphore_mem>>) src(%dma_wait3A_73 : memref<10240x32xf32, #tpu.memory_space<vmem_shared>>) dst(%arg10 : memref<128x32xf32, #tpu.memory_space<vmem>>)
      %add3A_74 = arith.constant 1 : i32
      %add3A_75 = arith.addi %add3A_67, %add3A_74 : i32
      %lt3A = arith.constant 80 : i32
      %lt3A_76 = arith.cmpi slt, %add3A_75, %lt3A : i32
      %convert_element_type3A = arith.extui %lt3A_76 : i1 to i32
      %cond3A = arith.constant 0 : i32
      %cond3A_77 = arith.cmpi ne, %convert_element_type3A, %cond3A : i32
      scf.if %cond3A_77 {
        %add3A_131 = arith.constant 1 : i32
        %add3A_132 = arith.addi %add3A_67, %add3A_131 : i32
        %dma_start3A_133 = arith.constant 0 : i32
        %dma_start3A_134 = tpu.memref_slice %arg7[%add3A_132, %dma_start3A_133] : memref<80x128xi32, #tpu.memory_space<vmem>> -> memref<1x128xi32, #tpu.memory_space<vmem>>
        %dma_start3A_135 = tpu.memref_squeeze %dma_start3A_134 : memref<1x128xi32, #tpu.memory_space<vmem>> -> memref<128xi32, #tpu.memory_space<vmem>>
        %dma_start3A_136 = arith.constant 0 : i32
        %dma_start3A_137 = arith.constant 0 : i32
        %dma_start3A_138 = tpu.memref_slice %arg19[%dma_start3A_136, %dma_start3A_137] : memref<10240x32xf32, #tpu.memory_space<vmem_shared>> -> memref<10240x32xf32, #tpu.memory_space<vmem_shared>>
        tpu.enqueue_indirect_dma source(%dma_start3A_138 : memref<10240x32xf32, #tpu.memory_space<vmem_shared>>) target(%arg11 : memref<128x32xf32, #tpu.memory_space<vmem>>) offsets(%dma_start3A_135 : memref<128xi32, #tpu.memory_space<vmem>>) semaphore(%arg15 : memref<!tpu.dma_semaphore, #tpu.memory_space<semaphore_mem>>)
      } else {
      }
      %ge3A = arith.constant 2 : i32
      %ge3A_78 = arith.cmpi sge, %add3A_67, %ge3A : i32
      %convert_element_type3A_79 = arith.extui %ge3A_78 : i1 to i32
      %cond3A_80 = arith.constant 0 : i32
      %cond3A_81 = arith.cmpi ne, %convert_element_type3A_79, %cond3A_80 : i32
      scf.if %cond3A_81 {
        %dma_wait3A_131 = arith.constant 0 : i32
        %dma_wait3A_132 = tpu.memref_slice %arg8[%add3A_67, %dma_wait3A_131] : memref<80x128xi32, #tpu.memory_space<vmem>> -> memref<1x128xi32, #tpu.memory_space<vmem>>
        %dma_wait3A_133 = tpu.memref_squeeze %dma_wait3A_132 : memref<1x128xi32, #tpu.memory_space<vmem>> -> memref<128xi32, #tpu.memory_space<vmem>>
        %dma_wait3A_134 = arith.constant 0 : i32
        %dma_wait3A_135 = arith.constant 0 : i32
        %dma_wait3A_136 = tpu.memref_slice %arg18[%dma_wait3A_134, %dma_wait3A_135] : memref<10240x64xf32, #tpu.memory_space<vmem_shared>> -> memref<10240x64xf32, #tpu.memory_space<vmem_shared>>
        tpu.wait_indirect_dma semaphore(%arg16 : memref<!tpu.dma_semaphore, #tpu.memory_space<semaphore_mem>>) src(%arg12 : memref<128x64xf32, #tpu.memory_space<vmem>>) dst(%dma_wait3A_136 : memref<10240x64xf32, #tpu.memory_space<vmem_shared>>)
      } else {
      }
      %scan3A_82 = arith.constant 0 : i32
      %scan3A_83 = arith.constant 0 : i32
      %scan3A_84 = arith.constant 8 : i32
      %scan3A_85 = arith.addi %scan3A_83, %scan3A_84 : i32
      %scan3A_86 = arith.constant 1 : i32
      %scan3A_87 = scf.for %scan3A_131 = %scan3A_83 to %scan3A_85 step %scan3A_86 iter_args(%scan3A_132 = %scan3A_82) -> (i32)  : i32 {
        %mul3A_133 = arith.constant 16 : i32
        %mul3A_134 = arith.muli %scan3A_131, %mul3A_133 : i32
        %get3A = arith.index_cast %add3A_67 : i32 to index
        %get3A_135 = arith.index_cast %mul3A_134 : i32 to index
        %get3A_136 = tpu.vector_load %arg9[%get3A, %get3A_135] {strides = array<i32>} : memref<80x128xf32, #tpu.memory_space<vmem>>, vector<1x16xf32>,
        %get3A_137 = vector.shape_cast %get3A_136 : vector<1x16xf32> to vector<16xf32>
        %max3A = arith.constant 0.000000e+00 : f32
        %max3A_138 = vector.broadcast %max3A : f32 to vector<16xf32>
        %max3A_139 = arith.maximumf %get3A_137, %max3A_138 : vector<16xf32>
        %min3A = arith.constant 1.000000e+00 : f32
        %min3A_140 = vector.broadcast %min3A : f32 to vector<16xf32>
        %min3A_141 = arith.minimumf %max3A_139, %min3A_140 : vector<16xf32>
        %mul3A_142 = arith.constant 16 : i32
        %mul3A_143 = arith.muli %scan3A_131, %mul3A_142 : i32
        %slice3A = vector.extract_strided_slice %min3A_141 {offsets = [0], sizes = [1], strides = [1]} : vector<16xf32> to vector<1xf32>
        %squeeze3A = vector.extract %slice3A[0] : f32 from vector<1xf32>
        %add3A_144 = arith.constant 0 : i32
        %add3A_145 = arith.addi %mul3A_143, %add3A_144 : i32
        %get3A_146 = arith.index_cast %add3A_145 : i32 to index
        %get3A_147 = arith.constant 0 : index
        %get3A_148 = tpu.vector_load %arg10[%get3A_146, %get3A_147] {strides = array<i32>} : memref<128x32xf32, #tpu.memory_space<vmem>>, vector<1x16xf32>,
        %get3A_149 = vector.shape_cast %get3A_148 : vector<1x16xf32> to vector<16xf32>
        %add3A_150 = arith.constant 0 : i32
        %add3A_151 = arith.addi %mul3A_143, %add3A_150 : i32
        %get3A_152 = arith.index_cast %add3A_151 : i32 to index
        %get3A_153 = arith.constant 16 : index
        %get3A_154 = tpu.vector_load %arg10[%get3A_152, %get3A_153] {strides = array<i32>} : memref<128x32xf32, #tpu.memory_space<vmem>>, vector<1x16xf32>,
        %get3A_155 = vector.shape_cast %get3A_154 : vector<1x16xf32> to vector<16xf32>
        %mul3A_156 = vector.broadcast %squeeze3A : f32 to vector<16xf32>
        %mul3A_157 = arith.mulf %mul3A_156, %get3A_149 : vector<16xf32>
        %mul3A_158 = vector.broadcast %squeeze3A : f32 to vector<16xf32>
        %mul3A_159 = arith.mulf %mul3A_158, %get3A_155 : vector<16xf32>
        %sub3A = arith.subf %get3A_149, %mul3A_157 : vector<16xf32>
        %add3A_160 = arith.constant 0 : i32
        %add3A_161 = arith.addi %mul3A_143, %add3A_160 : i32
        %swap3A = arith.index_cast %add3A_161 : i32 to index
        %swap3A_162 = arith.constant 0 : index
        %swap3A_163 = tpu.vector_load %arg12[%swap3A, %swap3A_162] {strides = array<i32>} : memref<128x64xf32, #tpu.memory_space<vmem>>, vector<1x16xf32>,
        %swap3A_164 = vector.shape_cast %swap3A_163 : vector<1x16xf32> to vector<16xf32>
        %swap3A_165 = vector.shape_cast %sub3A : vector<16xf32> to vector<1x16xf32>
        tpu.vector_store %arg12[%swap3A, %swap3A_162], %swap3A_165 {strides = array<i32>} : memref<128x64xf32, #tpu.memory_space<vmem>>, vector<1x16xf32>,
        %sub3A_166 = arith.subf %get3A_155, %mul3A_159 : vector<16xf32>
        %add3A_167 = arith.constant 0 : i32
        %add3A_168 = arith.addi %mul3A_143, %add3A_167 : i32
        %swap3A_169 = arith.index_cast %add3A_168 : i32 to index
        %swap3A_170 = arith.constant 16 : index
        %swap3A_171 = tpu.vector_load %arg12[%swap3A_169, %swap3A_170] {strides = array<i32>} : memref<128x64xf32, #tpu.memory_space<vmem>>, vector<1x16xf32>,
        %swap3A_172 = vector.shape_cast %swap3A_171 : vector<1x16xf32> to vector<16xf32>
        %swap3A_173 = vector.shape_cast %sub3A_166 : vector<16xf32> to vector<1x16xf32>
        tpu.vector_store %arg12[%swap3A_169, %swap3A_170], %swap3A_173 {strides = array<i32>} : memref<128x64xf32, #tpu.memory_space<vmem>>, vector<1x16xf32>,
        %add3A_174 = arith.constant 0 : i32
        %add3A_175 = arith.addi %mul3A_143, %add3A_174 : i32
        %swap3A_176 = arith.index_cast %add3A_175 : i32 to index
        %swap3A_177 = arith.constant 32 : index
        %swap3A_178 = tpu.vector_load %arg12[%swap3A_176, %swap3A_177] {strides = array<i32>} : memref<128x64xf32, #tpu.memory_space<vmem>>, vector<1x16xf32>,
        %swap3A_179 = vector.shape_cast %swap3A_178 : vector<1x16xf32> to vector<16xf32>
        %swap3A_180 = vector.shape_cast %mul3A_157 : vector<16xf32> to vector<1x16xf32>
        tpu.vector_store %arg12[%swap3A_176, %swap3A_177], %swap3A_180 {strides = array<i32>} : memref<128x64xf32, #tpu.memory_space<vmem>>, vector<1x16xf32>,
        %add3A_181 = arith.constant 0 : i32
        %add3A_182 = arith.addi %mul3A_143, %add3A_181 : i32
        %swap3A_183 = arith.index_cast %add3A_182 : i32 to index
        %swap3A_184 = arith.constant 48 : index
        %swap3A_185 = tpu.vector_load %arg12[%swap3A_183, %swap3A_184] {strides = array<i32>} : memref<128x64xf32, #tpu.memory_space<vmem>>, vector<1x16xf32>,
        %swap3A_186 = vector.shape_cast %swap3A_185 : vector<1x16xf32> to vector<16xf32>
        %swap3A_187 = vector.shape_cast %mul3A_159 : vector<16xf32> to vector<1x16xf32>
        tpu.vector_store %arg12[%swap3A_183, %swap3A_184], %swap3A_187 {strides = array<i32>} : memref<128x64xf32, #tpu.memory_space<vmem>>, vector<1x16xf32>,
        %slice3A_188 = vector.extract_strided_slice %min3A_141 {offsets = [1], sizes = [1], strides = [1]} : vector<16xf32> to vector<1xf32>
        %squeeze3A_189 = vector.extract %slice3A_188[0] : f32 from vector<1xf32>
        %add3A_190 = arith.constant 1 : i32
        %add3A_191 = arith.addi %mul3A_143, %add3A_190 : i32
        %get3A_192 = arith.index_cast %add3A_191 : i32 to index
        %get3A_193 = arith.constant 0 : index
        %get3A_194 = tpu.vector_load %arg10[%get3A_192, %get3A_193] {strides = array<i32>} : memref<128x32xf32, #tpu.memory_space<vmem>>, vector<1x16xf32>,
        %get3A_195 = vector.shape_cast %get3A_194 : vector<1x16xf32> to vector<16xf32>
        %add3A_196 = arith.constant 1 : i32
        %add3A_197 = arith.addi %mul3A_143, %add3A_196 : i32
        %get3A_198 = arith.index_cast %add3A_197 : i32 to index
        %get3A_199 = arith.constant 16 : index
        %get3A_200 = tpu.vector_load %arg10[%get3A_198, %get3A_199] {strides = array<i32>} : memref<128x32xf32, #tpu.memory_space<vmem>>, vector<1x16xf32>,
        %get3A_201 = vector.shape_cast %get3A_200 : vector<1x16xf32> to vector<16xf32>
        %mul3A_202 = vector.broadcast %squeeze3A_189 : f32 to vector<16xf32>
        %mul3A_203 = arith.mulf %mul3A_202, %get3A_195 : vector<16xf32>
        %mul3A_204 = vector.broadcast %squeeze3A_189 : f32 to vector<16xf32>
        %mul3A_205 = arith.mulf %mul3A_204, %get3A_201 : vector<16xf32>
        %sub3A_206 = arith.subf %get3A_195, %mul3A_203 : vector<16xf32>
        %add3A_207 = arith.constant 1 : i32
        %add3A_208 = arith.addi %mul3A_143, %add3A_207 : i32
        %swap3A_209 = arith.index_cast %add3A_208 : i32 to index
        %swap3A_210 = arith.constant 0 : index
        %swap3A_211 = tpu.vector_load %arg12[%swap3A_209, %swap3A_210] {strides = array<i32>} : memref<128x64xf32, #tpu.memory_space<vmem>>, vector<1x16xf32>,
        %swap3A_212 = vector.shape_cast %swap3A_211 : vector<1x16xf32> to vector<16xf32>
        %swap3A_213 = vector.shape_cast %sub3A_206 : vector<16xf32> to vector<1x16xf32>
        tpu.vector_store %arg12[%swap3A_209, %swap3A_210], %swap3A_213 {strides = array<i32>} : memref<128x64xf32, #tpu.memory_space<vmem>>, vector<1x16xf32>,
        %sub3A_214 = arith.subf %get3A_201, %mul3A_205 : vector<16xf32>
        %add3A_215 = arith.constant 1 : i32
        %add3A_216 = arith.addi %mul3A_143, %add3A_215 : i32
        %swap3A_217 = arith.index_cast %add3A_216 : i32 to index
        %swap3A_218 = arith.constant 16 : index
        %swap3A_219 = tpu.vector_load %arg12[%swap3A_217, %swap3A_218] {strides = array<i32>} : memref<128x64xf32, #tpu.memory_space<vmem>>, vector<1x16xf32>,
        %swap3A_220 = vector.shape_cast %swap3A_219 : vector<1x16xf32> to vector<16xf32>
        %swap3A_221 = vector.shape_cast %sub3A_214 : vector<16xf32> to vector<1x16xf32>
        tpu.vector_store %arg12[%swap3A_217, %swap3A_218], %swap3A_221 {strides = array<i32>} : memref<128x64xf32, #tpu.memory_space<vmem>>, vector<1x16xf32>,
        %add3A_222 = arith.constant 1 : i32
        %add3A_223 = arith.addi %mul3A_143, %add3A_222 : i32
        %swap3A_224 = arith.index_cast %add3A_223 : i32 to index
        %swap3A_225 = arith.constant 32 : index
        %swap3A_226 = tpu.vector_load %arg12[%swap3A_224, %swap3A_225] {strides = array<i32>} : memref<128x64xf32, #tpu.memory_space<vmem>>, vector<1x16xf32>,
        %swap3A_227 = vector.shape_cast %swap3A_226 : vector<1x16xf32> to vector<16xf32>
        %swap3A_228 = vector.shape_cast %mul3A_203 : vector<16xf32> to vector<1x16xf32>
        tpu.vector_store %arg12[%swap3A_224, %swap3A_225], %swap3A_228 {strides = array<i32>} : memref<128x64xf32, #tpu.memory_space<vmem>>, vector<1x16xf32>,
        %add3A_229 = arith.constant 1 : i32
        %add3A_230 = arith.addi %mul3A_143, %add3A_229 : i32
        %swap3A_231 = arith.index_cast %add3A_230 : i32 to index
        %swap3A_232 = arith.constant 48 : index
        %swap3A_233 = tpu.vector_load %arg12[%swap3A_231, %swap3A_232] {strides = array<i32>} : memref<128x64xf32, #tpu.memory_space<vmem>>, vector<1x16xf32>,
        %swap3A_234 = vector.shape_cast %swap3A_233 : vector<1x16xf32> to vector<16xf32>
        %swap3A_235 = vector.shape_cast %mul3A_205 : vector<16xf32> to vector<1x16xf32>
        tpu.vector_store %arg12[%swap3A_231, %swap3A_232], %swap3A_235 {strides = array<i32>} : memref<128x64xf32, #tpu.memory_space<vmem>>, vector<1x16xf32>,
        %slice3A_236 = vector.extract_strided_slice %min3A_141 {offsets = [2], sizes = [1], strides = [1]} : vector<16xf32> to vector<1xf32>
        %squeeze3A_237 = vector.extract %slice3A_236[0] : f32 from vector<1xf32>
        %add3A_238 = arith.constant 2 : i32
        %add3A_239 = arith.addi %mul3A_143, %add3A_238 : i32
        %get3A_240 = arith.index_cast %add3A_239 : i32 to index
        %get3A_241 = arith.constant 0 : index
        %get3A_242 = tpu.vector_load %arg10[%get3A_240, %get3A_241] {strides = array<i32>} : memref<128x32xf32, #tpu.memory_space<vmem>>, vector<1x16xf32>,
        %get3A_243 = vector.shape_cast %get3A_242 : vector<1x16xf32> to vector<16xf32>
        %add3A_244 = arith.constant 2 : i32
        %add3A_245 = arith.addi %mul3A_143, %add3A_244 : i32
        %get3A_246 = arith.index_cast %add3A_245 : i32 to index
        %get3A_247 = arith.constant 16 : index
        %get3A_248 = tpu.vector_load %arg10[%get3A_246, %get3A_247] {strides = array<i32>} : memref<128x32xf32, #tpu.memory_space<vmem>>, vector<1x16xf32>,
        %get3A_249 = vector.shape_cast %get3A_248 : vector<1x16xf32> to vector<16xf32>
        %mul3A_250 = vector.broadcast %squeeze3A_237 : f32 to vector<16xf32>
        %mul3A_251 = arith.mulf %mul3A_250, %get3A_243 : vector<16xf32>
        %mul3A_252 = vector.broadcast %squeeze3A_237 : f32 to vector<16xf32>
        %mul3A_253 = arith.mulf %mul3A_252, %get3A_249 : vector<16xf32>
        %sub3A_254 = arith.subf %get3A_243, %mul3A_251 : vector<16xf32>
        %add3A_255 = arith.constant 2 : i32
        %add3A_256 = arith.addi %mul3A_143, %add3A_255 : i32
        %swap3A_257 = arith.index_cast %add3A_256 : i32 to index
        %swap3A_258 = arith.constant 0 : index
        %swap3A_259 = tpu.vector_load %arg12[%swap3A_257, %swap3A_258] {strides = array<i32>} : memref<128x64xf32, #tpu.memory_space<vmem>>, vector<1x16xf32>,
        %swap3A_260 = vector.shape_cast %swap3A_259 : vector<1x16xf32> to vector<16xf32>
        %swap3A_261 = vector.shape_cast %sub3A_254 : vector<16xf32> to vector<1x16xf32>
        tpu.vector_store %arg12[%swap3A_257, %swap3A_258], %swap3A_261 {strides = array<i32>} : memref<128x64xf32, #tpu.memory_space<vmem>>, vector<1x16xf32>,
        %sub3A_262 = arith.subf %get3A_249, %mul3A_253 : vector<16xf32>
        %add3A_263 = arith.constant 2 : i32
        %add3A_264 = arith.addi %mul3A_143, %add3A_263 : i32
        %swap3A_265 = arith.index_cast %add3A_264 : i32 to index
        %swap3A_266 = arith.constant 16 : index
        %swap3A_267 = tpu.vector_load %arg12[%swap3A_265, %swap3A_266] {strides = array<i32>} : memref<128x64xf32, #tpu.memory_space<vmem>>, vector<1x16xf32>,
        %swap3A_268 = vector.shape_cast %swap3A_267 : vector<1x16xf32> to vector<16xf32>
        %swap3A_269 = vector.shape_cast %sub3A_262 : vector<16xf32> to vector<1x16xf32>
        tpu.vector_store %arg12[%swap3A_265, %swap3A_266], %swap3A_269 {strides = array<i32>} : memref<128x64xf32, #tpu.memory_space<vmem>>, vector<1x16xf32>,
        %add3A_270 = arith.constant 2 : i32
        %add3A_271 = arith.addi %mul3A_143, %add3A_270 : i32
        %swap3A_272 = arith.index_cast %add3A_271 : i32 to index
        %swap3A_273 = arith.constant 32 : index
        %swap3A_274 = tpu.vector_load %arg12[%swap3A_272, %swap3A_273] {strides = array<i32>} : memref<128x64xf32, #tpu.memory_space<vmem>>, vector<1x16xf32>,
        %swap3A_275 = vector.shape_cast %swap3A_274 : vector<1x16xf32> to vector<16xf32>
        %swap3A_276 = vector.shape_cast %mul3A_251 : vector<16xf32> to vector<1x16xf32>
        tpu.vector_store %arg12[%swap3A_272, %swap3A_273], %swap3A_276 {strides = array<i32>} : memref<128x64xf32, #tpu.memory_space<vmem>>, vector<1x16xf32>,
        %add3A_277 = arith.constant 2 : i32
        %add3A_278 = arith.addi %mul3A_143, %add3A_277 : i32
        %swap3A_279 = arith.index_cast %add3A_278 : i32 to index
        %swap3A_280 = arith.constant 48 : index
        %swap3A_281 = tpu.vector_load %arg12[%swap3A_279, %swap3A_280] {strides = array<i32>} : memref<128x64xf32, #tpu.memory_space<vmem>>, vector<1x16xf32>,
        %swap3A_282 = vector.shape_cast %swap3A_281 : vector<1x16xf32> to vector<16xf32>
        %swap3A_283 = vector.shape_cast %mul3A_253 : vector<16xf32> to vector<1x16xf32>
        tpu.vector_store %arg12[%swap3A_279, %swap3A_280], %swap3A_283 {strides = array<i32>} : memref<128x64xf32, #tpu.memory_space<vmem>>, vector<1x16xf32>,
        %slice3A_284 = vector.extract_strided_slice %min3A_141 {offsets = [3], sizes = [1], strides = [1]} : vector<16xf32> to vector<1xf32>
        %squeeze3A_285 = vector.extract %slice3A_284[0] : f32 from vector<1xf32>
        %add3A_286 = arith.constant 3 : i32
        %add3A_287 = arith.addi %mul3A_143, %add3A_286 : i32
        %get3A_288 = arith.index_cast %add3A_287 : i32 to index
        %get3A_289 = arith.constant 0 : index
        %get3A_290 = tpu.vector_load %arg10[%get3A_288, %get3A_289] {strides = array<i32>} : memref<128x32xf32, #tpu.memory_space<vmem>>, vector<1x16xf32>,
        %get3A_291 = vector.shape_cast %get3A_290 : vector<1x16xf32> to vector<16xf32>
        %add3A_292 = arith.constant 3 : i32
        %add3A_293 = arith.addi %mul3A_143, %add3A_292 : i32
        %get3A_294 = arith.index_cast %add3A_293 : i32 to index
        %get3A_295 = arith.constant 16 : index
        %get3A_296 = tpu.vector_load %arg10[%get3A_294, %get3A_295] {strides = array<i32>} : memref<128x32xf32, #tpu.memory_space<vmem>>, vector<1x16xf32>,
        %get3A_297 = vector.shape_cast %get3A_296 : vector<1x16xf32> to vector<16xf32>
        %mul3A_298 = vector.broadcast %squeeze3A_285 : f32 to vector<16xf32>
        %mul3A_299 = arith.mulf %mul3A_298, %get3A_291 : vector<16xf32>
        %mul3A_300 = vector.broadcast %squeeze3A_285 : f32 to vector<16xf32>
        %mul3A_301 = arith.mulf %mul3A_300, %get3A_297 : vector<16xf32>
        %sub3A_302 = arith.subf %get3A_291, %mul3A_299 : vector<16xf32>
        %add3A_303 = arith.constant 3 : i32
        %add3A_304 = arith.addi %mul3A_143, %add3A_303 : i32
        %swap3A_305 = arith.index_cast %add3A_304 : i32 to index
        %swap3A_306 = arith.constant 0 : index
        %swap3A_307 = tpu.vector_load %arg12[%swap3A_305, %swap3A_306] {strides = array<i32>} : memref<128x64xf32, #tpu.memory_space<vmem>>, vector<1x16xf32>,
        %swap3A_308 = vector.shape_cast %swap3A_307 : vector<1x16xf32> to vector<16xf32>
        %swap3A_309 = vector.shape_cast %sub3A_302 : vector<16xf32> to vector<1x16xf32>
        tpu.vector_store %arg12[%swap3A_305, %swap3A_306], %swap3A_309 {strides = array<i32>} : memref<128x64xf32, #tpu.memory_space<vmem>>, vector<1x16xf32>,
        %sub3A_310 = arith.subf %get3A_297, %mul3A_301 : vector<16xf32>
        %add3A_311 = arith.constant 3 : i32
        %add3A_312 = arith.addi %mul3A_143, %add3A_311 : i32
        %swap3A_313 = arith.index_cast %add3A_312 : i32 to index
        %swap3A_314 = arith.constant 16 : index
        %swap3A_315 = tpu.vector_load %arg12[%swap3A_313, %swap3A_314] {strides = array<i32>} : memref<128x64xf32, #tpu.memory_space<vmem>>, vector<1x16xf32>,
        %swap3A_316 = vector.shape_cast %swap3A_315 : vector<1x16xf32> to vector<16xf32>
        %swap3A_317 = vector.shape_cast %sub3A_310 : vector<16xf32> to vector<1x16xf32>
        tpu.vector_store %arg12[%swap3A_313, %swap3A_314], %swap3A_317 {strides = array<i32>} : memref<128x64xf32, #tpu.memory_space<vmem>>, vector<1x16xf32>,
        %add3A_318 = arith.constant 3 : i32
        %add3A_319 = arith.addi %mul3A_143, %add3A_318 : i32
        %swap3A_320 = arith.index_cast %add3A_319 : i32 to index
        %swap3A_321 = arith.constant 32 : index
        %swap3A_322 = tpu.vector_load %arg12[%swap3A_320, %swap3A_321] {strides = array<i32>} : memref<128x64xf32, #tpu.memory_space<vmem>>, vector<1x16xf32>,
        %swap3A_323 = vector.shape_cast %swap3A_322 : vector<1x16xf32> to vector<16xf32>
        %swap3A_324 = vector.shape_cast %mul3A_299 : vector<16xf32> to vector<1x16xf32>
        tpu.vector_store %arg12[%swap3A_320, %swap3A_321], %swap3A_324 {strides = array<i32>} : memref<128x64xf32, #tpu.memory_space<vmem>>, vector<1x16xf32>,
        %add3A_325 = arith.constant 3 : i32
        %add3A_326 = arith.addi %mul3A_143, %add3A_325 : i32
        %swap3A_327 = arith.index_cast %add3A_326 : i32 to index
        %swap3A_328 = arith.constant 48 : index
        %swap3A_329 = tpu.vector_load %arg12[%swap3A_327, %swap3A_328] {strides = array<i32>} : memref<128x64xf32, #tpu.memory_space<vmem>>, vector<1x16xf32>,
        %swap3A_330 = vector.shape_cast %swap3A_329 : vector<1x16xf32> to vector<16xf32>
        %swap3A_331 = vector.shape_cast %mul3A_301 : vector<16xf32> to vector<1x16xf32>
        tpu.vector_store %arg12[%swap3A_327, %swap3A_328], %swap3A_331 {strides = array<i32>} : memref<128x64xf32, #tpu.memory_space<vmem>>, vector<1x16xf32>,
        %slice3A_332 = vector.extract_strided_slice %min3A_141 {offsets = [4], sizes = [1], strides = [1]} : vector<16xf32> to vector<1xf32>
        %squeeze3A_333 = vector.extract %slice3A_332[0] : f32 from vector<1xf32>
        %add3A_334 = arith.constant 4 : i32
        %add3A_335 = arith.addi %mul3A_143, %add3A_334 : i32
        %get3A_336 = arith.index_cast %add3A_335 : i32 to index
        %get3A_337 = arith.constant 0 : index
        %get3A_338 = tpu.vector_load %arg10[%get3A_336, %get3A_337] {strides = array<i32>} : memref<128x32xf32, #tpu.memory_space<vmem>>, vector<1x16xf32>,
        %get3A_339 = vector.shape_cast %get3A_338 : vector<1x16xf32> to vector<16xf32>
        %add3A_340 = arith.constant 4 : i32
        %add3A_341 = arith.addi %mul3A_143, %add3A_340 : i32
        %get3A_342 = arith.index_cast %add3A_341 : i32 to index
        %get3A_343 = arith.constant 16 : index
        %get3A_344 = tpu.vector_load %arg10[%get3A_342, %get3A_343] {strides = array<i32>} : memref<128x32xf32, #tpu.memory_space<vmem>>, vector<1x16xf32>,
        %get3A_345 = vector.shape_cast %get3A_344 : vector<1x16xf32> to vector<16xf32>
        %mul3A_346 = vector.broadcast %squeeze3A_333 : f32 to vector<16xf32>
        %mul3A_347 = arith.mulf %mul3A_346, %get3A_339 : vector<16xf32>
        %mul3A_348 = vector.broadcast %squeeze3A_333 : f32 to vector<16xf32>
        %mul3A_349 = arith.mulf %mul3A_348, %get3A_345 : vector<16xf32>
        %sub3A_350 = arith.subf %get3A_339, %mul3A_347 : vector<16xf32>
        %add3A_351 = arith.constant 4 : i32
        %add3A_352 = arith.addi %mul3A_143, %add3A_351 : i32
        %swap3A_353 = arith.index_cast %add3A_352 : i32 to index
        %swap3A_354 = arith.constant 0 : index
        %swap3A_355 = tpu.vector_load %arg12[%swap3A_353, %swap3A_354] {strides = array<i32>} : memref<128x64xf32, #tpu.memory_space<vmem>>, vector<1x16xf32>,
        %swap3A_356 = vector.shape_cast %swap3A_355 : vector<1x16xf32> to vector<16xf32>
        %swap3A_357 = vector.shape_cast %sub3A_350 : vector<16xf32> to vector<1x16xf32>
        tpu.vector_store %arg12[%swap3A_353, %swap3A_354], %swap3A_357 {strides = array<i32>} : memref<128x64xf32, #tpu.memory_space<vmem>>, vector<1x16xf32>,
        %sub3A_358 = arith.subf %get3A_345, %mul3A_349 : vector<16xf32>
        %add3A_359 = arith.constant 4 : i32
        %add3A_360 = arith.addi %mul3A_143, %add3A_359 : i32
        %swap3A_361 = arith.index_cast %add3A_360 : i32 to index
        %swap3A_362 = arith.constant 16 : index
        %swap3A_363 = tpu.vector_load %arg12[%swap3A_361, %swap3A_362] {strides = array<i32>} : memref<128x64xf32, #tpu.memory_space<vmem>>, vector<1x16xf32>,
        %swap3A_364 = vector.shape_cast %swap3A_363 : vector<1x16xf32> to vector<16xf32>
        %swap3A_365 = vector.shape_cast %sub3A_358 : vector<16xf32> to vector<1x16xf32>
        tpu.vector_store %arg12[%swap3A_361, %swap3A_362], %swap3A_365 {strides = array<i32>} : memref<128x64xf32, #tpu.memory_space<vmem>>, vector<1x16xf32>,
        %add3A_366 = arith.constant 4 : i32
        %add3A_367 = arith.addi %mul3A_143, %add3A_366 : i32
        %swap3A_368 = arith.index_cast %add3A_367 : i32 to index
        %swap3A_369 = arith.constant 32 : index
        %swap3A_370 = tpu.vector_load %arg12[%swap3A_368, %swap3A_369] {strides = array<i32>} : memref<128x64xf32, #tpu.memory_space<vmem>>, vector<1x16xf32>,
        %swap3A_371 = vector.shape_cast %swap3A_370 : vector<1x16xf32> to vector<16xf32>
        %swap3A_372 = vector.shape_cast %mul3A_347 : vector<16xf32> to vector<1x16xf32>
        tpu.vector_store %arg12[%swap3A_368, %swap3A_369], %swap3A_372 {strides = array<i32>} : memref<128x64xf32, #tpu.memory_space<vmem>>, vector<1x16xf32>,
        %add3A_373 = arith.constant 4 : i32
        %add3A_374 = arith.addi %mul3A_143, %add3A_373 : i32
        %swap3A_375 = arith.index_cast %add3A_374 : i32 to index
        %swap3A_376 = arith.constant 48 : index
        %swap3A_377 = tpu.vector_load %arg12[%swap3A_375, %swap3A_376] {strides = array<i32>} : memref<128x64xf32, #tpu.memory_space<vmem>>, vector<1x16xf32>,
        %swap3A_378 = vector.shape_cast %swap3A_377 : vector<1x16xf32> to vector<16xf32>
        %swap3A_379 = vector.shape_cast %mul3A_349 : vector<16xf32> to vector<1x16xf32>
        tpu.vector_store %arg12[%swap3A_375, %swap3A_376], %swap3A_379 {strides = array<i32>} : memref<128x64xf32, #tpu.memory_space<vmem>>, vector<1x16xf32>,
        %slice3A_380 = vector.extract_strided_slice %min3A_141 {offsets = [5], sizes = [1], strides = [1]} : vector<16xf32> to vector<1xf32>
        %squeeze3A_381 = vector.extract %slice3A_380[0] : f32 from vector<1xf32>
        %add3A_382 = arith.constant 5 : i32
        %add3A_383 = arith.addi %mul3A_143, %add3A_382 : i32
        %get3A_384 = arith.index_cast %add3A_383 : i32 to index
        %get3A_385 = arith.constant 0 : index
        %get3A_386 = tpu.vector_load %arg10[%get3A_384, %get3A_385] {strides = array<i32>} : memref<128x32xf32, #tpu.memory_space<vmem>>, vector<1x16xf32>,
        %get3A_387 = vector.shape_cast %get3A_386 : vector<1x16xf32> to vector<16xf32>
        %add3A_388 = arith.constant 5 : i32
        %add3A_389 = arith.addi %mul3A_143, %add3A_388 : i32
        %get3A_390 = arith.index_cast %add3A_389 : i32 to index
        %get3A_391 = arith.constant 16 : index
        %get3A_392 = tpu.vector_load %arg10[%get3A_390, %get3A_391] {strides = array<i32>} : memref<128x32xf32, #tpu.memory_space<vmem>>, vector<1x16xf32>,
        %get3A_393 = vector.shape_cast %get3A_392 : vector<1x16xf32> to vector<16xf32>
        %mul3A_394 = vector.broadcast %squeeze3A_381 : f32 to vector<16xf32>
        %mul3A_395 = arith.mulf %mul3A_394, %get3A_387 : vector<16xf32>
        %mul3A_396 = vector.broadcast %squeeze3A_381 : f32 to vector<16xf32>
        %mul3A_397 = arith.mulf %mul3A_396, %get3A_393 : vector<16xf32>
        %sub3A_398 = arith.subf %get3A_387, %mul3A_395 : vector<16xf32>
        %add3A_399 = arith.constant 5 : i32
        %add3A_400 = arith.addi %mul3A_143, %add3A_399 : i32
        %swap3A_401 = arith.index_cast %add3A_400 : i32 to index
        %swap3A_402 = arith.constant 0 : index
        %swap3A_403 = tpu.vector_load %arg12[%swap3A_401, %swap3A_402] {strides = array<i32>} : memref<128x64xf32, #tpu.memory_space<vmem>>, vector<1x16xf32>,
        %swap3A_404 = vector.shape_cast %swap3A_403 : vector<1x16xf32> to vector<16xf32>
        %swap3A_405 = vector.shape_cast %sub3A_398 : vector<16xf32> to vector<1x16xf32>
        tpu.vector_store %arg12[%swap3A_401, %swap3A_402], %swap3A_405 {strides = array<i32>} : memref<128x64xf32, #tpu.memory_space<vmem>>, vector<1x16xf32>,
        %sub3A_406 = arith.subf %get3A_393, %mul3A_397 : vector<16xf32>
        %add3A_407 = arith.constant 5 : i32
        %add3A_408 = arith.addi %mul3A_143, %add3A_407 : i32
        %swap3A_409 = arith.index_cast %add3A_408 : i32 to index
        %swap3A_410 = arith.constant 16 : index
        %swap3A_411 = tpu.vector_load %arg12[%swap3A_409, %swap3A_410] {strides = array<i32>} : memref<128x64xf32, #tpu.memory_space<vmem>>, vector<1x16xf32>,
        %swap3A_412 = vector.shape_cast %swap3A_411 : vector<1x16xf32> to vector<16xf32>
        %swap3A_413 = vector.shape_cast %sub3A_406 : vector<16xf32> to vector<1x16xf32>
        tpu.vector_store %arg12[%swap3A_409, %swap3A_410], %swap3A_413 {strides = array<i32>} : memref<128x64xf32, #tpu.memory_space<vmem>>, vector<1x16xf32>,
        %add3A_414 = arith.constant 5 : i32
        %add3A_415 = arith.addi %mul3A_143, %add3A_414 : i32
        %swap3A_416 = arith.index_cast %add3A_415 : i32 to index
        %swap3A_417 = arith.constant 32 : index
        %swap3A_418 = tpu.vector_load %arg12[%swap3A_416, %swap3A_417] {strides = array<i32>} : memref<128x64xf32, #tpu.memory_space<vmem>>, vector<1x16xf32>,
        %swap3A_419 = vector.shape_cast %swap3A_418 : vector<1x16xf32> to vector<16xf32>
        %swap3A_420 = vector.shape_cast %mul3A_395 : vector<16xf32> to vector<1x16xf32>
        tpu.vector_store %arg12[%swap3A_416, %swap3A_417], %swap3A_420 {strides = array<i32>} : memref<128x64xf32, #tpu.memory_space<vmem>>, vector<1x16xf32>,
        %add3A_421 = arith.constant 5 : i32
        %add3A_422 = arith.addi %mul3A_143, %add3A_421 : i32
        %swap3A_423 = arith.index_cast %add3A_422 : i32 to index
        %swap3A_424 = arith.constant 48 : index
        %swap3A_425 = tpu.vector_load %arg12[%swap3A_423, %swap3A_424] {strides = array<i32>} : memref<128x64xf32, #tpu.memory_space<vmem>>, vector<1x16xf32>,
        %swap3A_426 = vector.shape_cast %swap3A_425 : vector<1x16xf32> to vector<16xf32>
        %swap3A_427 = vector.shape_cast %mul3A_397 : vector<16xf32> to vector<1x16xf32>
        tpu.vector_store %arg12[%swap3A_423, %swap3A_424], %swap3A_427 {strides = array<i32>} : memref<128x64xf32, #tpu.memory_space<vmem>>, vector<1x16xf32>,
        %slice3A_428 = vector.extract_strided_slice %min3A_141 {offsets = [6], sizes = [1], strides = [1]} : vector<16xf32> to vector<1xf32>
        %squeeze3A_429 = vector.extract %slice3A_428[0] : f32 from vector<1xf32>
        %add3A_430 = arith.constant 6 : i32
        %add3A_431 = arith.addi %mul3A_143, %add3A_430 : i32
        %get3A_432 = arith.index_cast %add3A_431 : i32 to index
        %get3A_433 = arith.constant 0 : index
        %get3A_434 = tpu.vector_load %arg10[%get3A_432, %get3A_433] {strides = array<i32>} : memref<128x32xf32, #tpu.memory_space<vmem>>, vector<1x16xf32>,
        %get3A_435 = vector.shape_cast %get3A_434 : vector<1x16xf32> to vector<16xf32>
        %add3A_436 = arith.constant 6 : i32
        %add3A_437 = arith.addi %mul3A_143, %add3A_436 : i32
        %get3A_438 = arith.index_cast %add3A_437 : i32 to index
        %get3A_439 = arith.constant 16 : index
        %get3A_440 = tpu.vector_load %arg10[%get3A_438, %get3A_439] {strides = array<i32>} : memref<128x32xf32, #tpu.memory_space<vmem>>, vector<1x16xf32>,
        %get3A_441 = vector.shape_cast %get3A_440 : vector<1x16xf32> to vector<16xf32>
        %mul3A_442 = vector.broadcast %squeeze3A_429 : f32 to vector<16xf32>
        %mul3A_443 = arith.mulf %mul3A_442, %get3A_435 : vector<16xf32>
        %mul3A_444 = vector.broadcast %squeeze3A_429 : f32 to vector<16xf32>
        %mul3A_445 = arith.mulf %mul3A_444, %get3A_441 : vector<16xf32>
        %sub3A_446 = arith.subf %get3A_435, %mul3A_443 : vector<16xf32>
        %add3A_447 = arith.constant 6 : i32
        %add3A_448 = arith.addi %mul3A_143, %add3A_447 : i32
        %swap3A_449 = arith.index_cast %add3A_448 : i32 to index
        %swap3A_450 = arith.constant 0 : index
        %swap3A_451 = tpu.vector_load %arg12[%swap3A_449, %swap3A_450] {strides = array<i32>} : memref<128x64xf32, #tpu.memory_space<vmem>>, vector<1x16xf32>,
        %swap3A_452 = vector.shape_cast %swap3A_451 : vector<1x16xf32> to vector<16xf32>
        %swap3A_453 = vector.shape_cast %sub3A_446 : vector<16xf32> to vector<1x16xf32>
        tpu.vector_store %arg12[%swap3A_449, %swap3A_450], %swap3A_453 {strides = array<i32>} : memref<128x64xf32, #tpu.memory_space<vmem>>, vector<1x16xf32>,
        %sub3A_454 = arith.subf %get3A_441, %mul3A_445 : vector<16xf32>
        %add3A_455 = arith.constant 6 : i32
        %add3A_456 = arith.addi %mul3A_143, %add3A_455 : i32
        %swap3A_457 = arith.index_cast %add3A_456 : i32 to index
        %swap3A_458 = arith.constant 16 : index
        %swap3A_459 = tpu.vector_load %arg12[%swap3A_457, %swap3A_458] {strides = array<i32>} : memref<128x64xf32, #tpu.memory_space<vmem>>, vector<1x16xf32>,
        %swap3A_460 = vector.shape_cast %swap3A_459 : vector<1x16xf32> to vector<16xf32>
        %swap3A_461 = vector.shape_cast %sub3A_454 : vector<16xf32> to vector<1x16xf32>
        tpu.vector_store %arg12[%swap3A_457, %swap3A_458], %swap3A_461 {strides = array<i32>} : memref<128x64xf32, #tpu.memory_space<vmem>>, vector<1x16xf32>,
        %add3A_462 = arith.constant 6 : i32
        %add3A_463 = arith.addi %mul3A_143, %add3A_462 : i32
        %swap3A_464 = arith.index_cast %add3A_463 : i32 to index
        %swap3A_465 = arith.constant 32 : index
        %swap3A_466 = tpu.vector_load %arg12[%swap3A_464, %swap3A_465] {strides = array<i32>} : memref<128x64xf32, #tpu.memory_space<vmem>>, vector<1x16xf32>,
        %swap3A_467 = vector.shape_cast %swap3A_466 : vector<1x16xf32> to vector<16xf32>
        %swap3A_468 = vector.shape_cast %mul3A_443 : vector<16xf32> to vector<1x16xf32>
        tpu.vector_store %arg12[%swap3A_464, %swap3A_465], %swap3A_468 {strides = array<i32>} : memref<128x64xf32, #tpu.memory_space<vmem>>, vector<1x16xf32>,
        %add3A_469 = arith.constant 6 : i32
        %add3A_470 = arith.addi %mul3A_143, %add3A_469 : i32
        %swap3A_471 = arith.index_cast %add3A_470 : i32 to index
        %swap3A_472 = arith.constant 48 : index
        %swap3A_473 = tpu.vector_load %arg12[%swap3A_471, %swap3A_472] {strides = array<i32>} : memref<128x64xf32, #tpu.memory_space<vmem>>, vector<1x16xf32>,
        %swap3A_474 = vector.shape_cast %swap3A_473 : vector<1x16xf32> to vector<16xf32>
        %swap3A_475 = vector.shape_cast %mul3A_445 : vector<16xf32> to vector<1x16xf32>
        tpu.vector_store %arg12[%swap3A_471, %swap3A_472], %swap3A_475 {strides = array<i32>} : memref<128x64xf32, #tpu.memory_space<vmem>>, vector<1x16xf32>,
        %slice3A_476 = vector.extract_strided_slice %min3A_141 {offsets = [7], sizes = [1], strides = [1]} : vector<16xf32> to vector<1xf32>
        %squeeze3A_477 = vector.extract %slice3A_476[0] : f32 from vector<1xf32>
        %add3A_478 = arith.constant 7 : i32
        %add3A_479 = arith.addi %mul3A_143, %add3A_478 : i32
        %get3A_480 = arith.index_cast %add3A_479 : i32 to index
        %get3A_481 = arith.constant 0 : index
        %get3A_482 = tpu.vector_load %arg10[%get3A_480, %get3A_481] {strides = array<i32>} : memref<128x32xf32, #tpu.memory_space<vmem>>, vector<1x16xf32>,
        %get3A_483 = vector.shape_cast %get3A_482 : vector<1x16xf32> to vector<16xf32>
        %add3A_484 = arith.constant 7 : i32
        %add3A_485 = arith.addi %mul3A_143, %add3A_484 : i32
        %get3A_486 = arith.index_cast %add3A_485 : i32 to index
        %get3A_487 = arith.constant 16 : index
        %get3A_488 = tpu.vector_load %arg10[%get3A_486, %get3A_487] {strides = array<i32>} : memref<128x32xf32, #tpu.memory_space<vmem>>, vector<1x16xf32>,
        %get3A_489 = vector.shape_cast %get3A_488 : vector<1x16xf32> to vector<16xf32>
        %mul3A_490 = vector.broadcast %squeeze3A_477 : f32 to vector<16xf32>
        %mul3A_491 = arith.mulf %mul3A_490, %get3A_483 : vector<16xf32>
        %mul3A_492 = vector.broadcast %squeeze3A_477 : f32 to vector<16xf32>
        %mul3A_493 = arith.mulf %mul3A_492, %get3A_489 : vector<16xf32>
        %sub3A_494 = arith.subf %get3A_483, %mul3A_491 : vector<16xf32>
        %add3A_495 = arith.constant 7 : i32
        %add3A_496 = arith.addi %mul3A_143, %add3A_495 : i32
        %swap3A_497 = arith.index_cast %add3A_496 : i32 to index
        %swap3A_498 = arith.constant 0 : index
        %swap3A_499 = tpu.vector_load %arg12[%swap3A_497, %swap3A_498] {strides = array<i32>} : memref<128x64xf32, #tpu.memory_space<vmem>>, vector<1x16xf32>,
        %swap3A_500 = vector.shape_cast %swap3A_499 : vector<1x16xf32> to vector<16xf32>
        %swap3A_501 = vector.shape_cast %sub3A_494 : vector<16xf32> to vector<1x16xf32>
        tpu.vector_store %arg12[%swap3A_497, %swap3A_498], %swap3A_501 {strides = array<i32>} : memref<128x64xf32, #tpu.memory_space<vmem>>, vector<1x16xf32>,
        %sub3A_502 = arith.subf %get3A_489, %mul3A_493 : vector<16xf32>
        %add3A_503 = arith.constant 7 : i32
        %add3A_504 = arith.addi %mul3A_143, %add3A_503 : i32
        %swap3A_505 = arith.index_cast %add3A_504 : i32 to index
        %swap3A_506 = arith.constant 16 : index
        %swap3A_507 = tpu.vector_load %arg12[%swap3A_505, %swap3A_506] {strides = array<i32>} : memref<128x64xf32, #tpu.memory_space<vmem>>, vector<1x16xf32>,
        %swap3A_508 = vector.shape_cast %swap3A_507 : vector<1x16xf32> to vector<16xf32>
        %swap3A_509 = vector.shape_cast %sub3A_502 : vector<16xf32> to vector<1x16xf32>
        tpu.vector_store %arg12[%swap3A_505, %swap3A_506], %swap3A_509 {strides = array<i32>} : memref<128x64xf32, #tpu.memory_space<vmem>>, vector<1x16xf32>,
        %add3A_510 = arith.constant 7 : i32
        %add3A_511 = arith.addi %mul3A_143, %add3A_510 : i32
        %swap3A_512 = arith.index_cast %add3A_511 : i32 to index
        %swap3A_513 = arith.constant 32 : index
        %swap3A_514 = tpu.vector_load %arg12[%swap3A_512, %swap3A_513] {strides = array<i32>} : memref<128x64xf32, #tpu.memory_space<vmem>>, vector<1x16xf32>,
        %swap3A_515 = vector.shape_cast %swap3A_514 : vector<1x16xf32> to vector<16xf32>
        %swap3A_516 = vector.shape_cast %mul3A_491 : vector<16xf32> to vector<1x16xf32>
        tpu.vector_store %arg12[%swap3A_512, %swap3A_513], %swap3A_516 {strides = array<i32>} : memref<128x64xf32, #tpu.memory_space<vmem>>, vector<1x16xf32>,
        %add3A_517 = arith.constant 7 : i32
        %add3A_518 = arith.addi %mul3A_143, %add3A_517 : i32
        %swap3A_519 = arith.index_cast %add3A_518 : i32 to index
        %swap3A_520 = arith.constant 48 : index
        %swap3A_521 = tpu.vector_load %arg12[%swap3A_519, %swap3A_520] {strides = array<i32>} : memref<128x64xf32, #tpu.memory_space<vmem>>, vector<1x16xf32>,
        %swap3A_522 = vector.shape_cast %swap3A_521 : vector<1x16xf32> to vector<16xf32>
        %swap3A_523 = vector.shape_cast %mul3A_493 : vector<16xf32> to vector<1x16xf32>
        tpu.vector_store %arg12[%swap3A_519, %swap3A_520], %swap3A_523 {strides = array<i32>} : memref<128x64xf32, #tpu.memory_space<vmem>>, vector<1x16xf32>,
        %slice3A_524 = vector.extract_strided_slice %min3A_141 {offsets = [8], sizes = [1], strides = [1]} : vector<16xf32> to vector<1xf32>
        %squeeze3A_525 = vector.extract %slice3A_524[0] : f32 from vector<1xf32>
        %add3A_526 = arith.constant 8 : i32
        %add3A_527 = arith.addi %mul3A_143, %add3A_526 : i32
        %get3A_528 = arith.index_cast %add3A_527 : i32 to index
        %get3A_529 = arith.constant 0 : index
        %get3A_530 = tpu.vector_load %arg10[%get3A_528, %get3A_529] {strides = array<i32>} : memref<128x32xf32, #tpu.memory_space<vmem>>, vector<1x16xf32>,
        %get3A_531 = vector.shape_cast %get3A_530 : vector<1x16xf32> to vector<16xf32>
        %add3A_532 = arith.constant 8 : i32
        %add3A_533 = arith.addi %mul3A_143, %add3A_532 : i32
        %get3A_534 = arith.index_cast %add3A_533 : i32 to index
        %get3A_535 = arith.constant 16 : index
        %get3A_536 = tpu.vector_load %arg10[%get3A_534, %get3A_535] {strides = array<i32>} : memref<128x32xf32, #tpu.memory_space<vmem>>, vector<1x16xf32>,
        %get3A_537 = vector.shape_cast %get3A_536 : vector<1x16xf32> to vector<16xf32>
        %mul3A_538 = vector.broadcast %squeeze3A_525 : f32 to vector<16xf32>
        %mul3A_539 = arith.mulf %mul3A_538, %get3A_531 : vector<16xf32>
        %mul3A_540 = vector.broadcast %squeeze3A_525 : f32 to vector<16xf32>
        %mul3A_541 = arith.mulf %mul3A_540, %get3A_537 : vector<16xf32>
        %sub3A_542 = arith.subf %get3A_531, %mul3A_539 : vector<16xf32>
        %add3A_543 = arith.constant 8 : i32
        %add3A_544 = arith.addi %mul3A_143, %add3A_543 : i32
        %swap3A_545 = arith.index_cast %add3A_544 : i32 to index
        %swap3A_546 = arith.constant 0 : index
        %swap3A_547 = tpu.vector_load %arg12[%swap3A_545, %swap3A_546] {strides = array<i32>} : memref<128x64xf32, #tpu.memory_space<vmem>>, vector<1x16xf32>,
        %swap3A_548 = vector.shape_cast %swap3A_547 : vector<1x16xf32> to vector<16xf32>
        %swap3A_549 = vector.shape_cast %sub3A_542 : vector<16xf32> to vector<1x16xf32>
        tpu.vector_store %arg12[%swap3A_545, %swap3A_546], %swap3A_549 {strides = array<i32>} : memref<128x64xf32, #tpu.memory_space<vmem>>, vector<1x16xf32>,
        %sub3A_550 = arith.subf %get3A_537, %mul3A_541 : vector<16xf32>
        %add3A_551 = arith.constant 8 : i32
        %add3A_552 = arith.addi %mul3A_143, %add3A_551 : i32
        %swap3A_553 = arith.index_cast %add3A_552 : i32 to index
        %swap3A_554 = arith.constant 16 : index
        %swap3A_555 = tpu.vector_load %arg12[%swap3A_553, %swap3A_554] {strides = array<i32>} : memref<128x64xf32, #tpu.memory_space<vmem>>, vector<1x16xf32>,
        %swap3A_556 = vector.shape_cast %swap3A_555 : vector<1x16xf32> to vector<16xf32>
        %swap3A_557 = vector.shape_cast %sub3A_550 : vector<16xf32> to vector<1x16xf32>
        tpu.vector_store %arg12[%swap3A_553, %swap3A_554], %swap3A_557 {strides = array<i32>} : memref<128x64xf32, #tpu.memory_space<vmem>>, vector<1x16xf32>,
        %add3A_558 = arith.constant 8 : i32
        %add3A_559 = arith.addi %mul3A_143, %add3A_558 : i32
        %swap3A_560 = arith.index_cast %add3A_559 : i32 to index
        %swap3A_561 = arith.constant 32 : index
        %swap3A_562 = tpu.vector_load %arg12[%swap3A_560, %swap3A_561] {strides = array<i32>} : memref<128x64xf32, #tpu.memory_space<vmem>>, vector<1x16xf32>,
        %swap3A_563 = vector.shape_cast %swap3A_562 : vector<1x16xf32> to vector<16xf32>
        %swap3A_564 = vector.shape_cast %mul3A_539 : vector<16xf32> to vector<1x16xf32>
        tpu.vector_store %arg12[%swap3A_560, %swap3A_561], %swap3A_564 {strides = array<i32>} : memref<128x64xf32, #tpu.memory_space<vmem>>, vector<1x16xf32>,
        %add3A_565 = arith.constant 8 : i32
        %add3A_566 = arith.addi %mul3A_143, %add3A_565 : i32
        %swap3A_567 = arith.index_cast %add3A_566 : i32 to index
        %swap3A_568 = arith.constant 48 : index
        %swap3A_569 = tpu.vector_load %arg12[%swap3A_567, %swap3A_568] {strides = array<i32>} : memref<128x64xf32, #tpu.memory_space<vmem>>, vector<1x16xf32>,
        %swap3A_570 = vector.shape_cast %swap3A_569 : vector<1x16xf32> to vector<16xf32>
        %swap3A_571 = vector.shape_cast %mul3A_541 : vector<16xf32> to vector<1x16xf32>
        tpu.vector_store %arg12[%swap3A_567, %swap3A_568], %swap3A_571 {strides = array<i32>} : memref<128x64xf32, #tpu.memory_space<vmem>>, vector<1x16xf32>,
        %slice3A_572 = vector.extract_strided_slice %min3A_141 {offsets = [9], sizes = [1], strides = [1]} : vector<16xf32> to vector<1xf32>
        %squeeze3A_573 = vector.extract %slice3A_572[0] : f32 from vector<1xf32>
        %add3A_574 = arith.constant 9 : i32
        %add3A_575 = arith.addi %mul3A_143, %add3A_574 : i32
        %get3A_576 = arith.index_cast %add3A_575 : i32 to index
        %get3A_577 = arith.constant 0 : index
        %get3A_578 = tpu.vector_load %arg10[%get3A_576, %get3A_577] {strides = array<i32>} : memref<128x32xf32, #tpu.memory_space<vmem>>, vector<1x16xf32>,
        %get3A_579 = vector.shape_cast %get3A_578 : vector<1x16xf32> to vector<16xf32>
        %add3A_580 = arith.constant 9 : i32
        %add3A_581 = arith.addi %mul3A_143, %add3A_580 : i32
        %get3A_582 = arith.index_cast %add3A_581 : i32 to index
        %get3A_583 = arith.constant 16 : index
        %get3A_584 = tpu.vector_load %arg10[%get3A_582, %get3A_583] {strides = array<i32>} : memref<128x32xf32, #tpu.memory_space<vmem>>, vector<1x16xf32>,
        %get3A_585 = vector.shape_cast %get3A_584 : vector<1x16xf32> to vector<16xf32>
        %mul3A_586 = vector.broadcast %squeeze3A_573 : f32 to vector<16xf32>
        %mul3A_587 = arith.mulf %mul3A_586, %get3A_579 : vector<16xf32>
        %mul3A_588 = vector.broadcast %squeeze3A_573 : f32 to vector<16xf32>
        %mul3A_589 = arith.mulf %mul3A_588, %get3A_585 : vector<16xf32>
        %sub3A_590 = arith.subf %get3A_579, %mul3A_587 : vector<16xf32>
        %add3A_591 = arith.constant 9 : i32
        %add3A_592 = arith.addi %mul3A_143, %add3A_591 : i32
        %swap3A_593 = arith.index_cast %add3A_592 : i32 to index
        %swap3A_594 = arith.constant 0 : index
        %swap3A_595 = tpu.vector_load %arg12[%swap3A_593, %swap3A_594] {strides = array<i32>} : memref<128x64xf32, #tpu.memory_space<vmem>>, vector<1x16xf32>,
        %swap3A_596 = vector.shape_cast %swap3A_595 : vector<1x16xf32> to vector<16xf32>
        %swap3A_597 = vector.shape_cast %sub3A_590 : vector<16xf32> to vector<1x16xf32>
        tpu.vector_store %arg12[%swap3A_593, %swap3A_594], %swap3A_597 {strides = array<i32>} : memref<128x64xf32, #tpu.memory_space<vmem>>, vector<1x16xf32>,
        %sub3A_598 = arith.subf %get3A_585, %mul3A_589 : vector<16xf32>
        %add3A_599 = arith.constant 9 : i32
        %add3A_600 = arith.addi %mul3A_143, %add3A_599 : i32
        %swap3A_601 = arith.index_cast %add3A_600 : i32 to index
        %swap3A_602 = arith.constant 16 : index
        %swap3A_603 = tpu.vector_load %arg12[%swap3A_601, %swap3A_602] {strides = array<i32>} : memref<128x64xf32, #tpu.memory_space<vmem>>, vector<1x16xf32>,
        %swap3A_604 = vector.shape_cast %swap3A_603 : vector<1x16xf32> to vector<16xf32>
        %swap3A_605 = vector.shape_cast %sub3A_598 : vector<16xf32> to vector<1x16xf32>
        tpu.vector_store %arg12[%swap3A_601, %swap3A_602], %swap3A_605 {strides = array<i32>} : memref<128x64xf32, #tpu.memory_space<vmem>>, vector<1x16xf32>,
        %add3A_606 = arith.constant 9 : i32
        %add3A_607 = arith.addi %mul3A_143, %add3A_606 : i32
        %swap3A_608 = arith.index_cast %add3A_607 : i32 to index
        %swap3A_609 = arith.constant 32 : index
        %swap3A_610 = tpu.vector_load %arg12[%swap3A_608, %swap3A_609] {strides = array<i32>} : memref<128x64xf32, #tpu.memory_space<vmem>>, vector<1x16xf32>,
        %swap3A_611 = vector.shape_cast %swap3A_610 : vector<1x16xf32> to vector<16xf32>
        %swap3A_612 = vector.shape_cast %mul3A_587 : vector<16xf32> to vector<1x16xf32>
        tpu.vector_store %arg12[%swap3A_608, %swap3A_609], %swap3A_612 {strides = array<i32>} : memref<128x64xf32, #tpu.memory_space<vmem>>, vector<1x16xf32>,
        %add3A_613 = arith.constant 9 : i32
        %add3A_614 = arith.addi %mul3A_143, %add3A_613 : i32
        %swap3A_615 = arith.index_cast %add3A_614 : i32 to index
        %swap3A_616 = arith.constant 48 : index
        %swap3A_617 = tpu.vector_load %arg12[%swap3A_615, %swap3A_616] {strides = array<i32>} : memref<128x64xf32, #tpu.memory_space<vmem>>, vector<1x16xf32>,
        %swap3A_618 = vector.shape_cast %swap3A_617 : vector<1x16xf32> to vector<16xf32>
        %swap3A_619 = vector.shape_cast %mul3A_589 : vector<16xf32> to vector<1x16xf32>
        tpu.vector_store %arg12[%swap3A_615, %swap3A_616], %swap3A_619 {strides = array<i32>} : memref<128x64xf32, #tpu.memory_space<vmem>>, vector<1x16xf32>,
        %slice3A_620 = vector.extract_strided_slice %min3A_141 {offsets = [10], sizes = [1], strides = [1]} : vector<16xf32> to vector<1xf32>
        %squeeze3A_621 = vector.extract %slice3A_620[0] : f32 from vector<1xf32>
        %add3A_622 = arith.constant 10 : i32
        %add3A_623 = arith.addi %mul3A_143, %add3A_622 : i32
        %get3A_624 = arith.index_cast %add3A_623 : i32 to index
        %get3A_625 = arith.constant 0 : index
        %get3A_626 = tpu.vector_load %arg10[%get3A_624, %get3A_625] {strides = array<i32>} : memref<128x32xf32, #tpu.memory_space<vmem>>, vector<1x16xf32>,
        %get3A_627 = vector.shape_cast %get3A_626 : vector<1x16xf32> to vector<16xf32>
        %add3A_628 = arith.constant 10 : i32
        %add3A_629 = arith.addi %mul3A_143, %add3A_628 : i32
        %get3A_630 = arith.index_cast %add3A_629 : i32 to index
        %get3A_631 = arith.constant 16 : index
        %get3A_632 = tpu.vector_load %arg10[%get3A_630, %get3A_631] {strides = array<i32>} : memref<128x32xf32, #tpu.memory_space<vmem>>, vector<1x16xf32>,
        %get3A_633 = vector.shape_cast %get3A_632 : vector<1x16xf32> to vector<16xf32>
        %mul3A_634 = vector.broadcast %squeeze3A_621 : f32 to vector<16xf32>
        %mul3A_635 = arith.mulf %mul3A_634, %get3A_627 : vector<16xf32>
        %mul3A_636 = vector.broadcast %squeeze3A_621 : f32 to vector<16xf32>
        %mul3A_637 = arith.mulf %mul3A_636, %get3A_633 : vector<16xf32>
        %sub3A_638 = arith.subf %get3A_627, %mul3A_635 : vector<16xf32>
        %add3A_639 = arith.constant 10 : i32
        %add3A_640 = arith.addi %mul3A_143, %add3A_639 : i32
        %swap3A_641 = arith.index_cast %add3A_640 : i32 to index
        %swap3A_642 = arith.constant 0 : index
        %swap3A_643 = tpu.vector_load %arg12[%swap3A_641, %swap3A_642] {strides = array<i32>} : memref<128x64xf32, #tpu.memory_space<vmem>>, vector<1x16xf32>,
        %swap3A_644 = vector.shape_cast %swap3A_643 : vector<1x16xf32> to vector<16xf32>
        %swap3A_645 = vector.shape_cast %sub3A_638 : vector<16xf32> to vector<1x16xf32>
        tpu.vector_store %arg12[%swap3A_641, %swap3A_642], %swap3A_645 {strides = array<i32>} : memref<128x64xf32, #tpu.memory_space<vmem>>, vector<1x16xf32>,
        %sub3A_646 = arith.subf %get3A_633, %mul3A_637 : vector<16xf32>
        %add3A_647 = arith.constant 10 : i32
        %add3A_648 = arith.addi %mul3A_143, %add3A_647 : i32
        %swap3A_649 = arith.index_cast %add3A_648 : i32 to index
        %swap3A_650 = arith.constant 16 : index
        %swap3A_651 = tpu.vector_load %arg12[%swap3A_649, %swap3A_650] {strides = array<i32>} : memref<128x64xf32, #tpu.memory_space<vmem>>, vector<1x16xf32>,
        %swap3A_652 = vector.shape_cast %swap3A_651 : vector<1x16xf32> to vector<16xf32>
        %swap3A_653 = vector.shape_cast %sub3A_646 : vector<16xf32> to vector<1x16xf32>
        tpu.vector_store %arg12[%swap3A_649, %swap3A_650], %swap3A_653 {strides = array<i32>} : memref<128x64xf32, #tpu.memory_space<vmem>>, vector<1x16xf32>,
        %add3A_654 = arith.constant 10 : i32
        %add3A_655 = arith.addi %mul3A_143, %add3A_654 : i32
        %swap3A_656 = arith.index_cast %add3A_655 : i32 to index
        %swap3A_657 = arith.constant 32 : index
        %swap3A_658 = tpu.vector_load %arg12[%swap3A_656, %swap3A_657] {strides = array<i32>} : memref<128x64xf32, #tpu.memory_space<vmem>>, vector<1x16xf32>,
        %swap3A_659 = vector.shape_cast %swap3A_658 : vector<1x16xf32> to vector<16xf32>
        %swap3A_660 = vector.shape_cast %mul3A_635 : vector<16xf32> to vector<1x16xf32>
        tpu.vector_store %arg12[%swap3A_656, %swap3A_657], %swap3A_660 {strides = array<i32>} : memref<128x64xf32, #tpu.memory_space<vmem>>, vector<1x16xf32>,
        %add3A_661 = arith.constant 10 : i32
        %add3A_662 = arith.addi %mul3A_143, %add3A_661 : i32
        %swap3A_663 = arith.index_cast %add3A_662 : i32 to index
        %swap3A_664 = arith.constant 48 : index
        %swap3A_665 = tpu.vector_load %arg12[%swap3A_663, %swap3A_664] {strides = array<i32>} : memref<128x64xf32, #tpu.memory_space<vmem>>, vector<1x16xf32>,
        %swap3A_666 = vector.shape_cast %swap3A_665 : vector<1x16xf32> to vector<16xf32>
        %swap3A_667 = vector.shape_cast %mul3A_637 : vector<16xf32> to vector<1x16xf32>
        tpu.vector_store %arg12[%swap3A_663, %swap3A_664], %swap3A_667 {strides = array<i32>} : memref<128x64xf32, #tpu.memory_space<vmem>>, vector<1x16xf32>,
        %slice3A_668 = vector.extract_strided_slice %min3A_141 {offsets = [11], sizes = [1], strides = [1]} : vector<16xf32> to vector<1xf32>
        %squeeze3A_669 = vector.extract %slice3A_668[0] : f32 from vector<1xf32>
        %add3A_670 = arith.constant 11 : i32
        %add3A_671 = arith.addi %mul3A_143, %add3A_670 : i32
        %get3A_672 = arith.index_cast %add3A_671 : i32 to index
        %get3A_673 = arith.constant 0 : index
        %get3A_674 = tpu.vector_load %arg10[%get3A_672, %get3A_673] {strides = array<i32>} : memref<128x32xf32, #tpu.memory_space<vmem>>, vector<1x16xf32>,
        %get3A_675 = vector.shape_cast %get3A_674 : vector<1x16xf32> to vector<16xf32>
        %add3A_676 = arith.constant 11 : i32
        %add3A_677 = arith.addi %mul3A_143, %add3A_676 : i32
        %get3A_678 = arith.index_cast %add3A_677 : i32 to index
        %get3A_679 = arith.constant 16 : index
        %get3A_680 = tpu.vector_load %arg10[%get3A_678, %get3A_679] {strides = array<i32>} : memref<128x32xf32, #tpu.memory_space<vmem>>, vector<1x16xf32>,
        %get3A_681 = vector.shape_cast %get3A_680 : vector<1x16xf32> to vector<16xf32>
        %mul3A_682 = vector.broadcast %squeeze3A_669 : f32 to vector<16xf32>
        %mul3A_683 = arith.mulf %mul3A_682, %get3A_675 : vector<16xf32>
        %mul3A_684 = vector.broadcast %squeeze3A_669 : f32 to vector<16xf32>
        %mul3A_685 = arith.mulf %mul3A_684, %get3A_681 : vector<16xf32>
        %sub3A_686 = arith.subf %get3A_675, %mul3A_683 : vector<16xf32>
        %add3A_687 = arith.constant 11 : i32
        %add3A_688 = arith.addi %mul3A_143, %add3A_687 : i32
        %swap3A_689 = arith.index_cast %add3A_688 : i32 to index
        %swap3A_690 = arith.constant 0 : index
        %swap3A_691 = tpu.vector_load %arg12[%swap3A_689, %swap3A_690] {strides = array<i32>} : memref<128x64xf32, #tpu.memory_space<vmem>>, vector<1x16xf32>,
        %swap3A_692 = vector.shape_cast %swap3A_691 : vector<1x16xf32> to vector<16xf32>
        %swap3A_693 = vector.shape_cast %sub3A_686 : vector<16xf32> to vector<1x16xf32>
        tpu.vector_store %arg12[%swap3A_689, %swap3A_690], %swap3A_693 {strides = array<i32>} : memref<128x64xf32, #tpu.memory_space<vmem>>, vector<1x16xf32>,
        %sub3A_694 = arith.subf %get3A_681, %mul3A_685 : vector<16xf32>
        %add3A_695 = arith.constant 11 : i32
        %add3A_696 = arith.addi %mul3A_143, %add3A_695 : i32
        %swap3A_697 = arith.index_cast %add3A_696 : i32 to index
        %swap3A_698 = arith.constant 16 : index
        %swap3A_699 = tpu.vector_load %arg12[%swap3A_697, %swap3A_698] {strides = array<i32>} : memref<128x64xf32, #tpu.memory_space<vmem>>, vector<1x16xf32>,
        %swap3A_700 = vector.shape_cast %swap3A_699 : vector<1x16xf32> to vector<16xf32>
        %swap3A_701 = vector.shape_cast %sub3A_694 : vector<16xf32> to vector<1x16xf32>
        tpu.vector_store %arg12[%swap3A_697, %swap3A_698], %swap3A_701 {strides = array<i32>} : memref<128x64xf32, #tpu.memory_space<vmem>>, vector<1x16xf32>,
        %add3A_702 = arith.constant 11 : i32
        %add3A_703 = arith.addi %mul3A_143, %add3A_702 : i32
        %swap3A_704 = arith.index_cast %add3A_703 : i32 to index
        %swap3A_705 = arith.constant 32 : index
        %swap3A_706 = tpu.vector_load %arg12[%swap3A_704, %swap3A_705] {strides = array<i32>} : memref<128x64xf32, #tpu.memory_space<vmem>>, vector<1x16xf32>,
        %swap3A_707 = vector.shape_cast %swap3A_706 : vector<1x16xf32> to vector<16xf32>
        %swap3A_708 = vector.shape_cast %mul3A_683 : vector<16xf32> to vector<1x16xf32>
        tpu.vector_store %arg12[%swap3A_704, %swap3A_705], %swap3A_708 {strides = array<i32>} : memref<128x64xf32, #tpu.memory_space<vmem>>, vector<1x16xf32>,
        %add3A_709 = arith.constant 11 : i32
        %add3A_710 = arith.addi %mul3A_143, %add3A_709 : i32
        %swap3A_711 = arith.index_cast %add3A_710 : i32 to index
        %swap3A_712 = arith.constant 48 : index
        %swap3A_713 = tpu.vector_load %arg12[%swap3A_711, %swap3A_712] {strides = array<i32>} : memref<128x64xf32, #tpu.memory_space<vmem>>, vector<1x16xf32>,
        %swap3A_714 = vector.shape_cast %swap3A_713 : vector<1x16xf32> to vector<16xf32>
        %swap3A_715 = vector.shape_cast %mul3A_685 : vector<16xf32> to vector<1x16xf32>
        tpu.vector_store %arg12[%swap3A_711, %swap3A_712], %swap3A_715 {strides = array<i32>} : memref<128x64xf32, #tpu.memory_space<vmem>>, vector<1x16xf32>,
        %slice3A_716 = vector.extract_strided_slice %min3A_141 {offsets = [12], sizes = [1], strides = [1]} : vector<16xf32> to vector<1xf32>
        %squeeze3A_717 = vector.extract %slice3A_716[0] : f32 from vector<1xf32>
        %add3A_718 = arith.constant 12 : i32
        %add3A_719 = arith.addi %mul3A_143, %add3A_718 : i32
        %get3A_720 = arith.index_cast %add3A_719 : i32 to index
        %get3A_721 = arith.constant 0 : index
        %get3A_722 = tpu.vector_load %arg10[%get3A_720, %get3A_721] {strides = array<i32>} : memref<128x32xf32, #tpu.memory_space<vmem>>, vector<1x16xf32>,
        %get3A_723 = vector.shape_cast %get3A_722 : vector<1x16xf32> to vector<16xf32>
        %add3A_724 = arith.constant 12 : i32
        %add3A_725 = arith.addi %mul3A_143, %add3A_724 : i32
        %get3A_726 = arith.index_cast %add3A_725 : i32 to index
        %get3A_727 = arith.constant 16 : index
        %get3A_728 = tpu.vector_load %arg10[%get3A_726, %get3A_727] {strides = array<i32>} : memref<128x32xf32, #tpu.memory_space<vmem>>, vector<1x16xf32>,
        %get3A_729 = vector.shape_cast %get3A_728 : vector<1x16xf32> to vector<16xf32>
        %mul3A_730 = vector.broadcast %squeeze3A_717 : f32 to vector<16xf32>
        %mul3A_731 = arith.mulf %mul3A_730, %get3A_723 : vector<16xf32>
        %mul3A_732 = vector.broadcast %squeeze3A_717 : f32 to vector<16xf32>
        %mul3A_733 = arith.mulf %mul3A_732, %get3A_729 : vector<16xf32>
        %sub3A_734 = arith.subf %get3A_723, %mul3A_731 : vector<16xf32>
        %add3A_735 = arith.constant 12 : i32
        %add3A_736 = arith.addi %mul3A_143, %add3A_735 : i32
        %swap3A_737 = arith.index_cast %add3A_736 : i32 to index
        %swap3A_738 = arith.constant 0 : index
        %swap3A_739 = tpu.vector_load %arg12[%swap3A_737, %swap3A_738] {strides = array<i32>} : memref<128x64xf32, #tpu.memory_space<vmem>>, vector<1x16xf32>,
        %swap3A_740 = vector.shape_cast %swap3A_739 : vector<1x16xf32> to vector<16xf32>
        %swap3A_741 = vector.shape_cast %sub3A_734 : vector<16xf32> to vector<1x16xf32>
        tpu.vector_store %arg12[%swap3A_737, %swap3A_738], %swap3A_741 {strides = array<i32>} : memref<128x64xf32, #tpu.memory_space<vmem>>, vector<1x16xf32>,
        %sub3A_742 = arith.subf %get3A_729, %mul3A_733 : vector<16xf32>
        %add3A_743 = arith.constant 12 : i32
        %add3A_744 = arith.addi %mul3A_143, %add3A_743 : i32
        %swap3A_745 = arith.index_cast %add3A_744 : i32 to index
        %swap3A_746 = arith.constant 16 : index
        %swap3A_747 = tpu.vector_load %arg12[%swap3A_745, %swap3A_746] {strides = array<i32>} : memref<128x64xf32, #tpu.memory_space<vmem>>, vector<1x16xf32>,
        %swap3A_748 = vector.shape_cast %swap3A_747 : vector<1x16xf32> to vector<16xf32>
        %swap3A_749 = vector.shape_cast %sub3A_742 : vector<16xf32> to vector<1x16xf32>
        tpu.vector_store %arg12[%swap3A_745, %swap3A_746], %swap3A_749 {strides = array<i32>} : memref<128x64xf32, #tpu.memory_space<vmem>>, vector<1x16xf32>,
        %add3A_750 = arith.constant 12 : i32
        %add3A_751 = arith.addi %mul3A_143, %add3A_750 : i32
        %swap3A_752 = arith.index_cast %add3A_751 : i32 to index
        %swap3A_753 = arith.constant 32 : index
        %swap3A_754 = tpu.vector_load %arg12[%swap3A_752, %swap3A_753] {strides = array<i32>} : memref<128x64xf32, #tpu.memory_space<vmem>>, vector<1x16xf32>,
        %swap3A_755 = vector.shape_cast %swap3A_754 : vector<1x16xf32> to vector<16xf32>
        %swap3A_756 = vector.shape_cast %mul3A_731 : vector<16xf32> to vector<1x16xf32>
        tpu.vector_store %arg12[%swap3A_752, %swap3A_753], %swap3A_756 {strides = array<i32>} : memref<128x64xf32, #tpu.memory_space<vmem>>, vector<1x16xf32>,
        %add3A_757 = arith.constant 12 : i32
        %add3A_758 = arith.addi %mul3A_143, %add3A_757 : i32
        %swap3A_759 = arith.index_cast %add3A_758 : i32 to index
        %swap3A_760 = arith.constant 48 : index
        %swap3A_761 = tpu.vector_load %arg12[%swap3A_759, %swap3A_760] {strides = array<i32>} : memref<128x64xf32, #tpu.memory_space<vmem>>, vector<1x16xf32>,
        %swap3A_762 = vector.shape_cast %swap3A_761 : vector<1x16xf32> to vector<16xf32>
        %swap3A_763 = vector.shape_cast %mul3A_733 : vector<16xf32> to vector<1x16xf32>
        tpu.vector_store %arg12[%swap3A_759, %swap3A_760], %swap3A_763 {strides = array<i32>} : memref<128x64xf32, #tpu.memory_space<vmem>>, vector<1x16xf32>,
        %slice3A_764 = vector.extract_strided_slice %min3A_141 {offsets = [13], sizes = [1], strides = [1]} : vector<16xf32> to vector<1xf32>
        %squeeze3A_765 = vector.extract %slice3A_764[0] : f32 from vector<1xf32>
        %add3A_766 = arith.constant 13 : i32
        %add3A_767 = arith.addi %mul3A_143, %add3A_766 : i32
        %get3A_768 = arith.index_cast %add3A_767 : i32 to index
        %get3A_769 = arith.constant 0 : index
        %get3A_770 = tpu.vector_load %arg10[%get3A_768, %get3A_769] {strides = array<i32>} : memref<128x32xf32, #tpu.memory_space<vmem>>, vector<1x16xf32>,
        %get3A_771 = vector.shape_cast %get3A_770 : vector<1x16xf32> to vector<16xf32>
        %add3A_772 = arith.constant 13 : i32
        %add3A_773 = arith.addi %mul3A_143, %add3A_772 : i32
        %get3A_774 = arith.index_cast %add3A_773 : i32 to index
        %get3A_775 = arith.constant 16 : index
        %get3A_776 = tpu.vector_load %arg10[%get3A_774, %get3A_775] {strides = array<i32>} : memref<128x32xf32, #tpu.memory_space<vmem>>, vector<1x16xf32>,
        %get3A_777 = vector.shape_cast %get3A_776 : vector<1x16xf32> to vector<16xf32>
        %mul3A_778 = vector.broadcast %squeeze3A_765 : f32 to vector<16xf32>
        %mul3A_779 = arith.mulf %mul3A_778, %get3A_771 : vector<16xf32>
        %mul3A_780 = vector.broadcast %squeeze3A_765 : f32 to vector<16xf32>
        %mul3A_781 = arith.mulf %mul3A_780, %get3A_777 : vector<16xf32>
        %sub3A_782 = arith.subf %get3A_771, %mul3A_779 : vector<16xf32>
        %add3A_783 = arith.constant 13 : i32
        %add3A_784 = arith.addi %mul3A_143, %add3A_783 : i32
        %swap3A_785 = arith.index_cast %add3A_784 : i32 to index
        %swap3A_786 = arith.constant 0 : index
        %swap3A_787 = tpu.vector_load %arg12[%swap3A_785, %swap3A_786] {strides = array<i32>} : memref<128x64xf32, #tpu.memory_space<vmem>>, vector<1x16xf32>,
        %swap3A_788 = vector.shape_cast %swap3A_787 : vector<1x16xf32> to vector<16xf32>
        %swap3A_789 = vector.shape_cast %sub3A_782 : vector<16xf32> to vector<1x16xf32>
        tpu.vector_store %arg12[%swap3A_785, %swap3A_786], %swap3A_789 {strides = array<i32>} : memref<128x64xf32, #tpu.memory_space<vmem>>, vector<1x16xf32>,
        %sub3A_790 = arith.subf %get3A_777, %mul3A_781 : vector<16xf32>
        %add3A_791 = arith.constant 13 : i32
        %add3A_792 = arith.addi %mul3A_143, %add3A_791 : i32
        %swap3A_793 = arith.index_cast %add3A_792 : i32 to index
        %swap3A_794 = arith.constant 16 : index
        %swap3A_795 = tpu.vector_load %arg12[%swap3A_793, %swap3A_794] {strides = array<i32>} : memref<128x64xf32, #tpu.memory_space<vmem>>, vector<1x16xf32>,
        %swap3A_796 = vector.shape_cast %swap3A_795 : vector<1x16xf32> to vector<16xf32>
        %swap3A_797 = vector.shape_cast %sub3A_790 : vector<16xf32> to vector<1x16xf32>
        tpu.vector_store %arg12[%swap3A_793, %swap3A_794], %swap3A_797 {strides = array<i32>} : memref<128x64xf32, #tpu.memory_space<vmem>>, vector<1x16xf32>,
        %add3A_798 = arith.constant 13 : i32
        %add3A_799 = arith.addi %mul3A_143, %add3A_798 : i32
        %swap3A_800 = arith.index_cast %add3A_799 : i32 to index
        %swap3A_801 = arith.constant 32 : index
        %swap3A_802 = tpu.vector_load %arg12[%swap3A_800, %swap3A_801] {strides = array<i32>} : memref<128x64xf32, #tpu.memory_space<vmem>>, vector<1x16xf32>,
        %swap3A_803 = vector.shape_cast %swap3A_802 : vector<1x16xf32> to vector<16xf32>
        %swap3A_804 = vector.shape_cast %mul3A_779 : vector<16xf32> to vector<1x16xf32>
        tpu.vector_store %arg12[%swap3A_800, %swap3A_801], %swap3A_804 {strides = array<i32>} : memref<128x64xf32, #tpu.memory_space<vmem>>, vector<1x16xf32>,
        %add3A_805 = arith.constant 13 : i32
        %add3A_806 = arith.addi %mul3A_143, %add3A_805 : i32
        %swap3A_807 = arith.index_cast %add3A_806 : i32 to index
        %swap3A_808 = arith.constant 48 : index
        %swap3A_809 = tpu.vector_load %arg12[%swap3A_807, %swap3A_808] {strides = array<i32>} : memref<128x64xf32, #tpu.memory_space<vmem>>, vector<1x16xf32>,
        %swap3A_810 = vector.shape_cast %swap3A_809 : vector<1x16xf32> to vector<16xf32>
        %swap3A_811 = vector.shape_cast %mul3A_781 : vector<16xf32> to vector<1x16xf32>
        tpu.vector_store %arg12[%swap3A_807, %swap3A_808], %swap3A_811 {strides = array<i32>} : memref<128x64xf32, #tpu.memory_space<vmem>>, vector<1x16xf32>,
        %slice3A_812 = vector.extract_strided_slice %min3A_141 {offsets = [14], sizes = [1], strides = [1]} : vector<16xf32> to vector<1xf32>
        %squeeze3A_813 = vector.extract %slice3A_812[0] : f32 from vector<1xf32>
        %add3A_814 = arith.constant 14 : i32
        %add3A_815 = arith.addi %mul3A_143, %add3A_814 : i32
        %get3A_816 = arith.index_cast %add3A_815 : i32 to index
        %get3A_817 = arith.constant 0 : index
        %get3A_818 = tpu.vector_load %arg10[%get3A_816, %get3A_817] {strides = array<i32>} : memref<128x32xf32, #tpu.memory_space<vmem>>, vector<1x16xf32>,
        %get3A_819 = vector.shape_cast %get3A_818 : vector<1x16xf32> to vector<16xf32>
        %add3A_820 = arith.constant 14 : i32
        %add3A_821 = arith.addi %mul3A_143, %add3A_820 : i32
        %get3A_822 = arith.index_cast %add3A_821 : i32 to index
        %get3A_823 = arith.constant 16 : index
        %get3A_824 = tpu.vector_load %arg10[%get3A_822, %get3A_823] {strides = array<i32>} : memref<128x32xf32, #tpu.memory_space<vmem>>, vector<1x16xf32>,
        %get3A_825 = vector.shape_cast %get3A_824 : vector<1x16xf32> to vector<16xf32>
        %mul3A_826 = vector.broadcast %squeeze3A_813 : f32 to vector<16xf32>
        %mul3A_827 = arith.mulf %mul3A_826, %get3A_819 : vector<16xf32>
        %mul3A_828 = vector.broadcast %squeeze3A_813 : f32 to vector<16xf32>
        %mul3A_829 = arith.mulf %mul3A_828, %get3A_825 : vector<16xf32>
        %sub3A_830 = arith.subf %get3A_819, %mul3A_827 : vector<16xf32>
        %add3A_831 = arith.constant 14 : i32
        %add3A_832 = arith.addi %mul3A_143, %add3A_831 : i32
        %swap3A_833 = arith.index_cast %add3A_832 : i32 to index
        %swap3A_834 = arith.constant 0 : index
        %swap3A_835 = tpu.vector_load %arg12[%swap3A_833, %swap3A_834] {strides = array<i32>} : memref<128x64xf32, #tpu.memory_space<vmem>>, vector<1x16xf32>,
        %swap3A_836 = vector.shape_cast %swap3A_835 : vector<1x16xf32> to vector<16xf32>
        %swap3A_837 = vector.shape_cast %sub3A_830 : vector<16xf32> to vector<1x16xf32>
        tpu.vector_store %arg12[%swap3A_833, %swap3A_834], %swap3A_837 {strides = array<i32>} : memref<128x64xf32, #tpu.memory_space<vmem>>, vector<1x16xf32>,
        %sub3A_838 = arith.subf %get3A_825, %mul3A_829 : vector<16xf32>
        %add3A_839 = arith.constant 14 : i32
        %add3A_840 = arith.addi %mul3A_143, %add3A_839 : i32
        %swap3A_841 = arith.index_cast %add3A_840 : i32 to index
        %swap3A_842 = arith.constant 16 : index
        %swap3A_843 = tpu.vector_load %arg12[%swap3A_841, %swap3A_842] {strides = array<i32>} : memref<128x64xf32, #tpu.memory_space<vmem>>, vector<1x16xf32>,
        %swap3A_844 = vector.shape_cast %swap3A_843 : vector<1x16xf32> to vector<16xf32>
        %swap3A_845 = vector.shape_cast %sub3A_838 : vector<16xf32> to vector<1x16xf32>
        tpu.vector_store %arg12[%swap3A_841, %swap3A_842], %swap3A_845 {strides = array<i32>} : memref<128x64xf32, #tpu.memory_space<vmem>>, vector<1x16xf32>,
        %add3A_846 = arith.constant 14 : i32
        %add3A_847 = arith.addi %mul3A_143, %add3A_846 : i32
        %swap3A_848 = arith.index_cast %add3A_847 : i32 to index
        %swap3A_849 = arith.constant 32 : index
        %swap3A_850 = tpu.vector_load %arg12[%swap3A_848, %swap3A_849] {strides = array<i32>} : memref<128x64xf32, #tpu.memory_space<vmem>>, vector<1x16xf32>,
        %swap3A_851 = vector.shape_cast %swap3A_850 : vector<1x16xf32> to vector<16xf32>
        %swap3A_852 = vector.shape_cast %mul3A_827 : vector<16xf32> to vector<1x16xf32>
        tpu.vector_store %arg12[%swap3A_848, %swap3A_849], %swap3A_852 {strides = array<i32>} : memref<128x64xf32, #tpu.memory_space<vmem>>, vector<1x16xf32>,
        %add3A_853 = arith.constant 14 : i32
        %add3A_854 = arith.addi %mul3A_143, %add3A_853 : i32
        %swap3A_855 = arith.index_cast %add3A_854 : i32 to index
        %swap3A_856 = arith.constant 48 : index
        %swap3A_857 = tpu.vector_load %arg12[%swap3A_855, %swap3A_856] {strides = array<i32>} : memref<128x64xf32, #tpu.memory_space<vmem>>, vector<1x16xf32>,
        %swap3A_858 = vector.shape_cast %swap3A_857 : vector<1x16xf32> to vector<16xf32>
        %swap3A_859 = vector.shape_cast %mul3A_829 : vector<16xf32> to vector<1x16xf32>
        tpu.vector_store %arg12[%swap3A_855, %swap3A_856], %swap3A_859 {strides = array<i32>} : memref<128x64xf32, #tpu.memory_space<vmem>>, vector<1x16xf32>,
        %slice3A_860 = vector.extract_strided_slice %min3A_141 {offsets = [15], sizes = [1], strides = [1]} : vector<16xf32> to vector<1xf32>
        %squeeze3A_861 = vector.extract %slice3A_860[0] : f32 from vector<1xf32>
        %add3A_862 = arith.constant 15 : i32
        %add3A_863 = arith.addi %mul3A_143, %add3A_862 : i32
        %get3A_864 = arith.index_cast %add3A_863 : i32 to index
        %get3A_865 = arith.constant 0 : index
        %get3A_866 = tpu.vector_load %arg10[%get3A_864, %get3A_865] {strides = array<i32>} : memref<128x32xf32, #tpu.memory_space<vmem>>, vector<1x16xf32>,
        %get3A_867 = vector.shape_cast %get3A_866 : vector<1x16xf32> to vector<16xf32>
        %add3A_868 = arith.constant 15 : i32
        %add3A_869 = arith.addi %mul3A_143, %add3A_868 : i32
        %get3A_870 = arith.index_cast %add3A_869 : i32 to index
        %get3A_871 = arith.constant 16 : index
        %get3A_872 = tpu.vector_load %arg10[%get3A_870, %get3A_871] {strides = array<i32>} : memref<128x32xf32, #tpu.memory_space<vmem>>, vector<1x16xf32>,
        %get3A_873 = vector.shape_cast %get3A_872 : vector<1x16xf32> to vector<16xf32>
        %mul3A_874 = vector.broadcast %squeeze3A_861 : f32 to vector<16xf32>
        %mul3A_875 = arith.mulf %mul3A_874, %get3A_867 : vector<16xf32>
        %mul3A_876 = vector.broadcast %squeeze3A_861 : f32 to vector<16xf32>
        %mul3A_877 = arith.mulf %mul3A_876, %get3A_873 : vector<16xf32>
        %sub3A_878 = arith.subf %get3A_867, %mul3A_875 : vector<16xf32>
        %add3A_879 = arith.constant 15 : i32
        %add3A_880 = arith.addi %mul3A_143, %add3A_879 : i32
        %swap3A_881 = arith.index_cast %add3A_880 : i32 to index
        %swap3A_882 = arith.constant 0 : index
        %swap3A_883 = tpu.vector_load %arg12[%swap3A_881, %swap3A_882] {strides = array<i32>} : memref<128x64xf32, #tpu.memory_space<vmem>>, vector<1x16xf32>,
        %swap3A_884 = vector.shape_cast %swap3A_883 : vector<1x16xf32> to vector<16xf32>
        %swap3A_885 = vector.shape_cast %sub3A_878 : vector<16xf32> to vector<1x16xf32>
        tpu.vector_store %arg12[%swap3A_881, %swap3A_882], %swap3A_885 {strides = array<i32>} : memref<128x64xf32, #tpu.memory_space<vmem>>, vector<1x16xf32>,
        %sub3A_886 = arith.subf %get3A_873, %mul3A_877 : vector<16xf32>
        %add3A_887 = arith.constant 15 : i32
        %add3A_888 = arith.addi %mul3A_143, %add3A_887 : i32
        %swap3A_889 = arith.index_cast %add3A_888 : i32 to index
        %swap3A_890 = arith.constant 16 : index
        %swap3A_891 = tpu.vector_load %arg12[%swap3A_889, %swap3A_890] {strides = array<i32>} : memref<128x64xf32, #tpu.memory_space<vmem>>, vector<1x16xf32>,
        %swap3A_892 = vector.shape_cast %swap3A_891 : vector<1x16xf32> to vector<16xf32>
        %swap3A_893 = vector.shape_cast %sub3A_886 : vector<16xf32> to vector<1x16xf32>
        tpu.vector_store %arg12[%swap3A_889, %swap3A_890], %swap3A_893 {strides = array<i32>} : memref<128x64xf32, #tpu.memory_space<vmem>>, vector<1x16xf32>,
        %add3A_894 = arith.constant 15 : i32
        %add3A_895 = arith.addi %mul3A_143, %add3A_894 : i32
        %swap3A_896 = arith.index_cast %add3A_895 : i32 to index
        %swap3A_897 = arith.constant 32 : index
        %swap3A_898 = tpu.vector_load %arg12[%swap3A_896, %swap3A_897] {strides = array<i32>} : memref<128x64xf32, #tpu.memory_space<vmem>>, vector<1x16xf32>,
        %swap3A_899 = vector.shape_cast %swap3A_898 : vector<1x16xf32> to vector<16xf32>
        %swap3A_900 = vector.shape_cast %mul3A_875 : vector<16xf32> to vector<1x16xf32>
        tpu.vector_store %arg12[%swap3A_896, %swap3A_897], %swap3A_900 {strides = array<i32>} : memref<128x64xf32, #tpu.memory_space<vmem>>, vector<1x16xf32>,
        %add3A_901 = arith.constant 15 : i32
        %add3A_902 = arith.addi %mul3A_143, %add3A_901 : i32
        %swap3A_903 = arith.index_cast %add3A_902 : i32 to index
        %swap3A_904 = arith.constant 48 : index
        %swap3A_905 = tpu.vector_load %arg12[%swap3A_903, %swap3A_904] {strides = array<i32>} : memref<128x64xf32, #tpu.memory_space<vmem>>, vector<1x16xf32>,
        %swap3A_906 = vector.shape_cast %swap3A_905 : vector<1x16xf32> to vector<16xf32>
        %swap3A_907 = vector.shape_cast %mul3A_877 : vector<16xf32> to vector<1x16xf32>
        tpu.vector_store %arg12[%swap3A_903, %swap3A_904], %swap3A_907 {strides = array<i32>} : memref<128x64xf32, #tpu.memory_space<vmem>>, vector<1x16xf32>,
        %scan3A_908 = arith.constant 0 : i32
        scf.yield %scan3A_908 : i32
      }
      %scan3A_88 = arith.constant 8 : i32
      %dma_start3A_89 = arith.constant 0 : i32
      %dma_start3A_90 = tpu.memref_slice %arg8[%add3A_67, %dma_start3A_89] : memref<80x128xi32, #tpu.memory_space<vmem>> -> memref<1x128xi32, #tpu.memory_space<vmem>>
      %dma_start3A_91 = tpu.memref_squeeze %dma_start3A_90 : memref<1x128xi32, #tpu.memory_space<vmem>> -> memref<128xi32, #tpu.memory_space<vmem>>
      %dma_start3A_92 = arith.constant 0 : i32
      %dma_start3A_93 = arith.constant 0 : i32
      %dma_start3A_94 = tpu.memref_slice %arg18[%dma_start3A_92, %dma_start3A_93] : memref<10240x64xf32, #tpu.memory_space<vmem_shared>> -> memref<10240x64xf32, #tpu.memory_space<vmem_shared>>
      tpu.enqueue_indirect_dma source(%arg12 : memref<128x64xf32, #tpu.memory_space<vmem>>) target(%dma_start3A_94 : memref<10240x64xf32, #tpu.memory_space<vmem_shared>>) offsets(%dma_start3A_91 : memref<128xi32, #tpu.memory_space<vmem>>) semaphore(%arg16 : memref<!tpu.dma_semaphore, #tpu.memory_space<semaphore_mem>>) {add = true}
      %mul3A_95 = arith.constant 2 : i32
      %mul3A_96 = arith.muli %scan3A_62, %mul3A_95 : i32
      %add3A_97 = arith.constant 1 : i32
      %add3A_98 = arith.addi %mul3A_96, %add3A_97 : i32
      %dma_wait3A_99 = arith.constant 0 : i32
      %dma_wait3A_100 = tpu.memref_slice %arg7[%add3A_98, %dma_wait3A_99] : memref<80x128xi32, #tpu.memory_space<vmem>> -> memref<1x128xi32, #tpu.memory_space<vmem>>
      %dma_wait3A_101 = tpu.memref_squeeze %dma_wait3A_100 : memref<1x128xi32, #tpu.memory_space<vmem>> -> memref<128xi32, #tpu.memory_space<vmem>>
      %dma_wait3A_102 = arith.constant 0 : i32
      %dma_wait3A_103 = arith.constant 0 : i32
      %dma_wait3A_104 = tpu.memref_slice %arg19[%dma_wait3A_102, %dma_wait3A_103] : memref<10240x32xf32, #tpu.memory_space<vmem_shared>> -> memref<10240x32xf32, #tpu.memory_space<vmem_shared>>
      tpu.wait_indirect_dma semaphore(%arg15 : memref<!tpu.dma_semaphore, #tpu.memory_space<semaphore_mem>>) src(%dma_wait3A_104 : memref<10240x32xf32, #tpu.memory_space<vmem_shared>>) dst(%arg11 : memref<128x32xf32, #tpu.memory_space<vmem>>)
      %add3A_105 = arith.constant 1 : i32
      %add3A_106 = arith.addi %add3A_98, %add3A_105 : i32
      %lt3A_107 = arith.constant 80 : i32
      %lt3A_108 = arith.cmpi slt, %add3A_106, %lt3A_107 : i32
      %convert_element_type3A_109 = arith.extui %lt3A_108 : i1 to i32
      %cond3A_110 = arith.constant 0 : i32
      %cond3A_111 = arith.cmpi ne, %convert_element_type3A_109, %cond3A_110 : i32
      scf.if %cond3A_111 {
        %add3A_131 = arith.constant 1 : i32
        %add3A_132 = arith.addi %add3A_98, %add3A_131 : i32
        %dma_start3A_133 = arith.constant 0 : i32
        %dma_start3A_134 = tpu.memref_slice %arg7[%add3A_132, %dma_start3A_133] : memref<80x128xi32, #tpu.memory_space<vmem>> -> memref<1x128xi32, #tpu.memory_space<vmem>>
        %dma_start3A_135 = tpu.memref_squeeze %dma_start3A_134 : memref<1x128xi32, #tpu.memory_space<vmem>> -> memref<128xi32, #tpu.memory_space<vmem>>
        %dma_start3A_136 = arith.constant 0 : i32
        %dma_start3A_137 = arith.constant 0 : i32
        %dma_start3A_138 = tpu.memref_slice %arg19[%dma_start3A_136, %dma_start3A_137] : memref<10240x32xf32, #tpu.memory_space<vmem_shared>> -> memref<10240x32xf32, #tpu.memory_space<vmem_shared>>
        tpu.enqueue_indirect_dma source(%dma_start3A_138 : memref<10240x32xf32, #tpu.memory_space<vmem_shared>>) target(%arg10 : memref<128x32xf32, #tpu.memory_space<vmem>>) offsets(%dma_start3A_135 : memref<128xi32, #tpu.memory_space<vmem>>) semaphore(%arg14 : memref<!tpu.dma_semaphore, #tpu.memory_space<semaphore_mem>>)
      } else {
      }
      %ge3A_112 = arith.constant 2 : i32
      %ge3A_113 = arith.cmpi sge, %add3A_98, %ge3A_112 : i32
      %convert_element_type3A_114 = arith.extui %ge3A_113 : i1 to i32
      %cond3A_115 = arith.constant 0 : i32
      %cond3A_116 = arith.cmpi ne, %convert_element_type3A_114, %cond3A_115 : i32
      scf.if %cond3A_116 {
        %dma_wait3A_131 = arith.constant 0 : i32
        %dma_wait3A_132 = tpu.memref_slice %arg8[%add3A_98, %dma_wait3A_131] : memref<80x128xi32, #tpu.memory_space<vmem>> -> memref<1x128xi32, #tpu.memory_space<vmem>>
        %dma_wait3A_133 = tpu.memref_squeeze %dma_wait3A_132 : memref<1x128xi32, #tpu.memory_space<vmem>> -> memref<128xi32, #tpu.memory_space<vmem>>
        %dma_wait3A_134 = arith.constant 0 : i32
        %dma_wait3A_135 = arith.constant 0 : i32
        %dma_wait3A_136 = tpu.memref_slice %arg18[%dma_wait3A_134, %dma_wait3A_135] : memref<10240x64xf32, #tpu.memory_space<vmem_shared>> -> memref<10240x64xf32, #tpu.memory_space<vmem_shared>>
        tpu.wait_indirect_dma semaphore(%arg17 : memref<!tpu.dma_semaphore, #tpu.memory_space<semaphore_mem>>) src(%arg13 : memref<128x64xf32, #tpu.memory_space<vmem>>) dst(%dma_wait3A_136 : memref<10240x64xf32, #tpu.memory_space<vmem_shared>>)
      } else {
      }
      %scan3A_117 = arith.constant 0 : i32
      %scan3A_118 = arith.constant 0 : i32
      %scan3A_119 = arith.constant 8 : i32
      %scan3A_120 = arith.addi %scan3A_118, %scan3A_119 : i32
      %scan3A_121 = arith.constant 1 : i32
      %scan3A_122 = scf.for %scan3A_131 = %scan3A_118 to %scan3A_120 step %scan3A_121 iter_args(%scan3A_132 = %scan3A_117) -> (i32)  : i32 {
        %mul3A_133 = arith.constant 16 : i32
        %mul3A_134 = arith.muli %scan3A_131, %mul3A_133 : i32
        %get3A = arith.index_cast %add3A_98 : i32 to index
        %get3A_135 = arith.index_cast %mul3A_134 : i32 to index
        %get3A_136 = tpu.vector_load %arg9[%get3A, %get3A_135] {strides = array<i32>} : memref<80x128xf32, #tpu.memory_space<vmem>>, vector<1x16xf32>,
        %get3A_137 = vector.shape_cast %get3A_136 : vector<1x16xf32> to vector<16xf32>
        %max3A = arith.constant 0.000000e+00 : f32
        %max3A_138 = vector.broadcast %max3A : f32 to vector<16xf32>
        %max3A_139 = arith.maximumf %get3A_137, %max3A_138 : vector<16xf32>
        %min3A = arith.constant 1.000000e+00 : f32
        %min3A_140 = vector.broadcast %min3A : f32 to vector<16xf32>
        %min3A_141 = arith.minimumf %max3A_139, %min3A_140 : vector<16xf32>
        %mul3A_142 = arith.constant 16 : i32
        %mul3A_143 = arith.muli %scan3A_131, %mul3A_142 : i32
        %slice3A = vector.extract_strided_slice %min3A_141 {offsets = [0], sizes = [1], strides = [1]} : vector<16xf32> to vector<1xf32>
        %squeeze3A = vector.extract %slice3A[0] : f32 from vector<1xf32>
        %add3A_144 = arith.constant 0 : i32
        %add3A_145 = arith.addi %mul3A_143, %add3A_144 : i32
        %get3A_146 = arith.index_cast %add3A_145 : i32 to index
        %get3A_147 = arith.constant 0 : index
        %get3A_148 = tpu.vector_load %arg11[%get3A_146, %get3A_147] {strides = array<i32>} : memref<128x32xf32, #tpu.memory_space<vmem>>, vector<1x16xf32>,
        %get3A_149 = vector.shape_cast %get3A_148 : vector<1x16xf32> to vector<16xf32>
        %add3A_150 = arith.constant 0 : i32
        %add3A_151 = arith.addi %mul3A_143, %add3A_150 : i32
        %get3A_152 = arith.index_cast %add3A_151 : i32 to index
        %get3A_153 = arith.constant 16 : index
        %get3A_154 = tpu.vector_load %arg11[%get3A_152, %get3A_153] {strides = array<i32>} : memref<128x32xf32, #tpu.memory_space<vmem>>, vector<1x16xf32>,
        %get3A_155 = vector.shape_cast %get3A_154 : vector<1x16xf32> to vector<16xf32>
        %mul3A_156 = vector.broadcast %squeeze3A : f32 to vector<16xf32>
        %mul3A_157 = arith.mulf %mul3A_156, %get3A_149 : vector<16xf32>
        %mul3A_158 = vector.broadcast %squeeze3A : f32 to vector<16xf32>
        %mul3A_159 = arith.mulf %mul3A_158, %get3A_155 : vector<16xf32>
        %sub3A = arith.subf %get3A_149, %mul3A_157 : vector<16xf32>
        %add3A_160 = arith.constant 0 : i32
        %add3A_161 = arith.addi %mul3A_143, %add3A_160 : i32
        %swap3A = arith.index_cast %add3A_161 : i32 to index
        %swap3A_162 = arith.constant 0 : index
        %swap3A_163 = tpu.vector_load %arg13[%swap3A, %swap3A_162] {strides = array<i32>} : memref<128x64xf32, #tpu.memory_space<vmem>>, vector<1x16xf32>,
        %swap3A_164 = vector.shape_cast %swap3A_163 : vector<1x16xf32> to vector<16xf32>
        %swap3A_165 = vector.shape_cast %sub3A : vector<16xf32> to vector<1x16xf32>
        tpu.vector_store %arg13[%swap3A, %swap3A_162], %swap3A_165 {strides = array<i32>} : memref<128x64xf32, #tpu.memory_space<vmem>>, vector<1x16xf32>,
        %sub3A_166 = arith.subf %get3A_155, %mul3A_159 : vector<16xf32>
        %add3A_167 = arith.constant 0 : i32
        %add3A_168 = arith.addi %mul3A_143, %add3A_167 : i32
        %swap3A_169 = arith.index_cast %add3A_168 : i32 to index
        %swap3A_170 = arith.constant 16 : index
        %swap3A_171 = tpu.vector_load %arg13[%swap3A_169, %swap3A_170] {strides = array<i32>} : memref<128x64xf32, #tpu.memory_space<vmem>>, vector<1x16xf32>,
        %swap3A_172 = vector.shape_cast %swap3A_171 : vector<1x16xf32> to vector<16xf32>
        %swap3A_173 = vector.shape_cast %sub3A_166 : vector<16xf32> to vector<1x16xf32>
        tpu.vector_store %arg13[%swap3A_169, %swap3A_170], %swap3A_173 {strides = array<i32>} : memref<128x64xf32, #tpu.memory_space<vmem>>, vector<1x16xf32>,
        %add3A_174 = arith.constant 0 : i32
        %add3A_175 = arith.addi %mul3A_143, %add3A_174 : i32
        %swap3A_176 = arith.index_cast %add3A_175 : i32 to index
        %swap3A_177 = arith.constant 32 : index
        %swap3A_178 = tpu.vector_load %arg13[%swap3A_176, %swap3A_177] {strides = array<i32>} : memref<128x64xf32, #tpu.memory_space<vmem>>, vector<1x16xf32>,
        %swap3A_179 = vector.shape_cast %swap3A_178 : vector<1x16xf32> to vector<16xf32>
        %swap3A_180 = vector.shape_cast %mul3A_157 : vector<16xf32> to vector<1x16xf32>
        tpu.vector_store %arg13[%swap3A_176, %swap3A_177], %swap3A_180 {strides = array<i32>} : memref<128x64xf32, #tpu.memory_space<vmem>>, vector<1x16xf32>,
        %add3A_181 = arith.constant 0 : i32
        %add3A_182 = arith.addi %mul3A_143, %add3A_181 : i32
        %swap3A_183 = arith.index_cast %add3A_182 : i32 to index
        %swap3A_184 = arith.constant 48 : index
        %swap3A_185 = tpu.vector_load %arg13[%swap3A_183, %swap3A_184] {strides = array<i32>} : memref<128x64xf32, #tpu.memory_space<vmem>>, vector<1x16xf32>,
        %swap3A_186 = vector.shape_cast %swap3A_185 : vector<1x16xf32> to vector<16xf32>
        %swap3A_187 = vector.shape_cast %mul3A_159 : vector<16xf32> to vector<1x16xf32>
        tpu.vector_store %arg13[%swap3A_183, %swap3A_184], %swap3A_187 {strides = array<i32>} : memref<128x64xf32, #tpu.memory_space<vmem>>, vector<1x16xf32>,
        %slice3A_188 = vector.extract_strided_slice %min3A_141 {offsets = [1], sizes = [1], strides = [1]} : vector<16xf32> to vector<1xf32>
        %squeeze3A_189 = vector.extract %slice3A_188[0] : f32 from vector<1xf32>
        %add3A_190 = arith.constant 1 : i32
        %add3A_191 = arith.addi %mul3A_143, %add3A_190 : i32
        %get3A_192 = arith.index_cast %add3A_191 : i32 to index
        %get3A_193 = arith.constant 0 : index
        %get3A_194 = tpu.vector_load %arg11[%get3A_192, %get3A_193] {strides = array<i32>} : memref<128x32xf32, #tpu.memory_space<vmem>>, vector<1x16xf32>,
        %get3A_195 = vector.shape_cast %get3A_194 : vector<1x16xf32> to vector<16xf32>
        %add3A_196 = arith.constant 1 : i32
        %add3A_197 = arith.addi %mul3A_143, %add3A_196 : i32
        %get3A_198 = arith.index_cast %add3A_197 : i32 to index
        %get3A_199 = arith.constant 16 : index
        %get3A_200 = tpu.vector_load %arg11[%get3A_198, %get3A_199] {strides = array<i32>} : memref<128x32xf32, #tpu.memory_space<vmem>>, vector<1x16xf32>,
        %get3A_201 = vector.shape_cast %get3A_200 : vector<1x16xf32> to vector<16xf32>
        %mul3A_202 = vector.broadcast %squeeze3A_189 : f32 to vector<16xf32>
        %mul3A_203 = arith.mulf %mul3A_202, %get3A_195 : vector<16xf32>
        %mul3A_204 = vector.broadcast %squeeze3A_189 : f32 to vector<16xf32>
        %mul3A_205 = arith.mulf %mul3A_204, %get3A_201 : vector<16xf32>
        %sub3A_206 = arith.subf %get3A_195, %mul3A_203 : vector<16xf32>
        %add3A_207 = arith.constant 1 : i32
        %add3A_208 = arith.addi %mul3A_143, %add3A_207 : i32
        %swap3A_209 = arith.index_cast %add3A_208 : i32 to index
        %swap3A_210 = arith.constant 0 : index
        %swap3A_211 = tpu.vector_load %arg13[%swap3A_209, %swap3A_210] {strides = array<i32>} : memref<128x64xf32, #tpu.memory_space<vmem>>, vector<1x16xf32>,
        %swap3A_212 = vector.shape_cast %swap3A_211 : vector<1x16xf32> to vector<16xf32>
        %swap3A_213 = vector.shape_cast %sub3A_206 : vector<16xf32> to vector<1x16xf32>
        tpu.vector_store %arg13[%swap3A_209, %swap3A_210], %swap3A_213 {strides = array<i32>} : memref<128x64xf32, #tpu.memory_space<vmem>>, vector<1x16xf32>,
        %sub3A_214 = arith.subf %get3A_201, %mul3A_205 : vector<16xf32>
        %add3A_215 = arith.constant 1 : i32
        %add3A_216 = arith.addi %mul3A_143, %add3A_215 : i32
        %swap3A_217 = arith.index_cast %add3A_216 : i32 to index
        %swap3A_218 = arith.constant 16 : index
        %swap3A_219 = tpu.vector_load %arg13[%swap3A_217, %swap3A_218] {strides = array<i32>} : memref<128x64xf32, #tpu.memory_space<vmem>>, vector<1x16xf32>,
        %swap3A_220 = vector.shape_cast %swap3A_219 : vector<1x16xf32> to vector<16xf32>
        %swap3A_221 = vector.shape_cast %sub3A_214 : vector<16xf32> to vector<1x16xf32>
        tpu.vector_store %arg13[%swap3A_217, %swap3A_218], %swap3A_221 {strides = array<i32>} : memref<128x64xf32, #tpu.memory_space<vmem>>, vector<1x16xf32>,
        %add3A_222 = arith.constant 1 : i32
        %add3A_223 = arith.addi %mul3A_143, %add3A_222 : i32
        %swap3A_224 = arith.index_cast %add3A_223 : i32 to index
        %swap3A_225 = arith.constant 32 : index
        %swap3A_226 = tpu.vector_load %arg13[%swap3A_224, %swap3A_225] {strides = array<i32>} : memref<128x64xf32, #tpu.memory_space<vmem>>, vector<1x16xf32>,
        %swap3A_227 = vector.shape_cast %swap3A_226 : vector<1x16xf32> to vector<16xf32>
        %swap3A_228 = vector.shape_cast %mul3A_203 : vector<16xf32> to vector<1x16xf32>
        tpu.vector_store %arg13[%swap3A_224, %swap3A_225], %swap3A_228 {strides = array<i32>} : memref<128x64xf32, #tpu.memory_space<vmem>>, vector<1x16xf32>,
        %add3A_229 = arith.constant 1 : i32
        %add3A_230 = arith.addi %mul3A_143, %add3A_229 : i32
        %swap3A_231 = arith.index_cast %add3A_230 : i32 to index
        %swap3A_232 = arith.constant 48 : index
        %swap3A_233 = tpu.vector_load %arg13[%swap3A_231, %swap3A_232] {strides = array<i32>} : memref<128x64xf32, #tpu.memory_space<vmem>>, vector<1x16xf32>,
        %swap3A_234 = vector.shape_cast %swap3A_233 : vector<1x16xf32> to vector<16xf32>
        %swap3A_235 = vector.shape_cast %mul3A_205 : vector<16xf32> to vector<1x16xf32>
        tpu.vector_store %arg13[%swap3A_231, %swap3A_232], %swap3A_235 {strides = array<i32>} : memref<128x64xf32, #tpu.memory_space<vmem>>, vector<1x16xf32>,
        %slice3A_236 = vector.extract_strided_slice %min3A_141 {offsets = [2], sizes = [1], strides = [1]} : vector<16xf32> to vector<1xf32>
        %squeeze3A_237 = vector.extract %slice3A_236[0] : f32 from vector<1xf32>
        %add3A_238 = arith.constant 2 : i32
        %add3A_239 = arith.addi %mul3A_143, %add3A_238 : i32
        %get3A_240 = arith.index_cast %add3A_239 : i32 to index
        %get3A_241 = arith.constant 0 : index
        %get3A_242 = tpu.vector_load %arg11[%get3A_240, %get3A_241] {strides = array<i32>} : memref<128x32xf32, #tpu.memory_space<vmem>>, vector<1x16xf32>,
        %get3A_243 = vector.shape_cast %get3A_242 : vector<1x16xf32> to vector<16xf32>
        %add3A_244 = arith.constant 2 : i32
        %add3A_245 = arith.addi %mul3A_143, %add3A_244 : i32
        %get3A_246 = arith.index_cast %add3A_245 : i32 to index
        %get3A_247 = arith.constant 16 : index
        %get3A_248 = tpu.vector_load %arg11[%get3A_246, %get3A_247] {strides = array<i32>} : memref<128x32xf32, #tpu.memory_space<vmem>>, vector<1x16xf32>,
        %get3A_249 = vector.shape_cast %get3A_248 : vector<1x16xf32> to vector<16xf32>
        %mul3A_250 = vector.broadcast %squeeze3A_237 : f32 to vector<16xf32>
        %mul3A_251 = arith.mulf %mul3A_250, %get3A_243 : vector<16xf32>
        %mul3A_252 = vector.broadcast %squeeze3A_237 : f32 to vector<16xf32>
        %mul3A_253 = arith.mulf %mul3A_252, %get3A_249 : vector<16xf32>
        %sub3A_254 = arith.subf %get3A_243, %mul3A_251 : vector<16xf32>
        %add3A_255 = arith.constant 2 : i32
        %add3A_256 = arith.addi %mul3A_143, %add3A_255 : i32
        %swap3A_257 = arith.index_cast %add3A_256 : i32 to index
        %swap3A_258 = arith.constant 0 : index
        %swap3A_259 = tpu.vector_load %arg13[%swap3A_257, %swap3A_258] {strides = array<i32>} : memref<128x64xf32, #tpu.memory_space<vmem>>, vector<1x16xf32>,
        %swap3A_260 = vector.shape_cast %swap3A_259 : vector<1x16xf32> to vector<16xf32>
        %swap3A_261 = vector.shape_cast %sub3A_254 : vector<16xf32> to vector<1x16xf32>
        tpu.vector_store %arg13[%swap3A_257, %swap3A_258], %swap3A_261 {strides = array<i32>} : memref<128x64xf32, #tpu.memory_space<vmem>>, vector<1x16xf32>,
        %sub3A_262 = arith.subf %get3A_249, %mul3A_253 : vector<16xf32>
        %add3A_263 = arith.constant 2 : i32
        %add3A_264 = arith.addi %mul3A_143, %add3A_263 : i32
        %swap3A_265 = arith.index_cast %add3A_264 : i32 to index
        %swap3A_266 = arith.constant 16 : index
        %swap3A_267 = tpu.vector_load %arg13[%swap3A_265, %swap3A_266] {strides = array<i32>} : memref<128x64xf32, #tpu.memory_space<vmem>>, vector<1x16xf32>,
        %swap3A_268 = vector.shape_cast %swap3A_267 : vector<1x16xf32> to vector<16xf32>
        %swap3A_269 = vector.shape_cast %sub3A_262 : vector<16xf32> to vector<1x16xf32>
        tpu.vector_store %arg13[%swap3A_265, %swap3A_266], %swap3A_269 {strides = array<i32>} : memref<128x64xf32, #tpu.memory_space<vmem>>, vector<1x16xf32>,
        %add3A_270 = arith.constant 2 : i32
        %add3A_271 = arith.addi %mul3A_143, %add3A_270 : i32
        %swap3A_272 = arith.index_cast %add3A_271 : i32 to index
        %swap3A_273 = arith.constant 32 : index
        %swap3A_274 = tpu.vector_load %arg13[%swap3A_272, %swap3A_273] {strides = array<i32>} : memref<128x64xf32, #tpu.memory_space<vmem>>, vector<1x16xf32>,
        %swap3A_275 = vector.shape_cast %swap3A_274 : vector<1x16xf32> to vector<16xf32>
        %swap3A_276 = vector.shape_cast %mul3A_251 : vector<16xf32> to vector<1x16xf32>
        tpu.vector_store %arg13[%swap3A_272, %swap3A_273], %swap3A_276 {strides = array<i32>} : memref<128x64xf32, #tpu.memory_space<vmem>>, vector<1x16xf32>,
        %add3A_277 = arith.constant 2 : i32
        %add3A_278 = arith.addi %mul3A_143, %add3A_277 : i32
        %swap3A_279 = arith.index_cast %add3A_278 : i32 to index
        %swap3A_280 = arith.constant 48 : index
        %swap3A_281 = tpu.vector_load %arg13[%swap3A_279, %swap3A_280] {strides = array<i32>} : memref<128x64xf32, #tpu.memory_space<vmem>>, vector<1x16xf32>,
        %swap3A_282 = vector.shape_cast %swap3A_281 : vector<1x16xf32> to vector<16xf32>
        %swap3A_283 = vector.shape_cast %mul3A_253 : vector<16xf32> to vector<1x16xf32>
        tpu.vector_store %arg13[%swap3A_279, %swap3A_280], %swap3A_283 {strides = array<i32>} : memref<128x64xf32, #tpu.memory_space<vmem>>, vector<1x16xf32>,
        %slice3A_284 = vector.extract_strided_slice %min3A_141 {offsets = [3], sizes = [1], strides = [1]} : vector<16xf32> to vector<1xf32>
        %squeeze3A_285 = vector.extract %slice3A_284[0] : f32 from vector<1xf32>
        %add3A_286 = arith.constant 3 : i32
        %add3A_287 = arith.addi %mul3A_143, %add3A_286 : i32
        %get3A_288 = arith.index_cast %add3A_287 : i32 to index
        %get3A_289 = arith.constant 0 : index
        %get3A_290 = tpu.vector_load %arg11[%get3A_288, %get3A_289] {strides = array<i32>} : memref<128x32xf32, #tpu.memory_space<vmem>>, vector<1x16xf32>,
        %get3A_291 = vector.shape_cast %get3A_290 : vector<1x16xf32> to vector<16xf32>
        %add3A_292 = arith.constant 3 : i32
        %add3A_293 = arith.addi %mul3A_143, %add3A_292 : i32
        %get3A_294 = arith.index_cast %add3A_293 : i32 to index
        %get3A_295 = arith.constant 16 : index
        %get3A_296 = tpu.vector_load %arg11[%get3A_294, %get3A_295] {strides = array<i32>} : memref<128x32xf32, #tpu.memory_space<vmem>>, vector<1x16xf32>,
        %get3A_297 = vector.shape_cast %get3A_296 : vector<1x16xf32> to vector<16xf32>
        %mul3A_298 = vector.broadcast %squeeze3A_285 : f32 to vector<16xf32>
        %mul3A_299 = arith.mulf %mul3A_298, %get3A_291 : vector<16xf32>
        %mul3A_300 = vector.broadcast %squeeze3A_285 : f32 to vector<16xf32>
        %mul3A_301 = arith.mulf %mul3A_300, %get3A_297 : vector<16xf32>
        %sub3A_302 = arith.subf %get3A_291, %mul3A_299 : vector<16xf32>
        %add3A_303 = arith.constant 3 : i32
        %add3A_304 = arith.addi %mul3A_143, %add3A_303 : i32
        %swap3A_305 = arith.index_cast %add3A_304 : i32 to index
        %swap3A_306 = arith.constant 0 : index
        %swap3A_307 = tpu.vector_load %arg13[%swap3A_305, %swap3A_306] {strides = array<i32>} : memref<128x64xf32, #tpu.memory_space<vmem>>, vector<1x16xf32>,
        %swap3A_308 = vector.shape_cast %swap3A_307 : vector<1x16xf32> to vector<16xf32>
        %swap3A_309 = vector.shape_cast %sub3A_302 : vector<16xf32> to vector<1x16xf32>
        tpu.vector_store %arg13[%swap3A_305, %swap3A_306], %swap3A_309 {strides = array<i32>} : memref<128x64xf32, #tpu.memory_space<vmem>>, vector<1x16xf32>,
        %sub3A_310 = arith.subf %get3A_297, %mul3A_301 : vector<16xf32>
        %add3A_311 = arith.constant 3 : i32
        %add3A_312 = arith.addi %mul3A_143, %add3A_311 : i32
        %swap3A_313 = arith.index_cast %add3A_312 : i32 to index
        %swap3A_314 = arith.constant 16 : index
        %swap3A_315 = tpu.vector_load %arg13[%swap3A_313, %swap3A_314] {strides = array<i32>} : memref<128x64xf32, #tpu.memory_space<vmem>>, vector<1x16xf32>,
        %swap3A_316 = vector.shape_cast %swap3A_315 : vector<1x16xf32> to vector<16xf32>
        %swap3A_317 = vector.shape_cast %sub3A_310 : vector<16xf32> to vector<1x16xf32>
        tpu.vector_store %arg13[%swap3A_313, %swap3A_314], %swap3A_317 {strides = array<i32>} : memref<128x64xf32, #tpu.memory_space<vmem>>, vector<1x16xf32>,
        %add3A_318 = arith.constant 3 : i32
        %add3A_319 = arith.addi %mul3A_143, %add3A_318 : i32
        %swap3A_320 = arith.index_cast %add3A_319 : i32 to index
        %swap3A_321 = arith.constant 32 : index
        %swap3A_322 = tpu.vector_load %arg13[%swap3A_320, %swap3A_321] {strides = array<i32>} : memref<128x64xf32, #tpu.memory_space<vmem>>, vector<1x16xf32>,
        %swap3A_323 = vector.shape_cast %swap3A_322 : vector<1x16xf32> to vector<16xf32>
        %swap3A_324 = vector.shape_cast %mul3A_299 : vector<16xf32> to vector<1x16xf32>
        tpu.vector_store %arg13[%swap3A_320, %swap3A_321], %swap3A_324 {strides = array<i32>} : memref<128x64xf32, #tpu.memory_space<vmem>>, vector<1x16xf32>,
        %add3A_325 = arith.constant 3 : i32
        %add3A_326 = arith.addi %mul3A_143, %add3A_325 : i32
        %swap3A_327 = arith.index_cast %add3A_326 : i32 to index
        %swap3A_328 = arith.constant 48 : index
        %swap3A_329 = tpu.vector_load %arg13[%swap3A_327, %swap3A_328] {strides = array<i32>} : memref<128x64xf32, #tpu.memory_space<vmem>>, vector<1x16xf32>,
        %swap3A_330 = vector.shape_cast %swap3A_329 : vector<1x16xf32> to vector<16xf32>
        %swap3A_331 = vector.shape_cast %mul3A_301 : vector<16xf32> to vector<1x16xf32>
        tpu.vector_store %arg13[%swap3A_327, %swap3A_328], %swap3A_331 {strides = array<i32>} : memref<128x64xf32, #tpu.memory_space<vmem>>, vector<1x16xf32>,
        %slice3A_332 = vector.extract_strided_slice %min3A_141 {offsets = [4], sizes = [1], strides = [1]} : vector<16xf32> to vector<1xf32>
        %squeeze3A_333 = vector.extract %slice3A_332[0] : f32 from vector<1xf32>
        %add3A_334 = arith.constant 4 : i32
        %add3A_335 = arith.addi %mul3A_143, %add3A_334 : i32
        %get3A_336 = arith.index_cast %add3A_335 : i32 to index
        %get3A_337 = arith.constant 0 : index
        %get3A_338 = tpu.vector_load %arg11[%get3A_336, %get3A_337] {strides = array<i32>} : memref<128x32xf32, #tpu.memory_space<vmem>>, vector<1x16xf32>,
        %get3A_339 = vector.shape_cast %get3A_338 : vector<1x16xf32> to vector<16xf32>
        %add3A_340 = arith.constant 4 : i32
        %add3A_341 = arith.addi %mul3A_143, %add3A_340 : i32
        %get3A_342 = arith.index_cast %add3A_341 : i32 to index
        %get3A_343 = arith.constant 16 : index
        %get3A_344 = tpu.vector_load %arg11[%get3A_342, %get3A_343] {strides = array<i32>} : memref<128x32xf32, #tpu.memory_space<vmem>>, vector<1x16xf32>,
        %get3A_345 = vector.shape_cast %get3A_344 : vector<1x16xf32> to vector<16xf32>
        %mul3A_346 = vector.broadcast %squeeze3A_333 : f32 to vector<16xf32>
        %mul3A_347 = arith.mulf %mul3A_346, %get3A_339 : vector<16xf32>
        %mul3A_348 = vector.broadcast %squeeze3A_333 : f32 to vector<16xf32>
        %mul3A_349 = arith.mulf %mul3A_348, %get3A_345 : vector<16xf32>
        %sub3A_350 = arith.subf %get3A_339, %mul3A_347 : vector<16xf32>
        %add3A_351 = arith.constant 4 : i32
        %add3A_352 = arith.addi %mul3A_143, %add3A_351 : i32
        %swap3A_353 = arith.index_cast %add3A_352 : i32 to index
        %swap3A_354 = arith.constant 0 : index
        %swap3A_355 = tpu.vector_load %arg13[%swap3A_353, %swap3A_354] {strides = array<i32>} : memref<128x64xf32, #tpu.memory_space<vmem>>, vector<1x16xf32>,
        %swap3A_356 = vector.shape_cast %swap3A_355 : vector<1x16xf32> to vector<16xf32>
        %swap3A_357 = vector.shape_cast %sub3A_350 : vector<16xf32> to vector<1x16xf32>
        tpu.vector_store %arg13[%swap3A_353, %swap3A_354], %swap3A_357 {strides = array<i32>} : memref<128x64xf32, #tpu.memory_space<vmem>>, vector<1x16xf32>,
        %sub3A_358 = arith.subf %get3A_345, %mul3A_349 : vector<16xf32>
        %add3A_359 = arith.constant 4 : i32
        %add3A_360 = arith.addi %mul3A_143, %add3A_359 : i32
        %swap3A_361 = arith.index_cast %add3A_360 : i32 to index
        %swap3A_362 = arith.constant 16 : index
        %swap3A_363 = tpu.vector_load %arg13[%swap3A_361, %swap3A_362] {strides = array<i32>} : memref<128x64xf32, #tpu.memory_space<vmem>>, vector<1x16xf32>,
        %swap3A_364 = vector.shape_cast %swap3A_363 : vector<1x16xf32> to vector<16xf32>
        %swap3A_365 = vector.shape_cast %sub3A_358 : vector<16xf32> to vector<1x16xf32>
        tpu.vector_store %arg13[%swap3A_361, %swap3A_362], %swap3A_365 {strides = array<i32>} : memref<128x64xf32, #tpu.memory_space<vmem>>, vector<1x16xf32>,
        %add3A_366 = arith.constant 4 : i32
        %add3A_367 = arith.addi %mul3A_143, %add3A_366 : i32
        %swap3A_368 = arith.index_cast %add3A_367 : i32 to index
        %swap3A_369 = arith.constant 32 : index
        %swap3A_370 = tpu.vector_load %arg13[%swap3A_368, %swap3A_369] {strides = array<i32>} : memref<128x64xf32, #tpu.memory_space<vmem>>, vector<1x16xf32>,
        %swap3A_371 = vector.shape_cast %swap3A_370 : vector<1x16xf32> to vector<16xf32>
        %swap3A_372 = vector.shape_cast %mul3A_347 : vector<16xf32> to vector<1x16xf32>
        tpu.vector_store %arg13[%swap3A_368, %swap3A_369], %swap3A_372 {strides = array<i32>} : memref<128x64xf32, #tpu.memory_space<vmem>>, vector<1x16xf32>,
        %add3A_373 = arith.constant 4 : i32
        %add3A_374 = arith.addi %mul3A_143, %add3A_373 : i32
        %swap3A_375 = arith.index_cast %add3A_374 : i32 to index
        %swap3A_376 = arith.constant 48 : index
        %swap3A_377 = tpu.vector_load %arg13[%swap3A_375, %swap3A_376] {strides = array<i32>} : memref<128x64xf32, #tpu.memory_space<vmem>>, vector<1x16xf32>,
        %swap3A_378 = vector.shape_cast %swap3A_377 : vector<1x16xf32> to vector<16xf32>
        %swap3A_379 = vector.shape_cast %mul3A_349 : vector<16xf32> to vector<1x16xf32>
        tpu.vector_store %arg13[%swap3A_375, %swap3A_376], %swap3A_379 {strides = array<i32>} : memref<128x64xf32, #tpu.memory_space<vmem>>, vector<1x16xf32>,
        %slice3A_380 = vector.extract_strided_slice %min3A_141 {offsets = [5], sizes = [1], strides = [1]} : vector<16xf32> to vector<1xf32>
        %squeeze3A_381 = vector.extract %slice3A_380[0] : f32 from vector<1xf32>
        %add3A_382 = arith.constant 5 : i32
        %add3A_383 = arith.addi %mul3A_143, %add3A_382 : i32
        %get3A_384 = arith.index_cast %add3A_383 : i32 to index
        %get3A_385 = arith.constant 0 : index
        %get3A_386 = tpu.vector_load %arg11[%get3A_384, %get3A_385] {strides = array<i32>} : memref<128x32xf32, #tpu.memory_space<vmem>>, vector<1x16xf32>,
        %get3A_387 = vector.shape_cast %get3A_386 : vector<1x16xf32> to vector<16xf32>
        %add3A_388 = arith.constant 5 : i32
        %add3A_389 = arith.addi %mul3A_143, %add3A_388 : i32
        %get3A_390 = arith.index_cast %add3A_389 : i32 to index
        %get3A_391 = arith.constant 16 : index
        %get3A_392 = tpu.vector_load %arg11[%get3A_390, %get3A_391] {strides = array<i32>} : memref<128x32xf32, #tpu.memory_space<vmem>>, vector<1x16xf32>,
        %get3A_393 = vector.shape_cast %get3A_392 : vector<1x16xf32> to vector<16xf32>
        %mul3A_394 = vector.broadcast %squeeze3A_381 : f32 to vector<16xf32>
        %mul3A_395 = arith.mulf %mul3A_394, %get3A_387 : vector<16xf32>
        %mul3A_396 = vector.broadcast %squeeze3A_381 : f32 to vector<16xf32>
        %mul3A_397 = arith.mulf %mul3A_396, %get3A_393 : vector<16xf32>
        %sub3A_398 = arith.subf %get3A_387, %mul3A_395 : vector<16xf32>
        %add3A_399 = arith.constant 5 : i32
        %add3A_400 = arith.addi %mul3A_143, %add3A_399 : i32
        %swap3A_401 = arith.index_cast %add3A_400 : i32 to index
        %swap3A_402 = arith.constant 0 : index
        %swap3A_403 = tpu.vector_load %arg13[%swap3A_401, %swap3A_402] {strides = array<i32>} : memref<128x64xf32, #tpu.memory_space<vmem>>, vector<1x16xf32>,
        %swap3A_404 = vector.shape_cast %swap3A_403 : vector<1x16xf32> to vector<16xf32>
        %swap3A_405 = vector.shape_cast %sub3A_398 : vector<16xf32> to vector<1x16xf32>
        tpu.vector_store %arg13[%swap3A_401, %swap3A_402], %swap3A_405 {strides = array<i32>} : memref<128x64xf32, #tpu.memory_space<vmem>>, vector<1x16xf32>,
        %sub3A_406 = arith.subf %get3A_393, %mul3A_397 : vector<16xf32>
        %add3A_407 = arith.constant 5 : i32
        %add3A_408 = arith.addi %mul3A_143, %add3A_407 : i32
        %swap3A_409 = arith.index_cast %add3A_408 : i32 to index
        %swap3A_410 = arith.constant 16 : index
        %swap3A_411 = tpu.vector_load %arg13[%swap3A_409, %swap3A_410] {strides = array<i32>} : memref<128x64xf32, #tpu.memory_space<vmem>>, vector<1x16xf32>,
        %swap3A_412 = vector.shape_cast %swap3A_411 : vector<1x16xf32> to vector<16xf32>
        %swap3A_413 = vector.shape_cast %sub3A_406 : vector<16xf32> to vector<1x16xf32>
        tpu.vector_store %arg13[%swap3A_409, %swap3A_410], %swap3A_413 {strides = array<i32>} : memref<128x64xf32, #tpu.memory_space<vmem>>, vector<1x16xf32>,
        %add3A_414 = arith.constant 5 : i32
        %add3A_415 = arith.addi %mul3A_143, %add3A_414 : i32
        %swap3A_416 = arith.index_cast %add3A_415 : i32 to index
        %swap3A_417 = arith.constant 32 : index
        %swap3A_418 = tpu.vector_load %arg13[%swap3A_416, %swap3A_417] {strides = array<i32>} : memref<128x64xf32, #tpu.memory_space<vmem>>, vector<1x16xf32>,
        %swap3A_419 = vector.shape_cast %swap3A_418 : vector<1x16xf32> to vector<16xf32>
        %swap3A_420 = vector.shape_cast %mul3A_395 : vector<16xf32> to vector<1x16xf32>
        tpu.vector_store %arg13[%swap3A_416, %swap3A_417], %swap3A_420 {strides = array<i32>} : memref<128x64xf32, #tpu.memory_space<vmem>>, vector<1x16xf32>,
        %add3A_421 = arith.constant 5 : i32
        %add3A_422 = arith.addi %mul3A_143, %add3A_421 : i32
        %swap3A_423 = arith.index_cast %add3A_422 : i32 to index
        %swap3A_424 = arith.constant 48 : index
        %swap3A_425 = tpu.vector_load %arg13[%swap3A_423, %swap3A_424] {strides = array<i32>} : memref<128x64xf32, #tpu.memory_space<vmem>>, vector<1x16xf32>,
        %swap3A_426 = vector.shape_cast %swap3A_425 : vector<1x16xf32> to vector<16xf32>
        %swap3A_427 = vector.shape_cast %mul3A_397 : vector<16xf32> to vector<1x16xf32>
        tpu.vector_store %arg13[%swap3A_423, %swap3A_424], %swap3A_427 {strides = array<i32>} : memref<128x64xf32, #tpu.memory_space<vmem>>, vector<1x16xf32>,
        %slice3A_428 = vector.extract_strided_slice %min3A_141 {offsets = [6], sizes = [1], strides = [1]} : vector<16xf32> to vector<1xf32>
        %squeeze3A_429 = vector.extract %slice3A_428[0] : f32 from vector<1xf32>
        %add3A_430 = arith.constant 6 : i32
        %add3A_431 = arith.addi %mul3A_143, %add3A_430 : i32
        %get3A_432 = arith.index_cast %add3A_431 : i32 to index
        %get3A_433 = arith.constant 0 : index
        %get3A_434 = tpu.vector_load %arg11[%get3A_432, %get3A_433] {strides = array<i32>} : memref<128x32xf32, #tpu.memory_space<vmem>>, vector<1x16xf32>,
        %get3A_435 = vector.shape_cast %get3A_434 : vector<1x16xf32> to vector<16xf32>
        %add3A_436 = arith.constant 6 : i32
        %add3A_437 = arith.addi %mul3A_143, %add3A_436 : i32
        %get3A_438 = arith.index_cast %add3A_437 : i32 to index
        %get3A_439 = arith.constant 16 : index
        %get3A_440 = tpu.vector_load %arg11[%get3A_438, %get3A_439] {strides = array<i32>} : memref<128x32xf32, #tpu.memory_space<vmem>>, vector<1x16xf32>,
        %get3A_441 = vector.shape_cast %get3A_440 : vector<1x16xf32> to vector<16xf32>
        %mul3A_442 = vector.broadcast %squeeze3A_429 : f32 to vector<16xf32>
        %mul3A_443 = arith.mulf %mul3A_442, %get3A_435 : vector<16xf32>
        %mul3A_444 = vector.broadcast %squeeze3A_429 : f32 to vector<16xf32>
        %mul3A_445 = arith.mulf %mul3A_444, %get3A_441 : vector<16xf32>
        %sub3A_446 = arith.subf %get3A_435, %mul3A_443 : vector<16xf32>
        %add3A_447 = arith.constant 6 : i32
        %add3A_448 = arith.addi %mul3A_143, %add3A_447 : i32
        %swap3A_449 = arith.index_cast %add3A_448 : i32 to index
        %swap3A_450 = arith.constant 0 : index
        %swap3A_451 = tpu.vector_load %arg13[%swap3A_449, %swap3A_450] {strides = array<i32>} : memref<128x64xf32, #tpu.memory_space<vmem>>, vector<1x16xf32>,
        %swap3A_452 = vector.shape_cast %swap3A_451 : vector<1x16xf32> to vector<16xf32>
        %swap3A_453 = vector.shape_cast %sub3A_446 : vector<16xf32> to vector<1x16xf32>
        tpu.vector_store %arg13[%swap3A_449, %swap3A_450], %swap3A_453 {strides = array<i32>} : memref<128x64xf32, #tpu.memory_space<vmem>>, vector<1x16xf32>,
        %sub3A_454 = arith.subf %get3A_441, %mul3A_445 : vector<16xf32>
        %add3A_455 = arith.constant 6 : i32
        %add3A_456 = arith.addi %mul3A_143, %add3A_455 : i32
        %swap3A_457 = arith.index_cast %add3A_456 : i32 to index
        %swap3A_458 = arith.constant 16 : index
        %swap3A_459 = tpu.vector_load %arg13[%swap3A_457, %swap3A_458] {strides = array<i32>} : memref<128x64xf32, #tpu.memory_space<vmem>>, vector<1x16xf32>,
        %swap3A_460 = vector.shape_cast %swap3A_459 : vector<1x16xf32> to vector<16xf32>
        %swap3A_461 = vector.shape_cast %sub3A_454 : vector<16xf32> to vector<1x16xf32>
        tpu.vector_store %arg13[%swap3A_457, %swap3A_458], %swap3A_461 {strides = array<i32>} : memref<128x64xf32, #tpu.memory_space<vmem>>, vector<1x16xf32>,
        %add3A_462 = arith.constant 6 : i32
        %add3A_463 = arith.addi %mul3A_143, %add3A_462 : i32
        %swap3A_464 = arith.index_cast %add3A_463 : i32 to index
        %swap3A_465 = arith.constant 32 : index
        %swap3A_466 = tpu.vector_load %arg13[%swap3A_464, %swap3A_465] {strides = array<i32>} : memref<128x64xf32, #tpu.memory_space<vmem>>, vector<1x16xf32>,
        %swap3A_467 = vector.shape_cast %swap3A_466 : vector<1x16xf32> to vector<16xf32>
        %swap3A_468 = vector.shape_cast %mul3A_443 : vector<16xf32> to vector<1x16xf32>
        tpu.vector_store %arg13[%swap3A_464, %swap3A_465], %swap3A_468 {strides = array<i32>} : memref<128x64xf32, #tpu.memory_space<vmem>>, vector<1x16xf32>,
        %add3A_469 = arith.constant 6 : i32
        %add3A_470 = arith.addi %mul3A_143, %add3A_469 : i32
        %swap3A_471 = arith.index_cast %add3A_470 : i32 to index
        %swap3A_472 = arith.constant 48 : index
        %swap3A_473 = tpu.vector_load %arg13[%swap3A_471, %swap3A_472] {strides = array<i32>} : memref<128x64xf32, #tpu.memory_space<vmem>>, vector<1x16xf32>,
        %swap3A_474 = vector.shape_cast %swap3A_473 : vector<1x16xf32> to vector<16xf32>
        %swap3A_475 = vector.shape_cast %mul3A_445 : vector<16xf32> to vector<1x16xf32>
        tpu.vector_store %arg13[%swap3A_471, %swap3A_472], %swap3A_475 {strides = array<i32>} : memref<128x64xf32, #tpu.memory_space<vmem>>, vector<1x16xf32>,
        %slice3A_476 = vector.extract_strided_slice %min3A_141 {offsets = [7], sizes = [1], strides = [1]} : vector<16xf32> to vector<1xf32>
        %squeeze3A_477 = vector.extract %slice3A_476[0] : f32 from vector<1xf32>
        %add3A_478 = arith.constant 7 : i32
        %add3A_479 = arith.addi %mul3A_143, %add3A_478 : i32
        %get3A_480 = arith.index_cast %add3A_479 : i32 to index
        %get3A_481 = arith.constant 0 : index
        %get3A_482 = tpu.vector_load %arg11[%get3A_480, %get3A_481] {strides = array<i32>} : memref<128x32xf32, #tpu.memory_space<vmem>>, vector<1x16xf32>,
        %get3A_483 = vector.shape_cast %get3A_482 : vector<1x16xf32> to vector<16xf32>
        %add3A_484 = arith.constant 7 : i32
        %add3A_485 = arith.addi %mul3A_143, %add3A_484 : i32
        %get3A_486 = arith.index_cast %add3A_485 : i32 to index
        %get3A_487 = arith.constant 16 : index
        %get3A_488 = tpu.vector_load %arg11[%get3A_486, %get3A_487] {strides = array<i32>} : memref<128x32xf32, #tpu.memory_space<vmem>>, vector<1x16xf32>,
        %get3A_489 = vector.shape_cast %get3A_488 : vector<1x16xf32> to vector<16xf32>
        %mul3A_490 = vector.broadcast %squeeze3A_477 : f32 to vector<16xf32>
        %mul3A_491 = arith.mulf %mul3A_490, %get3A_483 : vector<16xf32>
        %mul3A_492 = vector.broadcast %squeeze3A_477 : f32 to vector<16xf32>
        %mul3A_493 = arith.mulf %mul3A_492, %get3A_489 : vector<16xf32>
        %sub3A_494 = arith.subf %get3A_483, %mul3A_491 : vector<16xf32>
        %add3A_495 = arith.constant 7 : i32
        %add3A_496 = arith.addi %mul3A_143, %add3A_495 : i32
        %swap3A_497 = arith.index_cast %add3A_496 : i32 to index
        %swap3A_498 = arith.constant 0 : index
        %swap3A_499 = tpu.vector_load %arg13[%swap3A_497, %swap3A_498] {strides = array<i32>} : memref<128x64xf32, #tpu.memory_space<vmem>>, vector<1x16xf32>,
        %swap3A_500 = vector.shape_cast %swap3A_499 : vector<1x16xf32> to vector<16xf32>
        %swap3A_501 = vector.shape_cast %sub3A_494 : vector<16xf32> to vector<1x16xf32>
        tpu.vector_store %arg13[%swap3A_497, %swap3A_498], %swap3A_501 {strides = array<i32>} : memref<128x64xf32, #tpu.memory_space<vmem>>, vector<1x16xf32>,
        %sub3A_502 = arith.subf %get3A_489, %mul3A_493 : vector<16xf32>
        %add3A_503 = arith.constant 7 : i32
        %add3A_504 = arith.addi %mul3A_143, %add3A_503 : i32
        %swap3A_505 = arith.index_cast %add3A_504 : i32 to index
        %swap3A_506 = arith.constant 16 : index
        %swap3A_507 = tpu.vector_load %arg13[%swap3A_505, %swap3A_506] {strides = array<i32>} : memref<128x64xf32, #tpu.memory_space<vmem>>, vector<1x16xf32>,
        %swap3A_508 = vector.shape_cast %swap3A_507 : vector<1x16xf32> to vector<16xf32>
        %swap3A_509 = vector.shape_cast %sub3A_502 : vector<16xf32> to vector<1x16xf32>
        tpu.vector_store %arg13[%swap3A_505, %swap3A_506], %swap3A_509 {strides = array<i32>} : memref<128x64xf32, #tpu.memory_space<vmem>>, vector<1x16xf32>,
        %add3A_510 = arith.constant 7 : i32
        %add3A_511 = arith.addi %mul3A_143, %add3A_510 : i32
        %swap3A_512 = arith.index_cast %add3A_511 : i32 to index
        %swap3A_513 = arith.constant 32 : index
        %swap3A_514 = tpu.vector_load %arg13[%swap3A_512, %swap3A_513] {strides = array<i32>} : memref<128x64xf32, #tpu.memory_space<vmem>>, vector<1x16xf32>,
        %swap3A_515 = vector.shape_cast %swap3A_514 : vector<1x16xf32> to vector<16xf32>
        %swap3A_516 = vector.shape_cast %mul3A_491 : vector<16xf32> to vector<1x16xf32>
        tpu.vector_store %arg13[%swap3A_512, %swap3A_513], %swap3A_516 {strides = array<i32>} : memref<128x64xf32, #tpu.memory_space<vmem>>, vector<1x16xf32>,
        %add3A_517 = arith.constant 7 : i32
        %add3A_518 = arith.addi %mul3A_143, %add3A_517 : i32
        %swap3A_519 = arith.index_cast %add3A_518 : i32 to index
        %swap3A_520 = arith.constant 48 : index
        %swap3A_521 = tpu.vector_load %arg13[%swap3A_519, %swap3A_520] {strides = array<i32>} : memref<128x64xf32, #tpu.memory_space<vmem>>, vector<1x16xf32>,
        %swap3A_522 = vector.shape_cast %swap3A_521 : vector<1x16xf32> to vector<16xf32>
        %swap3A_523 = vector.shape_cast %mul3A_493 : vector<16xf32> to vector<1x16xf32>
        tpu.vector_store %arg13[%swap3A_519, %swap3A_520], %swap3A_523 {strides = array<i32>} : memref<128x64xf32, #tpu.memory_space<vmem>>, vector<1x16xf32>,
        %slice3A_524 = vector.extract_strided_slice %min3A_141 {offsets = [8], sizes = [1], strides = [1]} : vector<16xf32> to vector<1xf32>
        %squeeze3A_525 = vector.extract %slice3A_524[0] : f32 from vector<1xf32>
        %add3A_526 = arith.constant 8 : i32
        %add3A_527 = arith.addi %mul3A_143, %add3A_526 : i32
        %get3A_528 = arith.index_cast %add3A_527 : i32 to index
        %get3A_529 = arith.constant 0 : index
        %get3A_530 = tpu.vector_load %arg11[%get3A_528, %get3A_529] {strides = array<i32>} : memref<128x32xf32, #tpu.memory_space<vmem>>, vector<1x16xf32>,
        %get3A_531 = vector.shape_cast %get3A_530 : vector<1x16xf32> to vector<16xf32>
        %add3A_532 = arith.constant 8 : i32
        %add3A_533 = arith.addi %mul3A_143, %add3A_532 : i32
        %get3A_534 = arith.index_cast %add3A_533 : i32 to index
        %get3A_535 = arith.constant 16 : index
        %get3A_536 = tpu.vector_load %arg11[%get3A_534, %get3A_535] {strides = array<i32>} : memref<128x32xf32, #tpu.memory_space<vmem>>, vector<1x16xf32>,
        %get3A_537 = vector.shape_cast %get3A_536 : vector<1x16xf32> to vector<16xf32>
        %mul3A_538 = vector.broadcast %squeeze3A_525 : f32 to vector<16xf32>
        %mul3A_539 = arith.mulf %mul3A_538, %get3A_531 : vector<16xf32>
        %mul3A_540 = vector.broadcast %squeeze3A_525 : f32 to vector<16xf32>
        %mul3A_541 = arith.mulf %mul3A_540, %get3A_537 : vector<16xf32>
        %sub3A_542 = arith.subf %get3A_531, %mul3A_539 : vector<16xf32>
        %add3A_543 = arith.constant 8 : i32
        %add3A_544 = arith.addi %mul3A_143, %add3A_543 : i32
        %swap3A_545 = arith.index_cast %add3A_544 : i32 to index
        %swap3A_546 = arith.constant 0 : index
        %swap3A_547 = tpu.vector_load %arg13[%swap3A_545, %swap3A_546] {strides = array<i32>} : memref<128x64xf32, #tpu.memory_space<vmem>>, vector<1x16xf32>,
        %swap3A_548 = vector.shape_cast %swap3A_547 : vector<1x16xf32> to vector<16xf32>
        %swap3A_549 = vector.shape_cast %sub3A_542 : vector<16xf32> to vector<1x16xf32>
        tpu.vector_store %arg13[%swap3A_545, %swap3A_546], %swap3A_549 {strides = array<i32>} : memref<128x64xf32, #tpu.memory_space<vmem>>, vector<1x16xf32>,
        %sub3A_550 = arith.subf %get3A_537, %mul3A_541 : vector<16xf32>
        %add3A_551 = arith.constant 8 : i32
        %add3A_552 = arith.addi %mul3A_143, %add3A_551 : i32
        %swap3A_553 = arith.index_cast %add3A_552 : i32 to index
        %swap3A_554 = arith.constant 16 : index
        %swap3A_555 = tpu.vector_load %arg13[%swap3A_553, %swap3A_554] {strides = array<i32>} : memref<128x64xf32, #tpu.memory_space<vmem>>, vector<1x16xf32>,
        %swap3A_556 = vector.shape_cast %swap3A_555 : vector<1x16xf32> to vector<16xf32>
        %swap3A_557 = vector.shape_cast %sub3A_550 : vector<16xf32> to vector<1x16xf32>
        tpu.vector_store %arg13[%swap3A_553, %swap3A_554], %swap3A_557 {strides = array<i32>} : memref<128x64xf32, #tpu.memory_space<vmem>>, vector<1x16xf32>,
        %add3A_558 = arith.constant 8 : i32
        %add3A_559 = arith.addi %mul3A_143, %add3A_558 : i32
        %swap3A_560 = arith.index_cast %add3A_559 : i32 to index
        %swap3A_561 = arith.constant 32 : index
        %swap3A_562 = tpu.vector_load %arg13[%swap3A_560, %swap3A_561] {strides = array<i32>} : memref<128x64xf32, #tpu.memory_space<vmem>>, vector<1x16xf32>,
        %swap3A_563 = vector.shape_cast %swap3A_562 : vector<1x16xf32> to vector<16xf32>
        %swap3A_564 = vector.shape_cast %mul3A_539 : vector<16xf32> to vector<1x16xf32>
        tpu.vector_store %arg13[%swap3A_560, %swap3A_561], %swap3A_564 {strides = array<i32>} : memref<128x64xf32, #tpu.memory_space<vmem>>, vector<1x16xf32>,
        %add3A_565 = arith.constant 8 : i32
        %add3A_566 = arith.addi %mul3A_143, %add3A_565 : i32
        %swap3A_567 = arith.index_cast %add3A_566 : i32 to index
        %swap3A_568 = arith.constant 48 : index
        %swap3A_569 = tpu.vector_load %arg13[%swap3A_567, %swap3A_568] {strides = array<i32>} : memref<128x64xf32, #tpu.memory_space<vmem>>, vector<1x16xf32>,
        %swap3A_570 = vector.shape_cast %swap3A_569 : vector<1x16xf32> to vector<16xf32>
        %swap3A_571 = vector.shape_cast %mul3A_541 : vector<16xf32> to vector<1x16xf32>
        tpu.vector_store %arg13[%swap3A_567, %swap3A_568], %swap3A_571 {strides = array<i32>} : memref<128x64xf32, #tpu.memory_space<vmem>>, vector<1x16xf32>,
        %slice3A_572 = vector.extract_strided_slice %min3A_141 {offsets = [9], sizes = [1], strides = [1]} : vector<16xf32> to vector<1xf32>
        %squeeze3A_573 = vector.extract %slice3A_572[0] : f32 from vector<1xf32>
        %add3A_574 = arith.constant 9 : i32
        %add3A_575 = arith.addi %mul3A_143, %add3A_574 : i32
        %get3A_576 = arith.index_cast %add3A_575 : i32 to index
        %get3A_577 = arith.constant 0 : index
        %get3A_578 = tpu.vector_load %arg11[%get3A_576, %get3A_577] {strides = array<i32>} : memref<128x32xf32, #tpu.memory_space<vmem>>, vector<1x16xf32>,
        %get3A_579 = vector.shape_cast %get3A_578 : vector<1x16xf32> to vector<16xf32>
        %add3A_580 = arith.constant 9 : i32
        %add3A_581 = arith.addi %mul3A_143, %add3A_580 : i32
        %get3A_582 = arith.index_cast %add3A_581 : i32 to index
        %get3A_583 = arith.constant 16 : index
        %get3A_584 = tpu.vector_load %arg11[%get3A_582, %get3A_583] {strides = array<i32>} : memref<128x32xf32, #tpu.memory_space<vmem>>, vector<1x16xf32>,
        %get3A_585 = vector.shape_cast %get3A_584 : vector<1x16xf32> to vector<16xf32>
        %mul3A_586 = vector.broadcast %squeeze3A_573 : f32 to vector<16xf32>
        %mul3A_587 = arith.mulf %mul3A_586, %get3A_579 : vector<16xf32>
        %mul3A_588 = vector.broadcast %squeeze3A_573 : f32 to vector<16xf32>
        %mul3A_589 = arith.mulf %mul3A_588, %get3A_585 : vector<16xf32>
        %sub3A_590 = arith.subf %get3A_579, %mul3A_587 : vector<16xf32>
        %add3A_591 = arith.constant 9 : i32
        %add3A_592 = arith.addi %mul3A_143, %add3A_591 : i32
        %swap3A_593 = arith.index_cast %add3A_592 : i32 to index
        %swap3A_594 = arith.constant 0 : index
        %swap3A_595 = tpu.vector_load %arg13[%swap3A_593, %swap3A_594] {strides = array<i32>} : memref<128x64xf32, #tpu.memory_space<vmem>>, vector<1x16xf32>,
        %swap3A_596 = vector.shape_cast %swap3A_595 : vector<1x16xf32> to vector<16xf32>
        %swap3A_597 = vector.shape_cast %sub3A_590 : vector<16xf32> to vector<1x16xf32>
        tpu.vector_store %arg13[%swap3A_593, %swap3A_594], %swap3A_597 {strides = array<i32>} : memref<128x64xf32, #tpu.memory_space<vmem>>, vector<1x16xf32>,
        %sub3A_598 = arith.subf %get3A_585, %mul3A_589 : vector<16xf32>
        %add3A_599 = arith.constant 9 : i32
        %add3A_600 = arith.addi %mul3A_143, %add3A_599 : i32
        %swap3A_601 = arith.index_cast %add3A_600 : i32 to index
        %swap3A_602 = arith.constant 16 : index
        %swap3A_603 = tpu.vector_load %arg13[%swap3A_601, %swap3A_602] {strides = array<i32>} : memref<128x64xf32, #tpu.memory_space<vmem>>, vector<1x16xf32>,
        %swap3A_604 = vector.shape_cast %swap3A_603 : vector<1x16xf32> to vector<16xf32>
        %swap3A_605 = vector.shape_cast %sub3A_598 : vector<16xf32> to vector<1x16xf32>
        tpu.vector_store %arg13[%swap3A_601, %swap3A_602], %swap3A_605 {strides = array<i32>} : memref<128x64xf32, #tpu.memory_space<vmem>>, vector<1x16xf32>,
        %add3A_606 = arith.constant 9 : i32
        %add3A_607 = arith.addi %mul3A_143, %add3A_606 : i32
        %swap3A_608 = arith.index_cast %add3A_607 : i32 to index
        %swap3A_609 = arith.constant 32 : index
        %swap3A_610 = tpu.vector_load %arg13[%swap3A_608, %swap3A_609] {strides = array<i32>} : memref<128x64xf32, #tpu.memory_space<vmem>>, vector<1x16xf32>,
        %swap3A_611 = vector.shape_cast %swap3A_610 : vector<1x16xf32> to vector<16xf32>
        %swap3A_612 = vector.shape_cast %mul3A_587 : vector<16xf32> to vector<1x16xf32>
        tpu.vector_store %arg13[%swap3A_608, %swap3A_609], %swap3A_612 {strides = array<i32>} : memref<128x64xf32, #tpu.memory_space<vmem>>, vector<1x16xf32>,
        %add3A_613 = arith.constant 9 : i32
        %add3A_614 = arith.addi %mul3A_143, %add3A_613 : i32
        %swap3A_615 = arith.index_cast %add3A_614 : i32 to index
        %swap3A_616 = arith.constant 48 : index
        %swap3A_617 = tpu.vector_load %arg13[%swap3A_615, %swap3A_616] {strides = array<i32>} : memref<128x64xf32, #tpu.memory_space<vmem>>, vector<1x16xf32>,
        %swap3A_618 = vector.shape_cast %swap3A_617 : vector<1x16xf32> to vector<16xf32>
        %swap3A_619 = vector.shape_cast %mul3A_589 : vector<16xf32> to vector<1x16xf32>
        tpu.vector_store %arg13[%swap3A_615, %swap3A_616], %swap3A_619 {strides = array<i32>} : memref<128x64xf32, #tpu.memory_space<vmem>>, vector<1x16xf32>,
        %slice3A_620 = vector.extract_strided_slice %min3A_141 {offsets = [10], sizes = [1], strides = [1]} : vector<16xf32> to vector<1xf32>
        %squeeze3A_621 = vector.extract %slice3A_620[0] : f32 from vector<1xf32>
        %add3A_622 = arith.constant 10 : i32
        %add3A_623 = arith.addi %mul3A_143, %add3A_622 : i32
        %get3A_624 = arith.index_cast %add3A_623 : i32 to index
        %get3A_625 = arith.constant 0 : index
        %get3A_626 = tpu.vector_load %arg11[%get3A_624, %get3A_625] {strides = array<i32>} : memref<128x32xf32, #tpu.memory_space<vmem>>, vector<1x16xf32>,
        %get3A_627 = vector.shape_cast %get3A_626 : vector<1x16xf32> to vector<16xf32>
        %add3A_628 = arith.constant 10 : i32
        %add3A_629 = arith.addi %mul3A_143, %add3A_628 : i32
        %get3A_630 = arith.index_cast %add3A_629 : i32 to index
        %get3A_631 = arith.constant 16 : index
        %get3A_632 = tpu.vector_load %arg11[%get3A_630, %get3A_631] {strides = array<i32>} : memref<128x32xf32, #tpu.memory_space<vmem>>, vector<1x16xf32>,
        %get3A_633 = vector.shape_cast %get3A_632 : vector<1x16xf32> to vector<16xf32>
        %mul3A_634 = vector.broadcast %squeeze3A_621 : f32 to vector<16xf32>
        %mul3A_635 = arith.mulf %mul3A_634, %get3A_627 : vector<16xf32>
        %mul3A_636 = vector.broadcast %squeeze3A_621 : f32 to vector<16xf32>
        %mul3A_637 = arith.mulf %mul3A_636, %get3A_633 : vector<16xf32>
        %sub3A_638 = arith.subf %get3A_627, %mul3A_635 : vector<16xf32>
        %add3A_639 = arith.constant 10 : i32
        %add3A_640 = arith.addi %mul3A_143, %add3A_639 : i32
        %swap3A_641 = arith.index_cast %add3A_640 : i32 to index
        %swap3A_642 = arith.constant 0 : index
        %swap3A_643 = tpu.vector_load %arg13[%swap3A_641, %swap3A_642] {strides = array<i32>} : memref<128x64xf32, #tpu.memory_space<vmem>>, vector<1x16xf32>,
        %swap3A_644 = vector.shape_cast %swap3A_643 : vector<1x16xf32> to vector<16xf32>
        %swap3A_645 = vector.shape_cast %sub3A_638 : vector<16xf32> to vector<1x16xf32>
        tpu.vector_store %arg13[%swap3A_641, %swap3A_642], %swap3A_645 {strides = array<i32>} : memref<128x64xf32, #tpu.memory_space<vmem>>, vector<1x16xf32>,
        %sub3A_646 = arith.subf %get3A_633, %mul3A_637 : vector<16xf32>
        %add3A_647 = arith.constant 10 : i32
        %add3A_648 = arith.addi %mul3A_143, %add3A_647 : i32
        %swap3A_649 = arith.index_cast %add3A_648 : i32 to index
        %swap3A_650 = arith.constant 16 : index
        %swap3A_651 = tpu.vector_load %arg13[%swap3A_649, %swap3A_650] {strides = array<i32>} : memref<128x64xf32, #tpu.memory_space<vmem>>, vector<1x16xf32>,
        %swap3A_652 = vector.shape_cast %swap3A_651 : vector<1x16xf32> to vector<16xf32>
        %swap3A_653 = vector.shape_cast %sub3A_646 : vector<16xf32> to vector<1x16xf32>
        tpu.vector_store %arg13[%swap3A_649, %swap3A_650], %swap3A_653 {strides = array<i32>} : memref<128x64xf32, #tpu.memory_space<vmem>>, vector<1x16xf32>,
        %add3A_654 = arith.constant 10 : i32
        %add3A_655 = arith.addi %mul3A_143, %add3A_654 : i32
        %swap3A_656 = arith.index_cast %add3A_655 : i32 to index
        %swap3A_657 = arith.constant 32 : index
        %swap3A_658 = tpu.vector_load %arg13[%swap3A_656, %swap3A_657] {strides = array<i32>} : memref<128x64xf32, #tpu.memory_space<vmem>>, vector<1x16xf32>,
        %swap3A_659 = vector.shape_cast %swap3A_658 : vector<1x16xf32> to vector<16xf32>
        %swap3A_660 = vector.shape_cast %mul3A_635 : vector<16xf32> to vector<1x16xf32>
        tpu.vector_store %arg13[%swap3A_656, %swap3A_657], %swap3A_660 {strides = array<i32>} : memref<128x64xf32, #tpu.memory_space<vmem>>, vector<1x16xf32>,
        %add3A_661 = arith.constant 10 : i32
        %add3A_662 = arith.addi %mul3A_143, %add3A_661 : i32
        %swap3A_663 = arith.index_cast %add3A_662 : i32 to index
        %swap3A_664 = arith.constant 48 : index
        %swap3A_665 = tpu.vector_load %arg13[%swap3A_663, %swap3A_664] {strides = array<i32>} : memref<128x64xf32, #tpu.memory_space<vmem>>, vector<1x16xf32>,
        %swap3A_666 = vector.shape_cast %swap3A_665 : vector<1x16xf32> to vector<16xf32>
        %swap3A_667 = vector.shape_cast %mul3A_637 : vector<16xf32> to vector<1x16xf32>
        tpu.vector_store %arg13[%swap3A_663, %swap3A_664], %swap3A_667 {strides = array<i32>} : memref<128x64xf32, #tpu.memory_space<vmem>>, vector<1x16xf32>,
        %slice3A_668 = vector.extract_strided_slice %min3A_141 {offsets = [11], sizes = [1], strides = [1]} : vector<16xf32> to vector<1xf32>
        %squeeze3A_669 = vector.extract %slice3A_668[0] : f32 from vector<1xf32>
        %add3A_670 = arith.constant 11 : i32
        %add3A_671 = arith.addi %mul3A_143, %add3A_670 : i32
        %get3A_672 = arith.index_cast %add3A_671 : i32 to index
        %get3A_673 = arith.constant 0 : index
        %get3A_674 = tpu.vector_load %arg11[%get3A_672, %get3A_673] {strides = array<i32>} : memref<128x32xf32, #tpu.memory_space<vmem>>, vector<1x16xf32>,
        %get3A_675 = vector.shape_cast %get3A_674 : vector<1x16xf32> to vector<16xf32>
        %add3A_676 = arith.constant 11 : i32
        %add3A_677 = arith.addi %mul3A_143, %add3A_676 : i32
        %get3A_678 = arith.index_cast %add3A_677 : i32 to index
        %get3A_679 = arith.constant 16 : index
        %get3A_680 = tpu.vector_load %arg11[%get3A_678, %get3A_679] {strides = array<i32>} : memref<128x32xf32, #tpu.memory_space<vmem>>, vector<1x16xf32>,
        %get3A_681 = vector.shape_cast %get3A_680 : vector<1x16xf32> to vector<16xf32>
        %mul3A_682 = vector.broadcast %squeeze3A_669 : f32 to vector<16xf32>
        %mul3A_683 = arith.mulf %mul3A_682, %get3A_675 : vector<16xf32>
        %mul3A_684 = vector.broadcast %squeeze3A_669 : f32 to vector<16xf32>
        %mul3A_685 = arith.mulf %mul3A_684, %get3A_681 : vector<16xf32>
        %sub3A_686 = arith.subf %get3A_675, %mul3A_683 : vector<16xf32>
        %add3A_687 = arith.constant 11 : i32
        %add3A_688 = arith.addi %mul3A_143, %add3A_687 : i32
        %swap3A_689 = arith.index_cast %add3A_688 : i32 to index
        %swap3A_690 = arith.constant 0 : index
        %swap3A_691 = tpu.vector_load %arg13[%swap3A_689, %swap3A_690] {strides = array<i32>} : memref<128x64xf32, #tpu.memory_space<vmem>>, vector<1x16xf32>,
        %swap3A_692 = vector.shape_cast %swap3A_691 : vector<1x16xf32> to vector<16xf32>
        %swap3A_693 = vector.shape_cast %sub3A_686 : vector<16xf32> to vector<1x16xf32>
        tpu.vector_store %arg13[%swap3A_689, %swap3A_690], %swap3A_693 {strides = array<i32>} : memref<128x64xf32, #tpu.memory_space<vmem>>, vector<1x16xf32>,
        %sub3A_694 = arith.subf %get3A_681, %mul3A_685 : vector<16xf32>
        %add3A_695 = arith.constant 11 : i32
        %add3A_696 = arith.addi %mul3A_143, %add3A_695 : i32
        %swap3A_697 = arith.index_cast %add3A_696 : i32 to index
        %swap3A_698 = arith.constant 16 : index
        %swap3A_699 = tpu.vector_load %arg13[%swap3A_697, %swap3A_698] {strides = array<i32>} : memref<128x64xf32, #tpu.memory_space<vmem>>, vector<1x16xf32>,
        %swap3A_700 = vector.shape_cast %swap3A_699 : vector<1x16xf32> to vector<16xf32>
        %swap3A_701 = vector.shape_cast %sub3A_694 : vector<16xf32> to vector<1x16xf32>
        tpu.vector_store %arg13[%swap3A_697, %swap3A_698], %swap3A_701 {strides = array<i32>} : memref<128x64xf32, #tpu.memory_space<vmem>>, vector<1x16xf32>,
        %add3A_702 = arith.constant 11 : i32
        %add3A_703 = arith.addi %mul3A_143, %add3A_702 : i32
        %swap3A_704 = arith.index_cast %add3A_703 : i32 to index
        %swap3A_705 = arith.constant 32 : index
        %swap3A_706 = tpu.vector_load %arg13[%swap3A_704, %swap3A_705] {strides = array<i32>} : memref<128x64xf32, #tpu.memory_space<vmem>>, vector<1x16xf32>,
        %swap3A_707 = vector.shape_cast %swap3A_706 : vector<1x16xf32> to vector<16xf32>
        %swap3A_708 = vector.shape_cast %mul3A_683 : vector<16xf32> to vector<1x16xf32>
        tpu.vector_store %arg13[%swap3A_704, %swap3A_705], %swap3A_708 {strides = array<i32>} : memref<128x64xf32, #tpu.memory_space<vmem>>, vector<1x16xf32>,
        %add3A_709 = arith.constant 11 : i32
        %add3A_710 = arith.addi %mul3A_143, %add3A_709 : i32
        %swap3A_711 = arith.index_cast %add3A_710 : i32 to index
        %swap3A_712 = arith.constant 48 : index
        %swap3A_713 = tpu.vector_load %arg13[%swap3A_711, %swap3A_712] {strides = array<i32>} : memref<128x64xf32, #tpu.memory_space<vmem>>, vector<1x16xf32>,
        %swap3A_714 = vector.shape_cast %swap3A_713 : vector<1x16xf32> to vector<16xf32>
        %swap3A_715 = vector.shape_cast %mul3A_685 : vector<16xf32> to vector<1x16xf32>
        tpu.vector_store %arg13[%swap3A_711, %swap3A_712], %swap3A_715 {strides = array<i32>} : memref<128x64xf32, #tpu.memory_space<vmem>>, vector<1x16xf32>,
        %slice3A_716 = vector.extract_strided_slice %min3A_141 {offsets = [12], sizes = [1], strides = [1]} : vector<16xf32> to vector<1xf32>
        %squeeze3A_717 = vector.extract %slice3A_716[0] : f32 from vector<1xf32>
        %add3A_718 = arith.constant 12 : i32
        %add3A_719 = arith.addi %mul3A_143, %add3A_718 : i32
        %get3A_720 = arith.index_cast %add3A_719 : i32 to index
        %get3A_721 = arith.constant 0 : index
        %get3A_722 = tpu.vector_load %arg11[%get3A_720, %get3A_721] {strides = array<i32>} : memref<128x32xf32, #tpu.memory_space<vmem>>, vector<1x16xf32>,
        %get3A_723 = vector.shape_cast %get3A_722 : vector<1x16xf32> to vector<16xf32>
        %add3A_724 = arith.constant 12 : i32
        %add3A_725 = arith.addi %mul3A_143, %add3A_724 : i32
        %get3A_726 = arith.index_cast %add3A_725 : i32 to index
        %get3A_727 = arith.constant 16 : index
        %get3A_728 = tpu.vector_load %arg11[%get3A_726, %get3A_727] {strides = array<i32>} : memref<128x32xf32, #tpu.memory_space<vmem>>, vector<1x16xf32>,
        %get3A_729 = vector.shape_cast %get3A_728 : vector<1x16xf32> to vector<16xf32>
        %mul3A_730 = vector.broadcast %squeeze3A_717 : f32 to vector<16xf32>
        %mul3A_731 = arith.mulf %mul3A_730, %get3A_723 : vector<16xf32>
        %mul3A_732 = vector.broadcast %squeeze3A_717 : f32 to vector<16xf32>
        %mul3A_733 = arith.mulf %mul3A_732, %get3A_729 : vector<16xf32>
        %sub3A_734 = arith.subf %get3A_723, %mul3A_731 : vector<16xf32>
        %add3A_735 = arith.constant 12 : i32
        %add3A_736 = arith.addi %mul3A_143, %add3A_735 : i32
        %swap3A_737 = arith.index_cast %add3A_736 : i32 to index
        %swap3A_738 = arith.constant 0 : index
        %swap3A_739 = tpu.vector_load %arg13[%swap3A_737, %swap3A_738] {strides = array<i32>} : memref<128x64xf32, #tpu.memory_space<vmem>>, vector<1x16xf32>,
        %swap3A_740 = vector.shape_cast %swap3A_739 : vector<1x16xf32> to vector<16xf32>
        %swap3A_741 = vector.shape_cast %sub3A_734 : vector<16xf32> to vector<1x16xf32>
        tpu.vector_store %arg13[%swap3A_737, %swap3A_738], %swap3A_741 {strides = array<i32>} : memref<128x64xf32, #tpu.memory_space<vmem>>, vector<1x16xf32>,
        %sub3A_742 = arith.subf %get3A_729, %mul3A_733 : vector<16xf32>
        %add3A_743 = arith.constant 12 : i32
        %add3A_744 = arith.addi %mul3A_143, %add3A_743 : i32
        %swap3A_745 = arith.index_cast %add3A_744 : i32 to index
        %swap3A_746 = arith.constant 16 : index
        %swap3A_747 = tpu.vector_load %arg13[%swap3A_745, %swap3A_746] {strides = array<i32>} : memref<128x64xf32, #tpu.memory_space<vmem>>, vector<1x16xf32>,
        %swap3A_748 = vector.shape_cast %swap3A_747 : vector<1x16xf32> to vector<16xf32>
        %swap3A_749 = vector.shape_cast %sub3A_742 : vector<16xf32> to vector<1x16xf32>
        tpu.vector_store %arg13[%swap3A_745, %swap3A_746], %swap3A_749 {strides = array<i32>} : memref<128x64xf32, #tpu.memory_space<vmem>>, vector<1x16xf32>,
        %add3A_750 = arith.constant 12 : i32
        %add3A_751 = arith.addi %mul3A_143, %add3A_750 : i32
        %swap3A_752 = arith.index_cast %add3A_751 : i32 to index
        %swap3A_753 = arith.constant 32 : index
        %swap3A_754 = tpu.vector_load %arg13[%swap3A_752, %swap3A_753] {strides = array<i32>} : memref<128x64xf32, #tpu.memory_space<vmem>>, vector<1x16xf32>,
        %swap3A_755 = vector.shape_cast %swap3A_754 : vector<1x16xf32> to vector<16xf32>
        %swap3A_756 = vector.shape_cast %mul3A_731 : vector<16xf32> to vector<1x16xf32>
        tpu.vector_store %arg13[%swap3A_752, %swap3A_753], %swap3A_756 {strides = array<i32>} : memref<128x64xf32, #tpu.memory_space<vmem>>, vector<1x16xf32>,
        %add3A_757 = arith.constant 12 : i32
        %add3A_758 = arith.addi %mul3A_143, %add3A_757 : i32
        %swap3A_759 = arith.index_cast %add3A_758 : i32 to index
        %swap3A_760 = arith.constant 48 : index
        %swap3A_761 = tpu.vector_load %arg13[%swap3A_759, %swap3A_760] {strides = array<i32>} : memref<128x64xf32, #tpu.memory_space<vmem>>, vector<1x16xf32>,
        %swap3A_762 = vector.shape_cast %swap3A_761 : vector<1x16xf32> to vector<16xf32>
        %swap3A_763 = vector.shape_cast %mul3A_733 : vector<16xf32> to vector<1x16xf32>
        tpu.vector_store %arg13[%swap3A_759, %swap3A_760], %swap3A_763 {strides = array<i32>} : memref<128x64xf32, #tpu.memory_space<vmem>>, vector<1x16xf32>,
        %slice3A_764 = vector.extract_strided_slice %min3A_141 {offsets = [13], sizes = [1], strides = [1]} : vector<16xf32> to vector<1xf32>
        %squeeze3A_765 = vector.extract %slice3A_764[0] : f32 from vector<1xf32>
        %add3A_766 = arith.constant 13 : i32
        %add3A_767 = arith.addi %mul3A_143, %add3A_766 : i32
        %get3A_768 = arith.index_cast %add3A_767 : i32 to index
        %get3A_769 = arith.constant 0 : index
        %get3A_770 = tpu.vector_load %arg11[%get3A_768, %get3A_769] {strides = array<i32>} : memref<128x32xf32, #tpu.memory_space<vmem>>, vector<1x16xf32>,
        %get3A_771 = vector.shape_cast %get3A_770 : vector<1x16xf32> to vector<16xf32>
        %add3A_772 = arith.constant 13 : i32
        %add3A_773 = arith.addi %mul3A_143, %add3A_772 : i32
        %get3A_774 = arith.index_cast %add3A_773 : i32 to index
        %get3A_775 = arith.constant 16 : index
        %get3A_776 = tpu.vector_load %arg11[%get3A_774, %get3A_775] {strides = array<i32>} : memref<128x32xf32, #tpu.memory_space<vmem>>, vector<1x16xf32>,
        %get3A_777 = vector.shape_cast %get3A_776 : vector<1x16xf32> to vector<16xf32>
        %mul3A_778 = vector.broadcast %squeeze3A_765 : f32 to vector<16xf32>
        %mul3A_779 = arith.mulf %mul3A_778, %get3A_771 : vector<16xf32>
        %mul3A_780 = vector.broadcast %squeeze3A_765 : f32 to vector<16xf32>
        %mul3A_781 = arith.mulf %mul3A_780, %get3A_777 : vector<16xf32>
        %sub3A_782 = arith.subf %get3A_771, %mul3A_779 : vector<16xf32>
        %add3A_783 = arith.constant 13 : i32
        %add3A_784 = arith.addi %mul3A_143, %add3A_783 : i32
        %swap3A_785 = arith.index_cast %add3A_784 : i32 to index
        %swap3A_786 = arith.constant 0 : index
        %swap3A_787 = tpu.vector_load %arg13[%swap3A_785, %swap3A_786] {strides = array<i32>} : memref<128x64xf32, #tpu.memory_space<vmem>>, vector<1x16xf32>,
        %swap3A_788 = vector.shape_cast %swap3A_787 : vector<1x16xf32> to vector<16xf32>
        %swap3A_789 = vector.shape_cast %sub3A_782 : vector<16xf32> to vector<1x16xf32>
        tpu.vector_store %arg13[%swap3A_785, %swap3A_786], %swap3A_789 {strides = array<i32>} : memref<128x64xf32, #tpu.memory_space<vmem>>, vector<1x16xf32>,
        %sub3A_790 = arith.subf %get3A_777, %mul3A_781 : vector<16xf32>
        %add3A_791 = arith.constant 13 : i32
        %add3A_792 = arith.addi %mul3A_143, %add3A_791 : i32
        %swap3A_793 = arith.index_cast %add3A_792 : i32 to index
        %swap3A_794 = arith.constant 16 : index
        %swap3A_795 = tpu.vector_load %arg13[%swap3A_793, %swap3A_794] {strides = array<i32>} : memref<128x64xf32, #tpu.memory_space<vmem>>, vector<1x16xf32>,
        %swap3A_796 = vector.shape_cast %swap3A_795 : vector<1x16xf32> to vector<16xf32>
        %swap3A_797 = vector.shape_cast %sub3A_790 : vector<16xf32> to vector<1x16xf32>
        tpu.vector_store %arg13[%swap3A_793, %swap3A_794], %swap3A_797 {strides = array<i32>} : memref<128x64xf32, #tpu.memory_space<vmem>>, vector<1x16xf32>,
        %add3A_798 = arith.constant 13 : i32
        %add3A_799 = arith.addi %mul3A_143, %add3A_798 : i32
        %swap3A_800 = arith.index_cast %add3A_799 : i32 to index
        %swap3A_801 = arith.constant 32 : index
        %swap3A_802 = tpu.vector_load %arg13[%swap3A_800, %swap3A_801] {strides = array<i32>} : memref<128x64xf32, #tpu.memory_space<vmem>>, vector<1x16xf32>,
        %swap3A_803 = vector.shape_cast %swap3A_802 : vector<1x16xf32> to vector<16xf32>
        %swap3A_804 = vector.shape_cast %mul3A_779 : vector<16xf32> to vector<1x16xf32>
        tpu.vector_store %arg13[%swap3A_800, %swap3A_801], %swap3A_804 {strides = array<i32>} : memref<128x64xf32, #tpu.memory_space<vmem>>, vector<1x16xf32>,
        %add3A_805 = arith.constant 13 : i32
        %add3A_806 = arith.addi %mul3A_143, %add3A_805 : i32
        %swap3A_807 = arith.index_cast %add3A_806 : i32 to index
        %swap3A_808 = arith.constant 48 : index
        %swap3A_809 = tpu.vector_load %arg13[%swap3A_807, %swap3A_808] {strides = array<i32>} : memref<128x64xf32, #tpu.memory_space<vmem>>, vector<1x16xf32>,
        %swap3A_810 = vector.shape_cast %swap3A_809 : vector<1x16xf32> to vector<16xf32>
        %swap3A_811 = vector.shape_cast %mul3A_781 : vector<16xf32> to vector<1x16xf32>
        tpu.vector_store %arg13[%swap3A_807, %swap3A_808], %swap3A_811 {strides = array<i32>} : memref<128x64xf32, #tpu.memory_space<vmem>>, vector<1x16xf32>,
        %slice3A_812 = vector.extract_strided_slice %min3A_141 {offsets = [14], sizes = [1], strides = [1]} : vector<16xf32> to vector<1xf32>
        %squeeze3A_813 = vector.extract %slice3A_812[0] : f32 from vector<1xf32>
        %add3A_814 = arith.constant 14 : i32
        %add3A_815 = arith.addi %mul3A_143, %add3A_814 : i32
        %get3A_816 = arith.index_cast %add3A_815 : i32 to index
        %get3A_817 = arith.constant 0 : index
        %get3A_818 = tpu.vector_load %arg11[%get3A_816, %get3A_817] {strides = array<i32>} : memref<128x32xf32, #tpu.memory_space<vmem>>, vector<1x16xf32>,
        %get3A_819 = vector.shape_cast %get3A_818 : vector<1x16xf32> to vector<16xf32>
        %add3A_820 = arith.constant 14 : i32
        %add3A_821 = arith.addi %mul3A_143, %add3A_820 : i32
        %get3A_822 = arith.index_cast %add3A_821 : i32 to index
        %get3A_823 = arith.constant 16 : index
        %get3A_824 = tpu.vector_load %arg11[%get3A_822, %get3A_823] {strides = array<i32>} : memref<128x32xf32, #tpu.memory_space<vmem>>, vector<1x16xf32>,
        %get3A_825 = vector.shape_cast %get3A_824 : vector<1x16xf32> to vector<16xf32>
        %mul3A_826 = vector.broadcast %squeeze3A_813 : f32 to vector<16xf32>
        %mul3A_827 = arith.mulf %mul3A_826, %get3A_819 : vector<16xf32>
        %mul3A_828 = vector.broadcast %squeeze3A_813 : f32 to vector<16xf32>
        %mul3A_829 = arith.mulf %mul3A_828, %get3A_825 : vector<16xf32>
        %sub3A_830 = arith.subf %get3A_819, %mul3A_827 : vector<16xf32>
        %add3A_831 = arith.constant 14 : i32
        %add3A_832 = arith.addi %mul3A_143, %add3A_831 : i32
        %swap3A_833 = arith.index_cast %add3A_832 : i32 to index
        %swap3A_834 = arith.constant 0 : index
        %swap3A_835 = tpu.vector_load %arg13[%swap3A_833, %swap3A_834] {strides = array<i32>} : memref<128x64xf32, #tpu.memory_space<vmem>>, vector<1x16xf32>,
        %swap3A_836 = vector.shape_cast %swap3A_835 : vector<1x16xf32> to vector<16xf32>
        %swap3A_837 = vector.shape_cast %sub3A_830 : vector<16xf32> to vector<1x16xf32>
        tpu.vector_store %arg13[%swap3A_833, %swap3A_834], %swap3A_837 {strides = array<i32>} : memref<128x64xf32, #tpu.memory_space<vmem>>, vector<1x16xf32>,
        %sub3A_838 = arith.subf %get3A_825, %mul3A_829 : vector<16xf32>
        %add3A_839 = arith.constant 14 : i32
        %add3A_840 = arith.addi %mul3A_143, %add3A_839 : i32
        %swap3A_841 = arith.index_cast %add3A_840 : i32 to index
        %swap3A_842 = arith.constant 16 : index
        %swap3A_843 = tpu.vector_load %arg13[%swap3A_841, %swap3A_842] {strides = array<i32>} : memref<128x64xf32, #tpu.memory_space<vmem>>, vector<1x16xf32>,
        %swap3A_844 = vector.shape_cast %swap3A_843 : vector<1x16xf32> to vector<16xf32>
        %swap3A_845 = vector.shape_cast %sub3A_838 : vector<16xf32> to vector<1x16xf32>
        tpu.vector_store %arg13[%swap3A_841, %swap3A_842], %swap3A_845 {strides = array<i32>} : memref<128x64xf32, #tpu.memory_space<vmem>>, vector<1x16xf32>,
        %add3A_846 = arith.constant 14 : i32
        %add3A_847 = arith.addi %mul3A_143, %add3A_846 : i32
        %swap3A_848 = arith.index_cast %add3A_847 : i32 to index
        %swap3A_849 = arith.constant 32 : index
        %swap3A_850 = tpu.vector_load %arg13[%swap3A_848, %swap3A_849] {strides = array<i32>} : memref<128x64xf32, #tpu.memory_space<vmem>>, vector<1x16xf32>,
        %swap3A_851 = vector.shape_cast %swap3A_850 : vector<1x16xf32> to vector<16xf32>
        %swap3A_852 = vector.shape_cast %mul3A_827 : vector<16xf32> to vector<1x16xf32>
        tpu.vector_store %arg13[%swap3A_848, %swap3A_849], %swap3A_852 {strides = array<i32>} : memref<128x64xf32, #tpu.memory_space<vmem>>, vector<1x16xf32>,
        %add3A_853 = arith.constant 14 : i32
        %add3A_854 = arith.addi %mul3A_143, %add3A_853 : i32
        %swap3A_855 = arith.index_cast %add3A_854 : i32 to index
        %swap3A_856 = arith.constant 48 : index
        %swap3A_857 = tpu.vector_load %arg13[%swap3A_855, %swap3A_856] {strides = array<i32>} : memref<128x64xf32, #tpu.memory_space<vmem>>, vector<1x16xf32>,
        %swap3A_858 = vector.shape_cast %swap3A_857 : vector<1x16xf32> to vector<16xf32>
        %swap3A_859 = vector.shape_cast %mul3A_829 : vector<16xf32> to vector<1x16xf32>
        tpu.vector_store %arg13[%swap3A_855, %swap3A_856], %swap3A_859 {strides = array<i32>} : memref<128x64xf32, #tpu.memory_space<vmem>>, vector<1x16xf32>,
        %slice3A_860 = vector.extract_strided_slice %min3A_141 {offsets = [15], sizes = [1], strides = [1]} : vector<16xf32> to vector<1xf32>
        %squeeze3A_861 = vector.extract %slice3A_860[0] : f32 from vector<1xf32>
        %add3A_862 = arith.constant 15 : i32
        %add3A_863 = arith.addi %mul3A_143, %add3A_862 : i32
        %get3A_864 = arith.index_cast %add3A_863 : i32 to index
        %get3A_865 = arith.constant 0 : index
        %get3A_866 = tpu.vector_load %arg11[%get3A_864, %get3A_865] {strides = array<i32>} : memref<128x32xf32, #tpu.memory_space<vmem>>, vector<1x16xf32>,
        %get3A_867 = vector.shape_cast %get3A_866 : vector<1x16xf32> to vector<16xf32>
        %add3A_868 = arith.constant 15 : i32
        %add3A_869 = arith.addi %mul3A_143, %add3A_868 : i32
        %get3A_870 = arith.index_cast %add3A_869 : i32 to index
        %get3A_871 = arith.constant 16 : index
        %get3A_872 = tpu.vector_load %arg11[%get3A_870, %get3A_871] {strides = array<i32>} : memref<128x32xf32, #tpu.memory_space<vmem>>, vector<1x16xf32>,
        %get3A_873 = vector.shape_cast %get3A_872 : vector<1x16xf32> to vector<16xf32>
        %mul3A_874 = vector.broadcast %squeeze3A_861 : f32 to vector<16xf32>
        %mul3A_875 = arith.mulf %mul3A_874, %get3A_867 : vector<16xf32>
        %mul3A_876 = vector.broadcast %squeeze3A_861 : f32 to vector<16xf32>
        %mul3A_877 = arith.mulf %mul3A_876, %get3A_873 : vector<16xf32>
        %sub3A_878 = arith.subf %get3A_867, %mul3A_875 : vector<16xf32>
        %add3A_879 = arith.constant 15 : i32
        %add3A_880 = arith.addi %mul3A_143, %add3A_879 : i32
        %swap3A_881 = arith.index_cast %add3A_880 : i32 to index
        %swap3A_882 = arith.constant 0 : index
        %swap3A_883 = tpu.vector_load %arg13[%swap3A_881, %swap3A_882] {strides = array<i32>} : memref<128x64xf32, #tpu.memory_space<vmem>>, vector<1x16xf32>,
        %swap3A_884 = vector.shape_cast %swap3A_883 : vector<1x16xf32> to vector<16xf32>
        %swap3A_885 = vector.shape_cast %sub3A_878 : vector<16xf32> to vector<1x16xf32>
        tpu.vector_store %arg13[%swap3A_881, %swap3A_882], %swap3A_885 {strides = array<i32>} : memref<128x64xf32, #tpu.memory_space<vmem>>, vector<1x16xf32>,
        %sub3A_886 = arith.subf %get3A_873, %mul3A_877 : vector<16xf32>
        %add3A_887 = arith.constant 15 : i32
        %add3A_888 = arith.addi %mul3A_143, %add3A_887 : i32
        %swap3A_889 = arith.index_cast %add3A_888 : i32 to index
        %swap3A_890 = arith.constant 16 : index
        %swap3A_891 = tpu.vector_load %arg13[%swap3A_889, %swap3A_890] {strides = array<i32>} : memref<128x64xf32, #tpu.memory_space<vmem>>, vector<1x16xf32>,
        %swap3A_892 = vector.shape_cast %swap3A_891 : vector<1x16xf32> to vector<16xf32>
        %swap3A_893 = vector.shape_cast %sub3A_886 : vector<16xf32> to vector<1x16xf32>
        tpu.vector_store %arg13[%swap3A_889, %swap3A_890], %swap3A_893 {strides = array<i32>} : memref<128x64xf32, #tpu.memory_space<vmem>>, vector<1x16xf32>,
        %add3A_894 = arith.constant 15 : i32
        %add3A_895 = arith.addi %mul3A_143, %add3A_894 : i32
        %swap3A_896 = arith.index_cast %add3A_895 : i32 to index
        %swap3A_897 = arith.constant 32 : index
        %swap3A_898 = tpu.vector_load %arg13[%swap3A_896, %swap3A_897] {strides = array<i32>} : memref<128x64xf32, #tpu.memory_space<vmem>>, vector<1x16xf32>,
        %swap3A_899 = vector.shape_cast %swap3A_898 : vector<1x16xf32> to vector<16xf32>
        %swap3A_900 = vector.shape_cast %mul3A_875 : vector<16xf32> to vector<1x16xf32>
        tpu.vector_store %arg13[%swap3A_896, %swap3A_897], %swap3A_900 {strides = array<i32>} : memref<128x64xf32, #tpu.memory_space<vmem>>, vector<1x16xf32>,
        %add3A_901 = arith.constant 15 : i32
        %add3A_902 = arith.addi %mul3A_143, %add3A_901 : i32
        %swap3A_903 = arith.index_cast %add3A_902 : i32 to index
        %swap3A_904 = arith.constant 48 : index
        %swap3A_905 = tpu.vector_load %arg13[%swap3A_903, %swap3A_904] {strides = array<i32>} : memref<128x64xf32, #tpu.memory_space<vmem>>, vector<1x16xf32>,
        %swap3A_906 = vector.shape_cast %swap3A_905 : vector<1x16xf32> to vector<16xf32>
        %swap3A_907 = vector.shape_cast %mul3A_877 : vector<16xf32> to vector<1x16xf32>
        tpu.vector_store %arg13[%swap3A_903, %swap3A_904], %swap3A_907 {strides = array<i32>} : memref<128x64xf32, #tpu.memory_space<vmem>>, vector<1x16xf32>,
        %scan3A_908 = arith.constant 0 : i32
        scf.yield %scan3A_908 : i32
      }
      %scan3A_123 = arith.constant 8 : i32
      %dma_start3A_124 = arith.constant 0 : i32
      %dma_start3A_125 = tpu.memref_slice %arg8[%add3A_98, %dma_start3A_124] : memref<80x128xi32, #tpu.memory_space<vmem>> -> memref<1x128xi32, #tpu.memory_space<vmem>>
      %dma_start3A_126 = tpu.memref_squeeze %dma_start3A_125 : memref<1x128xi32, #tpu.memory_space<vmem>> -> memref<128xi32, #tpu.memory_space<vmem>>
      %dma_start3A_127 = arith.constant 0 : i32
      %dma_start3A_128 = arith.constant 0 : i32
      %dma_start3A_129 = tpu.memref_slice %arg18[%dma_start3A_127, %dma_start3A_128] : memref<10240x64xf32, #tpu.memory_space<vmem_shared>> -> memref<10240x64xf32, #tpu.memory_space<vmem_shared>>
      tpu.enqueue_indirect_dma source(%arg13 : memref<128x64xf32, #tpu.memory_space<vmem>>) target(%dma_start3A_129 : memref<10240x64xf32, #tpu.memory_space<vmem_shared>>) offsets(%dma_start3A_126 : memref<128xi32, #tpu.memory_space<vmem>>) semaphore(%arg17 : memref<!tpu.dma_semaphore, #tpu.memory_space<semaphore_mem>>) {add = true}
      %scan3A_130 = arith.constant 0 : i32
      scf.yield %scan3A_130 : i32
    }
    %scan3A_43 = arith.constant 40 : i32
    %dma_wait3A = arith.constant 0 : i32
    %dma_wait3A_44 = arith.constant 0 : i32
    %dma_wait3A_45 = tpu.memref_slice %arg8[%dma_wait3A, %dma_wait3A_44] : memref<80x128xi32, #tpu.memory_space<vmem>> -> memref<1x128xi32, #tpu.memory_space<vmem>>
    %dma_wait3A_46 = tpu.memref_squeeze %dma_wait3A_45 : memref<1x128xi32, #tpu.memory_space<vmem>> -> memref<128xi32, #tpu.memory_space<vmem>>
    %dma_wait3A_47 = arith.constant 0 : i32
    %dma_wait3A_48 = arith.constant 0 : i32
    %dma_wait3A_49 = tpu.memref_slice %arg18[%dma_wait3A_47, %dma_wait3A_48] : memref<10240x64xf32, #tpu.memory_space<vmem_shared>> -> memref<10240x64xf32, #tpu.memory_space<vmem_shared>>
    tpu.wait_indirect_dma semaphore(%arg16 : memref<!tpu.dma_semaphore, #tpu.memory_space<semaphore_mem>>) src(%arg12 : memref<128x64xf32, #tpu.memory_space<vmem>>) dst(%dma_wait3A_49 : memref<10240x64xf32, #tpu.memory_space<vmem_shared>>)
    %dma_wait3A_50 = arith.constant 0 : i32
    %dma_wait3A_51 = arith.constant 0 : i32
    %dma_wait3A_52 = tpu.memref_slice %arg8[%dma_wait3A_50, %dma_wait3A_51] : memref<80x128xi32, #tpu.memory_space<vmem>> -> memref<1x128xi32, #tpu.memory_space<vmem>>
    %dma_wait3A_53 = tpu.memref_squeeze %dma_wait3A_52 : memref<1x128xi32, #tpu.memory_space<vmem>> -> memref<128xi32, #tpu.memory_space<vmem>>
    %dma_wait3A_54 = arith.constant 0 : i32
    %dma_wait3A_55 = arith.constant 0 : i32
    %dma_wait3A_56 = tpu.memref_slice %arg18[%dma_wait3A_54, %dma_wait3A_55] : memref<10240x64xf32, #tpu.memory_space<vmem_shared>> -> memref<10240x64xf32, #tpu.memory_space<vmem_shared>>
    tpu.wait_indirect_dma semaphore(%arg17 : memref<!tpu.dma_semaphore, #tpu.memory_space<semaphore_mem>>) src(%arg13 : memref<128x64xf32, #tpu.memory_space<vmem>>) dst(%dma_wait3A_56 : memref<10240x64xf32, #tpu.memory_space<vmem_shared>>)
    %barrier3A_57 = arith.constant 0 : index
    tpu.barrier barrier_id(%barrier3A_57)
    %mul3A_58 = arith.constant 640 : i32
    %mul3A_59 = arith.muli %arg1, %mul3A_58 : i32
    %mul3A_60 = arith.constant 640 : i32
    %mul3A_61 = arith.muli %arg1, %mul3A_60 : i32
    "tpu.region"() ({
      %run_scoped3A = tpu.sem_alloc : memref<!tpu.dma_semaphore, #tpu.memory_space<semaphore_mem>>
      %dma_start3A_62 = arith.constant 0 : i32
      %dma_start3A_63 = tpu.memref_slice %arg6[%arg0, %mul3A_61, %dma_start3A_62] : memref<2x10240x64xf32, #tpu.memory_space<hbm>> -> memref<1x640x64xf32, #tpu.memory_space<hbm>>
      %dma_start3A_64 = tpu.memref_squeeze %dma_start3A_63 : memref<1x640x64xf32, #tpu.memory_space<hbm>> -> memref<640x64xf32, #tpu.memory_space<hbm>>
      %dma_start3A_65 = arith.constant 0 : i32
      %dma_start3A_66 = tpu.memref_slice %arg18[%mul3A_59, %dma_start3A_65] : memref<10240x64xf32, #tpu.memory_space<vmem_shared>> -> memref<640x64xf32, #tpu.memory_space<vmem_shared>>
      tpu.enqueue_dma source(%dma_start3A_66 : memref<640x64xf32, #tpu.memory_space<vmem_shared>>) target(%dma_start3A_64 : memref<640x64xf32, #tpu.memory_space<hbm>>) target_semaphore(%run_scoped3A : memref<!tpu.dma_semaphore, #tpu.memory_space<semaphore_mem>>)
      %dma_wait3A_67 = arith.constant 0 : i32
      %dma_wait3A_68 = tpu.memref_slice %arg6[%arg0, %mul3A_61, %dma_wait3A_67] : memref<2x10240x64xf32, #tpu.memory_space<hbm>> -> memref<1x640x64xf32, #tpu.memory_space<hbm>>
      %dma_wait3A_69 = tpu.memref_squeeze %dma_wait3A_68 : memref<1x640x64xf32, #tpu.memory_space<hbm>> -> memref<640x64xf32, #tpu.memory_space<hbm>>
      %dma_wait3A_70 = arith.constant 0 : i32
      %dma_wait3A_71 = tpu.memref_slice %arg18[%mul3A_59, %dma_wait3A_70] : memref<10240x64xf32, #tpu.memory_space<vmem_shared>> -> memref<640x64xf32, #tpu.memory_space<vmem_shared>>
      tpu.wait_dma2 semaphore(%run_scoped3A : memref<!tpu.dma_semaphore, #tpu.memory_space<semaphore_mem>>) src(%dma_wait3A_71 : memref<640x64xf32, #tpu.memory_space<vmem_shared>>) dst(%dma_wait3A_69 : memref<640x64xf32, #tpu.memory_space<hbm>>)
      tpu.yield
    }) : () -> ()
    return
  }
}

module attributes {stable_mosaic.version = 14 : i64} {
  func.func @_tc_pre_body(%arg0: i32, %arg1: memref<1280x128xf32, #tpu.memory_space<vmem>>, %arg2: memref<128x64xf32, #tpu.memory_space<vmem>>, %arg3: memref<128x32xf32, #tpu.memory_space<vmem>>, %arg4: memref<1x32xf32, #tpu.memory_space<vmem>>, %arg5: memref<1280x64xf32, #tpu.memory_space<vmem>>, %arg6: memref<1280x32xf32, #tpu.memory_space<vmem>>) attributes {dimension_semantics = [#tpu.dimension_semantics<arbitrary>], iteration_bounds = array<i64: 8>, scalar_prefetch = 0 : i64, scratch_operands = 0 : i64, tpu.core_type = #tpu.core_type<tc>, window_params = [{transform_indices = @transform_0, window_bounds = array<i64: 1280, 128>}, {pipeline_mode = #tpu.pipeline_mode<synchronous>, transform_indices = @transform_1, window_bounds = array<i64: 128, 64>}, {pipeline_mode = #tpu.pipeline_mode<synchronous>, transform_indices = @transform_2, window_bounds = array<i64: 128, 32>}, {pipeline_mode = #tpu.pipeline_mode<synchronous>, transform_indices = @transform_3, window_bounds = array<i64: 1, 32>}, {transform_indices = @transform_4, window_bounds = array<i64: 1280, 64>}, {transform_indices = @transform_5, window_bounds = array<i64: 1280, 32>}]} {
    %get3A = arith.constant 0 : index
    %get3A_0 = arith.constant 0 : index
    %get3A_1 = vector.load %arg1[%get3A, %get3A_0] : memref<1280x128xf32, #tpu.memory_space<vmem>>, vector<1280x128xf32>
    %get3A_2 = arith.constant 0 : index
    %get3A_3 = arith.constant 0 : index
    %get3A_4 = vector.load %arg2[%get3A_2, %get3A_3] : memref<128x64xf32, #tpu.memory_space<vmem>>, vector<128x64xf32>
    %dot_general3A = arith.constant dense<0.000000e+00> : vector<1280x64xf32>
    %dot_general3A_5 = tpu.matmul %get3A_1, %get3A_4, %dot_general3A {dimension_numbers = #tpu.dot_dimension_numbers<[1], [0], [0], [1], [0, 0, 1, 1], [], []>, transpose_lhs_hint = false} : vector<1280x128xf32>, vector<128x64xf32>, vector<1280x64xf32> -> vector<1280x64xf32>
    %swap3A = arith.constant 0 : index
    %swap3A_6 = arith.constant 0 : index
    %swap3A_7 = vector.load %arg5[%swap3A, %swap3A_6] : memref<1280x64xf32, #tpu.memory_space<vmem>>, vector<1280x64xf32>
    tpu.vector_store %arg5[%swap3A, %swap3A_6], %dot_general3A_5 {strides = array<i32>} : memref<1280x64xf32, #tpu.memory_space<vmem>>, vector<1280x64xf32>,
    %get3A_8 = arith.constant 0 : index
    %get3A_9 = arith.constant 0 : index
    %get3A_10 = vector.load %arg3[%get3A_8, %get3A_9] : memref<128x32xf32, #tpu.memory_space<vmem>>, vector<128x32xf32>
    %dot_general3A_11 = arith.constant dense<0.000000e+00> : vector<1280x32xf32>
    %dot_general3A_12 = tpu.matmul %get3A_1, %get3A_10, %dot_general3A_11 {dimension_numbers = #tpu.dot_dimension_numbers<[1], [0], [0], [1], [0, 0, 1, 1], [], []>, transpose_lhs_hint = false} : vector<1280x128xf32>, vector<128x32xf32>, vector<1280x32xf32> -> vector<1280x32xf32>
    %get3A_13 = arith.constant 0 : index
    %get3A_14 = arith.constant 0 : index
    %get3A_15 = vector.load %arg4[%get3A_13, %get3A_14] : memref<1x32xf32, #tpu.memory_space<vmem>>, vector<1x32xf32>
    %add3A = vector.broadcast %get3A_15 : vector<1x32xf32> to vector<1280x32xf32>
    %add3A_16 = arith.addf %dot_general3A_12, %add3A : vector<1280x32xf32>
    %swap3A_17 = arith.constant 0 : index
    %swap3A_18 = arith.constant 0 : index
    %swap3A_19 = vector.load %arg6[%swap3A_17, %swap3A_18] : memref<1280x32xf32, #tpu.memory_space<vmem>>, vector<1280x32xf32>
    tpu.vector_store %arg6[%swap3A_17, %swap3A_18], %add3A_16 {strides = array<i32>} : memref<1280x32xf32, #tpu.memory_space<vmem>>, vector<1280x32xf32>,
    return
  }
  func.func @transform_0(%arg0: i32) -> (i32, i32) {
    %c0_i32 = arith.constant 0 : i32
    %c0_i32_0 = arith.constant 0 : i32
    return %arg0, %c0_i32 : i32, i32
  }
  func.func @transform_1(%arg0: i32) -> (i32, i32) {
    %c0_i32 = arith.constant 0 : i32
    %c0_i32_0 = arith.constant 0 : i32
    %c0_i32_1 = arith.constant 0 : i32
    return %c0_i32, %c0_i32_0 : i32, i32
  }
  func.func @transform_2(%arg0: i32) -> (i32, i32) {
    %c0_i32 = arith.constant 0 : i32
    %c0_i32_0 = arith.constant 0 : i32
    %c0_i32_1 = arith.constant 0 : i32
    return %c0_i32, %c0_i32_0 : i32, i32
  }
  func.func @transform_3(%arg0: i32) -> (i32, i32) {
    %c0_i32 = arith.constant 0 : i32
    %c0_i32_0 = arith.constant 0 : i32
    %c0_i32_1 = arith.constant 0 : i32
    return %c0_i32, %c0_i32_0 : i32, i32
  }
  func.func @transform_4(%arg0: i32) -> (i32, i32) {
    %c0_i32 = arith.constant 0 : i32
    %c0_i32_0 = arith.constant 0 : i32
    return %arg0, %c0_i32 : i32, i32
  }
  func.func @transform_5(%arg0: i32) -> (i32, i32) {
    %c0_i32 = arith.constant 0 : i32
    %c0_i32_0 = arith.constant 0 : i32
    return %arg0, %c0_i32 : i32, i32
  }
}

module attributes {stable_mosaic.version = 14 : i64} {
  func.func @_tc_mid_body(%arg0: i32, %arg1: memref<2x1280x32xf32, #tpu.memory_space<vmem>>, %arg2: memref<2x1280x16xf32, #tpu.memory_space<vmem>>, %arg3: memref<1280x32xf32, #tpu.memory_space<vmem>>, %arg4: memref<32x128xf32, #tpu.memory_space<vmem>>, %arg5: memref<1x128xf32, #tpu.memory_space<vmem>>, %arg6: memref<1280x32xf32, #tpu.memory_space<vmem>>, %arg7: memref<1280x128xf32, #tpu.memory_space<vmem>>) attributes {dimension_semantics = [#tpu.dimension_semantics<arbitrary>], iteration_bounds = array<i64: 8>, scalar_prefetch = 0 : i64, scratch_operands = 0 : i64, tpu.core_type = #tpu.core_type<tc>, window_params = [{transform_indices = @transform_0, window_bounds = array<i64: 2, 1280, 32>}, {transform_indices = @transform_1, window_bounds = array<i64: 2, 1280, 16>}, {transform_indices = @transform_2, window_bounds = array<i64: 1280, 32>}, {pipeline_mode = #tpu.pipeline_mode<synchronous>, transform_indices = @transform_3, window_bounds = array<i64: 32, 128>}, {pipeline_mode = #tpu.pipeline_mode<synchronous>, transform_indices = @transform_4, window_bounds = array<i64: 1, 128>}, {transform_indices = @transform_5, window_bounds = array<i64: 1280, 32>}, {transform_indices = @transform_6, window_bounds = array<i64: 1280, 128>}]} {
    %get3A = arith.constant 0 : index
    %get3A_0 = arith.constant 0 : index
    %get3A_1 = arith.constant 0 : index
    %get3A_2 = vector.load %arg1[%get3A, %get3A_0, %get3A_1] : memref<2x1280x32xf32, #tpu.memory_space<vmem>>, vector<2x1280x32xf32>
    %slice3A = vector.extract_strided_slice %get3A_2 {offsets = [0, 0, 0], sizes = [1, 1280, 32], strides = [1, 1, 1]} : vector<2x1280x32xf32> to vector<1x1280x32xf32>
    %squeeze3A = vector.shape_cast %slice3A : vector<1x1280x32xf32> to vector<1280x32xf32>
    %slice3A_3 = vector.extract_strided_slice %get3A_2 {offsets = [1, 0, 0], sizes = [1, 1280, 32], strides = [1, 1, 1]} : vector<2x1280x32xf32> to vector<1x1280x32xf32>
    %squeeze3A_4 = vector.shape_cast %slice3A_3 : vector<1x1280x32xf32> to vector<1280x32xf32>
    %add3A = arith.addf %squeeze3A, %squeeze3A_4 : vector<1280x32xf32>
    %get3A_5 = arith.constant 0 : index
    %get3A_6 = arith.constant 0 : index
    %get3A_7 = arith.constant 0 : index
    %get3A_8 = vector.load %arg2[%get3A_5, %get3A_6, %get3A_7] : memref<2x1280x16xf32, #tpu.memory_space<vmem>>, vector<2x1280x16xf32>
    %slice3A_9 = vector.extract_strided_slice %get3A_8 {offsets = [0, 0, 0], sizes = [1, 1280, 16], strides = [1, 1, 1]} : vector<2x1280x16xf32> to vector<1x1280x16xf32>
    %squeeze3A_10 = vector.shape_cast %slice3A_9 : vector<1x1280x16xf32> to vector<1280x16xf32>
    %slice3A_11 = vector.extract_strided_slice %get3A_8 {offsets = [1, 0, 0], sizes = [1, 1280, 16], strides = [1, 1, 1]} : vector<2x1280x16xf32> to vector<1x1280x16xf32>
    %squeeze3A_12 = vector.shape_cast %slice3A_11 : vector<1x1280x16xf32> to vector<1280x16xf32>
    %add3A_13 = arith.addf %squeeze3A_10, %squeeze3A_12 : vector<1280x16xf32>
    %reduce_sum3A = arith.constant dense<0.000000e+00> : vector<1280xf32>
    %reduce_sum3A_14 = vector.multi_reduction <add>, %add3A_13, %reduce_sum3A [1] : vector<1280x16xf32> to vector<1280xf32>
    %broadcast_in_dim3A = vector.shape_cast %reduce_sum3A_14 : vector<1280xf32> to vector<1280x1xf32>
    %mul3A = arith.constant 6.250000e-02 : f32
    %mul3A_15 = vector.broadcast %mul3A : f32 to vector<1280x1xf32>
    %mul3A_16 = arith.mulf %broadcast_in_dim3A, %mul3A_15 : vector<1280x1xf32>
    %max3A = arith.constant 1.000000e+00 : f32
    %max3A_17 = vector.broadcast %max3A : f32 to vector<1280x1xf32>
    %max3A_18 = arith.maximumf %mul3A_16, %max3A_17 : vector<1280x1xf32>
    %div3A = vector.broadcast %max3A_18 : vector<1280x1xf32> to vector<1280x32xf32>
    %div3A_19 = arith.divf %add3A, %div3A : vector<1280x32xf32>
    %get3A_20 = arith.constant 0 : index
    %get3A_21 = arith.constant 0 : index
    %get3A_22 = vector.load %arg3[%get3A_20, %get3A_21] : memref<1280x32xf32, #tpu.memory_space<vmem>>, vector<1280x32xf32>
    %add3A_23 = arith.addf %div3A_19, %get3A_22 : vector<1280x32xf32>
    %max3A_24 = arith.constant 0.000000e+00 : f32
    %max3A_25 = vector.broadcast %max3A_24 : f32 to vector<1280x32xf32>
    %max3A_26 = arith.maximumf %add3A_23, %max3A_25 : vector<1280x32xf32>
    %swap3A = arith.constant 0 : index
    %swap3A_27 = arith.constant 0 : index
    %swap3A_28 = vector.load %arg6[%swap3A, %swap3A_27] : memref<1280x32xf32, #tpu.memory_space<vmem>>, vector<1280x32xf32>
    tpu.vector_store %arg6[%swap3A, %swap3A_27], %max3A_26 {strides = array<i32>} : memref<1280x32xf32, #tpu.memory_space<vmem>>, vector<1280x32xf32>,
    %get3A_29 = arith.constant 0 : index
    %get3A_30 = arith.constant 0 : index
    %get3A_31 = vector.load %arg4[%get3A_29, %get3A_30] : memref<32x128xf32, #tpu.memory_space<vmem>>, vector<32x128xf32>
    %dot_general3A = arith.constant dense<0.000000e+00> : vector<1280x128xf32>
    %dot_general3A_32 = tpu.matmul %max3A_26, %get3A_31, %dot_general3A {dimension_numbers = #tpu.dot_dimension_numbers<[1], [0], [0], [1], [0, 0, 1, 1], [], []>, transpose_lhs_hint = false} : vector<1280x32xf32>, vector<32x128xf32>, vector<1280x128xf32> -> vector<1280x128xf32>
    %get3A_33 = arith.constant 0 : index
    %get3A_34 = arith.constant 0 : index
    %get3A_35 = vector.load %arg5[%get3A_33, %get3A_34] : memref<1x128xf32, #tpu.memory_space<vmem>>, vector<1x128xf32>
    %add3A_36 = vector.broadcast %get3A_35 : vector<1x128xf32> to vector<1280x128xf32>
    %add3A_37 = arith.addf %dot_general3A_32, %add3A_36 : vector<1280x128xf32>
    %swap3A_38 = arith.constant 0 : index
    %swap3A_39 = arith.constant 0 : index
    %swap3A_40 = vector.load %arg7[%swap3A_38, %swap3A_39] : memref<1280x128xf32, #tpu.memory_space<vmem>>, vector<1280x128xf32>
    tpu.vector_store %arg7[%swap3A_38, %swap3A_39], %add3A_37 {strides = array<i32>} : memref<1280x128xf32, #tpu.memory_space<vmem>>, vector<1280x128xf32>,
    return
  }
  func.func @transform_0(%arg0: i32) -> (i32, i32, i32) {
    %c0_i32 = arith.constant 0 : i32
    %c0_i32_0 = arith.constant 0 : i32
    %c0_i32_1 = arith.constant 0 : i32
    return %c0_i32, %arg0, %c0_i32_0 : i32, i32, i32
  }
  func.func @transform_1(%arg0: i32) -> (i32, i32, i32) {
    %c0_i32 = arith.constant 0 : i32
    %c0_i32_0 = arith.constant 0 : i32
    %c0_i32_1 = arith.constant 0 : i32
    return %c0_i32, %arg0, %c0_i32_0 : i32, i32, i32
  }
  func.func @transform_2(%arg0: i32) -> (i32, i32) {
    %c0_i32 = arith.constant 0 : i32
    %c0_i32_0 = arith.constant 0 : i32
    return %arg0, %c0_i32 : i32, i32
  }
  func.func @transform_3(%arg0: i32) -> (i32, i32) {
    %c0_i32 = arith.constant 0 : i32
    %c0_i32_0 = arith.constant 0 : i32
    %c0_i32_1 = arith.constant 0 : i32
    return %c0_i32, %c0_i32_0 : i32, i32
  }
  func.func @transform_4(%arg0: i32) -> (i32, i32) {
    %c0_i32 = arith.constant 0 : i32
    %c0_i32_0 = arith.constant 0 : i32
    %c0_i32_1 = arith.constant 0 : i32
    return %c0_i32, %c0_i32_0 : i32, i32
  }
  func.func @transform_5(%arg0: i32) -> (i32, i32) {
    %c0_i32 = arith.constant 0 : i32
    %c0_i32_0 = arith.constant 0 : i32
    return %arg0, %c0_i32 : i32, i32
  }
  func.func @transform_6(%arg0: i32) -> (i32, i32) {
    %c0_i32 = arith.constant 0 : i32
    %c0_i32_0 = arith.constant 0 : i32
    return %arg0, %c0_i32 : i32, i32
  }
}

module attributes {stable_mosaic.version = 14 : i64} {
  func.func @_tc_out_body(%arg0: i32, %arg1: memref<2x1280x64xf32, #tpu.memory_space<vmem>>, %arg2: memref<2x1280x16xf32, #tpu.memory_space<vmem>>, %arg3: memref<64x128xf32, #tpu.memory_space<vmem>>, %arg4: memref<1280x128xf32, #tpu.memory_space<vmem>>, %arg5: memref<1280x128xf32, #tpu.memory_space<vmem>>) attributes {dimension_semantics = [#tpu.dimension_semantics<arbitrary>], iteration_bounds = array<i64: 8>, scalar_prefetch = 0 : i64, scratch_operands = 0 : i64, tpu.core_type = #tpu.core_type<tc>, window_params = [{transform_indices = @transform_0, window_bounds = array<i64: 2, 1280, 64>}, {transform_indices = @transform_1, window_bounds = array<i64: 2, 1280, 16>}, {pipeline_mode = #tpu.pipeline_mode<synchronous>, transform_indices = @transform_2, window_bounds = array<i64: 64, 128>}, {transform_indices = @transform_3, window_bounds = array<i64: 1280, 128>}, {transform_indices = @transform_4, window_bounds = array<i64: 1280, 128>}]} {
    %get3A = arith.constant 0 : index
    %get3A_0 = arith.constant 0 : index
    %get3A_1 = arith.constant 0 : index
    %get3A_2 = vector.load %arg1[%get3A, %get3A_0, %get3A_1] : memref<2x1280x64xf32, #tpu.memory_space<vmem>>, vector<2x1280x64xf32>
    %slice3A = vector.extract_strided_slice %get3A_2 {offsets = [0, 0, 0], sizes = [1, 1280, 64], strides = [1, 1, 1]} : vector<2x1280x64xf32> to vector<1x1280x64xf32>
    %squeeze3A = vector.shape_cast %slice3A : vector<1x1280x64xf32> to vector<1280x64xf32>
    %slice3A_3 = vector.extract_strided_slice %get3A_2 {offsets = [1, 0, 0], sizes = [1, 1280, 64], strides = [1, 1, 1]} : vector<2x1280x64xf32> to vector<1x1280x64xf32>
    %squeeze3A_4 = vector.shape_cast %slice3A_3 : vector<1x1280x64xf32> to vector<1280x64xf32>
    %add3A = arith.addf %squeeze3A, %squeeze3A_4 : vector<1280x64xf32>
    %get3A_5 = arith.constant 0 : index
    %get3A_6 = arith.constant 0 : index
    %get3A_7 = arith.constant 0 : index
    %get3A_8 = vector.load %arg2[%get3A_5, %get3A_6, %get3A_7] : memref<2x1280x16xf32, #tpu.memory_space<vmem>>, vector<2x1280x16xf32>
    %slice3A_9 = vector.extract_strided_slice %get3A_8 {offsets = [0, 0, 0], sizes = [1, 1280, 16], strides = [1, 1, 1]} : vector<2x1280x16xf32> to vector<1x1280x16xf32>
    %squeeze3A_10 = vector.shape_cast %slice3A_9 : vector<1x1280x16xf32> to vector<1280x16xf32>
    %slice3A_11 = vector.extract_strided_slice %get3A_8 {offsets = [1, 0, 0], sizes = [1, 1280, 16], strides = [1, 1, 1]} : vector<2x1280x16xf32> to vector<1x1280x16xf32>
    %squeeze3A_12 = vector.shape_cast %slice3A_11 : vector<1x1280x16xf32> to vector<1280x16xf32>
    %add3A_13 = arith.addf %squeeze3A_10, %squeeze3A_12 : vector<1280x16xf32>
    %reduce_sum3A = arith.constant dense<0.000000e+00> : vector<1280xf32>
    %reduce_sum3A_14 = vector.multi_reduction <add>, %add3A_13, %reduce_sum3A [1] : vector<1280x16xf32> to vector<1280xf32>
    %broadcast_in_dim3A = vector.shape_cast %reduce_sum3A_14 : vector<1280xf32> to vector<1280x1xf32>
    %mul3A = arith.constant 6.250000e-02 : f32
    %mul3A_15 = vector.broadcast %mul3A : f32 to vector<1280x1xf32>
    %mul3A_16 = arith.mulf %broadcast_in_dim3A, %mul3A_15 : vector<1280x1xf32>
    %max3A = arith.constant 1.000000e+00 : f32
    %max3A_17 = vector.broadcast %max3A : f32 to vector<1280x1xf32>
    %max3A_18 = arith.maximumf %mul3A_16, %max3A_17 : vector<1280x1xf32>
    %div3A = vector.broadcast %max3A_18 : vector<1280x1xf32> to vector<1280x64xf32>
    %div3A_19 = arith.divf %add3A, %div3A : vector<1280x64xf32>
    %get3A_20 = arith.constant 0 : index
    %get3A_21 = arith.constant 0 : index
    %get3A_22 = vector.load %arg3[%get3A_20, %get3A_21] : memref<64x128xf32, #tpu.memory_space<vmem>>, vector<64x128xf32>
    %dot_general3A = arith.constant dense<0.000000e+00> : vector<1280x128xf32>
    %dot_general3A_23 = tpu.matmul %div3A_19, %get3A_22, %dot_general3A {dimension_numbers = #tpu.dot_dimension_numbers<[1], [0], [0], [1], [0, 0, 1, 1], [], []>, transpose_lhs_hint = false} : vector<1280x64xf32>, vector<64x128xf32>, vector<1280x128xf32> -> vector<1280x128xf32>
    %get3A_24 = arith.constant 0 : index
    %get3A_25 = arith.constant 0 : index
    %get3A_26 = vector.load %arg4[%get3A_24, %get3A_25] : memref<1280x128xf32, #tpu.memory_space<vmem>>, vector<1280x128xf32>
    %add3A_27 = arith.addf %dot_general3A_23, %get3A_26 : vector<1280x128xf32>
    %swap3A = arith.constant 0 : index
    %swap3A_28 = arith.constant 0 : index
    %swap3A_29 = vector.load %arg5[%swap3A, %swap3A_28] : memref<1280x128xf32, #tpu.memory_space<vmem>>, vector<1280x128xf32>
    tpu.vector_store %arg5[%swap3A, %swap3A_28], %add3A_27 {strides = array<i32>} : memref<1280x128xf32, #tpu.memory_space<vmem>>, vector<1280x128xf32>,
    return
  }
  func.func @transform_0(%arg0: i32) -> (i32, i32, i32) {
    %c0_i32 = arith.constant 0 : i32
    %c0_i32_0 = arith.constant 0 : i32
    %c0_i32_1 = arith.constant 0 : i32
    return %c0_i32, %arg0, %c0_i32_0 : i32, i32, i32
  }
  func.func @transform_1(%arg0: i32) -> (i32, i32, i32) {
    %c0_i32 = arith.constant 0 : i32
    %c0_i32_0 = arith.constant 0 : i32
    %c0_i32_1 = arith.constant 0 : i32
    return %c0_i32, %arg0, %c0_i32_0 : i32, i32, i32
  }
  func.func @transform_2(%arg0: i32) -> (i32, i32) {
    %c0_i32 = arith.constant 0 : i32
    %c0_i32_0 = arith.constant 0 : i32
    %c0_i32_1 = arith.constant 0 : i32
    return %c0_i32, %c0_i32_0 : i32, i32
  }
  func.func @transform_3(%arg0: i32) -> (i32, i32) {
    %c0_i32 = arith.constant 0 : i32
    %c0_i32_0 = arith.constant 0 : i32
    return %arg0, %c0_i32 : i32, i32
  }
  func.func @transform_4(%arg0: i32) -> (i32, i32) {
    %c0_i32 = arith.constant 0 : i32
    %c0_i32_0 = arith.constant 0 : i32
    return %arg0, %c0_i32 : i32, i32
  }
}

</mosaic_0001>

<sc_bundles>
// kernel: _run.10.cloned.1.call-start
scs
__scs_entry_jumppad:
0x0: {  	(pc) =	sbr.rel $0x88, $3  }
0x1: {  	(tag) =	ssettag $0x0;
	lr =	simm.s32 $0x1  }
0x2: {  	[smem:$0x3F98] =	sst lr;
	_ =	strace $0xD0000000  }
0x3: {  	_ = 	snop  }
0x4: {  	_ = 	snop  }
0x5: {  	_ = 	snop  }
0x6: {  	_ = 	snop  }
0x7: {  	_ = 	snop  }
__scs_overlays_trampoline_lowered:
0x8: {  	[smem:$0x3FA7] =	sst s0  }
0x9: {  	[smem:$0x3FA8] =	sst s1  }
0xa: {  	[smem:$0x3FA9] =	sst s2  }
0xb: {  	[smem:$0x3FAA] =	sst s3  }
0xc: {  	[smem:$0x3FAB] =	sst s4  }
0xd: {  	[smem:$0x3FAC] =	sst s5  }
0xe: {  	[smem:$0x3FAD] =	sst s6  }
0xf: {  	[smem:$0x3FAE] =	sst s7  }
0x10: {  	[smem:$0x3FAF] =	sst s8  }
0x11: {  	[smem:$0x3FB0] =	sst s9;
	s0 =	simm.s32 @!p0 $0x0  }
0x12: {  	s1 =	sld [smem:$0x3F96];
	s0 =	simm.s32 @p0 $0x1  }
0x13: {  	[smem:$0x3FB1] =	sst s0;
	s0 =	simm.s32 @!p1 $0x0  }
0x14: {  	s2 =	sld [smem:$0x3F95];
	s0 =	simm.s32 @p1 $0x1  }
0x15: {  	[smem:$0x3FB2] =	sst s0;
	s0 =	simm.s32 @!p2 $0x0  }
0x16: {  	s3 =	sld [smem:$0x3FDB];
	s0 =	simm.s32 @p2 $0x1  }
0x17: {  	s4 =	simm.s32 $0x1BF5;
	[smem:$0x3FB4] =	sst s0  }
0x18: {  	s0 =	sld [smem:$0x3F97];
	_ =	swait.ge [sflag:s4], $0x0  }
0x19: {  	s7 =	sld [smem:$0x3F98]  }
0x1a: {  	s8 =	sadd.s32 $0xFFFFE003, lr  }
0x1b: {  	s9 =	sadd.s32 $0xFFFFFEF7, lr;
	s5 =	simm.s32 $0xFFFFFFFF;
	p2 =	slt.u32 s8, $0xFFFFF086  }
0x1c: {  	p1 =	slt.u32 s9, $0xF7A;
	s5 =	simm.s32 @!p2 $0x0  }
0x1d: {  	s5 =	simm.s32 @p1 $0x1;
	p0 =	seq.s32 s7, s2  }
0x1e: {  	s7 =	smul.u32 @!p0 $0xF7A, s2;
	p2 =	seq.s32 @!p0 s5, $0x0  }
0x1f: {  	s9 =	smul.u32 $0xF7A, s1;
	s8 =	simm.s32 @!p0 $0x1BF5;
	p2 =	por !p2, p0  }
0x20: {  	[sflag:s8] =	ssyncset.s32 @!p0 $0xFFFFF086;
	s6 =	sadd.s32 @!p0 s3, s7;
	s7 =	simm.s32 @!p0 $0x108  }
0x21: {  	s3 =	sadd.s32 s3, s9;
	s6 =	sadd.s32 @!p0 $0x88, s6;
	s7 =	simm.s32 @p2 $0x1082  }
0x22: {  	[simem:s7], [sflag:s8] =	dma.local @!p0 [hbm:s6], $0xF7A  }
0x23: {  	s9 =	sor.u32 $0xD0000000, s2;
	s6 =	simm.s32 $0x108;
	_ =	swait.ge @!p0 [sflag:s8], $0x0  }
0x24: {  	s3 =	sadd.s32 $0x88, s3;
	s6 =	simm.s32 @!p1 $0x1082;
	[sflag:s4] =	ssyncset.s32 $0xFFFFF086  }
0x25: {  	[simem:s6], [sflag:s4] =	dma.local [hbm:s3], $0xF7A  }
0x26: {  	[smem:$0x3F98] =	sst s1;
	(tag) =	ssettag s2;
	_ =	strace s9  }
0x27: {  	s1 =	sld [smem:$0x3FA8]  }
0x28: {  	s2 =	sld [smem:$0x3FA9]  }
0x29: {  	s4 =	sld [smem:$0x3FAB]  }
0x2a: {  	p0 =	seq.s32 s5, $0x0;
	s5 =	sld [smem:$0x3FAC]  }
0x2b: {  	s6 =	sld [smem:$0x3FAD]  }
0x2c: {  	s7 =	sld [smem:$0x3FAE]  }
0x2d: {  	s3 =	simm.s32 $0x108;
	s8 =	sld [smem:$0x3FAF]  }
0x2e: {  	s3 =	simm.s32 @!p0 $0x1082;
	s9 =	sld [smem:$0x3FB0]  }
0x2f: {  	lr =	sadd.s32 s0, s3;
	s0 =	sld [smem:$0x3FA7]  }
0x30: {  	s3 =	sld [smem:$0x3FAA]  }
0x31: {  	[smem:$0x3FB3] =	sst s10  }
0x32: {  	s10 =	sld [smem:$0x3FB1];
	_ =	sdelay $0x3  }
0x33: {  	p0 =	seq.s32 s10, $0x1;
	s10 =	sld [smem:$0x3FB3];
	_ =	sdelay $0x3  }
0x34: {  	[smem:$0x3FB3] =	sst s10  }
0x35: {  	s10 =	sld [smem:$0x3FB2];
	_ =	sdelay $0x3  }
0x36: {  	p1 =	seq.s32 s10, $0x1;
	s10 =	sld [smem:$0x3FB3];
	_ =	sdelay $0x3  }
0x37: {  	[smem:$0x3FB3] =	sst s10  }
0x38: {  	s10 =	sld [smem:$0x3FB4]  }
0x39: {  	_ = 	snop;
	(pc) =	sbr.ind lr, $3  }
0x3a: {  	_ = 	snop  }
0x3b: {  	_ = 	snop  }
0x3c: {  	p2 =	seq.s32 s10, $0x1;
	s10 =	sld [smem:$0x3FB3]  }
0x3d: {  	_ =	shalt  }
0x3e: {  	_ =	shalt  }
0x3f: {  	_ =	shalt  }
0x40: {  	_ =	shalt  }
0x41: {  	_ =	shalt  }
0x42: {  	_ =	shalt  }
0x43: {  	_ =	shalt  }
0x44: {  	_ =	shalt  }
0x45: {  	_ =	shalt  }
0x46: {  	_ =	shalt  }
0x47: {  	_ =	shalt  }
0x48: {  	_ =	shalt  }
0x49: {  	_ =	shalt  }
0x4a: {  	_ =	shalt  }
0x4b: {  	_ =	shalt  }
0x4c: {  	_ =	shalt  }
0x4d: {  	_ =	shalt  }
0x4e: {  	_ =	shalt  }
0x4f: {  	_ =	shalt  }
0x50: {  	_ =	shalt  }
0x51: {  	_ =	shalt  }
0x52: {  	_ =	shalt  }
0x53: {  	_ =	shalt  }
0x54: {  	_ =	shalt  }
0x55: {  	_ =	shalt  }
0x56: {  	_ =	shalt  }
0x57: {  	_ =	shalt  }
0x58: {  	_ =	shalt  }
0x59: {  	_ =	shalt  }
0x5a: {  	_ =	shalt  }
0x5b: {  	_ =	shalt  }
0x5c: {  	_ =	shalt  }
0x5d: {  	_ =	shalt  }
0x5e: {  	_ =	shalt  }
0x5f: {  	_ =	shalt  }
0x60: {  	_ =	shalt  }
0x61: {  	_ =	shalt  }
0x62: {  	_ =	shalt  }
0x63: {  	_ =	shalt  }
0x64: {  	_ =	shalt  }
0x65: {  	_ =	shalt  }
0x66: {  	_ =	shalt  }
0x67: {  	_ =	shalt  }
0x68: {  	_ =	shalt  }
0x69: {  	_ =	shalt  }
0x6a: {  	_ =	shalt  }
0x6b: {  	_ =	shalt  }
0x6c: {  	_ =	shalt  }
0x6d: {  	_ =	shalt  }
0x6e: {  	_ =	shalt  }
0x6f: {  	_ =	shalt  }
0x70: {  	_ =	shalt  }
0x71: {  	_ =	shalt  }
0x72: {  	_ =	shalt  }
0x73: {  	_ =	shalt  }
0x74: {  	_ =	shalt  }
0x75: {  	_ =	shalt  }
0x76: {  	_ =	shalt  }
0x77: {  	_ =	shalt  }
0x78: {  	_ =	shalt  }
0x79: {  	_ =	shalt  }
0x7a: {  	_ =	shalt  }
0x7b: {  	_ =	shalt  }
0x7c: {  	_ =	shalt  }
0x7d: {  	_ =	shalt  }
0x7e: {  	_ =	shalt  }
0x7f: {  	_ =	shalt  }
0x80: {  	_ =	shalt  }
0x81: {  	_ =	shalt  }
0x82: {  	_ =	shalt  }
0x83: {  	_ =	shalt  }
0x84: {  	_ =	shalt  }
0x85: {  	_ =	shalt  }
0x86: {  	_ =	shalt  }
0x87: {  	_ =	shalt  }
.Lfunc_end0:
.L_simem_size_0:
called_computation.1_lowered:
.L_overlay_start_0:
0x88: {  	s2 =	sld [smem:$0x3FD9]  }
0x89: {  	s3 =	sld [smem:$0x3FFE];
	_ =	sdelay $0x1  }
0x8a: {  	s1 =	srdreg.scid  }
0x8b: {  	s0 =	sand.u32 $0x1, s1  }
0x8c: {  	s17 =	sshll.u32 s0, $0xA;
	s2 =	sadd.s32 s3, s2  }
0x8d: {  	s2 =	sadd.s32 s2, s17  }
0x8e: {  	[smem:$0x3FBF] =	sst s2  }
0x8f: {  	_ = 	snop  }
0x90: {  	s2 =	sld [smem:$0x3FD0];
	(tm) =	ssettm $0x1  }
0x91: {  	s18 =	sld [smem:$0x3FFB];
	_ =	sdelay $0x3  }
0x92: {  	_ =	strace s18  }
0x93: {  	s3 =	sld [smem:$0x3FFC];
	_ =	sdelay $0x3  }
0x94: {  	_ =	strace s3  }
0x95: {  	s3 =	sld [smem:$0x3FFD];
	_ =	sdelay $0x3  }
0x96: {  	_ =	strace s3  }
0x97: {  	_ =	strace $0x8FFFFFFF  }
0x98: {  	s19 =	sld [smem:$0x3FDB];
	_ =	sdelay $0x1  }
0x99: {  	s4 =	simm.s32 $_scs_section_size  }
0x9a: {  	s5 =	simm.s32 $_size__tile_overlayer_lowered;
	s6 =	simm.s32 $_tile_overlayer_lowered  }
0x9b: {  	s22 =	simm.s32 $0x1BFF;
	s21 =	sshll.u32 s6, $0x1;
	s3 =	sadd.s32 s4, s19  }
0x9c: {  	s7 =	simm.s32 $0x0;
	s20 =	sshll.u32 s5, $0x1;
	s5 =	sadd.s32 s21, s3  }
0x9d: {  	[timem:s7], [sflag:s22] =	dma.local [hbm:s5], s20  }
0x9e: {  	_ =	swait.ge [sflag:s22], s20  }
0x9f: {  	s4 =	ssub.s32 $0x0, s20;
	[sflag:s22] =	ssyncset.done $0x0  }
0xa0: {  	[sflag:s22] =	ssyncadd.s32 s4;
	_ =	sdelay $0x1  }
0xa1: {  	s23 =	simm.s32 $0x1B8B  }
0xa2: {  	_ =	swait.ge [sflag:s23], $0x1  }
0xa3: {  	[sflag:s23] =	ssyncset.done $0x0  }
0xa4: {  	s25 =	simm.s32 $0x1B8E;
	s24 =	sld [smem:$0x3FFE];
	[sflag:s23] =	ssyncadd.s32 $0xFFFFFFFF  }
0xa5: {  	s26 =	simm.s32 $execute0_lowered;
	[smem:$0x3FD2] =	sst s25  }
0xa6: {  	s5 =	sshll.u32 s26, $0x1;
	_ =	strace $0x80000049;
	[dreg:$0x1] =	wrdreg $0xFFFFFFFF  }
0xa7: {  	s28 =	simm.s32 $_size_execute0_lowered;
	s3 =	sadd.s32 s3, s5;
	[dreg:$0x0] =	wrdreg $0x0  }
0xa8: {  	s5 =	sshll.u32 s28, $0x1;
	[dreg:$0x2] =	wrdreg s3  }
0xa9: {  	[dreg:$0x3] =	wrdreg s5  }
0xaa: {  	[dreg:$0x4] =	wrdreg $0xC0  }
0xab: {  	_ =	task [dreg:s7], $0x5FFFF  }
0xac: {  	[dreg:$0x1] =	wrdreg $0xFFFFFFFF  }
0xad: {  	[dreg:$0x0] =	wrdreg $0x60  }
0xae: {  	[dreg:$0x2] =	wrdreg s2  }
0xaf: {  	[dreg:$0x3] =	wrdreg s24  }
0xb0: {  	[dreg:$0x4] =	wrdreg $0xD8000  }
0xb1: {  	[dreg:$0x5] =	wrdreg $0x178000  }
0xb2: {  	[dreg:$0x6] =	wrdreg $0x9  }
0xb3: {  	_ =	task.clear_ibuf [dreg:s7], $0x7FFFF;
	_ =	strace $0x90000049  }
0xb4: {  	s29 =	simm.s32 $0x9;
	_ =	strace $0x8000004B  }
0xb5: {  	_ =	swait.ge [sflag:s29], $0x1  }
0xb6: {  	[sflag:s29] =	ssyncadd.s32 $0xFFFFFFFF  }
0xb7: {  	_ =	strace $0x9000004B  }
0xb8: {  	_ =	sfence  }
0xb9: {  	s30 =	sld [smem:$0x0];
	_ =	sdelay $0x2  }
0xba: {  	s31 =	sshll.u32 s1, $0xD;
	s1 =	sshrl.u32 s1, $0x2  }
0xbb: {  	s3 =	sand.u32 $0x4000, s31;
	s1 =	sadd.s32 s1, s30  }
0xbc: {  	s0 =	sor.u32 s3, s0;
	s1 =	sshll.u32 s1, $0x11  }
0xbd: {  	s0 =	sor.u32 s1, s0  }
0xbe: {  	s0 =	sadd.s32 $0x8F2B, s0  }
0xbf: {  	[sflag:s0] =	ssyncadd.remote.s32 $0x1  }
0xc0: {  	_ =	sfence.sel $0xFFFF  }
0xc1: {  	[dreg:$0x0] =	wrdreg $0xFFFFFFFF;
	(pc) =	sbr.abs _section_cstart, $3  }
0xc2: {  	[dreg:$0x1] =	wrdreg $0xFFFFFFFF  }
0xc3: {  	_ =	task.clear_ibuf [dreg:s7], $0x2FFFF;
	_ =	strace $0x9FFFFFFF  }
0xc4: {  	(tm) =	ssettm $0x7FFFFFFF  }
0xc5: {  	_ =	shalt  }
tec
execute0_lowered:
.L_overlay_start_1:
0x0: {  	(tag) =	ssettag $0x1  }
0x1: {  	s0 =	rddreg [dreg:$0x0]  }
0x2: {  	s2 =	rddreg [dreg:$0x1]  }
0x3: {  	s1 =	rddreg [dreg:$0x2]  }
0x4: {  	s3 =	rddreg [dreg:$0x3];
	s4 =	simm.s32 $0x0;
	s5 =	srdreg.scid  }
0x5: {  	s11 =	stileid.u32;
	s16 =	simm.s32 $0x9800;
	s17 =	simm.s32 $0x5  }
0x6: {  	s20 =	simm.s32 $0x80;
	s22 =	simm.s32 $0x1;
	s7 =	smul.u32 $0xA000, s11  }
0x7: {  	s28 =	simm.s32 $0x4;
	s5 =	sand.u32 $0x1, s5;
	s9 =	smul.u32 $0x28000, s11  }
0x8: {  	s6 =	sshll.u32 s11, $0x1;
	[smem:$0x7FF] =	sst s4;
	s25 =	smul.u32 $0x5000, s11  }
0x9: {  	s6 =	sor.u32 s5, s6;
	s8 =	smul.u32 $0xA0000, s5;
	s5 =	ssub.s32 $0x2, s5  }
0xa: {  	_ =	strace $0x8000004A;
	s6 =	smul.u32 $0x500, s6;
	s10 =	sshrl.u32 s5, $0x1  }
0xb: {  	s9 =	sshrl.u32 s9, $0x2;
	s31 =	sadd.s32 s25, s3;
	s8 =	sadd.s32 s7, s8  }
0xc: {  	s23 =	ssub.s32 s5, s10;
	s5 =	sadd.s32 s7, s1;
	s24 =	sadd.s32 s9, s1  }
0xd: {  	s9 =	sshrl.u32 s25, $0x3;
	s18 =	sshrl.u32 s31, $0x3;
	s25 =	simm.s32 $0xB800  }
0xe: {  	s6 =	sadd.s32 s6, s2;
	s8 =	sshrl.u32 s8, $0x3;
	s26 =	sadd.s32 $0x2000, s24  }
0xf: {  	s29 =	sadd.s32 $0x4000, s24;
	s30 =	sadd.s32 $0x6000, s24;
	[dreg:$0x5] =	wrdreg s26  }
0x10: {  	s7 =	sadd.s32 $0x8000, s24;
	s0 =	sadd.s32 s0, s9;
	[dreg:$0x6] =	wrdreg s29  }
0x11: {  	s15 =	smax.u32 s23, $0x1;
	s23 =	simm.s32 $0x8800;
	[dreg:$0x7] =	wrdreg s30  }
0x12: {  	s24 =	simm.s32 $0x2;
	s2 =	sadd.s32 s8, s2;
	[dreg:$0x8] =	wrdreg s7  }
0x13: {  	[dreg:$0x9] =	wrdreg s0;
	s11 =	sadd.s32 $0x15800, s6;
	s12 =	sadd.s32 $0xB800, s6  }
0x14: {  	v0 =	vimm.f32 $0.0e+00;
	s13 =	sadd.s32 $0x1800, s6;
	s26 =	simm.s32 $0x3;
	s14 =	sadd.s32 $0x1F800, s2  }
.LBB2_1:
0x15: {  	s2 =	simm.s32 $0x100;
	s0 =	simm.s32 $0x0  }
.LBB2_2:
0x16: {  	p0 =	sne.s32 s2, $0x7F00;
	[tilespmem:s0+$0x9830] =	vst v0;
	s6 =	smov.u32 s2;
	s2 =	sadd.s32 $0x100, s2  }
.Ltmp0:
0x17: {  	[tilespmem:s0+$0x9820] =	vst v0;
	(pc) =	sbr.rel @p0 .LBB2_2-.Ltmp0, $3  }
0x18: {  	[tilespmem:s0+$0x9800] =	vst v0  }
0x19: {  	[tilespmem:s0+$0x9810] =	vst v0;
	_ =	sdelay $0x1  }
0x1a: {  	s0 =	sshra.s32 s6, $0x2  }
0x1b: {  	[tilespmem:s0+$0x9830] =	vst v0  }
0x1c: {  	[tilespmem:s0+$0x9820] =	vst v0  }
0x1d: {  	[tilespmem:s0+$0x9800] =	vst v0  }
0x1e: {  	[tilespmem:s0+$0x9810] =	vst v0  }
0x1f: {  	[spmem:s5] =	stream.linear.scatter [tilespmem:s16], [sflag:$0x5], $0x2000, $0x38;
	[tilespmem:$0x1C800] =	vst v63  }
0x20: {  	_ =	swait.ge [sflag:s17], $0x2000  }
0x21: {  	[sflag:s17] =	ssyncset.done $0x0  }
0x22: {  	s2 =	rddreg [dreg:$0x5];
	[sflag:s17] =	ssyncadd.s32 $0xFFFFE000  }
0x23: {  	[spmem:s2] =	stream.linear.scatter [tilespmem:s16], [sflag:$0x5], $0x2000, $0x38;
	[tilespmem:$0x1C800] =	vst v63  }
0x24: {  	_ =	swait.ge [sflag:s17], $0x2000  }
0x25: {  	[sflag:s17] =	ssyncset.done $0x0  }
0x26: {  	s6 =	rddreg [dreg:$0x6];
	[sflag:s17] =	ssyncadd.s32 $0xFFFFE000  }
0x27: {  	[spmem:s6] =	stream.linear.scatter [tilespmem:s16], [sflag:$0x5], $0x2000, $0x38;
	[tilespmem:$0x1C800] =	vst v63  }
0x28: {  	_ =	swait.ge [sflag:s17], $0x2000  }
0x29: {  	[sflag:s17] =	ssyncset.done $0x0  }
0x2a: {  	s7 =	rddreg [dreg:$0x7];
	[sflag:s17] =	ssyncadd.s32 $0xFFFFE000  }
0x2b: {  	[spmem:s7] =	stream.linear.scatter [tilespmem:s16], [sflag:$0x5], $0x2000, $0x38;
	[tilespmem:$0x1C800] =	vst v63  }
0x2c: {  	_ =	swait.ge [sflag:s17], $0x2000  }
0x2d: {  	[sflag:s17] =	ssyncset.done $0x0  }
0x2e: {  	s8 =	rddreg [dreg:$0x8];
	[sflag:s17] =	ssyncadd.s32 $0xFFFFE000  }
0x2f: {  	[spmem:s8] =	stream.linear.scatter [tilespmem:s16], [sflag:$0x5], $0x2000, $0x38;
	[tilespmem:$0x1C800] =	vst v63  }
0x30: {  	s9 =	stileid.u32;
	_ =	swait.ge [sflag:s17], $0x2000  }
0x31: {  	s0 =	sshll.u32 s9, $0x6;
	[sflag:s17] =	ssyncset.done $0x0  }
0x32: {  	s29 =	sor.u32 $0x1C05, s0;
	s10 =	rddreg [dreg:$0x9];
	[sflag:s17] =	ssyncadd.s32 $0xFFFFE000  }
0x33: {  	[spmem:s18], [sflag:s29] =	dma.local [hbm:s10], $0xA00  }
0x34: {  	_ =	swait.ge [sflag:s17], $0xA00  }
0x35: {  	[sflag:s17] =	ssyncset.done $0x0  }
0x36: {  	[sflag:s17] =	ssyncadd.s32 $0xFFFFF600  }
0x37: {  	s30 =	simm.s32 $0x0;
	[bflag:$0x0] =	sbarrier.arrive $0xFFFF  }
0x38: {  	[tilespmem:s30], [sflag:$0x5] =	stream.linear.gather [hbm4b:s11+s30], $0x2800, $0x38;
	[tilespmem:$0x1C800] =	vst v63  }
0x39: {  	_ =	swait.ge [sflag:s17], $0x2800  }
0x3a: {  	[sflag:s17] =	ssyncset.done $0x0  }
0x3b: {  	s19 =	simm.s32 $0x2800;
	[sflag:s17] =	ssyncadd.s32 $0xFFFFD800  }
0x3c: {  	[tilespmem:s19], [sflag:$0x5] =	stream.linear.gather [hbm4b:s12+s30], $0x2800, $0x38;
	[tilespmem:$0x1C800] =	vst v63  }
0x3d: {  	_ =	swait.ge [sflag:s17], $0x2800  }
0x3e: {  	[sflag:s17] =	ssyncset.done $0x0  }
0x3f: {  	s31 =	simm.s32 $0x5000;
	[sflag:s17] =	ssyncadd.s32 $0xFFFFD800  }
0x40: {  	[tilespmem:s31], [sflag:$0x5] =	stream.linear.gather [hbm4b:s13+s30], $0x2800, $0x38;
	[tilespmem:$0x1C800] =	vst v63  }
0x41: {  	_ =	swait.ge [sflag:s17], $0x2800  }
0x42: {  	[sflag:s17] =	ssyncset.done $0x0  }
0x43: {  	s21 =	simm.s32 $0x7800;
	s0 =	simm.s32 $0x5080;
	[sflag:s17] =	ssyncadd.s32 $0xFFFFD800  }
0x44: {  	[tilespmem:s21], [sflag:$0x1] =	stream.indirect.gather [spmem:s3], $0x20, s30, s20, $0xb8;
	[tilespmem:$0x1C800] =	vst v63  }
.LBB2_4:
0x45: {  	s21 =	sshll.u32 s30, $0xA;
	_ =	swait.ge [sflag:s22], $0x1000  }
0x46: {  	p0 =	seq.s32 s30, $0x0;
	[sflag:s22] =	ssyncset.done $0x0;
	s2 =	sor.u32 $0x200, s21  }
0x47: {  	v1 =	vmov s31;
	[sflag:s22] =	ssyncadd.s32 $0xFFFFF000;
	s19 =	sshrl.u32 s2, $0x2;
	s2 =	simm.s32 @!p0 $0x3  }
0x48: {  	[tilespmem:s23], [sflag:$0x2] =	stream.indirect.gather [spmem:s3], $0x20, s19, s20, $0xb8;
	[tilespmem:$0x1C800] =	vst v63  }
0x49: {  	_ =	swait.ge @!p0 [sflag:s2], $0x2000  }
0x4a: {  	[sflag:s2] =	ssyncset.done @!p0 $0x0  }
0x4b: {  	s10 =	simm.s32 $0x0;
	[sflag:s2] =	ssyncadd.s32 @!p0 $0xFFFFE000  }
0x4c: {  	v2 =	vld.idx.msk [tilespmem:v1+s10+$0x0 ss:$0x1], $0xffff;
	_ =	sdelay $0x1  }
0x4d: {  	s2 =	simm.s32 $0x7900  }
0x4e: {  	v3 =	vld [tilespmem:s2+$0xFFFFFF10]  }
0x4f: {  	v4 =	vld [tilespmem:s2+$0xFFFFFF00]  }
0x50: {  	v2 =	vmax.f32 v2, $0.0e+00  }
0x51: {  	v2 =	vmin.f32 v2, $1.000000000e+00  }
0x52: {  	v5 =	vbroadcast v2, $0x0;
	_ =	sdelay $0x1  }
0x53: {  	v6 =	vmul.f32 v5, v4;
	v5 =	vmul.f32 v5, v3  }
0x54: {  	s6 =	simm.s32 $0x9A00  }
0x55: {  	v4 =	vsub.f32 v4, v6;
	[tilespmem:s6+$0xFFFFFE30] =	vst v5  }
0x56: {  	v3 =	vsub.f32 v3, v5;
	[tilespmem:s6+$0xFFFFFE20] =	vst v6  }
0x57: {  	[tilespmem:s6+$0xFFFFFE00] =	vst v4  }
0x58: {  	[tilespmem:s6+$0xFFFFFE10] =	vst v3  }
0x59: {  	v3 =	vld [tilespmem:s2+$0xFFFFFF20]  }
0x5a: {  	v4 =	vld [tilespmem:s2+$0xFFFFFF30];
	_ =	sdelay $0x1  }
0x5b: {  	v5 =	vbroadcast v2, $0x1;
	_ =	sdelay $0x1  }
0x5c: {  	v6 =	vmul.f32 v3, v5  }
0x5d: {  	v5 =	vmul.f32 v4, v5  }
0x5e: {  	v3 =	vsub.f32 v3, v6;
	[tilespmem:s6+$0xFFFFFE60] =	vst v6  }
0x5f: {  	v4 =	vsub.f32 v4, v5;
	[tilespmem:s6+$0xFFFFFE70] =	vst v5  }
0x60: {  	[tilespmem:s6+$0xFFFFFE40] =	vst v3  }
0x61: {  	[tilespmem:s6+$0xFFFFFE50] =	vst v4  }
0x62: {  	v3 =	vld [tilespmem:s2+$0xFFFFFF40]  }
0x63: {  	v4 =	vld [tilespmem:s2+$0xFFFFFF50];
	_ =	sdelay $0x1  }
0x64: {  	v5 =	vbroadcast v2, $0x2;
	_ =	sdelay $0x1  }
0x65: {  	v6 =	vmul.f32 v3, v5  }
0x66: {  	v5 =	vmul.f32 v4, v5  }
0x67: {  	v3 =	vsub.f32 v3, v6;
	[tilespmem:s6+$0xFFFFFEA0] =	vst v6  }
0x68: {  	v4 =	vsub.f32 v4, v5;
	[tilespmem:s6+$0xFFFFFEB0] =	vst v5  }
0x69: {  	[tilespmem:s6+$0xFFFFFE80] =	vst v3  }
0x6a: {  	[tilespmem:s6+$0xFFFFFE90] =	vst v4  }
0x6b: {  	v3 =	vld [tilespmem:s2+$0xFFFFFF60]  }
0x6c: {  	v4 =	vld [tilespmem:s2+$0xFFFFFF70];
	_ =	sdelay $0x1  }
0x6d: {  	v5 =	vbroadcast v2, $0x3;
	_ =	sdelay $0x1  }
0x6e: {  	v6 =	vmul.f32 v3, v5  }
0x6f: {  	v5 =	vmul.f32 v4, v5  }
0x70: {  	v3 =	vsub.f32 v3, v6;
	[tilespmem:s6+$0xFFFFFEE0] =	vst v6  }
0x71: {  	v4 =	vsub.f32 v4, v5;
	[tilespmem:s6+$0xFFFFFEF0] =	vst v5  }
0x72: {  	[tilespmem:s6+$0xFFFFFEC0] =	vst v3  }
0x73: {  	[tilespmem:s6+$0xFFFFFED0] =	vst v4  }
0x74: {  	v3 =	vld [tilespmem:s2+$0xFFFFFF80]  }
0x75: {  	v4 =	vld [tilespmem:s2+$0xFFFFFF90];
	_ =	sdelay $0x1  }
0x76: {  	v5 =	vbroadcast v2, $0x4;
	_ =	sdelay $0x1  }
0x77: {  	v6 =	vmul.f32 v3, v5  }
0x78: {  	v5 =	vmul.f32 v4, v5  }
0x79: {  	v3 =	vsub.f32 v3, v6;
	[tilespmem:s6+$0xFFFFFF20] =	vst v6  }
0x7a: {  	v4 =	vsub.f32 v4, v5;
	[tilespmem:s6+$0xFFFFFF30] =	vst v5  }
0x7b: {  	[tilespmem:s6+$0xFFFFFF00] =	vst v3  }
0x7c: {  	[tilespmem:s6+$0xFFFFFF10] =	vst v4  }
0x7d: {  	v3 =	vld [tilespmem:s2+$0xFFFFFFA0]  }
0x7e: {  	v4 =	vld [tilespmem:s2+$0xFFFFFFB0];
	_ =	sdelay $0x1  }
0x7f: {  	v5 =	vbroadcast v2, $0x5;
	_ =	sdelay $0x1  }
0x80: {  	v6 =	vmul.f32 v3, v5  }
0x81: {  	v5 =	vmul.f32 v4, v5  }
0x82: {  	v3 =	vsub.f32 v3, v6;
	[tilespmem:s6+$0xFFFFFF60] =	vst v6  }
0x83: {  	v4 =	vsub.f32 v4, v5;
	[tilespmem:s6+$0xFFFFFF70] =	vst v5  }
0x84: {  	[tilespmem:s6+$0xFFFFFF40] =	vst v3  }
0x85: {  	[tilespmem:s6+$0xFFFFFF50] =	vst v4  }
0x86: {  	v3 =	vld [tilespmem:s2+$0xFFFFFFC0]  }
0x87: {  	v4 =	vld [tilespmem:s2+$0xFFFFFFD0];
	_ =	sdelay $0x1  }
0x88: {  	v5 =	vbroadcast v2, $0x6;
	_ =	sdelay $0x1  }
0x89: {  	v6 =	vmul.f32 v3, v5  }
0x8a: {  	v5 =	vmul.f32 v4, v5  }
0x8b: {  	v3 =	vsub.f32 v3, v6;
	[tilespmem:s6+$0xFFFFFFA0] =	vst v6  }
0x8c: {  	v4 =	vsub.f32 v4, v5;
	[tilespmem:s6+$0xFFFFFFB0] =	vst v5  }
0x8d: {  	[tilespmem:s6+$0xFFFFFF80] =	vst v3  }
0x8e: {  	[tilespmem:s6+$0xFFFFFF90] =	vst v4  }
0x8f: {  	v3 =	vld [tilespmem:s2+$0xFFFFFFE0]  }
0x90: {  	v4 =	vld [tilespmem:s2+$0xFFFFFFF0];
	_ =	sdelay $0x1  }
0x91: {  	v5 =	vbroadcast v2, $0x7;
	_ =	sdelay $0x1  }
0x92: {  	v6 =	vmul.f32 v3, v5  }
0x93: {  	v5 =	vmul.f32 v4, v5  }
0x94: {  	v3 =	vsub.f32 v3, v6;
	[tilespmem:s6+$0xFFFFFFE0] =	vst v6  }
0x95: {  	v4 =	vsub.f32 v4, v5;
	[tilespmem:s6+$0xFFFFFFF0] =	vst v5  }
0x96: {  	[tilespmem:s6+$0xFFFFFFC0] =	vst v3  }
0x97: {  	[tilespmem:s6+$0xFFFFFFD0] =	vst v4  }
0x98: {  	v3 =	vld [tilespmem:s2+$0x0]  }
0x99: {  	v4 =	vld [tilespmem:s2+$0x10];
	_ =	sdelay $0x1  }
0x9a: {  	v5 =	vbroadcast v2, $0x8;
	_ =	sdelay $0x1  }
0x9b: {  	v6 =	vmul.f32 v3, v5  }
0x9c: {  	v5 =	vmul.f32 v4, v5  }
0x9d: {  	v3 =	vsub.f32 v3, v6;
	[tilespmem:s6+$0x20] =	vst v6  }
0x9e: {  	v4 =	vsub.f32 v4, v5;
	[tilespmem:s6+$0x30] =	vst v5  }
0x9f: {  	[tilespmem:s6+$0x0] =	vst v3  }
0xa0: {  	[tilespmem:s6+$0x10] =	vst v4  }
0xa1: {  	v3 =	vld [tilespmem:s2+$0x20]  }
0xa2: {  	v4 =	vld [tilespmem:s2+$0x30];
	_ =	sdelay $0x1  }
0xa3: {  	v5 =	vbroadcast v2, $0x9;
	_ =	sdelay $0x1  }
0xa4: {  	v6 =	vmul.f32 v3, v5  }
0xa5: {  	v5 =	vmul.f32 v4, v5  }
0xa6: {  	v3 =	vsub.f32 v3, v6;
	[tilespmem:s6+$0x60] =	vst v6  }
0xa7: {  	v4 =	vsub.f32 v4, v5;
	[tilespmem:s6+$0x70] =	vst v5  }
0xa8: {  	[tilespmem:s6+$0x40] =	vst v3  }
0xa9: {  	[tilespmem:s6+$0x50] =	vst v4  }
0xaa: {  	v3 =	vld [tilespmem:s2+$0x40]  }
0xab: {  	v4 =	vld [tilespmem:s2+$0x50];
	_ =	sdelay $0x1  }
0xac: {  	v5 =	vbroadcast v2, $0xA;
	_ =	sdelay $0x1  }
0xad: {  	v6 =	vmul.f32 v3, v5  }
0xae: {  	v5 =	vmul.f32 v4, v5  }
0xaf: {  	v3 =	vsub.f32 v3, v6;
	[tilespmem:s6+$0xA0] =	vst v6  }
0xb0: {  	v4 =	vsub.f32 v4, v5;
	[tilespmem:s6+$0xB0] =	vst v5  }
0xb1: {  	[tilespmem:s6+$0x80] =	vst v3  }
0xb2: {  	[tilespmem:s6+$0x90] =	vst v4  }
0xb3: {  	v3 =	vld [tilespmem:s2+$0x60]  }
0xb4: {  	v4 =	vld [tilespmem:s2+$0x70];
	_ =	sdelay $0x1  }
0xb5: {  	v5 =	vbroadcast v2, $0xB;
	_ =	sdelay $0x1  }
0xb6: {  	v6 =	vmul.f32 v3, v5  }
0xb7: {  	v5 =	vmul.f32 v4, v5  }
0xb8: {  	v3 =	vsub.f32 v3, v6;
	[tilespmem:s6+$0xE0] =	vst v6  }
0xb9: {  	v4 =	vsub.f32 v4, v5;
	[tilespmem:s6+$0xF0] =	vst v5  }
0xba: {  	[tilespmem:s6+$0xC0] =	vst v3  }
0xbb: {  	[tilespmem:s6+$0xD0] =	vst v4  }
0xbc: {  	v3 =	vld [tilespmem:s2+$0x80]  }
0xbd: {  	v4 =	vld [tilespmem:s2+$0x90];
	_ =	sdelay $0x1  }
0xbe: {  	v5 =	vbroadcast v2, $0xC;
	_ =	sdelay $0x1  }
0xbf: {  	v6 =	vmul.f32 v3, v5  }
0xc0: {  	v5 =	vmul.f32 v4, v5  }
0xc1: {  	v3 =	vsub.f32 v3, v6;
	[tilespmem:s6+$0x120] =	vst v6  }
0xc2: {  	v4 =	vsub.f32 v4, v5;
	[tilespmem:s6+$0x130] =	vst v5  }
0xc3: {  	[tilespmem:s6+$0x100] =	vst v3  }
0xc4: {  	[tilespmem:s6+$0x110] =	vst v4  }
0xc5: {  	v3 =	vld [tilespmem:s2+$0xA0]  }
0xc6: {  	v4 =	vld [tilespmem:s2+$0xB0];
	_ =	sdelay $0x1  }
0xc7: {  	v5 =	vbroadcast v2, $0xD;
	_ =	sdelay $0x1  }
0xc8: {  	v6 =	vmul.f32 v3, v5  }
0xc9: {  	v5 =	vmul.f32 v4, v5  }
0xca: {  	v3 =	vsub.f32 v3, v6;
	[tilespmem:s6+$0x160] =	vst v6  }
0xcb: {  	v4 =	vsub.f32 v4, v5;
	[tilespmem:s6+$0x170] =	vst v5  }
0xcc: {  	[tilespmem:s6+$0x140] =	vst v3  }
0xcd: {  	[tilespmem:s6+$0x150] =	vst v4  }
0xce: {  	v4 =	vld [tilespmem:s2+$0xC0]  }
0xcf: {  	s9 =	simm.s32 $0x40;
	s7 =	simm.s32 $0x9A00;
	s8 =	simm.s32 $0x7900;
	v3 =	vbroadcast v2, $0xE;
	v2 =	vbroadcast v2, $0xF;
	v5 =	vld [tilespmem:s2+$0xD0]  }
.LBB2_5:
0xd0: {  	_ =	sdelay $0x2  }
0xd1: {  	p0 =	sne.s32 s9, $0x1C0;
	s2 =	sadd.s32 $0x200, s2;
	s6 =	sadd.s32 $0x400, s6;
	v6 =	vmul.f32 v4, v3  }
0xd2: {  	s10 =	smov.u32 s9;
	s9 =	sadd.s32 $0x40, s9;
	v3 =	vmul.f32 v5, v3  }
0xd3: {  	v4 =	vsub.f32 v4, v6;
	[tilespmem:s7+$0x1A0] =	vst v6  }
0xd4: {  	v5 =	vsub.f32 v5, v3;
	[tilespmem:s7+$0x1B0] =	vst v3  }
0xd5: {  	[tilespmem:s7+$0x180] =	vst v4  }
0xd6: {  	[tilespmem:s7+$0x190] =	vst v5  }
0xd7: {  	v3 =	vld [tilespmem:s8+$0xE0]  }
0xd8: {  	v4 =	vld [tilespmem:s8+$0xF0];
	s8 =	smov.u32 s2;
	_ =	sdelay $0x3  }
0xd9: {  	v5 =	vmul.f32 v3, v2  }
0xda: {  	v2 =	vmul.f32 v4, v2  }
0xdb: {  	v3 =	vsub.f32 v3, v5;
	[tilespmem:s7+$0x1E0] =	vst v5  }
0xdc: {  	v4 =	vsub.f32 v4, v2;
	[tilespmem:s7+$0x1F0] =	vst v2  }
0xdd: {  	[tilespmem:s7+$0x1C0] =	vst v3  }
0xde: {  	s10 =	sshra.s32 s10, $0x2;
	[tilespmem:s7+$0x1D0] =	vst v4;
	s7 =	smov.u32 s6  }
0xdf: {  	v2 =	vld.idx.msk [tilespmem:v1+s10+$0x0 ss:$0x1], $0xffff;
	_ =	sdelay $0x3  }
0xe0: {  	v3 =	vld [tilespmem:s2+$0xFFFFFF10]  }
0xe1: {  	v4 =	vld [tilespmem:s2+$0xFFFFFF00]  }
0xe2: {  	v2 =	vmax.f32 v2, $0.0e+00  }
0xe3: {  	v2 =	vmin.f32 v2, $1.000000000e+00  }
0xe4: {  	v5 =	vbroadcast v2, $0x0;
	_ =	sdelay $0x1  }
0xe5: {  	v6 =	vmul.f32 v5, v4;
	v5 =	vmul.f32 v5, v3;
	_ =	sdelay $0x1  }
0xe6: {  	v4 =	vsub.f32 v4, v6;
	v3 =	vsub.f32 v3, v5;
	[tilespmem:s6+$0xFFFFFE30] =	vst v5  }
0xe7: {  	[tilespmem:s6+$0xFFFFFE20] =	vst v6  }
0xe8: {  	[tilespmem:s6+$0xFFFFFE00] =	vst v4  }
0xe9: {  	[tilespmem:s6+$0xFFFFFE10] =	vst v3  }
0xea: {  	v3 =	vld [tilespmem:s2+$0xFFFFFF20]  }
0xeb: {  	v4 =	vld [tilespmem:s2+$0xFFFFFF30]  }
0xec: {  	v5 =	vbroadcast v2, $0x1;
	_ =	sdelay $0x2  }
0xed: {  	v6 =	vmul.f32 v3, v5  }
0xee: {  	v5 =	vmul.f32 v4, v5  }
0xef: {  	v3 =	vsub.f32 v3, v6;
	[tilespmem:s6+$0xFFFFFE60] =	vst v6  }
0xf0: {  	v4 =	vsub.f32 v4, v5;
	[tilespmem:s6+$0xFFFFFE70] =	vst v5  }
0xf1: {  	[tilespmem:s6+$0xFFFFFE40] =	vst v3  }
0xf2: {  	[tilespmem:s6+$0xFFFFFE50] =	vst v4  }
0xf3: {  	v3 =	vld [tilespmem:s2+$0xFFFFFF40]  }
0xf4: {  	v5 =	vbroadcast v2, $0x2;
	v4 =	vld [tilespmem:s2+$0xFFFFFF50];
	_ =	sdelay $0x3  }
0xf5: {  	v6 =	vmul.f32 v3, v5  }
0xf6: {  	v5 =	vmul.f32 v4, v5  }
0xf7: {  	v3 =	vsub.f32 v3, v6;
	[tilespmem:s6+$0xFFFFFEA0] =	vst v6  }
0xf8: {  	v4 =	vsub.f32 v4, v5;
	[tilespmem:s6+$0xFFFFFEB0] =	vst v5  }
0xf9: {  	[tilespmem:s6+$0xFFFFFE80] =	vst v3  }
0xfa: {  	[tilespmem:s6+$0xFFFFFE90] =	vst v4  }
0xfb: {  	v4 =	vbroadcast v2, $0x3;
	v3 =	vld [tilespmem:s2+$0xFFFFFF60]  }
0xfc: {  	v5 =	vld [tilespmem:s2+$0xFFFFFF70];
	_ =	sdelay $0x3  }
0xfd: {  	v6 =	vmul.f32 v3, v4  }
0xfe: {  	v4 =	vmul.f32 v5, v4  }
0xff: {  	v3 =	vsub.f32 v3, v6;
	[tilespmem:s6+$0xFFFFFEE0] =	vst v6  }
0x100: {  	v5 =	vsub.f32 v5, v4;
	[tilespmem:s6+$0xFFFFFEF0] =	vst v4  }
0x101: {  	[tilespmem:s6+$0xFFFFFEC0] =	vst v3  }
0x102: {  	v3 =	vbroadcast v2, $0x4;
	[tilespmem:s6+$0xFFFFFED0] =	vst v5  }
0x103: {  	v4 =	vld [tilespmem:s2+$0xFFFFFF80]  }
0x104: {  	v5 =	vld [tilespmem:s2+$0xFFFFFF90];
	_ =	sdelay $0x3  }
0x105: {  	v6 =	vmul.f32 v4, v3  }
0x106: {  	v3 =	vmul.f32 v5, v3  }
0x107: {  	v4 =	vsub.f32 v4, v6;
	[tilespmem:s6+$0xFFFFFF20] =	vst v6  }
0x108: {  	v5 =	vsub.f32 v5, v3;
	[tilespmem:s6+$0xFFFFFF30] =	vst v3  }
0x109: {  	v3 =	vbroadcast v2, $0x5;
	[tilespmem:s6+$0xFFFFFF00] =	vst v4  }
0x10a: {  	[tilespmem:s6+$0xFFFFFF10] =	vst v5  }
0x10b: {  	v4 =	vld [tilespmem:s2+$0xFFFFFFA0]  }
0x10c: {  	v5 =	vld [tilespmem:s2+$0xFFFFFFB0];
	_ =	sdelay $0x3  }
0x10d: {  	v6 =	vmul.f32 v4, v3  }
0x10e: {  	v3 =	vmul.f32 v5, v3  }
0x10f: {  	v4 =	vsub.f32 v4, v6;
	[tilespmem:s6+$0xFFFFFF60] =	vst v6  }
0x110: {  	v5 =	vsub.f32 v5, v3;
	[tilespmem:s6+$0xFFFFFF70] =	vst v3;
	v3 =	vbroadcast v2, $0x6  }
0x111: {  	[tilespmem:s6+$0xFFFFFF40] =	vst v4  }
0x112: {  	[tilespmem:s6+$0xFFFFFF50] =	vst v5  }
0x113: {  	v4 =	vld [tilespmem:s2+$0xFFFFFFC0]  }
0x114: {  	v5 =	vld [tilespmem:s2+$0xFFFFFFD0];
	_ =	sdelay $0x3  }
0x115: {  	v6 =	vmul.f32 v4, v3  }
0x116: {  	v3 =	vmul.f32 v5, v3  }
0x117: {  	v4 =	vsub.f32 v4, v6;
	[tilespmem:s6+$0xFFFFFFA0] =	vst v6;
	v6 =	vbroadcast v2, $0x7  }
0x118: {  	v5 =	vsub.f32 v5, v3;
	[tilespmem:s6+$0xFFFFFFB0] =	vst v3  }
0x119: {  	[tilespmem:s6+$0xFFFFFF80] =	vst v4  }
0x11a: {  	[tilespmem:s6+$0xFFFFFF90] =	vst v5  }
0x11b: {  	v3 =	vld [tilespmem:s2+$0xFFFFFFE0]  }
0x11c: {  	v4 =	vld [tilespmem:s2+$0xFFFFFFF0];
	_ =	sdelay $0x3  }
0x11d: {  	v5 =	vmul.f32 v3, v6  }
0x11e: {  	v7 =	vbroadcast v2, $0x8;
	v6 =	vmul.f32 v4, v6  }
0x11f: {  	v3 =	vsub.f32 v3, v5;
	[tilespmem:s6+$0xFFFFFFE0] =	vst v5  }
0x120: {  	v4 =	vsub.f32 v4, v6;
	[tilespmem:s6+$0xFFFFFFF0] =	vst v6  }
0x121: {  	[tilespmem:s6+$0xFFFFFFC0] =	vst v3  }
0x122: {  	[tilespmem:s6+$0xFFFFFFD0] =	vst v4  }
0x123: {  	v3 =	vld [tilespmem:s2+$0x0]  }
0x124: {  	v4 =	vld [tilespmem:s2+$0x10];
	_ =	sdelay $0x3  }
0x125: {  	v6 =	vbroadcast v2, $0x9;
	v5 =	vmul.f32 v3, v7  }
0x126: {  	v7 =	vmul.f32 v4, v7  }
0x127: {  	v3 =	vsub.f32 v3, v5;
	[tilespmem:s6+$0x20] =	vst v5  }
0x128: {  	v4 =	vsub.f32 v4, v7;
	[tilespmem:s6+$0x30] =	vst v7  }
0x129: {  	[tilespmem:s6+$0x0] =	vst v3  }
0x12a: {  	[tilespmem:s6+$0x10] =	vst v4  }
0x12b: {  	v3 =	vld [tilespmem:s2+$0x20]  }
0x12c: {  	v4 =	vld [tilespmem:s2+$0x30];
	_ =	sdelay $0x2  }
0x12d: {  	v5 =	vbroadcast v2, $0xA  }
0x12e: {  	v7 =	vmul.f32 v3, v6  }
0x12f: {  	v6 =	vmul.f32 v4, v6  }
0x130: {  	v3 =	vsub.f32 v3, v7;
	[tilespmem:s6+$0x60] =	vst v7  }
0x131: {  	v4 =	vsub.f32 v4, v6;
	[tilespmem:s6+$0x70] =	vst v6  }
0x132: {  	[tilespmem:s6+$0x40] =	vst v3  }
0x133: {  	[tilespmem:s6+$0x50] =	vst v4  }
0x134: {  	v3 =	vld [tilespmem:s2+$0x40]  }
0x135: {  	v4 =	vld [tilespmem:s2+$0x50];
	_ =	sdelay $0x1  }
0x136: {  	v6 =	vbroadcast v2, $0xB;
	_ =	sdelay $0x1  }
0x137: {  	v7 =	vmul.f32 v3, v5  }
0x138: {  	v5 =	vmul.f32 v4, v5  }
0x139: {  	v3 =	vsub.f32 v3, v7;
	[tilespmem:s6+$0xA0] =	vst v7  }
0x13a: {  	v4 =	vsub.f32 v4, v5;
	[tilespmem:s6+$0xB0] =	vst v5  }
0x13b: {  	[tilespmem:s6+$0x80] =	vst v3  }
0x13c: {  	[tilespmem:s6+$0x90] =	vst v4  }
0x13d: {  	v3 =	vld [tilespmem:s2+$0x60]  }
0x13e: {  	v4 =	vld [tilespmem:s2+$0x70]  }
0x13f: {  	v5 =	vbroadcast v2, $0xC;
	_ =	sdelay $0x2  }
0x140: {  	v7 =	vmul.f32 v3, v6  }
0x141: {  	v6 =	vmul.f32 v4, v6  }
0x142: {  	v3 =	vsub.f32 v3, v7;
	[tilespmem:s6+$0xE0] =	vst v7  }
0x143: {  	v4 =	vsub.f32 v4, v6;
	[tilespmem:s6+$0xF0] =	vst v6  }
0x144: {  	[tilespmem:s6+$0xC0] =	vst v3  }
0x145: {  	[tilespmem:s6+$0xD0] =	vst v4  }
0x146: {  	v3 =	vld [tilespmem:s2+$0x80]  }
0x147: {  	v6 =	vbroadcast v2, $0xD;
	v4 =	vld [tilespmem:s2+$0x90];
	_ =	sdelay $0x3  }
0x148: {  	v7 =	vmul.f32 v3, v5  }
0x149: {  	v5 =	vmul.f32 v4, v5  }
0x14a: {  	v3 =	vsub.f32 v3, v7;
	[tilespmem:s6+$0x120] =	vst v7  }
0x14b: {  	v4 =	vsub.f32 v4, v5;
	[tilespmem:s6+$0x130] =	vst v5  }
0x14c: {  	[tilespmem:s6+$0x100] =	vst v3  }
0x14d: {  	[tilespmem:s6+$0x110] =	vst v4  }
0x14e: {  	v3 =	vbroadcast v2, $0xE;
	v4 =	vld [tilespmem:s2+$0xA0]  }
0x14f: {  	v5 =	vld [tilespmem:s2+$0xB0];
	_ =	sdelay $0x3  }
0x150: {  	v7 =	vmul.f32 v4, v6  }
0x151: {  	v6 =	vmul.f32 v5, v6  }
0x152: {  	v4 =	vsub.f32 v4, v7;
	[tilespmem:s6+$0x160] =	vst v7  }
.Ltmp1:
0x153: {  	v5 =	vsub.f32 v5, v6;
	[tilespmem:s6+$0x170] =	vst v6;
	(pc) =	sbr.rel @p0 .LBB2_5-.Ltmp1, $4  }
0x154: {  	[tilespmem:s6+$0x140] =	vst v4  }
0x155: {  	v2 =	vbroadcast v2, $0xF;
	[tilespmem:s6+$0x150] =	vst v5  }
0x156: {  	v4 =	vld [tilespmem:s2+$0xC0]  }
0x157: {  	v5 =	vld [tilespmem:s2+$0xD0]  }
0x158: {  	_ =	sdelay $0x2  }
0x159: {  	v1 =	vmul.f32 v4, v3  }
0x15a: {  	v3 =	vmul.f32 v5, v3  }
0x15b: {  	v4 =	vsub.f32 v4, v1;
	[tilespmem:s7+$0x1A0] =	vst v1  }
0x15c: {  	v1 =	vsub.f32 v5, v3;
	[tilespmem:s7+$0x1B0] =	vst v3  }
0x15d: {  	[tilespmem:s7+$0x180] =	vst v4  }
0x15e: {  	[tilespmem:s7+$0x190] =	vst v1  }
0x15f: {  	v1 =	vld [tilespmem:s8+$0xE0]  }
0x160: {  	v3 =	vld [tilespmem:s8+$0xF0];
	_ =	sdelay $0x3  }
0x161: {  	v4 =	vmul.f32 v1, v2  }
0x162: {  	v2 =	vmul.f32 v3, v2  }
0x163: {  	v1 =	vsub.f32 v1, v4;
	[tilespmem:s7+$0x1E0] =	vst v4  }
0x164: {  	v3 =	vsub.f32 v3, v2;
	[tilespmem:s7+$0x1F0] =	vst v2  }
0x165: {  	s2 =	sshrl.u32 s21, $0x2;
	[tilespmem:s7+$0x1C0] =	vst v1  }
0x166: {  	p0 =	seq.s32 s30, $0x27;
	s2 =	sadd.s32 $0x2800, s2;
	[tilespmem:s7+$0x1D0] =	vst v3  }
0x167: {  	[spmem:s1] =	stream.indirect.scatter.add.f32 [tilespmem:s16], [sflag:$0x3], $0x40, s2, s20, $0xb8;
	[tilespmem:$0x1C800] =	vst v63  }
0x168: {  	p1 =	seq.s32 @!p0 s30, $0x0;
	_ =	swait.ge [sflag:s24], $0x1000  }
0x169: {  	s6 =	simm.s32 @!p0 $0x80;
	s2 =	sshrl.u32 @!p0 s21, $0x2;
	[sflag:s24] =	ssyncset.done $0x0  }
0x16a: {  	s7 =	simm.s32 @!p0 $0x7800;
	s2 =	sadd.s32 @!p0 $0x100, s2;
	[sflag:s24] =	ssyncadd.s32 $0xFFFFF000  }
0x16b: {  	v1 =	vmov s0;
	[tilespmem:s7], [sflag:$0x1] =	stream.indirect.gather @!p0 [spmem:s3], $0x20, s2, s6, $0xb8;
	[tilespmem:$0x1C800] =	vst v63  }
0x16c: {  	p0 =	por p0, !p1  }
0x16d: {  	_ =	swait.ge @p0 [sflag:s28], $0x2000  }
0x16e: {  	[sflag:s28] =	ssyncset.done @p0 $0x0  }
0x16f: {  	s21 =	simm.s32 $0x0;
	[sflag:s28] =	ssyncadd.s32 @p0 $0xFFFFE000  }
0x170: {  	v2 =	vld.idx.msk [tilespmem:v1+s21+$0x0 ss:$0x1], $0xffff;
	_ =	sdelay $0x1  }
0x171: {  	s2 =	simm.s32 $0x8900  }
0x172: {  	v3 =	vld [tilespmem:s2+$0xFFFFFF10]  }
0x173: {  	v4 =	vld [tilespmem:s2+$0xFFFFFF00]  }
0x174: {  	v2 =	vmax.f32 v2, $0.0e+00  }
0x175: {  	v2 =	vmin.f32 v2, $1.000000000e+00  }
0x176: {  	v5 =	vbroadcast v2, $0x0;
	_ =	sdelay $0x1  }
0x177: {  	v6 =	vmul.f32 v5, v4;
	v5 =	vmul.f32 v5, v3  }
0x178: {  	s6 =	simm.s32 $0xBA00  }
0x179: {  	v4 =	vsub.f32 v4, v6;
	[tilespmem:s6+$0xFFFFFE30] =	vst v5  }
0x17a: {  	v3 =	vsub.f32 v3, v5;
	[tilespmem:s6+$0xFFFFFE20] =	vst v6  }
0x17b: {  	[tilespmem:s6+$0xFFFFFE00] =	vst v4  }
0x17c: {  	[tilespmem:s6+$0xFFFFFE10] =	vst v3  }
0x17d: {  	v3 =	vld [tilespmem:s2+$0xFFFFFF20]  }
0x17e: {  	v4 =	vld [tilespmem:s2+$0xFFFFFF30];
	_ =	sdelay $0x1  }
0x17f: {  	v5 =	vbroadcast v2, $0x1;
	_ =	sdelay $0x1  }
0x180: {  	v6 =	vmul.f32 v3, v5  }
0x181: {  	v5 =	vmul.f32 v4, v5  }
0x182: {  	v3 =	vsub.f32 v3, v6;
	[tilespmem:s6+$0xFFFFFE60] =	vst v6  }
0x183: {  	v4 =	vsub.f32 v4, v5;
	[tilespmem:s6+$0xFFFFFE70] =	vst v5  }
0x184: {  	[tilespmem:s6+$0xFFFFFE40] =	vst v3  }
0x185: {  	[tilespmem:s6+$0xFFFFFE50] =	vst v4  }
0x186: {  	v3 =	vld [tilespmem:s2+$0xFFFFFF40]  }
0x187: {  	v4 =	vld [tilespmem:s2+$0xFFFFFF50];
	_ =	sdelay $0x1  }
0x188: {  	v5 =	vbroadcast v2, $0x2;
	_ =	sdelay $0x1  }
0x189: {  	v6 =	vmul.f32 v3, v5  }
0x18a: {  	v5 =	vmul.f32 v4, v5  }
0x18b: {  	v3 =	vsub.f32 v3, v6;
	[tilespmem:s6+$0xFFFFFEA0] =	vst v6  }
0x18c: {  	v4 =	vsub.f32 v4, v5;
	[tilespmem:s6+$0xFFFFFEB0] =	vst v5  }
0x18d: {  	[tilespmem:s6+$0xFFFFFE80] =	vst v3  }
0x18e: {  	[tilespmem:s6+$0xFFFFFE90] =	vst v4  }
0x18f: {  	v3 =	vld [tilespmem:s2+$0xFFFFFF60]  }
0x190: {  	v4 =	vld [tilespmem:s2+$0xFFFFFF70];
	_ =	sdelay $0x1  }
0x191: {  	v5 =	vbroadcast v2, $0x3;
	_ =	sdelay $0x1  }
0x192: {  	v6 =	vmul.f32 v3, v5  }
0x193: {  	v5 =	vmul.f32 v4, v5  }
0x194: {  	v3 =	vsub.f32 v3, v6;
	[tilespmem:s6+$0xFFFFFEE0] =	vst v6  }
0x195: {  	v4 =	vsub.f32 v4, v5;
	[tilespmem:s6+$0xFFFFFEF0] =	vst v5  }
0x196: {  	[tilespmem:s6+$0xFFFFFEC0] =	vst v3  }
0x197: {  	[tilespmem:s6+$0xFFFFFED0] =	vst v4  }
0x198: {  	v3 =	vld [tilespmem:s2+$0xFFFFFF80]  }
0x199: {  	v4 =	vld [tilespmem:s2+$0xFFFFFF90];
	_ =	sdelay $0x1  }
0x19a: {  	v5 =	vbroadcast v2, $0x4;
	_ =	sdelay $0x1  }
0x19b: {  	v6 =	vmul.f32 v3, v5  }
0x19c: {  	v5 =	vmul.f32 v4, v5  }
0x19d: {  	v3 =	vsub.f32 v3, v6;
	[tilespmem:s6+$0xFFFFFF20] =	vst v6  }
0x19e: {  	v4 =	vsub.f32 v4, v5;
	[tilespmem:s6+$0xFFFFFF30] =	vst v5  }
0x19f: {  	[tilespmem:s6+$0xFFFFFF00] =	vst v3  }
0x1a0: {  	[tilespmem:s6+$0xFFFFFF10] =	vst v4  }
0x1a1: {  	v3 =	vld [tilespmem:s2+$0xFFFFFFA0]  }
0x1a2: {  	v4 =	vld [tilespmem:s2+$0xFFFFFFB0];
	_ =	sdelay $0x1  }
0x1a3: {  	v5 =	vbroadcast v2, $0x5;
	_ =	sdelay $0x1  }
0x1a4: {  	v6 =	vmul.f32 v3, v5  }
0x1a5: {  	v5 =	vmul.f32 v4, v5  }
0x1a6: {  	v3 =	vsub.f32 v3, v6;
	[tilespmem:s6+$0xFFFFFF60] =	vst v6  }
0x1a7: {  	v4 =	vsub.f32 v4, v5;
	[tilespmem:s6+$0xFFFFFF70] =	vst v5  }
0x1a8: {  	[tilespmem:s6+$0xFFFFFF40] =	vst v3  }
0x1a9: {  	[tilespmem:s6+$0xFFFFFF50] =	vst v4  }
0x1aa: {  	v3 =	vld [tilespmem:s2+$0xFFFFFFC0]  }
0x1ab: {  	v4 =	vld [tilespmem:s2+$0xFFFFFFD0];
	_ =	sdelay $0x1  }
0x1ac: {  	v5 =	vbroadcast v2, $0x6;
	_ =	sdelay $0x1  }
0x1ad: {  	v6 =	vmul.f32 v3, v5  }
0x1ae: {  	v5 =	vmul.f32 v4, v5  }
0x1af: {  	v3 =	vsub.f32 v3, v6;
	[tilespmem:s6+$0xFFFFFFA0] =	vst v6  }
0x1b0: {  	v4 =	vsub.f32 v4, v5;
	[tilespmem:s6+$0xFFFFFFB0] =	vst v5  }
0x1b1: {  	[tilespmem:s6+$0xFFFFFF80] =	vst v3  }
0x1b2: {  	[tilespmem:s6+$0xFFFFFF90] =	vst v4  }
0x1b3: {  	v3 =	vld [tilespmem:s2+$0xFFFFFFE0]  }
0x1b4: {  	v4 =	vld [tilespmem:s2+$0xFFFFFFF0];
	_ =	sdelay $0x1  }
0x1b5: {  	v5 =	vbroadcast v2, $0x7;
	_ =	sdelay $0x1  }
0x1b6: {  	v6 =	vmul.f32 v3, v5  }
0x1b7: {  	v5 =	vmul.f32 v4, v5  }
0x1b8: {  	v3 =	vsub.f32 v3, v6;
	[tilespmem:s6+$0xFFFFFFE0] =	vst v6  }
0x1b9: {  	v4 =	vsub.f32 v4, v5;
	[tilespmem:s6+$0xFFFFFFF0] =	vst v5  }
0x1ba: {  	[tilespmem:s6+$0xFFFFFFC0] =	vst v3  }
0x1bb: {  	[tilespmem:s6+$0xFFFFFFD0] =	vst v4  }
0x1bc: {  	v3 =	vld [tilespmem:s2+$0x0]  }
0x1bd: {  	v4 =	vld [tilespmem:s2+$0x10];
	_ =	sdelay $0x1  }
0x1be: {  	v5 =	vbroadcast v2, $0x8;
	_ =	sdelay $0x1  }
0x1bf: {  	v6 =	vmul.f32 v3, v5  }
0x1c0: {  	v5 =	vmul.f32 v4, v5  }
0x1c1: {  	v3 =	vsub.f32 v3, v6;
	[tilespmem:s6+$0x20] =	vst v6  }
0x1c2: {  	v4 =	vsub.f32 v4, v5;
	[tilespmem:s6+$0x30] =	vst v5  }
0x1c3: {  	[tilespmem:s6+$0x0] =	vst v3  }
0x1c4: {  	[tilespmem:s6+$0x10] =	vst v4  }
0x1c5: {  	v3 =	vld [tilespmem:s2+$0x20]  }
0x1c6: {  	v4 =	vld [tilespmem:s2+$0x30];
	_ =	sdelay $0x1  }
0x1c7: {  	v5 =	vbroadcast v2, $0x9;
	_ =	sdelay $0x1  }
0x1c8: {  	v6 =	vmul.f32 v3, v5  }
0x1c9: {  	v5 =	vmul.f32 v4, v5  }
0x1ca: {  	v3 =	vsub.f32 v3, v6;
	[tilespmem:s6+$0x60] =	vst v6  }
0x1cb: {  	v4 =	vsub.f32 v4, v5;
	[tilespmem:s6+$0x70] =	vst v5  }
0x1cc: {  	[tilespmem:s6+$0x40] =	vst v3  }
0x1cd: {  	[tilespmem:s6+$0x50] =	vst v4  }
0x1ce: {  	v3 =	vld [tilespmem:s2+$0x40]  }
0x1cf: {  	v4 =	vld [tilespmem:s2+$0x50];
	_ =	sdelay $0x1  }
0x1d0: {  	v5 =	vbroadcast v2, $0xA;
	_ =	sdelay $0x1  }
0x1d1: {  	v6 =	vmul.f32 v3, v5  }
0x1d2: {  	v5 =	vmul.f32 v4, v5  }
0x1d3: {  	v3 =	vsub.f32 v3, v6;
	[tilespmem:s6+$0xA0] =	vst v6  }
0x1d4: {  	v4 =	vsub.f32 v4, v5;
	[tilespmem:s6+$0xB0] =	vst v5  }
0x1d5: {  	[tilespmem:s6+$0x80] =	vst v3  }
0x1d6: {  	[tilespmem:s6+$0x90] =	vst v4  }
0x1d7: {  	v3 =	vld [tilespmem:s2+$0x60]  }
0x1d8: {  	v4 =	vld [tilespmem:s2+$0x70];
	_ =	sdelay $0x1  }
0x1d9: {  	v5 =	vbroadcast v2, $0xB;
	_ =	sdelay $0x1  }
0x1da: {  	v6 =	vmul.f32 v3, v5  }
0x1db: {  	v5 =	vmul.f32 v4, v5  }
0x1dc: {  	v3 =	vsub.f32 v3, v6;
	[tilespmem:s6+$0xE0] =	vst v6  }
0x1dd: {  	v4 =	vsub.f32 v4, v5;
	[tilespmem:s6+$0xF0] =	vst v5  }
0x1de: {  	[tilespmem:s6+$0xC0] =	vst v3  }
0x1df: {  	[tilespmem:s6+$0xD0] =	vst v4  }
0x1e0: {  	v3 =	vld [tilespmem:s2+$0x80]  }
0x1e1: {  	v4 =	vld [tilespmem:s2+$0x90];
	_ =	sdelay $0x1  }
0x1e2: {  	v5 =	vbroadcast v2, $0xC;
	_ =	sdelay $0x1  }
0x1e3: {  	v6 =	vmul.f32 v3, v5  }
0x1e4: {  	v5 =	vmul.f32 v4, v5  }
0x1e5: {  	v3 =	vsub.f32 v3, v6;
	[tilespmem:s6+$0x120] =	vst v6  }
0x1e6: {  	v4 =	vsub.f32 v4, v5;
	[tilespmem:s6+$0x130] =	vst v5  }
0x1e7: {  	[tilespmem:s6+$0x100] =	vst v3  }
0x1e8: {  	[tilespmem:s6+$0x110] =	vst v4  }
0x1e9: {  	v3 =	vld [tilespmem:s2+$0xA0]  }
0x1ea: {  	v4 =	vld [tilespmem:s2+$0xB0];
	_ =	sdelay $0x1  }
0x1eb: {  	v5 =	vbroadcast v2, $0xD;
	_ =	sdelay $0x1  }
0x1ec: {  	v6 =	vmul.f32 v3, v5  }
0x1ed: {  	v5 =	vmul.f32 v4, v5  }
0x1ee: {  	v3 =	vsub.f32 v3, v6;
	[tilespmem:s6+$0x160] =	vst v6  }
0x1ef: {  	v4 =	vsub.f32 v4, v5;
	[tilespmem:s6+$0x170] =	vst v5  }
0x1f0: {  	[tilespmem:s6+$0x140] =	vst v3  }
0x1f1: {  	[tilespmem:s6+$0x150] =	vst v4  }
0x1f2: {  	v4 =	vld [tilespmem:s2+$0xC0]  }
0x1f3: {  	s9 =	simm.s32 $0x40;
	s8 =	simm.s32 $0x8900;
	s7 =	simm.s32 $0xBA00;
	v3 =	vbroadcast v2, $0xE;
	v2 =	vbroadcast v2, $0xF;
	v5 =	vld [tilespmem:s2+$0xD0]  }
.LBB2_7:
0x1f4: {  	_ =	sdelay $0x2  }
0x1f5: {  	p0 =	sne.s32 s9, $0x1C0;
	s2 =	sadd.s32 $0x200, s2;
	s6 =	sadd.s32 $0x400, s6;
	v6 =	vmul.f32 v4, v3  }
0x1f6: {  	s10 =	smov.u32 s9;
	s9 =	sadd.s32 $0x40, s9;
	v3 =	vmul.f32 v5, v3  }
0x1f7: {  	v4 =	vsub.f32 v4, v6;
	[tilespmem:s7+$0x1A0] =	vst v6  }
0x1f8: {  	v5 =	vsub.f32 v5, v3;
	[tilespmem:s7+$0x1B0] =	vst v3  }
0x1f9: {  	[tilespmem:s7+$0x180] =	vst v4  }
0x1fa: {  	[tilespmem:s7+$0x190] =	vst v5  }
0x1fb: {  	v3 =	vld [tilespmem:s8+$0xE0]  }
0x1fc: {  	v4 =	vld [tilespmem:s8+$0xF0];
	s8 =	smov.u32 s2;
	_ =	sdelay $0x3  }
0x1fd: {  	v5 =	vmul.f32 v3, v2  }
0x1fe: {  	v2 =	vmul.f32 v4, v2  }
0x1ff: {  	v3 =	vsub.f32 v3, v5;
	[tilespmem:s7+$0x1E0] =	vst v5  }
0x200: {  	v4 =	vsub.f32 v4, v2;
	[tilespmem:s7+$0x1F0] =	vst v2  }
0x201: {  	[tilespmem:s7+$0x1C0] =	vst v3  }
0x202: {  	s10 =	sshra.s32 s10, $0x2;
	[tilespmem:s7+$0x1D0] =	vst v4;
	s7 =	smov.u32 s6  }
0x203: {  	v2 =	vld.idx.msk [tilespmem:v1+s10+$0x0 ss:$0x1], $0xffff;
	_ =	sdelay $0x3  }
0x204: {  	v3 =	vld [tilespmem:s2+$0xFFFFFF10]  }
0x205: {  	v4 =	vld [tilespmem:s2+$0xFFFFFF00]  }
0x206: {  	v2 =	vmax.f32 v2, $0.0e+00  }
0x207: {  	v2 =	vmin.f32 v2, $1.000000000e+00  }
0x208: {  	v5 =	vbroadcast v2, $0x0;
	_ =	sdelay $0x1  }
0x209: {  	v6 =	vmul.f32 v5, v4;
	v5 =	vmul.f32 v5, v3;
	_ =	sdelay $0x1  }
0x20a: {  	v4 =	vsub.f32 v4, v6;
	v3 =	vsub.f32 v3, v5;
	[tilespmem:s6+$0xFFFFFE30] =	vst v5  }
0x20b: {  	[tilespmem:s6+$0xFFFFFE20] =	vst v6  }
0x20c: {  	[tilespmem:s6+$0xFFFFFE00] =	vst v4  }
0x20d: {  	[tilespmem:s6+$0xFFFFFE10] =	vst v3  }
0x20e: {  	v3 =	vld [tilespmem:s2+$0xFFFFFF20]  }
0x20f: {  	v4 =	vld [tilespmem:s2+$0xFFFFFF30]  }
0x210: {  	v5 =	vbroadcast v2, $0x1;
	_ =	sdelay $0x2  }
0x211: {  	v6 =	vmul.f32 v3, v5  }
0x212: {  	v5 =	vmul.f32 v4, v5  }
0x213: {  	v3 =	vsub.f32 v3, v6;
	[tilespmem:s6+$0xFFFFFE60] =	vst v6  }
0x214: {  	v4 =	vsub.f32 v4, v5;
	[tilespmem:s6+$0xFFFFFE70] =	vst v5  }
0x215: {  	[tilespmem:s6+$0xFFFFFE40] =	vst v3  }
0x216: {  	[tilespmem:s6+$0xFFFFFE50] =	vst v4  }
0x217: {  	v3 =	vld [tilespmem:s2+$0xFFFFFF40]  }
0x218: {  	v5 =	vbroadcast v2, $0x2;
	v4 =	vld [tilespmem:s2+$0xFFFFFF50];
	_ =	sdelay $0x3  }
0x219: {  	v6 =	vmul.f32 v3, v5  }
0x21a: {  	v5 =	vmul.f32 v4, v5  }
0x21b: {  	v3 =	vsub.f32 v3, v6;
	[tilespmem:s6+$0xFFFFFEA0] =	vst v6  }
0x21c: {  	v4 =	vsub.f32 v4, v5;
	[tilespmem:s6+$0xFFFFFEB0] =	vst v5  }
0x21d: {  	[tilespmem:s6+$0xFFFFFE80] =	vst v3  }
0x21e: {  	[tilespmem:s6+$0xFFFFFE90] =	vst v4  }
0x21f: {  	v4 =	vbroadcast v2, $0x3;
	v3 =	vld [tilespmem:s2+$0xFFFFFF60]  }
0x220: {  	v5 =	vld [tilespmem:s2+$0xFFFFFF70];
	_ =	sdelay $0x3  }
0x221: {  	v6 =	vmul.f32 v3, v4  }
0x222: {  	v4 =	vmul.f32 v5, v4  }
0x223: {  	v3 =	vsub.f32 v3, v6;
	[tilespmem:s6+$0xFFFFFEE0] =	vst v6  }
0x224: {  	v5 =	vsub.f32 v5, v4;
	[tilespmem:s6+$0xFFFFFEF0] =	vst v4  }
0x225: {  	[tilespmem:s6+$0xFFFFFEC0] =	vst v3  }
0x226: {  	v3 =	vbroadcast v2, $0x4;
	[tilespmem:s6+$0xFFFFFED0] =	vst v5  }
0x227: {  	v4 =	vld [tilespmem:s2+$0xFFFFFF80]  }
0x228: {  	v5 =	vld [tilespmem:s2+$0xFFFFFF90];
	_ =	sdelay $0x3  }
0x229: {  	v6 =	vmul.f32 v4, v3  }
0x22a: {  	v3 =	vmul.f32 v5, v3  }
0x22b: {  	v4 =	vsub.f32 v4, v6;
	[tilespmem:s6+$0xFFFFFF20] =	vst v6  }
0x22c: {  	v5 =	vsub.f32 v5, v3;
	[tilespmem:s6+$0xFFFFFF30] =	vst v3  }
0x22d: {  	v3 =	vbroadcast v2, $0x5;
	[tilespmem:s6+$0xFFFFFF00] =	vst v4  }
0x22e: {  	[tilespmem:s6+$0xFFFFFF10] =	vst v5  }
0x22f: {  	v4 =	vld [tilespmem:s2+$0xFFFFFFA0]  }
0x230: {  	v5 =	vld [tilespmem:s2+$0xFFFFFFB0];
	_ =	sdelay $0x3  }
0x231: {  	v6 =	vmul.f32 v4, v3  }
0x232: {  	v3 =	vmul.f32 v5, v3  }
0x233: {  	v4 =	vsub.f32 v4, v6;
	[tilespmem:s6+$0xFFFFFF60] =	vst v6  }
0x234: {  	v5 =	vsub.f32 v5, v3;
	[tilespmem:s6+$0xFFFFFF70] =	vst v3;
	v3 =	vbroadcast v2, $0x6  }
0x235: {  	[tilespmem:s6+$0xFFFFFF40] =	vst v4  }
0x236: {  	[tilespmem:s6+$0xFFFFFF50] =	vst v5  }
0x237: {  	v4 =	vld [tilespmem:s2+$0xFFFFFFC0]  }
0x238: {  	v5 =	vld [tilespmem:s2+$0xFFFFFFD0];
	_ =	sdelay $0x3  }
0x239: {  	v6 =	vmul.f32 v4, v3  }
0x23a: {  	v3 =	vmul.f32 v5, v3  }
0x23b: {  	v4 =	vsub.f32 v4, v6;
	[tilespmem:s6+$0xFFFFFFA0] =	vst v6;
	v6 =	vbroadcast v2, $0x7  }
0x23c: {  	v5 =	vsub.f32 v5, v3;
	[tilespmem:s6+$0xFFFFFFB0] =	vst v3  }
0x23d: {  	[tilespmem:s6+$0xFFFFFF80] =	vst v4  }
0x23e: {  	[tilespmem:s6+$0xFFFFFF90] =	vst v5  }
0x23f: {  	v3 =	vld [tilespmem:s2+$0xFFFFFFE0]  }
0x240: {  	v4 =	vld [tilespmem:s2+$0xFFFFFFF0];
	_ =	sdelay $0x3  }
0x241: {  	v5 =	vmul.f32 v3, v6  }
0x242: {  	v7 =	vbroadcast v2, $0x8;
	v6 =	vmul.f32 v4, v6  }
0x243: {  	v3 =	vsub.f32 v3, v5;
	[tilespmem:s6+$0xFFFFFFE0] =	vst v5  }
0x244: {  	v4 =	vsub.f32 v4, v6;
	[tilespmem:s6+$0xFFFFFFF0] =	vst v6  }
0x245: {  	[tilespmem:s6+$0xFFFFFFC0] =	vst v3  }
0x246: {  	[tilespmem:s6+$0xFFFFFFD0] =	vst v4  }
0x247: {  	v3 =	vld [tilespmem:s2+$0x0]  }
0x248: {  	v4 =	vld [tilespmem:s2+$0x10];
	_ =	sdelay $0x3  }
0x249: {  	v6 =	vbroadcast v2, $0x9;
	v5 =	vmul.f32 v3, v7  }
0x24a: {  	v7 =	vmul.f32 v4, v7  }
0x24b: {  	v3 =	vsub.f32 v3, v5;
	[tilespmem:s6+$0x20] =	vst v5  }
0x24c: {  	v4 =	vsub.f32 v4, v7;
	[tilespmem:s6+$0x30] =	vst v7  }
0x24d: {  	[tilespmem:s6+$0x0] =	vst v3  }
0x24e: {  	[tilespmem:s6+$0x10] =	vst v4  }
0x24f: {  	v3 =	vld [tilespmem:s2+$0x20]  }
0x250: {  	v4 =	vld [tilespmem:s2+$0x30];
	_ =	sdelay $0x2  }
0x251: {  	v5 =	vbroadcast v2, $0xA  }
0x252: {  	v7 =	vmul.f32 v3, v6  }
0x253: {  	v6 =	vmul.f32 v4, v6  }
0x254: {  	v3 =	vsub.f32 v3, v7;
	[tilespmem:s6+$0x60] =	vst v7  }
0x255: {  	v4 =	vsub.f32 v4, v6;
	[tilespmem:s6+$0x70] =	vst v6  }
0x256: {  	[tilespmem:s6+$0x40] =	vst v3  }
0x257: {  	[tilespmem:s6+$0x50] =	vst v4  }
0x258: {  	v3 =	vld [tilespmem:s2+$0x40]  }
0x259: {  	v4 =	vld [tilespmem:s2+$0x50];
	_ =	sdelay $0x1  }
0x25a: {  	v6 =	vbroadcast v2, $0xB;
	_ =	sdelay $0x1  }
0x25b: {  	v7 =	vmul.f32 v3, v5  }
0x25c: {  	v5 =	vmul.f32 v4, v5  }
0x25d: {  	v3 =	vsub.f32 v3, v7;
	[tilespmem:s6+$0xA0] =	vst v7  }
0x25e: {  	v4 =	vsub.f32 v4, v5;
	[tilespmem:s6+$0xB0] =	vst v5  }
0x25f: {  	[tilespmem:s6+$0x80] =	vst v3  }
0x260: {  	[tilespmem:s6+$0x90] =	vst v4  }
0x261: {  	v3 =	vld [tilespmem:s2+$0x60]  }
0x262: {  	v4 =	vld [tilespmem:s2+$0x70]  }
0x263: {  	v5 =	vbroadcast v2, $0xC;
	_ =	sdelay $0x2  }
0x264: {  	v7 =	vmul.f32 v3, v6  }
0x265: {  	v6 =	vmul.f32 v4, v6  }
0x266: {  	v3 =	vsub.f32 v3, v7;
	[tilespmem:s6+$0xE0] =	vst v7  }
0x267: {  	v4 =	vsub.f32 v4, v6;
	[tilespmem:s6+$0xF0] =	vst v6  }
0x268: {  	[tilespmem:s6+$0xC0] =	vst v3  }
0x269: {  	[tilespmem:s6+$0xD0] =	vst v4  }
0x26a: {  	v3 =	vld [tilespmem:s2+$0x80]  }
0x26b: {  	v6 =	vbroadcast v2, $0xD;
	v4 =	vld [tilespmem:s2+$0x90];
	_ =	sdelay $0x3  }
0x26c: {  	v7 =	vmul.f32 v3, v5  }
0x26d: {  	v5 =	vmul.f32 v4, v5  }
0x26e: {  	v3 =	vsub.f32 v3, v7;
	[tilespmem:s6+$0x120] =	vst v7  }
0x26f: {  	v4 =	vsub.f32 v4, v5;
	[tilespmem:s6+$0x130] =	vst v5  }
0x270: {  	[tilespmem:s6+$0x100] =	vst v3  }
0x271: {  	[tilespmem:s6+$0x110] =	vst v4  }
0x272: {  	v3 =	vbroadcast v2, $0xE;
	v4 =	vld [tilespmem:s2+$0xA0]  }
0x273: {  	v5 =	vld [tilespmem:s2+$0xB0];
	_ =	sdelay $0x3  }
0x274: {  	v7 =	vmul.f32 v4, v6  }
0x275: {  	v6 =	vmul.f32 v5, v6  }
0x276: {  	v4 =	vsub.f32 v4, v7;
	[tilespmem:s6+$0x160] =	vst v7  }
.Ltmp2:
0x277: {  	v5 =	vsub.f32 v5, v6;
	[tilespmem:s6+$0x170] =	vst v6;
	(pc) =	sbr.rel @p0 .LBB2_7-.Ltmp2, $4  }
0x278: {  	[tilespmem:s6+$0x140] =	vst v4  }
0x279: {  	v2 =	vbroadcast v2, $0xF;
	[tilespmem:s6+$0x150] =	vst v5  }
0x27a: {  	v4 =	vld [tilespmem:s2+$0xC0]  }
0x27b: {  	v5 =	vld [tilespmem:s2+$0xD0]  }
0x27c: {  	_ =	sdelay $0x2  }
0x27d: {  	v1 =	vmul.f32 v4, v3  }
0x27e: {  	v3 =	vmul.f32 v5, v3  }
0x27f: {  	v4 =	vsub.f32 v4, v1;
	[tilespmem:s7+$0x1A0] =	vst v1  }
0x280: {  	v1 =	vsub.f32 v5, v3;
	[tilespmem:s7+$0x1B0] =	vst v3  }
0x281: {  	[tilespmem:s7+$0x180] =	vst v4  }
0x282: {  	[tilespmem:s7+$0x190] =	vst v1  }
0x283: {  	v1 =	vld [tilespmem:s8+$0xE0]  }
0x284: {  	v3 =	vld [tilespmem:s8+$0xF0];
	_ =	sdelay $0x3  }
0x285: {  	s30 =	sadd.s32 $0x1, s30;
	v63 =	vmul.f32 v1, v2  }
0x286: {  	p0 =	sne.s32 s30, $0x28;
	v2 =	vmul.f32 v3, v2  }
.Ltmp3:
0x287: {  	v1 =	vsub.f32 v1, v63;
	[tilespmem:s7+$0x1E0] =	vst v63;
	(pc) =	sbr.rel @p0 .LBB2_4-.Ltmp3, $4  }
0x288: {  	v3 =	vsub.f32 v3, v2;
	[tilespmem:s7+$0x1F0] =	vst v2  }
0x289: {  	[tilespmem:s7+$0x1C0] =	vst v1  }
0x28a: {  	s2 =	sadd.s32 $0x2800, s19;
	s31 =	sadd.s32 $0x100, s31;
	s0 =	sadd.s32 $0x100, s0;
	[tilespmem:s7+$0x1D0] =	vst v3  }
0x28b: {  	[spmem:s1] =	stream.indirect.scatter.add.f32 [tilespmem:s25], [sflag:$0x4], $0x40, s2, s20, $0xb8;
	[tilespmem:$0x1C800] =	vst v63  }
0x28c: {  	_ =	swait.ge [sflag:s26], $0x2000  }
0x28d: {  	[sflag:s26] =	ssyncset.done $0x0  }
0x28e: {  	[sflag:s26] =	ssyncadd.s32 $0xFFFFE000  }
0x28f: {  	_ =	swait.ge [sflag:s28], $0x2000  }
0x290: {  	s4 =	sadd.s32 $0x1, s4;
	[sflag:s28] =	ssyncset.done $0x0  }
0x291: {  	p0 =	sne.s32 s4, s15;
	[sflag:s28] =	ssyncadd.s32 $0xFFFFE000  }
.Ltmp4:
0x292: {  	s0 =	sshrl.u32 s5, $0x3;
	[bflag:$0x0] =	sbarrier.arrive $0xFFFF;
	(pc) =	sbr.rel @p0 .LBB2_1-.Ltmp4, $4  }
0x293: {  	[hbm:s14], [sflag:s29] =	dma.local [spmem:s0], $0x1400  }
0x294: {  	_ =	swait.ge [sflag:s17], $0x1400  }
0x295: {  	[sflag:s17] =	ssyncset.done $0x0  }
0x296: {  	[sflag:s17] =	ssyncadd.s32 $0xFFFFEC00  }
0x297: {  	_ =	sfence.sel $0x180000  }
0x298: {  	[bflag:$0x0] =	sbarrier.arrive $0xFFFF  }
0x299: {  	_ =	strace $0x9000004A  }
0x29a: {  	s0 =	stileid.u32;
	[bflag:$0x2] =	sbarrier.arrive $0xFFFF  }
0x29b: {  	p0 =	sne.s32 s0, $0x0;
	s0 =	rddreg [dreg:$0x4]  }
0x29c: {  	s0 =	sadd.s32 @!p0 $0x100000, s0  }
0x29d: {  	[sflag:s0] =	ssyncadd.tile.s32 @!p0 $0x1;
	_ =	shalt  }
.Lfunc_end2:
_tile_overlayer_lowered:
.L_overlay_start_2:
0x29e: {  	(tag) =	ssettag $0x2  }
0x29f: {  	s0 =	rddreg [dreg:$0x0];
	s2 =	stileid.u32  }
0x2a0: {  	s1 =	rddreg [dreg:$0x1];
	p0 =	sne.s32 s2, $0x0  }
0x2a1: {  	s3 =	rddreg [dreg:$0x2];
	[bflag:$0x3] =	sbarrier.arrive $0xFFFF;
	s2 =	simm.s32 @!p0 $0x1C05  }
0x2a2: {  	[timem:s3], [sflag:s2] =	dma.local @!p0 [hbm:s0], s1  }
0x2a3: {  	s0 =	simm.s32 @!p0 $0x5  }
0x2a4: {  	_ =	swait.ge @!p0 [sflag:s0], s1  }
0x2a5: {  	s1 =	ssub.s32 @!p0 $0x0, s1;
	[sflag:s0] =	ssyncset.done @!p0 $0x0  }
0x2a6: {  	[sflag:s0] =	ssyncadd.s32 @!p0 s1  }
0x2a7: {  	[bflag:$0x3] =	sbarrier.arrive $0xFFFF  }
0x2a8: {  	_ =	shalt  }

// kernel: _run.7.cloned.1.call-start
scs
__scs_entry_jumppad:
0x0: {  	(pc) =	sbr.rel $0x88, $3  }
0x1: {  	(tag) =	ssettag $0x0;
	lr =	simm.s32 $0x1  }
0x2: {  	[smem:$0x3F98] =	sst lr;
	_ =	strace $0xD0000000  }
0x3: {  	_ = 	snop  }
0x4: {  	_ = 	snop  }
0x5: {  	_ = 	snop  }
0x6: {  	_ = 	snop  }
0x7: {  	_ = 	snop  }
__scs_overlays_trampoline_lowered:
0x8: {  	[smem:$0x3FA7] =	sst s0  }
0x9: {  	[smem:$0x3FA8] =	sst s1  }
0xa: {  	[smem:$0x3FA9] =	sst s2  }
0xb: {  	[smem:$0x3FAA] =	sst s3  }
0xc: {  	[smem:$0x3FAB] =	sst s4  }
0xd: {  	[smem:$0x3FAC] =	sst s5  }
0xe: {  	[smem:$0x3FAD] =	sst s6  }
0xf: {  	[smem:$0x3FAE] =	sst s7  }
0x10: {  	[smem:$0x3FAF] =	sst s8  }
0x11: {  	[smem:$0x3FB0] =	sst s9;
	s0 =	simm.s32 @!p0 $0x0  }
0x12: {  	s1 =	sld [smem:$0x3F96];
	s0 =	simm.s32 @p0 $0x1  }
0x13: {  	[smem:$0x3FB1] =	sst s0;
	s0 =	simm.s32 @!p1 $0x0  }
0x14: {  	s2 =	sld [smem:$0x3F95];
	s0 =	simm.s32 @p1 $0x1  }
0x15: {  	[smem:$0x3FB2] =	sst s0;
	s0 =	simm.s32 @!p2 $0x0  }
0x16: {  	s3 =	sld [smem:$0x3FDB];
	s0 =	simm.s32 @p2 $0x1  }
0x17: {  	s4 =	simm.s32 $0x1BF5;
	[smem:$0x3FB4] =	sst s0  }
0x18: {  	s0 =	sld [smem:$0x3F97];
	_ =	swait.ge [sflag:s4], $0x0  }
0x19: {  	s7 =	sld [smem:$0x3F98]  }
0x1a: {  	s8 =	sadd.s32 $0xFFFFE003, lr  }
0x1b: {  	s9 =	sadd.s32 $0xFFFFFEF7, lr;
	s5 =	simm.s32 $0xFFFFFFFF;
	p2 =	slt.u32 s8, $0xFFFFF086  }
0x1c: {  	p1 =	slt.u32 s9, $0xF7A;
	s5 =	simm.s32 @!p2 $0x0  }
0x1d: {  	s5 =	simm.s32 @p1 $0x1;
	p0 =	seq.s32 s7, s2  }
0x1e: {  	s7 =	smul.u32 @!p0 $0xF7A, s2;
	p2 =	seq.s32 @!p0 s5, $0x0  }
0x1f: {  	s9 =	smul.u32 $0xF7A, s1;
	s8 =	simm.s32 @!p0 $0x1BF5;
	p2 =	por !p2, p0  }
0x20: {  	[sflag:s8] =	ssyncset.s32 @!p0 $0xFFFFF086;
	s6 =	sadd.s32 @!p0 s3, s7;
	s7 =	simm.s32 @!p0 $0x108  }
0x21: {  	s3 =	sadd.s32 s3, s9;
	s6 =	sadd.s32 @!p0 $0x88, s6;
	s7 =	simm.s32 @p2 $0x1082  }
0x22: {  	[simem:s7], [sflag:s8] =	dma.local @!p0 [hbm:s6], $0xF7A  }
0x23: {  	s9 =	sor.u32 $0xD0000000, s2;
	s6 =	simm.s32 $0x108;
	_ =	swait.ge @!p0 [sflag:s8], $0x0  }
0x24: {  	s3 =	sadd.s32 $0x88, s3;
	s6 =	simm.s32 @!p1 $0x1082;
	[sflag:s4] =	ssyncset.s32 $0xFFFFF086  }
0x25: {  	[simem:s6], [sflag:s4] =	dma.local [hbm:s3], $0xF7A  }
0x26: {  	[smem:$0x3F98] =	sst s1;
	(tag) =	ssettag s2;
	_ =	strace s9  }
0x27: {  	s1 =	sld [smem:$0x3FA8]  }
0x28: {  	s2 =	sld [smem:$0x3FA9]  }
0x29: {  	s4 =	sld [smem:$0x3FAB]  }
0x2a: {  	p0 =	seq.s32 s5, $0x0;
	s5 =	sld [smem:$0x3FAC]  }
0x2b: {  	s6 =	sld [smem:$0x3FAD]  }
0x2c: {  	s7 =	sld [smem:$0x3FAE]  }
0x2d: {  	s3 =	simm.s32 $0x108;
	s8 =	sld [smem:$0x3FAF]  }
0x2e: {  	s3 =	simm.s32 @!p0 $0x1082;
	s9 =	sld [smem:$0x3FB0]  }
0x2f: {  	lr =	sadd.s32 s0, s3;
	s0 =	sld [smem:$0x3FA7]  }
0x30: {  	s3 =	sld [smem:$0x3FAA]  }
0x31: {  	[smem:$0x3FB3] =	sst s10  }
0x32: {  	s10 =	sld [smem:$0x3FB1];
	_ =	sdelay $0x3  }
0x33: {  	p0 =	seq.s32 s10, $0x1;
	s10 =	sld [smem:$0x3FB3];
	_ =	sdelay $0x3  }
0x34: {  	[smem:$0x3FB3] =	sst s10  }
0x35: {  	s10 =	sld [smem:$0x3FB2];
	_ =	sdelay $0x3  }
0x36: {  	p1 =	seq.s32 s10, $0x1;
	s10 =	sld [smem:$0x3FB3];
	_ =	sdelay $0x3  }
0x37: {  	[smem:$0x3FB3] =	sst s10  }
0x38: {  	s10 =	sld [smem:$0x3FB4]  }
0x39: {  	_ = 	snop;
	(pc) =	sbr.ind lr, $3  }
0x3a: {  	_ = 	snop  }
0x3b: {  	_ = 	snop  }
0x3c: {  	p2 =	seq.s32 s10, $0x1;
	s10 =	sld [smem:$0x3FB3]  }
0x3d: {  	_ =	shalt  }
0x3e: {  	_ =	shalt  }
0x3f: {  	_ =	shalt  }
0x40: {  	_ =	shalt  }
0x41: {  	_ =	shalt  }
0x42: {  	_ =	shalt  }
0x43: {  	_ =	shalt  }
0x44: {  	_ =	shalt  }
0x45: {  	_ =	shalt  }
0x46: {  	_ =	shalt  }
0x47: {  	_ =	shalt  }
0x48: {  	_ =	shalt  }
0x49: {  	_ =	shalt  }
0x4a: {  	_ =	shalt  }
0x4b: {  	_ =	shalt  }
0x4c: {  	_ =	shalt  }
0x4d: {  	_ =	shalt  }
0x4e: {  	_ =	shalt  }
0x4f: {  	_ =	shalt  }
0x50: {  	_ =	shalt  }
0x51: {  	_ =	shalt  }
0x52: {  	_ =	shalt  }
0x53: {  	_ =	shalt  }
0x54: {  	_ =	shalt  }
0x55: {  	_ =	shalt  }
0x56: {  	_ =	shalt  }
0x57: {  	_ =	shalt  }
0x58: {  	_ =	shalt  }
0x59: {  	_ =	shalt  }
0x5a: {  	_ =	shalt  }
0x5b: {  	_ =	shalt  }
0x5c: {  	_ =	shalt  }
0x5d: {  	_ =	shalt  }
0x5e: {  	_ =	shalt  }
0x5f: {  	_ =	shalt  }
0x60: {  	_ =	shalt  }
0x61: {  	_ =	shalt  }
0x62: {  	_ =	shalt  }
0x63: {  	_ =	shalt  }
0x64: {  	_ =	shalt  }
0x65: {  	_ =	shalt  }
0x66: {  	_ =	shalt  }
0x67: {  	_ =	shalt  }
0x68: {  	_ =	shalt  }
0x69: {  	_ =	shalt  }
0x6a: {  	_ =	shalt  }
0x6b: {  	_ =	shalt  }
0x6c: {  	_ =	shalt  }
0x6d: {  	_ =	shalt  }
0x6e: {  	_ =	shalt  }
0x6f: {  	_ =	shalt  }
0x70: {  	_ =	shalt  }
0x71: {  	_ =	shalt  }
0x72: {  	_ =	shalt  }
0x73: {  	_ =	shalt  }
0x74: {  	_ =	shalt  }
0x75: {  	_ =	shalt  }
0x76: {  	_ =	shalt  }
0x77: {  	_ =	shalt  }
0x78: {  	_ =	shalt  }
0x79: {  	_ =	shalt  }
0x7a: {  	_ =	shalt  }
0x7b: {  	_ =	shalt  }
0x7c: {  	_ =	shalt  }
0x7d: {  	_ =	shalt  }
0x7e: {  	_ =	shalt  }
0x7f: {  	_ =	shalt  }
0x80: {  	_ =	shalt  }
0x81: {  	_ =	shalt  }
0x82: {  	_ =	shalt  }
0x83: {  	_ =	shalt  }
0x84: {  	_ =	shalt  }
0x85: {  	_ =	shalt  }
0x86: {  	_ =	shalt  }
0x87: {  	_ =	shalt  }
.Lfunc_end0:
.L_simem_size_0:
called_computation_lowered:
.L_overlay_start_0:
0x88: {  	s2 =	sld [smem:$0x3FD9]  }
0x89: {  	s3 =	sld [smem:$0x3FFE];
	_ =	sdelay $0x1  }
0x8a: {  	s1 =	srdreg.scid  }
0x8b: {  	s0 =	sand.u32 $0x1, s1  }
0x8c: {  	s17 =	sshll.u32 s0, $0xA;
	s2 =	sadd.s32 s3, s2  }
0x8d: {  	s2 =	sadd.s32 s2, s17  }
0x8e: {  	[smem:$0x3FBF] =	sst s2  }
0x8f: {  	_ = 	snop  }
0x90: {  	s2 =	sld [smem:$0x3FD0];
	(tm) =	ssettm $0x1  }
0x91: {  	s18 =	sld [smem:$0x3FFB];
	_ =	sdelay $0x3  }
0x92: {  	_ =	strace s18  }
0x93: {  	s3 =	sld [smem:$0x3FFC];
	_ =	sdelay $0x3  }
0x94: {  	_ =	strace s3  }
0x95: {  	s3 =	sld [smem:$0x3FFD];
	_ =	sdelay $0x3  }
0x96: {  	_ =	strace s3  }
0x97: {  	_ =	strace $0x8FFFFFFF  }
0x98: {  	s19 =	sld [smem:$0x3FDB];
	_ =	sdelay $0x1  }
0x99: {  	s4 =	simm.s32 $_scs_section_size  }
0x9a: {  	s5 =	simm.s32 $_size__tile_overlayer_lowered;
	s6 =	simm.s32 $_tile_overlayer_lowered  }
0x9b: {  	s22 =	simm.s32 $0x1BFF;
	s21 =	sshll.u32 s6, $0x1;
	s3 =	sadd.s32 s4, s19  }
0x9c: {  	s7 =	simm.s32 $0x0;
	s20 =	sshll.u32 s5, $0x1;
	s5 =	sadd.s32 s21, s3  }
0x9d: {  	[timem:s7], [sflag:s22] =	dma.local [hbm:s5], s20  }
0x9e: {  	_ =	swait.ge [sflag:s22], s20  }
0x9f: {  	s4 =	ssub.s32 $0x0, s20;
	[sflag:s22] =	ssyncset.done $0x0  }
0xa0: {  	[sflag:s22] =	ssyncadd.s32 s4;
	_ =	sdelay $0x1  }
0xa1: {  	s23 =	simm.s32 $0x1B8B  }
0xa2: {  	_ =	swait.ge [sflag:s23], $0x1  }
0xa3: {  	[sflag:s23] =	ssyncset.done $0x0  }
0xa4: {  	s25 =	simm.s32 $0x1B8E;
	s24 =	sld [smem:$0x3FFE];
	[sflag:s23] =	ssyncadd.s32 $0xFFFFFFFF  }
0xa5: {  	s26 =	simm.s32 $execute0_lowered;
	[smem:$0x3FD2] =	sst s25  }
0xa6: {  	s5 =	sshll.u32 s26, $0x1;
	_ =	strace $0x80000046;
	[dreg:$0x1] =	wrdreg $0xFFFFFFFF  }
0xa7: {  	s28 =	simm.s32 $_size_execute0_lowered;
	s3 =	sadd.s32 s3, s5;
	[dreg:$0x0] =	wrdreg $0x0  }
0xa8: {  	s5 =	sshll.u32 s28, $0x1;
	[dreg:$0x2] =	wrdreg s3  }
0xa9: {  	[dreg:$0x3] =	wrdreg s5  }
0xaa: {  	[dreg:$0x4] =	wrdreg $0xC0  }
0xab: {  	_ =	task [dreg:s7], $0x5FFFF  }
0xac: {  	[dreg:$0x1] =	wrdreg $0xFFFFFFFF  }
0xad: {  	[dreg:$0x0] =	wrdreg $0x60  }
0xae: {  	[dreg:$0x2] =	wrdreg s2  }
0xaf: {  	[dreg:$0x3] =	wrdreg s24  }
0xb0: {  	[dreg:$0x4] =	wrdreg $0xE8000  }
0xb1: {  	[dreg:$0x5] =	wrdreg $0x138000  }
0xb2: {  	[dreg:$0x6] =	wrdreg $0x160000  }
0xb3: {  	[dreg:$0x7] =	wrdreg $0x9  }
0xb4: {  	_ =	task.clear_ibuf [dreg:s7], $0x8FFFF;
	_ =	strace $0x90000046  }
0xb5: {  	s29 =	simm.s32 $0x9;
	_ =	strace $0x80000048  }
0xb6: {  	_ =	swait.ge [sflag:s29], $0x1  }
0xb7: {  	[sflag:s29] =	ssyncadd.s32 $0xFFFFFFFF  }
0xb8: {  	_ =	strace $0x90000048  }
0xb9: {  	_ =	sfence  }
0xba: {  	s30 =	sld [smem:$0x0];
	_ =	sdelay $0x2  }
0xbb: {  	s31 =	sshll.u32 s1, $0xD;
	s1 =	sshrl.u32 s1, $0x2  }
0xbc: {  	s3 =	sand.u32 $0x4000, s31;
	s1 =	sadd.s32 s1, s30  }
0xbd: {  	s0 =	sor.u32 s3, s0;
	s1 =	sshll.u32 s1, $0x11  }
0xbe: {  	s0 =	sor.u32 s1, s0  }
0xbf: {  	s0 =	sadd.s32 $0x8F2B, s0  }
0xc0: {  	[sflag:s0] =	ssyncadd.remote.s32 $0x1  }
0xc1: {  	_ =	sfence.sel $0xFFFF  }
0xc2: {  	[dreg:$0x0] =	wrdreg $0xFFFFFFFF;
	(pc) =	sbr.abs _section_cstart, $3  }
0xc3: {  	[dreg:$0x1] =	wrdreg $0xFFFFFFFF  }
0xc4: {  	_ =	task.clear_ibuf [dreg:s7], $0x2FFFF;
	_ =	strace $0x9FFFFFFF  }
0xc5: {  	(tm) =	ssettm $0x7FFFFFFF  }
tec
execute0_lowered:
.L_overlay_start_1:
0x0: {  	(tag) =	ssettag $0x1  }
0x1: {  	s0 =	srdreg.scid  }
0x2: {  	s15 =	stileid.u32;
	s1 =	rddreg [dreg:$0x0]  }
0x3: {  	s6 =	rddreg [dreg:$0x1];
	s8 =	smul.u32 $0x5000, s15  }
0x4: {  	s4 =	rddreg [dreg:$0x4];
	s5 =	simm.s32 $0x0;
	s10 =	smul.u32 $0x2800, s15  }
0x5: {  	s29 =	simm.s32 $0x80;
	s31 =	simm.s32 $0x1;
	s21 =	smul.u32 $0x280, s15  }
0x6: {  	s28 =	simm.s32 $0xD800;
	s0 =	sand.u32 $0x1, s0;
	s16 =	smul.u32 $0xA000, s15  }
0x7: {  	s30 =	simm.s32 $0x2;
	s2 =	sshll.u32 s15, $0x1;
	s9 =	smul.u32 $0x50000, s0  }
0x8: {  	[smem:$0x7FF] =	sst s5;
	s3 =	sor.u32 s0, s2;
	s11 =	smul.u32 $0x28000, s0  }
0x9: {  	s2 =	rddreg [dreg:$0x2];
	s0 =	ssub.s32 $0x2, s0;
	s7 =	smul.u32 $0x500, s3  }
0xa: {  	s3 =	rddreg [dreg:$0x3];
	_ =	strace $0x80000047;
	s22 =	sshrl.u32 s0, $0x1  }
0xb: {  	s23 =	sadd.s32 $0x80, s21;
	s25 =	sadd.s32 $0x100, s21;
	s14 =	sadd.s32 $0x180, s21  }
0xc: {  	s9 =	sadd.s32 s8, s9;
	s20 =	sadd.s32 s10, s11;
	s0 =	ssub.s32 s0, s22  }
0xd: {  	s24 =	sshll.u32 s23, $0x5;
	s26 =	sshll.u32 s25, $0x5;
	s11 =	sadd.s32 $0x200, s21  }
0xe: {  	s21 =	sadd.s32 s16, s4;
	s12 =	sadd.s32 s7, s6;
	s19 =	sshrl.u32 s9, $0x3  }
0xf: {  	s9 =	sshrl.u32 s20, $0x3;
	s7 =	sadd.s32 s10, s3;
	s10 =	sadd.s32 s24, s2  }
0x10: {  	s18 =	sshll.u32 s11, $0x5;
	s20 =	sshrl.u32 s16, $0x3;
	s0 =	smax.u32 s0, $0x1  }
0x11: {  	s13 =	sadd.s32 s19, s6;
	s9 =	sadd.s32 s9, s6;
	[dreg:$0x6] =	wrdreg s10  }
0x12: {  	s6 =	sadd.s32 s8, s2;
	s10 =	sadd.s32 s26, s2;
	[dreg:$0x14] =	wrdreg s0  }
0x13: {  	s8 =	sshll.u32 s23, $0x4;
	s1 =	sadd.s32 s1, s20;
	[dreg:$0x8] =	wrdreg s10  }
0x14: {  	s19 =	sshll.u32 s11, $0x4;
	s22 =	sadd.s32 $0x15800, s12;
	[dreg:$0xe] =	wrdreg s1  }
0x15: {  	s23 =	sadd.s32 $0xB800, s12;
	s24 =	sadd.s32 $0x1800, s12;
	[dreg:$0xf] =	wrdreg s22  }
0x16: {  	s0 =	simm.s32 $0xC800;
	s8 =	sadd.s32 s8, s3;
	[dreg:$0x10] =	wrdreg s23  }
0x17: {  	s10 =	sshll.u32 s14, $0x5;
	s14 =	sshll.u32 s14, $0x4;
	[dreg:$0x11] =	wrdreg s24  }
0x18: {  	s26 =	sadd.s32 $0x33800, s9;
	s23 =	simm.s32 $0xB800;
	[dreg:$0x7] =	wrdreg s8  }
0x19: {  	s24 =	simm.s32 $0x6;
	s17 =	sadd.s32 s14, s3;
	[dreg:$0x13] =	wrdreg s26  }
0x1a: {  	s8 =	sshll.u32 s25, $0x4;
	s25 =	sadd.s32 $0x1F800, s13;
	[dreg:$0xb] =	wrdreg s17  }
0x1b: {  	s1 =	simm.s32 $0x9800;
	s8 =	sadd.s32 s8, s3;
	[dreg:$0x12] =	wrdreg s25  }
0x1c: {  	s9 =	simm.s32 $0x3;
	[dreg:$0x9] =	wrdreg s8;
	s8 =	sadd.s32 s10, s2  }
0x1d: {  	s26 =	simm.s32 $0xE000;
	[dreg:$0xa] =	wrdreg s8;
	s8 =	sadd.s32 s18, s2  }
0x1e: {  	s25 =	sshrl.u32 s21, $0x3;
	[dreg:$0xc] =	wrdreg s8;
	s8 =	sadd.s32 s19, s3  }
0x1f: {  	v0 =	vimm.f32 $0.0e+00;
	v1 =	vimm.f32 $1.000000000e+00;
	s10 =	simm.s32 $0x4;
	[dreg:$0xd] =	wrdreg s8;
	s8 =	simm.s32 $0x5  }
.LBB2_1:
0x20: {  	s11 =	simm.s32 $0xB810  }
0x21: {  	[tilespmem:s11+$0xFFFFFFF0] =	vst v0  }
0x22: {  	s12 =	simm.s32 $0x40;
	s13 =	simm.s32 $0x0;
	[tilespmem:s11+$0x0] =	vst v0  }
.LBB2_2:
0x23: {  	p0 =	sne.s32 s12, $0x1FC0  }
0x24: {  	[tilespmem:s13+$0xD800] =	vst v1;
	s11 =	sadd.s32 $0x20, s11;
	s14 =	smov.u32 s12;
	s12 =	sadd.s32 $0x40, s12  }
.Ltmp0:
0x25: {  	[tilespmem:s13+$0xE000] =	vst v0;
	(pc) =	sbr.rel @p0 .LBB2_2-.Ltmp0, $3  }
0x26: {  	_ =	sdelay $0x1  }
0x27: {  	[tilespmem:s11+$0xFFFFFFF0] =	vst v0  }
0x28: {  	s13 =	sshra.s32 s14, $0x2;
	[tilespmem:s11+$0x0] =	vst v0  }
0x29: {  	[tilespmem:s13+$0xD800] =	vst v1  }
0x2a: {  	[tilespmem:s13+$0xE000] =	vst v0  }
0x2b: {  	[spmem:s6] =	stream.linear.scatter [tilespmem:s23], [sflag:$0x6], $0x1000, $0x38;
	v63 =	vld [tilespmem:$0x0]  }
0x2c: {  	_ =	swait.ge [sflag:s24], $0x1000  }
0x2d: {  	[sflag:s24] =	ssyncset.done $0x0  }
0x2e: {  	[sflag:s24] =	ssyncadd.s32 $0xFFFFF000  }
0x2f: {  	[spmem:s7] =	stream.linear.scatter [tilespmem:s26], [sflag:$0x6], $0x800, $0x38;
	v63 =	vld [tilespmem:$0x0]  }
0x30: {  	_ =	swait.ge [sflag:s24], $0x800  }
0x31: {  	[sflag:s24] =	ssyncset.done $0x0  }
0x32: {  	s11 =	rddreg [dreg:$0x6];
	[sflag:s24] =	ssyncadd.s32 $0xFFFFF800  }
0x33: {  	[spmem:s11] =	stream.linear.scatter [tilespmem:s23], [sflag:$0x6], $0x1000, $0x38;
	v63 =	vld [tilespmem:$0x0]  }
0x34: {  	_ =	swait.ge [sflag:s24], $0x1000  }
0x35: {  	[sflag:s24] =	ssyncset.done $0x0  }
0x36: {  	s22 =	rddreg [dreg:$0x7];
	[sflag:s24] =	ssyncadd.s32 $0xFFFFF000  }
0x37: {  	[spmem:s22] =	stream.linear.scatter [tilespmem:s26], [sflag:$0x6], $0x800, $0x38;
	v63 =	vld [tilespmem:$0x0]  }
0x38: {  	_ =	swait.ge [sflag:s24], $0x800  }
0x39: {  	[sflag:s24] =	ssyncset.done $0x0  }
0x3a: {  	s12 =	rddreg [dreg:$0x8];
	[sflag:s24] =	ssyncadd.s32 $0xFFFFF800  }
0x3b: {  	[spmem:s12] =	stream.linear.scatter [tilespmem:s23], [sflag:$0x6], $0x1000, $0x38;
	v63 =	vld [tilespmem:$0x0]  }
0x3c: {  	_ =	swait.ge [sflag:s24], $0x1000  }
0x3d: {  	[sflag:s24] =	ssyncset.done $0x0  }
0x3e: {  	s13 =	rddreg [dreg:$0x9];
	[sflag:s24] =	ssyncadd.s32 $0xFFFFF000  }
0x3f: {  	[spmem:s13] =	stream.linear.scatter [tilespmem:s26], [sflag:$0x6], $0x800, $0x38;
	v63 =	vld [tilespmem:$0x0]  }
0x40: {  	_ =	swait.ge [sflag:s24], $0x800  }
0x41: {  	[sflag:s24] =	ssyncset.done $0x0  }
0x42: {  	s14 =	rddreg [dreg:$0xa];
	[sflag:s24] =	ssyncadd.s32 $0xFFFFF800  }
0x43: {  	[spmem:s14] =	stream.linear.scatter [tilespmem:s23], [sflag:$0x6], $0x1000, $0x38;
	v63 =	vld [tilespmem:$0x0]  }
0x44: {  	_ =	swait.ge [sflag:s24], $0x1000  }
0x45: {  	[sflag:s24] =	ssyncset.done $0x0  }
0x46: {  	s15 =	rddreg [dreg:$0xb];
	[sflag:s24] =	ssyncadd.s32 $0xFFFFF000  }
0x47: {  	[spmem:s15] =	stream.linear.scatter [tilespmem:s26], [sflag:$0x6], $0x800, $0x38;
	v63 =	vld [tilespmem:$0x0]  }
0x48: {  	_ =	swait.ge [sflag:s24], $0x800  }
0x49: {  	[sflag:s24] =	ssyncset.done $0x0  }
0x4a: {  	s16 =	rddreg [dreg:$0xc];
	[sflag:s24] =	ssyncadd.s32 $0xFFFFF800  }
0x4b: {  	[spmem:s16] =	stream.linear.scatter [tilespmem:s23], [sflag:$0x6], $0x1000, $0x38;
	v63 =	vld [tilespmem:$0x0]  }
0x4c: {  	_ =	swait.ge [sflag:s24], $0x1000  }
0x4d: {  	[sflag:s24] =	ssyncset.done $0x0  }
0x4e: {  	s17 =	rddreg [dreg:$0xd];
	[sflag:s24] =	ssyncadd.s32 $0xFFFFF000  }
0x4f: {  	[spmem:s17] =	stream.linear.scatter [tilespmem:s26], [sflag:$0x6], $0x800, $0x38;
	v63 =	vld [tilespmem:$0x0]  }
0x50: {  	s18 =	stileid.u32;
	_ =	swait.ge [sflag:s24], $0x800  }
0x51: {  	s11 =	sshll.u32 s18, $0x6;
	[sflag:s24] =	ssyncset.done $0x0  }
0x52: {  	s11 =	sor.u32 $0x1C06, s11;
	s12 =	rddreg [dreg:$0xe];
	[sflag:s24] =	ssyncadd.s32 $0xFFFFF800  }
0x53: {  	[spmem:s25], [sflag:s11] =	dma.local [hbm:s12], $0x1400  }
0x54: {  	_ =	swait.ge [sflag:s24], $0x1400  }
0x55: {  	[sflag:s24] =	ssyncset.done $0x0  }
0x56: {  	[sflag:s24] =	ssyncadd.s32 $0xFFFFEC00  }
0x57: {  	[bflag:$0x0] =	sbarrier.arrive $0xFFFF  }
0x58: {  	s12 =	simm.s32 $0x0;
	s19 =	rddreg [dreg:$0xf]  }
0x59: {  	[tilespmem:s12], [sflag:$0x6] =	stream.linear.gather [hbm4b:s19+s12], $0x2800, $0x38;
	v63 =	vld [tilespmem:$0x0]  }
0x5a: {  	_ =	swait.ge [sflag:s24], $0x2800  }
0x5b: {  	[sflag:s24] =	ssyncset.done $0x0  }
0x5c: {  	s14 =	simm.s32 $0x2800;
	s20 =	rddreg [dreg:$0x10];
	[sflag:s24] =	ssyncadd.s32 $0xFFFFD800  }
0x5d: {  	[tilespmem:s14], [sflag:$0x6] =	stream.linear.gather [hbm4b:s20+s12], $0x2800, $0x38;
	v63 =	vld [tilespmem:$0x0]  }
0x5e: {  	_ =	swait.ge [sflag:s24], $0x2800  }
0x5f: {  	[sflag:s24] =	ssyncset.done $0x0  }
0x60: {  	s13 =	simm.s32 $0x5000;
	s21 =	rddreg [dreg:$0x11];
	[sflag:s24] =	ssyncadd.s32 $0xFFFFD800  }
0x61: {  	[tilespmem:s13], [sflag:$0x6] =	stream.linear.gather [hbm4b:s21+s12], $0x2800, $0x38;
	v63 =	vld [tilespmem:$0x0]  }
0x62: {  	_ =	swait.ge [sflag:s24], $0x2800  }
0x63: {  	[sflag:s24] =	ssyncset.done $0x0  }
0x64: {  	s22 =	simm.s32 $0x7800;
	s14 =	simm.s32 $0x5080;
	[sflag:s24] =	ssyncadd.s32 $0xFFFFD800  }
0x65: {  	[tilespmem:s22], [sflag:$0x1] =	stream.indirect.gather [spmem:s4], $0x40, s12, s29, $0xb8;
	v63 =	vld [tilespmem:$0x0]  }
.LBB2_4:
0x66: {  	s16 =	sshll.u32 s12, $0xA;
	_ =	swait.ge [sflag:s31], $0x2000  }
0x67: {  	p0 =	seq.s32 s12, $0x0;
	[sflag:s31] =	ssyncset.done $0x0;
	s15 =	sor.u32 $0x200, s16  }
0x68: {  	v2 =	vmov s13;
	s17 =	simm.s32 @!p0 $0x3;
	[sflag:s31] =	ssyncadd.s32 $0xFFFFE000;
	s15 =	sshrl.u32 s15, $0x2  }
0x69: {  	[tilespmem:s1], [sflag:$0x2] =	stream.indirect.gather [spmem:s4], $0x40, s15, s29, $0xb8;
	v63 =	vld [tilespmem:$0x0]  }
0x6a: {  	_ =	swait.ge @!p0 [sflag:s17], $0x1000  }
0x6b: {  	[sflag:s17] =	ssyncset.done @!p0 $0x0  }
0x6c: {  	s22 =	simm.s32 $0x0;
	[sflag:s17] =	ssyncadd.s32 @!p0 $0xFFFFF000  }
0x6d: {  	v3 =	vld.idx.msk [tilespmem:v2+s22+$0x0 ss:$0x1], $0xffff;
	_ =	sdelay $0x2  }
0x6e: {  	s17 =	simm.s32 $0x7A00  }
0x6f: {  	v4 =	vld [tilespmem:s17+$0xFFFFFE20]  }
0x70: {  	v5 =	vld [tilespmem:s17+$0xFFFFFE30];
	v3 =	vmax.f32 v3, $0.0e+00  }
0x71: {  	v6 =	vld [tilespmem:s17+$0xFFFFFE00];
	v3 =	vmin.f32 v3, $1.000000000e+00  }
0x72: {  	v7 =	vld [tilespmem:s17+$0xFFFFFE10];
	v8 =	vbroadcast v3, $0x0;
	_ =	sdelay $0x1  }
0x73: {  	v4 =	vmul.f32 v4, v8  }
0x74: {  	v5 =	vmul.f32 v5, v8  }
0x75: {  	v4 =	vadd.f32 v4, v6  }
0x76: {  	s18 =	simm.s32 $0xB900;
	v5 =	vadd.f32 v5, v7  }
0x77: {  	[tilespmem:s18+$0xFFFFFF00] =	vst v4  }
0x78: {  	[tilespmem:s18+$0xFFFFFF10] =	vst v5  }
0x79: {  	v4 =	vld [tilespmem:s17+$0xFFFFFE60]  }
0x7a: {  	v5 =	vld [tilespmem:s17+$0xFFFFFE70]  }
0x7b: {  	v6 =	vld [tilespmem:s17+$0xFFFFFE40]  }
0x7c: {  	v7 =	vbroadcast v3, $0x1;
	v50 =	vld [tilespmem:s17+$0xFFFFFE50];
	_ =	sdelay $0x1  }
0x7d: {  	v4 =	vmul.f32 v4, v7  }
0x7e: {  	v5 =	vmul.f32 v5, v7  }
0x7f: {  	v4 =	vadd.f32 v4, v6  }
0x80: {  	v5 =	vadd.f32 v5, v50  }
0x81: {  	[tilespmem:s18+$0xFFFFFF20] =	vst v4  }
0x82: {  	[tilespmem:s18+$0xFFFFFF30] =	vst v5  }
0x83: {  	v4 =	vld [tilespmem:s17+$0xFFFFFEA0]  }
0x84: {  	v5 =	vld [tilespmem:s17+$0xFFFFFEB0]  }
0x85: {  	v6 =	vld [tilespmem:s17+$0xFFFFFE80]  }
0x86: {  	v51 =	vbroadcast v3, $0x2;
	v7 =	vld [tilespmem:s17+$0xFFFFFE90];
	_ =	sdelay $0x1  }
0x87: {  	v4 =	vmul.f32 v4, v51  }
0x88: {  	v5 =	vmul.f32 v5, v51  }
0x89: {  	v4 =	vadd.f32 v4, v6  }
0x8a: {  	v5 =	vadd.f32 v5, v7  }
0x8b: {  	[tilespmem:s18+$0xFFFFFF40] =	vst v4  }
0x8c: {  	[tilespmem:s18+$0xFFFFFF50] =	vst v5  }
0x8d: {  	v4 =	vld [tilespmem:s17+$0xFFFFFEE0]  }
0x8e: {  	v5 =	vld [tilespmem:s17+$0xFFFFFEF0]  }
0x8f: {  	v6 =	vld [tilespmem:s17+$0xFFFFFEC0]  }
0x90: {  	v52 =	vbroadcast v3, $0x3;
	v7 =	vld [tilespmem:s17+$0xFFFFFED0];
	_ =	sdelay $0x1  }
0x91: {  	v4 =	vmul.f32 v4, v52  }
0x92: {  	v5 =	vmul.f32 v5, v52  }
0x93: {  	v4 =	vadd.f32 v4, v6  }
0x94: {  	v5 =	vadd.f32 v5, v7  }
0x95: {  	[tilespmem:s18+$0xFFFFFF60] =	vst v4  }
0x96: {  	[tilespmem:s18+$0xFFFFFF70] =	vst v5  }
0x97: {  	v4 =	vld [tilespmem:s17+$0xFFFFFF20]  }
0x98: {  	v5 =	vld [tilespmem:s17+$0xFFFFFF30]  }
0x99: {  	v6 =	vld [tilespmem:s17+$0xFFFFFF00]  }
0x9a: {  	v53 =	vbroadcast v3, $0x4;
	v7 =	vld [tilespmem:s17+$0xFFFFFF10];
	_ =	sdelay $0x1  }
0x9b: {  	v4 =	vmul.f32 v4, v53  }
0x9c: {  	v5 =	vmul.f32 v5, v53  }
0x9d: {  	v4 =	vadd.f32 v4, v6  }
0x9e: {  	v5 =	vadd.f32 v5, v7  }
0x9f: {  	[tilespmem:s18+$0xFFFFFF80] =	vst v4  }
0xa0: {  	[tilespmem:s18+$0xFFFFFF90] =	vst v5  }
0xa1: {  	v4 =	vld [tilespmem:s17+$0xFFFFFF60]  }
0xa2: {  	v5 =	vld [tilespmem:s17+$0xFFFFFF70]  }
0xa3: {  	v6 =	vld [tilespmem:s17+$0xFFFFFF40]  }
0xa4: {  	v54 =	vbroadcast v3, $0x5;
	v7 =	vld [tilespmem:s17+$0xFFFFFF50];
	_ =	sdelay $0x1  }
0xa5: {  	v4 =	vmul.f32 v4, v54  }
0xa6: {  	v5 =	vmul.f32 v5, v54  }
0xa7: {  	v4 =	vadd.f32 v4, v6  }
0xa8: {  	v5 =	vadd.f32 v5, v7  }
0xa9: {  	[tilespmem:s18+$0xFFFFFFA0] =	vst v4  }
0xaa: {  	[tilespmem:s18+$0xFFFFFFB0] =	vst v5  }
0xab: {  	v4 =	vld [tilespmem:s17+$0xFFFFFFA0]  }
0xac: {  	v5 =	vld [tilespmem:s17+$0xFFFFFFB0]  }
0xad: {  	v6 =	vld [tilespmem:s17+$0xFFFFFF80]  }
0xae: {  	v55 =	vbroadcast v3, $0x6;
	v7 =	vld [tilespmem:s17+$0xFFFFFF90];
	_ =	sdelay $0x1  }
0xaf: {  	v4 =	vmul.f32 v4, v55  }
0xb0: {  	v5 =	vmul.f32 v5, v55  }
0xb1: {  	v4 =	vadd.f32 v4, v6  }
0xb2: {  	v5 =	vadd.f32 v5, v7  }
0xb3: {  	[tilespmem:s18+$0xFFFFFFC0] =	vst v4  }
0xb4: {  	[tilespmem:s18+$0xFFFFFFD0] =	vst v5  }
0xb5: {  	v4 =	vld [tilespmem:s17+$0xFFFFFFE0]  }
0xb6: {  	v5 =	vld [tilespmem:s17+$0xFFFFFFF0]  }
0xb7: {  	v6 =	vld [tilespmem:s17+$0xFFFFFFC0]  }
0xb8: {  	v56 =	vbroadcast v3, $0x7;
	v7 =	vld [tilespmem:s17+$0xFFFFFFD0];
	_ =	sdelay $0x1  }
0xb9: {  	v4 =	vmul.f32 v4, v56  }
0xba: {  	v5 =	vmul.f32 v5, v56  }
0xbb: {  	v4 =	vadd.f32 v4, v6  }
0xbc: {  	v5 =	vadd.f32 v5, v7  }
0xbd: {  	[tilespmem:s18+$0xFFFFFFE0] =	vst v4  }
0xbe: {  	[tilespmem:s18+$0xFFFFFFF0] =	vst v5  }
0xbf: {  	v4 =	vld [tilespmem:s17+$0x20]  }
0xc0: {  	v5 =	vld [tilespmem:s17+$0x30]  }
0xc1: {  	v6 =	vld [tilespmem:s17+$0x0]  }
0xc2: {  	v57 =	vbroadcast v3, $0x8;
	v7 =	vld [tilespmem:s17+$0x10];
	_ =	sdelay $0x1  }
0xc3: {  	v4 =	vmul.f32 v4, v57  }
0xc4: {  	v5 =	vmul.f32 v5, v57  }
0xc5: {  	v4 =	vadd.f32 v4, v6  }
0xc6: {  	v5 =	vadd.f32 v5, v7  }
0xc7: {  	[tilespmem:s18+$0x0] =	vst v4  }
0xc8: {  	[tilespmem:s18+$0x10] =	vst v5  }
0xc9: {  	v4 =	vld [tilespmem:s17+$0x60]  }
0xca: {  	v5 =	vld [tilespmem:s17+$0x70]  }
0xcb: {  	v6 =	vld [tilespmem:s17+$0x40]  }
0xcc: {  	v58 =	vbroadcast v3, $0x9;
	v7 =	vld [tilespmem:s17+$0x50];
	_ =	sdelay $0x1  }
0xcd: {  	v4 =	vmul.f32 v4, v58  }
0xce: {  	v5 =	vmul.f32 v5, v58  }
0xcf: {  	v4 =	vadd.f32 v4, v6  }
0xd0: {  	v5 =	vadd.f32 v5, v7  }
0xd1: {  	[tilespmem:s18+$0x20] =	vst v4  }
0xd2: {  	[tilespmem:s18+$0x30] =	vst v5  }
0xd3: {  	v4 =	vld [tilespmem:s17+$0xA0]  }
0xd4: {  	v5 =	vld [tilespmem:s17+$0xB0]  }
0xd5: {  	v6 =	vld [tilespmem:s17+$0x80]  }
0xd6: {  	v59 =	vbroadcast v3, $0xA;
	v7 =	vld [tilespmem:s17+$0x90];
	_ =	sdelay $0x1  }
0xd7: {  	v4 =	vmul.f32 v4, v59  }
0xd8: {  	v5 =	vmul.f32 v5, v59  }
0xd9: {  	v4 =	vadd.f32 v4, v6  }
0xda: {  	v5 =	vadd.f32 v5, v7  }
0xdb: {  	[tilespmem:s18+$0x40] =	vst v4  }
0xdc: {  	[tilespmem:s18+$0x50] =	vst v5  }
0xdd: {  	v4 =	vld [tilespmem:s17+$0xE0]  }
0xde: {  	v5 =	vld [tilespmem:s17+$0xF0]  }
0xdf: {  	v6 =	vld [tilespmem:s17+$0xC0]  }
0xe0: {  	v60 =	vbroadcast v3, $0xB;
	v7 =	vld [tilespmem:s17+$0xD0];
	_ =	sdelay $0x1  }
0xe1: {  	v4 =	vmul.f32 v4, v60  }
0xe2: {  	v5 =	vmul.f32 v5, v60  }
0xe3: {  	v4 =	vadd.f32 v4, v6  }
0xe4: {  	v5 =	vadd.f32 v5, v7  }
0xe5: {  	[tilespmem:s18+$0x60] =	vst v4  }
0xe6: {  	[tilespmem:s18+$0x70] =	vst v5  }
0xe7: {  	v4 =	vld [tilespmem:s17+$0x130]  }
0xe8: {  	v5 =	vld [tilespmem:s17+$0x120]  }
0xe9: {  	v6 =	vld [tilespmem:s17+$0x110]  }
0xea: {  	v61 =	vbroadcast v3, $0xC;
	v7 =	vld [tilespmem:s17+$0x100];
	_ =	sdelay $0x1  }
0xeb: {  	v4 =	vmul.f32 v4, v61  }
0xec: {  	v5 =	vmul.f32 v5, v61  }
0xed: {  	v4 =	vadd.f32 v4, v6  }
0xee: {  	v5 =	vadd.f32 v5, v7  }
0xef: {  	[tilespmem:s18+$0x90] =	vst v4  }
0xf0: {  	[tilespmem:s18+$0x80] =	vst v5  }
0xf1: {  	v4 =	vld [tilespmem:s17+$0x160]  }
0xf2: {  	v5 =	vld [tilespmem:s17+$0x170]  }
0xf3: {  	v6 =	vld [tilespmem:s17+$0x140]  }
0xf4: {  	v62 =	vbroadcast v3, $0xD;
	v7 =	vld [tilespmem:s17+$0x150];
	_ =	sdelay $0x1  }
0xf5: {  	v4 =	vmul.f32 v4, v62  }
0xf6: {  	v5 =	vmul.f32 v5, v62  }
0xf7: {  	v4 =	vadd.f32 v4, v6  }
0xf8: {  	v5 =	vadd.f32 v5, v7  }
0xf9: {  	[tilespmem:s18+$0xA0] =	vst v4  }
0xfa: {  	[tilespmem:s18+$0xB0] =	vst v5  }
0xfb: {  	s20 =	simm.s32 $0x40;
	s21 =	simm.s32 $0x7A00;
	s19 =	simm.s32 $0xB900;
	v4 =	vld [tilespmem:s17+$0x1A0]  }
.LBB2_5:
0xfc: {  	p1 =	sne.s32 s20, $0x1C0;
	v5 =	vld [tilespmem:s17+$0x1B0];
	s18 =	sadd.s32 $0x200, s18;
	s21 =	sadd.s32 $0x400, s21  }
0xfd: {  	s22 =	smov.u32 s20;
	s20 =	sadd.s32 $0x40, s20;
	v6 =	vld [tilespmem:s17+$0x180]  }
0xfe: {  	v8 =	vbroadcast v3, $0xE;
	v7 =	vld [tilespmem:s17+$0x190];
	_ =	sdelay $0x1  }
0xff: {  	v4 =	vmul.f32 v4, v8  }
0x100: {  	v5 =	vmul.f32 v5, v8  }
0x101: {  	v4 =	vadd.f32 v4, v6  }
0x102: {  	v5 =	vadd.f32 v5, v7  }
0x103: {  	[tilespmem:s19+$0xC0] =	vst v4  }
0x104: {  	[tilespmem:s19+$0xD0] =	vst v5  }
0x105: {  	v4 =	vld [tilespmem:s17+$0x1E0]  }
0x106: {  	v5 =	vld [tilespmem:s17+$0x1F0]  }
0x107: {  	v6 =	vld [tilespmem:s17+$0x1C0]  }
0x108: {  	v3 =	vbroadcast v3, $0xF;
	v7 =	vld [tilespmem:s17+$0x1D0];
	s17 =	smov.u32 s21;
	_ =	sdelay $0x1  }
0x109: {  	v4 =	vmul.f32 v4, v3  }
0x10a: {  	v3 =	vmul.f32 v5, v3  }
0x10b: {  	v4 =	vadd.f32 v4, v6  }
0x10c: {  	s22 =	sshra.s32 s22, $0x2;
	v3 =	vadd.f32 v3, v7  }
0x10d: {  	[tilespmem:s19+$0xE0] =	vst v4  }
0x10e: {  	[tilespmem:s19+$0xF0] =	vst v3;
	s19 =	smov.u32 s18  }
0x10f: {  	v3 =	vld.idx.msk [tilespmem:v2+s22+$0x0 ss:$0x1], $0xffff;
	_ =	sdelay $0x1  }
0x110: {  	v4 =	vld [tilespmem:s21+$0xFFFFFE30]  }
0x111: {  	v5 =	vld [tilespmem:s21+$0xFFFFFE20]  }
0x112: {  	v6 =	vld [tilespmem:s21+$0xFFFFFE10]  }
0x113: {  	v7 =	vld [tilespmem:s21+$0xFFFFFE00]  }
0x114: {  	v3 =	vmax.f32 v3, $0.0e+00  }
0x115: {  	v3 =	vmin.f32 v3, $1.000000000e+00  }
0x116: {  	v8 =	vbroadcast v3, $0x0;
	_ =	sdelay $0x1  }
0x117: {  	v5 =	vmul.f32 v5, v8;
	v4 =	vmul.f32 v4, v8;
	_ =	sdelay $0x1  }
0x118: {  	v5 =	vadd.f32 v5, v7;
	v4 =	vadd.f32 v4, v6;
	_ =	sdelay $0x1  }
0x119: {  	[tilespmem:s18+$0xFFFFFF00] =	vst v5  }
0x11a: {  	[tilespmem:s18+$0xFFFFFF10] =	vst v4  }
0x11b: {  	v4 =	vld [tilespmem:s21+$0xFFFFFE60]  }
0x11c: {  	v5 =	vld [tilespmem:s21+$0xFFFFFE40]  }
0x11d: {  	v7 =	vbroadcast v3, $0x1;
	v6 =	vld [tilespmem:s21+$0xFFFFFE70];
	_ =	sdelay $0x1  }
0x11e: {  	v8 =	vld [tilespmem:s21+$0xFFFFFE50]  }
0x11f: {  	v4 =	vmul.f32 v4, v7;
	_ =	sdelay $0x1  }
0x120: {  	v4 =	vadd.f32 v4, v5;
	v5 =	vmul.f32 v6, v7;
	_ =	sdelay $0x1  }
0x121: {  	v5 =	vadd.f32 v5, v8  }
0x122: {  	[tilespmem:s18+$0xFFFFFF20] =	vst v4  }
0x123: {  	[tilespmem:s18+$0xFFFFFF30] =	vst v5  }
0x124: {  	v4 =	vld [tilespmem:s21+$0xFFFFFEA0]  }
0x125: {  	v5 =	vld [tilespmem:s21+$0xFFFFFEB0]  }
0x126: {  	v6 =	vld [tilespmem:s21+$0xFFFFFE80]  }
0x127: {  	v8 =	vbroadcast v3, $0x2;
	v7 =	vld [tilespmem:s21+$0xFFFFFE90];
	_ =	sdelay $0x1  }
0x128: {  	v4 =	vmul.f32 v4, v8  }
0x129: {  	v5 =	vmul.f32 v5, v8  }
0x12a: {  	v4 =	vadd.f32 v4, v6  }
0x12b: {  	v5 =	vadd.f32 v5, v7  }
0x12c: {  	[tilespmem:s18+$0xFFFFFF40] =	vst v4  }
0x12d: {  	[tilespmem:s18+$0xFFFFFF50] =	vst v5  }
0x12e: {  	v4 =	vld [tilespmem:s21+$0xFFFFFEE0]  }
0x12f: {  	v5 =	vld [tilespmem:s21+$0xFFFFFEF0]  }
0x130: {  	v6 =	vld [tilespmem:s21+$0xFFFFFEC0]  }
0x131: {  	v8 =	vbroadcast v3, $0x3;
	v7 =	vld [tilespmem:s21+$0xFFFFFED0];
	_ =	sdelay $0x1  }
0x132: {  	v4 =	vmul.f32 v4, v8  }
0x133: {  	v5 =	vmul.f32 v5, v8  }
0x134: {  	v4 =	vadd.f32 v4, v6  }
0x135: {  	v5 =	vadd.f32 v5, v7  }
0x136: {  	[tilespmem:s18+$0xFFFFFF60] =	vst v4  }
0x137: {  	[tilespmem:s18+$0xFFFFFF70] =	vst v5  }
0x138: {  	v4 =	vld [tilespmem:s21+$0xFFFFFF20]  }
0x139: {  	v5 =	vld [tilespmem:s21+$0xFFFFFF30]  }
0x13a: {  	v6 =	vld [tilespmem:s21+$0xFFFFFF00]  }
0x13b: {  	v8 =	vbroadcast v3, $0x4;
	v7 =	vld [tilespmem:s21+$0xFFFFFF10];
	_ =	sdelay $0x1  }
0x13c: {  	v4 =	vmul.f32 v4, v8  }
0x13d: {  	v5 =	vmul.f32 v5, v8  }
0x13e: {  	v4 =	vadd.f32 v4, v6  }
0x13f: {  	v5 =	vadd.f32 v5, v7  }
0x140: {  	[tilespmem:s18+$0xFFFFFF80] =	vst v4  }
0x141: {  	[tilespmem:s18+$0xFFFFFF90] =	vst v5  }
0x142: {  	v4 =	vld [tilespmem:s21+$0xFFFFFF60]  }
0x143: {  	v5 =	vld [tilespmem:s21+$0xFFFFFF70]  }
0x144: {  	v6 =	vld [tilespmem:s21+$0xFFFFFF40]  }
0x145: {  	v8 =	vbroadcast v3, $0x5;
	v7 =	vld [tilespmem:s21+$0xFFFFFF50];
	_ =	sdelay $0x1  }
0x146: {  	v4 =	vmul.f32 v4, v8  }
0x147: {  	v5 =	vmul.f32 v5, v8  }
0x148: {  	v4 =	vadd.f32 v4, v6  }
0x149: {  	v5 =	vadd.f32 v5, v7  }
0x14a: {  	[tilespmem:s18+$0xFFFFFFA0] =	vst v4  }
0x14b: {  	[tilespmem:s18+$0xFFFFFFB0] =	vst v5  }
0x14c: {  	v4 =	vld [tilespmem:s21+$0xFFFFFFA0]  }
0x14d: {  	v5 =	vld [tilespmem:s21+$0xFFFFFFB0]  }
0x14e: {  	v6 =	vld [tilespmem:s21+$0xFFFFFF80]  }
0x14f: {  	v8 =	vbroadcast v3, $0x6;
	v7 =	vld [tilespmem:s21+$0xFFFFFF90];
	_ =	sdelay $0x1  }
0x150: {  	v4 =	vmul.f32 v4, v8  }
0x151: {  	v5 =	vmul.f32 v5, v8  }
0x152: {  	v4 =	vadd.f32 v4, v6  }
0x153: {  	v5 =	vadd.f32 v5, v7  }
0x154: {  	[tilespmem:s18+$0xFFFFFFC0] =	vst v4  }
0x155: {  	[tilespmem:s18+$0xFFFFFFD0] =	vst v5  }
0x156: {  	v4 =	vld [tilespmem:s21+$0xFFFFFFE0]  }
0x157: {  	v5 =	vld [tilespmem:s21+$0xFFFFFFF0]  }
0x158: {  	v6 =	vld [tilespmem:s21+$0xFFFFFFC0]  }
0x159: {  	v8 =	vbroadcast v3, $0x7;
	v7 =	vld [tilespmem:s21+$0xFFFFFFD0];
	_ =	sdelay $0x1  }
0x15a: {  	v4 =	vmul.f32 v4, v8  }
0x15b: {  	v5 =	vmul.f32 v5, v8  }
0x15c: {  	v4 =	vadd.f32 v4, v6  }
0x15d: {  	v5 =	vadd.f32 v5, v7  }
0x15e: {  	[tilespmem:s18+$0xFFFFFFE0] =	vst v4  }
0x15f: {  	[tilespmem:s18+$0xFFFFFFF0] =	vst v5  }
0x160: {  	v4 =	vld [tilespmem:s21+$0x20]  }
0x161: {  	v5 =	vld [tilespmem:s21+$0x30]  }
0x162: {  	v6 =	vld [tilespmem:s21+$0x0]  }
0x163: {  	v8 =	vbroadcast v3, $0x8;
	v7 =	vld [tilespmem:s21+$0x10];
	_ =	sdelay $0x1  }
0x164: {  	v4 =	vmul.f32 v4, v8  }
0x165: {  	v5 =	vmul.f32 v5, v8  }
0x166: {  	v4 =	vadd.f32 v4, v6  }
0x167: {  	v5 =	vadd.f32 v5, v7  }
0x168: {  	[tilespmem:s18+$0x0] =	vst v4  }
0x169: {  	[tilespmem:s18+$0x10] =	vst v5  }
0x16a: {  	v4 =	vld [tilespmem:s21+$0x60]  }
0x16b: {  	v5 =	vld [tilespmem:s21+$0x70]  }
0x16c: {  	v6 =	vld [tilespmem:s21+$0x40]  }
0x16d: {  	v8 =	vbroadcast v3, $0x9;
	v7 =	vld [tilespmem:s21+$0x50];
	_ =	sdelay $0x1  }
0x16e: {  	v4 =	vmul.f32 v4, v8  }
0x16f: {  	v5 =	vmul.f32 v5, v8  }
0x170: {  	v4 =	vadd.f32 v4, v6  }
0x171: {  	v5 =	vadd.f32 v5, v7  }
0x172: {  	[tilespmem:s18+$0x20] =	vst v4  }
0x173: {  	[tilespmem:s18+$0x30] =	vst v5  }
0x174: {  	v4 =	vld [tilespmem:s21+$0xA0]  }
0x175: {  	v5 =	vld [tilespmem:s21+$0xB0]  }
0x176: {  	v6 =	vld [tilespmem:s21+$0x80]  }
0x177: {  	v8 =	vbroadcast v3, $0xA;
	v7 =	vld [tilespmem:s21+$0x90];
	_ =	sdelay $0x1  }
0x178: {  	v4 =	vmul.f32 v4, v8  }
0x179: {  	v5 =	vmul.f32 v5, v8  }
0x17a: {  	v4 =	vadd.f32 v4, v6  }
0x17b: {  	v5 =	vadd.f32 v5, v7  }
0x17c: {  	[tilespmem:s18+$0x40] =	vst v4  }
0x17d: {  	[tilespmem:s18+$0x50] =	vst v5  }
0x17e: {  	v4 =	vld [tilespmem:s21+$0xE0]  }
0x17f: {  	v5 =	vld [tilespmem:s21+$0xF0]  }
0x180: {  	v6 =	vld [tilespmem:s21+$0xC0]  }
0x181: {  	v8 =	vbroadcast v3, $0xB;
	v7 =	vld [tilespmem:s21+$0xD0];
	_ =	sdelay $0x1  }
0x182: {  	v4 =	vmul.f32 v4, v8  }
0x183: {  	v5 =	vmul.f32 v5, v8  }
0x184: {  	v4 =	vadd.f32 v4, v6  }
0x185: {  	v5 =	vadd.f32 v5, v7  }
0x186: {  	[tilespmem:s18+$0x60] =	vst v4  }
0x187: {  	[tilespmem:s18+$0x70] =	vst v5  }
0x188: {  	v4 =	vld [tilespmem:s21+$0x120]  }
0x189: {  	v5 =	vld [tilespmem:s21+$0x130]  }
0x18a: {  	v6 =	vld [tilespmem:s21+$0x110]  }
0x18b: {  	v8 =	vbroadcast v3, $0xC;
	v7 =	vld [tilespmem:s21+$0x100];
	_ =	sdelay $0x1  }
0x18c: {  	v4 =	vmul.f32 v4, v8  }
0x18d: {  	v5 =	vmul.f32 v5, v8;
	_ =	sdelay $0x1  }
0x18e: {  	v4 =	vadd.f32 v4, v7;
	v5 =	vadd.f32 v5, v6;
	_ =	sdelay $0x1  }
0x18f: {  	[tilespmem:s18+$0x90] =	vst v5  }
0x190: {  	[tilespmem:s18+$0x80] =	vst v4  }
0x191: {  	v4 =	vld [tilespmem:s21+$0x160]  }
0x192: {  	v5 =	vld [tilespmem:s21+$0x170]  }
0x193: {  	v6 =	vld [tilespmem:s21+$0x140]  }
0x194: {  	v8 =	vbroadcast v3, $0xD;
	v7 =	vld [tilespmem:s21+$0x150];
	_ =	sdelay $0x1  }
0x195: {  	v4 =	vmul.f32 v4, v8  }
0x196: {  	v5 =	vmul.f32 v5, v8  }
.Ltmp1:
0x197: {  	v4 =	vadd.f32 v4, v6;
	(pc) =	sbr.rel @p1 .LBB2_5-.Ltmp1, $4  }
0x198: {  	v5 =	vadd.f32 v5, v7  }
0x199: {  	[tilespmem:s18+$0xA0] =	vst v4  }
0x19a: {  	[tilespmem:s18+$0xB0] =	vst v5  }
0x19b: {  	v4 =	vld [tilespmem:s21+$0x1A0]  }
0x19c: {  	v2 =	vld [tilespmem:s17+$0x1B0]  }
0x19d: {  	v5 =	vld [tilespmem:s17+$0x180]  }
0x19e: {  	v6 =	vld [tilespmem:s17+$0x190];
	v7 =	vbroadcast v3, $0xE;
	_ =	sdelay $0x1  }
0x19f: {  	v4 =	vmul.f32 v4, v7  }
0x1a0: {  	v2 =	vmul.f32 v2, v7  }
0x1a1: {  	v4 =	vadd.f32 v4, v5  }
0x1a2: {  	v2 =	vadd.f32 v2, v6  }
0x1a3: {  	[tilespmem:s19+$0xC0] =	vst v4  }
0x1a4: {  	[tilespmem:s19+$0xD0] =	vst v2  }
0x1a5: {  	v2 =	vld [tilespmem:s17+$0x1E0]  }
0x1a6: {  	v4 =	vld [tilespmem:s17+$0x1F0]  }
0x1a7: {  	v5 =	vld [tilespmem:s17+$0x1C0]  }
0x1a8: {  	v3 =	vbroadcast v3, $0xF;
	v6 =	vld [tilespmem:s17+$0x1D0];
	_ =	sdelay $0x1  }
0x1a9: {  	v2 =	vmul.f32 v2, v3  }
0x1aa: {  	v3 =	vmul.f32 v4, v3  }
0x1ab: {  	v2 =	vadd.f32 v2, v5  }
0x1ac: {  	v3 =	vadd.f32 v3, v6  }
0x1ad: {  	s21 =	sshrl.u32 s16, $0x2;
	[tilespmem:s19+$0xE0] =	vst v2  }
0x1ae: {  	s17 =	sadd.s32 $0x2800, s21;
	[tilespmem:s19+$0xF0] =	vst v3  }
0x1af: {  	[spmem:s2] =	stream.indirect.scatter.add.f32 [tilespmem:s23], [sflag:$0x3], $0x20, s17, s29, $0xb8;
	v63 =	vld [tilespmem:$0x0]  }
0x1b0: {  	_ = 	snop  }
0x1b1: {  	[spmem:s3] =	stream.indirect.scatter.add.f32 [tilespmem:s28], [sflag:$0x5], $0x10, s17, s29, $0xb8;
	v63 =	vld [tilespmem:$0x0]  }
0x1b2: {  	s17 =	simm.s32 @!p0 $0x5  }
0x1b3: {  	_ =	swait.ge @!p0 [sflag:s17], $0x800  }
0x1b4: {  	[sflag:s17] =	ssyncset.done @!p0 $0x0  }
0x1b5: {  	[sflag:s17] =	ssyncadd.s32 @!p0 $0xFFFFF800;
	p0 =	seq.s32 s12, $0x27  }
0x1b6: {  	_ =	swait.ge [sflag:s30], $0x2000;
	p1 =	seq.s32 @!p0 s12, $0x0  }
0x1b7: {  	s16 =	sshrl.u32 @!p0 s16, $0x2;
	s17 =	simm.s32 @!p0 $0x80;
	[sflag:s30] =	ssyncset.done $0x0  }
0x1b8: {  	s18 =	simm.s32 @!p0 $0x7800;
	s16 =	sadd.s32 @!p0 $0x100, s16;
	[sflag:s30] =	ssyncadd.s32 $0xFFFFE000  }
0x1b9: {  	v2 =	vmov s14;
	[tilespmem:s18], [sflag:$0x1] =	stream.indirect.gather @!p0 [spmem:s4], $0x40, s16, s17, $0xb8;
	v63 =	vld [tilespmem:$0x0]  }
0x1ba: {  	p0 =	por p0, !p1  }
0x1bb: {  	_ =	swait.ge @p0 [sflag:s10], $0x1000  }
0x1bc: {  	[sflag:s10] =	ssyncset.done @p0 $0x0  }
0x1bd: {  	s22 =	simm.s32 $0x0;
	[sflag:s10] =	ssyncadd.s32 @p0 $0xFFFFF000  }
0x1be: {  	v3 =	vld.idx.msk [tilespmem:v2+s22+$0x0 ss:$0x1], $0xffff;
	_ =	sdelay $0x2  }
0x1bf: {  	s16 =	simm.s32 $0x9A00  }
0x1c0: {  	v4 =	vld [tilespmem:s16+$0xFFFFFE20]  }
0x1c1: {  	v5 =	vld [tilespmem:s16+$0xFFFFFE30];
	v3 =	vmax.f32 v3, $0.0e+00  }
0x1c2: {  	v6 =	vld [tilespmem:s16+$0xFFFFFE00];
	v3 =	vmin.f32 v3, $1.000000000e+00  }
0x1c3: {  	v7 =	vld [tilespmem:s16+$0xFFFFFE10];
	v8 =	vbroadcast v3, $0x0;
	_ =	sdelay $0x1  }
0x1c4: {  	v4 =	vmul.f32 v4, v8  }
0x1c5: {  	v5 =	vmul.f32 v5, v8  }
0x1c6: {  	v4 =	vadd.f32 v4, v6  }
0x1c7: {  	s17 =	simm.s32 $0xC900;
	v5 =	vadd.f32 v5, v7  }
0x1c8: {  	[tilespmem:s17+$0xFFFFFF00] =	vst v4  }
0x1c9: {  	[tilespmem:s17+$0xFFFFFF10] =	vst v5  }
0x1ca: {  	v4 =	vld [tilespmem:s16+$0xFFFFFE60]  }
0x1cb: {  	v5 =	vld [tilespmem:s16+$0xFFFFFE70]  }
0x1cc: {  	v6 =	vld [tilespmem:s16+$0xFFFFFE40]  }
0x1cd: {  	v7 =	vbroadcast v3, $0x1;
	v50 =	vld [tilespmem:s16+$0xFFFFFE50];
	_ =	sdelay $0x1  }
0x1ce: {  	v4 =	vmul.f32 v4, v7  }
0x1cf: {  	v5 =	vmul.f32 v5, v7  }
0x1d0: {  	v4 =	vadd.f32 v4, v6  }
0x1d1: {  	v5 =	vadd.f32 v5, v50  }
0x1d2: {  	[tilespmem:s17+$0xFFFFFF20] =	vst v4  }
0x1d3: {  	[tilespmem:s17+$0xFFFFFF30] =	vst v5  }
0x1d4: {  	v4 =	vld [tilespmem:s16+$0xFFFFFEA0]  }
0x1d5: {  	v5 =	vld [tilespmem:s16+$0xFFFFFEB0]  }
0x1d6: {  	v6 =	vld [tilespmem:s16+$0xFFFFFE80]  }
0x1d7: {  	v51 =	vbroadcast v3, $0x2;
	v7 =	vld [tilespmem:s16+$0xFFFFFE90];
	_ =	sdelay $0x1  }
0x1d8: {  	v4 =	vmul.f32 v4, v51  }
0x1d9: {  	v5 =	vmul.f32 v5, v51  }
0x1da: {  	v4 =	vadd.f32 v4, v6  }
0x1db: {  	v5 =	vadd.f32 v5, v7  }
0x1dc: {  	[tilespmem:s17+$0xFFFFFF40] =	vst v4  }
0x1dd: {  	[tilespmem:s17+$0xFFFFFF50] =	vst v5  }
0x1de: {  	v4 =	vld [tilespmem:s16+$0xFFFFFEE0]  }
0x1df: {  	v5 =	vld [tilespmem:s16+$0xFFFFFEF0]  }
0x1e0: {  	v6 =	vld [tilespmem:s16+$0xFFFFFEC0]  }
0x1e1: {  	v52 =	vbroadcast v3, $0x3;
	v7 =	vld [tilespmem:s16+$0xFFFFFED0];
	_ =	sdelay $0x1  }
0x1e2: {  	v4 =	vmul.f32 v4, v52  }
0x1e3: {  	v5 =	vmul.f32 v5, v52  }
0x1e4: {  	v4 =	vadd.f32 v4, v6  }
0x1e5: {  	v5 =	vadd.f32 v5, v7  }
0x1e6: {  	[tilespmem:s17+$0xFFFFFF60] =	vst v4  }
0x1e7: {  	[tilespmem:s17+$0xFFFFFF70] =	vst v5  }
0x1e8: {  	v4 =	vld [tilespmem:s16+$0xFFFFFF20]  }
0x1e9: {  	v5 =	vld [tilespmem:s16+$0xFFFFFF30]  }
0x1ea: {  	v6 =	vld [tilespmem:s16+$0xFFFFFF00]  }
0x1eb: {  	v53 =	vbroadcast v3, $0x4;
	v7 =	vld [tilespmem:s16+$0xFFFFFF10];
	_ =	sdelay $0x1  }
0x1ec: {  	v4 =	vmul.f32 v4, v53  }
0x1ed: {  	v5 =	vmul.f32 v5, v53  }
0x1ee: {  	v4 =	vadd.f32 v4, v6  }
0x1ef: {  	v5 =	vadd.f32 v5, v7  }
0x1f0: {  	[tilespmem:s17+$0xFFFFFF80] =	vst v4  }
0x1f1: {  	[tilespmem:s17+$0xFFFFFF90] =	vst v5  }
0x1f2: {  	v4 =	vld [tilespmem:s16+$0xFFFFFF60]  }
0x1f3: {  	v5 =	vld [tilespmem:s16+$0xFFFFFF70]  }
0x1f4: {  	v6 =	vld [tilespmem:s16+$0xFFFFFF40]  }
0x1f5: {  	v54 =	vbroadcast v3, $0x5;
	v7 =	vld [tilespmem:s16+$0xFFFFFF50];
	_ =	sdelay $0x1  }
0x1f6: {  	v4 =	vmul.f32 v4, v54  }
0x1f7: {  	v5 =	vmul.f32 v5, v54  }
0x1f8: {  	v4 =	vadd.f32 v4, v6  }
0x1f9: {  	v5 =	vadd.f32 v5, v7  }
0x1fa: {  	[tilespmem:s17+$0xFFFFFFA0] =	vst v4  }
0x1fb: {  	[tilespmem:s17+$0xFFFFFFB0] =	vst v5  }
0x1fc: {  	v4 =	vld [tilespmem:s16+$0xFFFFFFA0]  }
0x1fd: {  	v5 =	vld [tilespmem:s16+$0xFFFFFFB0]  }
0x1fe: {  	v6 =	vld [tilespmem:s16+$0xFFFFFF80]  }
0x1ff: {  	v55 =	vbroadcast v3, $0x6;
	v7 =	vld [tilespmem:s16+$0xFFFFFF90];
	_ =	sdelay $0x1  }
0x200: {  	v4 =	vmul.f32 v4, v55  }
0x201: {  	v5 =	vmul.f32 v5, v55  }
0x202: {  	v4 =	vadd.f32 v4, v6  }
0x203: {  	v5 =	vadd.f32 v5, v7  }
0x204: {  	[tilespmem:s17+$0xFFFFFFC0] =	vst v4  }
0x205: {  	[tilespmem:s17+$0xFFFFFFD0] =	vst v5  }
0x206: {  	v4 =	vld [tilespmem:s16+$0xFFFFFFE0]  }
0x207: {  	v5 =	vld [tilespmem:s16+$0xFFFFFFF0]  }
0x208: {  	v6 =	vld [tilespmem:s16+$0xFFFFFFC0]  }
0x209: {  	v56 =	vbroadcast v3, $0x7;
	v7 =	vld [tilespmem:s16+$0xFFFFFFD0];
	_ =	sdelay $0x1  }
0x20a: {  	v4 =	vmul.f32 v4, v56  }
0x20b: {  	v5 =	vmul.f32 v5, v56  }
0x20c: {  	v4 =	vadd.f32 v4, v6  }
0x20d: {  	v5 =	vadd.f32 v5, v7  }
0x20e: {  	[tilespmem:s17+$0xFFFFFFE0] =	vst v4  }
0x20f: {  	[tilespmem:s17+$0xFFFFFFF0] =	vst v5  }
0x210: {  	v4 =	vld [tilespmem:s16+$0x20]  }
0x211: {  	v5 =	vld [tilespmem:s16+$0x30]  }
0x212: {  	v6 =	vld [tilespmem:s16+$0x0]  }
0x213: {  	v57 =	vbroadcast v3, $0x8;
	v7 =	vld [tilespmem:s16+$0x10];
	_ =	sdelay $0x1  }
0x214: {  	v4 =	vmul.f32 v4, v57  }
0x215: {  	v5 =	vmul.f32 v5, v57  }
0x216: {  	v4 =	vadd.f32 v4, v6  }
0x217: {  	v5 =	vadd.f32 v5, v7  }
0x218: {  	[tilespmem:s17+$0x0] =	vst v4  }
0x219: {  	[tilespmem:s17+$0x10] =	vst v5  }
0x21a: {  	v4 =	vld [tilespmem:s16+$0x60]  }
0x21b: {  	v5 =	vld [tilespmem:s16+$0x70]  }
0x21c: {  	v6 =	vld [tilespmem:s16+$0x40]  }
0x21d: {  	v58 =	vbroadcast v3, $0x9;
	v7 =	vld [tilespmem:s16+$0x50];
	_ =	sdelay $0x1  }
0x21e: {  	v4 =	vmul.f32 v4, v58  }
0x21f: {  	v5 =	vmul.f32 v5, v58  }
0x220: {  	v4 =	vadd.f32 v4, v6  }
0x221: {  	v5 =	vadd.f32 v5, v7  }
0x222: {  	[tilespmem:s17+$0x20] =	vst v4  }
0x223: {  	[tilespmem:s17+$0x30] =	vst v5  }
0x224: {  	v4 =	vld [tilespmem:s16+$0xA0]  }
0x225: {  	v5 =	vld [tilespmem:s16+$0xB0]  }
0x226: {  	v6 =	vld [tilespmem:s16+$0x80]  }
0x227: {  	v59 =	vbroadcast v3, $0xA;
	v7 =	vld [tilespmem:s16+$0x90];
	_ =	sdelay $0x1  }
0x228: {  	v4 =	vmul.f32 v4, v59  }
0x229: {  	v5 =	vmul.f32 v5, v59  }
0x22a: {  	v4 =	vadd.f32 v4, v6  }
0x22b: {  	v5 =	vadd.f32 v5, v7  }
0x22c: {  	[tilespmem:s17+$0x40] =	vst v4  }
0x22d: {  	[tilespmem:s17+$0x50] =	vst v5  }
0x22e: {  	v4 =	vld [tilespmem:s16+$0xE0]  }
0x22f: {  	v5 =	vld [tilespmem:s16+$0xF0]  }
0x230: {  	v6 =	vld [tilespmem:s16+$0xC0]  }
0x231: {  	v60 =	vbroadcast v3, $0xB;
	v7 =	vld [tilespmem:s16+$0xD0];
	_ =	sdelay $0x1  }
0x232: {  	v4 =	vmul.f32 v4, v60  }
0x233: {  	v5 =	vmul.f32 v5, v60  }
0x234: {  	v4 =	vadd.f32 v4, v6  }
0x235: {  	v5 =	vadd.f32 v5, v7  }
0x236: {  	[tilespmem:s17+$0x60] =	vst v4  }
0x237: {  	[tilespmem:s17+$0x70] =	vst v5  }
0x238: {  	v4 =	vld [tilespmem:s16+$0x130]  }
0x239: {  	v5 =	vld [tilespmem:s16+$0x120]  }
0x23a: {  	v6 =	vld [tilespmem:s16+$0x110]  }
0x23b: {  	v61 =	vbroadcast v3, $0xC;
	v7 =	vld [tilespmem:s16+$0x100];
	_ =	sdelay $0x1  }
0x23c: {  	v4 =	vmul.f32 v4, v61  }
0x23d: {  	v5 =	vmul.f32 v5, v61  }
0x23e: {  	v4 =	vadd.f32 v4, v6  }
0x23f: {  	v5 =	vadd.f32 v5, v7  }
0x240: {  	[tilespmem:s17+$0x90] =	vst v4  }
0x241: {  	[tilespmem:s17+$0x80] =	vst v5  }
0x242: {  	v4 =	vld [tilespmem:s16+$0x160]  }
0x243: {  	v5 =	vld [tilespmem:s16+$0x170]  }
0x244: {  	v6 =	vld [tilespmem:s16+$0x140]  }
0x245: {  	v62 =	vbroadcast v3, $0xD;
	v7 =	vld [tilespmem:s16+$0x150];
	_ =	sdelay $0x1  }
0x246: {  	v4 =	vmul.f32 v4, v62  }
0x247: {  	v5 =	vmul.f32 v5, v62  }
0x248: {  	v4 =	vadd.f32 v4, v6  }
0x249: {  	v5 =	vadd.f32 v5, v7  }
0x24a: {  	[tilespmem:s17+$0xA0] =	vst v4  }
0x24b: {  	[tilespmem:s17+$0xB0] =	vst v5  }
0x24c: {  	s20 =	simm.s32 $0x9A00;
	s19 =	simm.s32 $0x40;
	s18 =	simm.s32 $0xC900;
	v4 =	vld [tilespmem:s16+$0x1A0]  }
.LBB2_7:
0x24d: {  	p0 =	sne.s32 s19, $0x1C0;
	v5 =	vld [tilespmem:s16+$0x1B0];
	s17 =	sadd.s32 $0x200, s17;
	s20 =	sadd.s32 $0x400, s20  }
0x24e: {  	s21 =	smov.u32 s19;
	s19 =	sadd.s32 $0x40, s19;
	v6 =	vld [tilespmem:s16+$0x180]  }
0x24f: {  	v8 =	vbroadcast v3, $0xE;
	v7 =	vld [tilespmem:s16+$0x190];
	_ =	sdelay $0x1  }
0x250: {  	v4 =	vmul.f32 v4, v8  }
0x251: {  	v5 =	vmul.f32 v5, v8  }
0x252: {  	v4 =	vadd.f32 v4, v6  }
0x253: {  	v5 =	vadd.f32 v5, v7  }
0x254: {  	[tilespmem:s18+$0xC0] =	vst v4  }
0x255: {  	[tilespmem:s18+$0xD0] =	vst v5  }
0x256: {  	v4 =	vld [tilespmem:s16+$0x1E0]  }
0x257: {  	v5 =	vld [tilespmem:s16+$0x1F0]  }
0x258: {  	v6 =	vld [tilespmem:s16+$0x1C0]  }
0x259: {  	v3 =	vbroadcast v3, $0xF;
	v7 =	vld [tilespmem:s16+$0x1D0];
	s16 =	smov.u32 s20;
	_ =	sdelay $0x1  }
0x25a: {  	v4 =	vmul.f32 v4, v3  }
0x25b: {  	v3 =	vmul.f32 v5, v3  }
0x25c: {  	v4 =	vadd.f32 v4, v6  }
0x25d: {  	s21 =	sshra.s32 s21, $0x2;
	v3 =	vadd.f32 v3, v7  }
0x25e: {  	[tilespmem:s18+$0xE0] =	vst v4  }
0x25f: {  	[tilespmem:s18+$0xF0] =	vst v3;
	s18 =	smov.u32 s17  }
0x260: {  	v3 =	vld.idx.msk [tilespmem:v2+s21+$0x0 ss:$0x1], $0xffff;
	_ =	sdelay $0x1  }
0x261: {  	v4 =	vld [tilespmem:s20+$0xFFFFFE30]  }
0x262: {  	v5 =	vld [tilespmem:s20+$0xFFFFFE20]  }
0x263: {  	v6 =	vld [tilespmem:s20+$0xFFFFFE10]  }
0x264: {  	v7 =	vld [tilespmem:s20+$0xFFFFFE00]  }
0x265: {  	v3 =	vmax.f32 v3, $0.0e+00  }
0x266: {  	v3 =	vmin.f32 v3, $1.000000000e+00  }
0x267: {  	v8 =	vbroadcast v3, $0x0;
	_ =	sdelay $0x1  }
0x268: {  	v5 =	vmul.f32 v5, v8;
	v4 =	vmul.f32 v4, v8;
	_ =	sdelay $0x1  }
0x269: {  	v5 =	vadd.f32 v5, v7;
	v4 =	vadd.f32 v4, v6;
	_ =	sdelay $0x1  }
0x26a: {  	[tilespmem:s17+$0xFFFFFF00] =	vst v5  }
0x26b: {  	[tilespmem:s17+$0xFFFFFF10] =	vst v4  }
0x26c: {  	v4 =	vld [tilespmem:s20+$0xFFFFFE60]  }
0x26d: {  	v5 =	vld [tilespmem:s20+$0xFFFFFE40]  }
0x26e: {  	v7 =	vbroadcast v3, $0x1;
	v6 =	vld [tilespmem:s20+$0xFFFFFE70];
	_ =	sdelay $0x1  }
0x26f: {  	v8 =	vld [tilespmem:s20+$0xFFFFFE50]  }
0x270: {  	v4 =	vmul.f32 v4, v7;
	_ =	sdelay $0x1  }
0x271: {  	v4 =	vadd.f32 v4, v5;
	v5 =	vmul.f32 v6, v7;
	_ =	sdelay $0x1  }
0x272: {  	v5 =	vadd.f32 v5, v8  }
0x273: {  	[tilespmem:s17+$0xFFFFFF20] =	vst v4  }
0x274: {  	[tilespmem:s17+$0xFFFFFF30] =	vst v5  }
0x275: {  	v4 =	vld [tilespmem:s20+$0xFFFFFEA0]  }
0x276: {  	v5 =	vld [tilespmem:s20+$0xFFFFFEB0]  }
0x277: {  	v6 =	vld [tilespmem:s20+$0xFFFFFE80]  }
0x278: {  	v8 =	vbroadcast v3, $0x2;
	v7 =	vld [tilespmem:s20+$0xFFFFFE90];
	_ =	sdelay $0x1  }
0x279: {  	v4 =	vmul.f32 v4, v8  }
0x27a: {  	v5 =	vmul.f32 v5, v8  }
0x27b: {  	v4 =	vadd.f32 v4, v6  }
0x27c: {  	v5 =	vadd.f32 v5, v7  }
0x27d: {  	[tilespmem:s17+$0xFFFFFF40] =	vst v4  }
0x27e: {  	[tilespmem:s17+$0xFFFFFF50] =	vst v5  }
0x27f: {  	v4 =	vld [tilespmem:s20+$0xFFFFFEE0]  }
0x280: {  	v5 =	vld [tilespmem:s20+$0xFFFFFEF0]  }
0x281: {  	v6 =	vld [tilespmem:s20+$0xFFFFFEC0]  }
0x282: {  	v8 =	vbroadcast v3, $0x3;
	v7 =	vld [tilespmem:s20+$0xFFFFFED0];
	_ =	sdelay $0x1  }
0x283: {  	v4 =	vmul.f32 v4, v8  }
0x284: {  	v5 =	vmul.f32 v5, v8  }
0x285: {  	v4 =	vadd.f32 v4, v6  }
0x286: {  	v5 =	vadd.f32 v5, v7  }
0x287: {  	[tilespmem:s17+$0xFFFFFF60] =	vst v4  }
0x288: {  	[tilespmem:s17+$0xFFFFFF70] =	vst v5  }
0x289: {  	v4 =	vld [tilespmem:s20+$0xFFFFFF20]  }
0x28a: {  	v5 =	vld [tilespmem:s20+$0xFFFFFF30]  }
0x28b: {  	v6 =	vld [tilespmem:s20+$0xFFFFFF00]  }
0x28c: {  	v8 =	vbroadcast v3, $0x4;
	v7 =	vld [tilespmem:s20+$0xFFFFFF10];
	_ =	sdelay $0x1  }
0x28d: {  	v4 =	vmul.f32 v4, v8  }
0x28e: {  	v5 =	vmul.f32 v5, v8  }
0x28f: {  	v4 =	vadd.f32 v4, v6  }
0x290: {  	v5 =	vadd.f32 v5, v7  }
0x291: {  	[tilespmem:s17+$0xFFFFFF80] =	vst v4  }
0x292: {  	[tilespmem:s17+$0xFFFFFF90] =	vst v5  }
0x293: {  	v4 =	vld [tilespmem:s20+$0xFFFFFF60]  }
0x294: {  	v5 =	vld [tilespmem:s20+$0xFFFFFF70]  }
0x295: {  	v6 =	vld [tilespmem:s20+$0xFFFFFF40]  }
0x296: {  	v8 =	vbroadcast v3, $0x5;
	v7 =	vld [tilespmem:s20+$0xFFFFFF50];
	_ =	sdelay $0x1  }
0x297: {  	v4 =	vmul.f32 v4, v8  }
0x298: {  	v5 =	vmul.f32 v5, v8  }
0x299: {  	v4 =	vadd.f32 v4, v6  }
0x29a: {  	v5 =	vadd.f32 v5, v7  }
0x29b: {  	[tilespmem:s17+$0xFFFFFFA0] =	vst v4  }
0x29c: {  	[tilespmem:s17+$0xFFFFFFB0] =	vst v5  }
0x29d: {  	v4 =	vld [tilespmem:s20+$0xFFFFFFA0]  }
0x29e: {  	v5 =	vld [tilespmem:s20+$0xFFFFFFB0]  }
0x29f: {  	v6 =	vld [tilespmem:s20+$0xFFFFFF80]  }
0x2a0: {  	v8 =	vbroadcast v3, $0x6;
	v7 =	vld [tilespmem:s20+$0xFFFFFF90];
	_ =	sdelay $0x1  }
0x2a1: {  	v4 =	vmul.f32 v4, v8  }
0x2a2: {  	v5 =	vmul.f32 v5, v8  }
0x2a3: {  	v4 =	vadd.f32 v4, v6  }
0x2a4: {  	v5 =	vadd.f32 v5, v7  }
0x2a5: {  	[tilespmem:s17+$0xFFFFFFC0] =	vst v4  }
0x2a6: {  	[tilespmem:s17+$0xFFFFFFD0] =	vst v5  }
0x2a7: {  	v4 =	vld [tilespmem:s20+$0xFFFFFFE0]  }
0x2a8: {  	v5 =	vld [tilespmem:s20+$0xFFFFFFF0]  }
0x2a9: {  	v6 =	vld [tilespmem:s20+$0xFFFFFFC0]  }
0x2aa: {  	v8 =	vbroadcast v3, $0x7;
	v7 =	vld [tilespmem:s20+$0xFFFFFFD0];
	_ =	sdelay $0x1  }
0x2ab: {  	v4 =	vmul.f32 v4, v8  }
0x2ac: {  	v5 =	vmul.f32 v5, v8  }
0x2ad: {  	v4 =	vadd.f32 v4, v6  }
0x2ae: {  	v5 =	vadd.f32 v5, v7  }
0x2af: {  	[tilespmem:s17+$0xFFFFFFE0] =	vst v4  }
0x2b0: {  	[tilespmem:s17+$0xFFFFFFF0] =	vst v5  }
0x2b1: {  	v4 =	vld [tilespmem:s20+$0x20]  }
0x2b2: {  	v5 =	vld [tilespmem:s20+$0x30]  }
0x2b3: {  	v6 =	vld [tilespmem:s20+$0x0]  }
0x2b4: {  	v8 =	vbroadcast v3, $0x8;
	v7 =	vld [tilespmem:s20+$0x10];
	_ =	sdelay $0x1  }
0x2b5: {  	v4 =	vmul.f32 v4, v8  }
0x2b6: {  	v5 =	vmul.f32 v5, v8  }
0x2b7: {  	v4 =	vadd.f32 v4, v6  }
0x2b8: {  	v5 =	vadd.f32 v5, v7  }
0x2b9: {  	[tilespmem:s17+$0x0] =	vst v4  }
0x2ba: {  	[tilespmem:s17+$0x10] =	vst v5  }
0x2bb: {  	v4 =	vld [tilespmem:s20+$0x60]  }
0x2bc: {  	v5 =	vld [tilespmem:s20+$0x70]  }
0x2bd: {  	v6 =	vld [tilespmem:s20+$0x40]  }
0x2be: {  	v8 =	vbroadcast v3, $0x9;
	v7 =	vld [tilespmem:s20+$0x50];
	_ =	sdelay $0x1  }
0x2bf: {  	v4 =	vmul.f32 v4, v8  }
0x2c0: {  	v5 =	vmul.f32 v5, v8  }
0x2c1: {  	v4 =	vadd.f32 v4, v6  }
0x2c2: {  	v5 =	vadd.f32 v5, v7  }
0x2c3: {  	[tilespmem:s17+$0x20] =	vst v4  }
0x2c4: {  	[tilespmem:s17+$0x30] =	vst v5  }
0x2c5: {  	v4 =	vld [tilespmem:s20+$0xA0]  }
0x2c6: {  	v5 =	vld [tilespmem:s20+$0xB0]  }
0x2c7: {  	v6 =	vld [tilespmem:s20+$0x80]  }
0x2c8: {  	v8 =	vbroadcast v3, $0xA;
	v7 =	vld [tilespmem:s20+$0x90];
	_ =	sdelay $0x1  }
0x2c9: {  	v4 =	vmul.f32 v4, v8  }
0x2ca: {  	v5 =	vmul.f32 v5, v8  }
0x2cb: {  	v4 =	vadd.f32 v4, v6  }
0x2cc: {  	v5 =	vadd.f32 v5, v7  }
0x2cd: {  	[tilespmem:s17+$0x40] =	vst v4  }
0x2ce: {  	[tilespmem:s17+$0x50] =	vst v5  }
0x2cf: {  	v4 =	vld [tilespmem:s20+$0xE0]  }
0x2d0: {  	v5 =	vld [tilespmem:s20+$0xF0]  }
0x2d1: {  	v6 =	vld [tilespmem:s20+$0xC0]  }
0x2d2: {  	v8 =	vbroadcast v3, $0xB;
	v7 =	vld [tilespmem:s20+$0xD0];
	_ =	sdelay $0x1  }
0x2d3: {  	v4 =	vmul.f32 v4, v8  }
0x2d4: {  	v5 =	vmul.f32 v5, v8  }
0x2d5: {  	v4 =	vadd.f32 v4, v6  }
0x2d6: {  	v5 =	vadd.f32 v5, v7  }
0x2d7: {  	[tilespmem:s17+$0x60] =	vst v4  }
0x2d8: {  	[tilespmem:s17+$0x70] =	vst v5  }
0x2d9: {  	v4 =	vld [tilespmem:s20+$0x120]  }
0x2da: {  	v5 =	vld [tilespmem:s20+$0x130]  }
0x2db: {  	v6 =	vld [tilespmem:s20+$0x110]  }
0x2dc: {  	v8 =	vbroadcast v3, $0xC;
	v7 =	vld [tilespmem:s20+$0x100];
	_ =	sdelay $0x1  }
0x2dd: {  	v4 =	vmul.f32 v4, v8  }
0x2de: {  	v5 =	vmul.f32 v5, v8;
	_ =	sdelay $0x1  }
0x2df: {  	v4 =	vadd.f32 v4, v7;
	v5 =	vadd.f32 v5, v6;
	_ =	sdelay $0x1  }
0x2e0: {  	[tilespmem:s17+$0x90] =	vst v5  }
0x2e1: {  	[tilespmem:s17+$0x80] =	vst v4  }
0x2e2: {  	v4 =	vld [tilespmem:s20+$0x160]  }
0x2e3: {  	v5 =	vld [tilespmem:s20+$0x170]  }
0x2e4: {  	v6 =	vld [tilespmem:s20+$0x140]  }
0x2e5: {  	v8 =	vbroadcast v3, $0xD;
	v7 =	vld [tilespmem:s20+$0x150];
	_ =	sdelay $0x1  }
0x2e6: {  	v4 =	vmul.f32 v4, v8  }
0x2e7: {  	v5 =	vmul.f32 v5, v8  }
.Ltmp2:
0x2e8: {  	v4 =	vadd.f32 v4, v6;
	(pc) =	sbr.rel @p0 .LBB2_7-.Ltmp2, $4  }
0x2e9: {  	v5 =	vadd.f32 v5, v7  }
0x2ea: {  	[tilespmem:s17+$0xA0] =	vst v4  }
0x2eb: {  	[tilespmem:s17+$0xB0] =	vst v5  }
0x2ec: {  	v4 =	vld [tilespmem:s20+$0x1A0]  }
0x2ed: {  	v2 =	vld [tilespmem:s16+$0x1B0]  }
0x2ee: {  	v5 =	vld [tilespmem:s16+$0x180]  }
0x2ef: {  	v6 =	vld [tilespmem:s16+$0x190];
	v7 =	vbroadcast v3, $0xE;
	_ =	sdelay $0x1  }
0x2f0: {  	v4 =	vmul.f32 v4, v7  }
0x2f1: {  	v2 =	vmul.f32 v2, v7  }
0x2f2: {  	v4 =	vadd.f32 v4, v5  }
0x2f3: {  	v2 =	vadd.f32 v2, v6  }
0x2f4: {  	[tilespmem:s18+$0xC0] =	vst v4  }
0x2f5: {  	[tilespmem:s18+$0xD0] =	vst v2  }
0x2f6: {  	v2 =	vld [tilespmem:s16+$0x1E0]  }
0x2f7: {  	v4 =	vld [tilespmem:s16+$0x1F0]  }
0x2f8: {  	v61 =	vld [tilespmem:s16+$0x1C0]  }
0x2f9: {  	v3 =	vbroadcast v3, $0xF;
	v62 =	vld [tilespmem:s16+$0x1D0];
	_ =	sdelay $0x1  }
0x2fa: {  	v2 =	vmul.f32 v2, v3  }
0x2fb: {  	v3 =	vmul.f32 v4, v3  }
0x2fc: {  	v2 =	vadd.f32 v2, v61  }
0x2fd: {  	v3 =	vadd.f32 v3, v62  }
0x2fe: {  	s12 =	sadd.s32 $0x1, s12;
	[tilespmem:s18+$0xE0] =	vst v2  }
0x2ff: {  	s15 =	sadd.s32 $0x2800, s15;
	p0 =	sne.s32 s12, $0x28;
	[tilespmem:s18+$0xF0] =	vst v3  }
0x300: {  	[spmem:s2] =	stream.indirect.scatter.add.f32 [tilespmem:s0], [sflag:$0x4], $0x20, s15, s29, $0xb8;
	v63 =	vld [tilespmem:$0x0]  }
.Ltmp3:
0x301: {  	_ = 	snop;
	(pc) =	sbr.rel @p0 .LBB2_4-.Ltmp3, $4  }
0x302: {  	[spmem:s3] =	stream.indirect.scatter.add.f32 [tilespmem:s28], [sflag:$0x5], $0x10, s15, s29, $0xb8;
	v63 =	vld [tilespmem:$0x0]  }
0x303: {  	_ =	swait.ge [sflag:s8], $0x800  }
0x304: {  	[sflag:s8] =	ssyncset.done $0x0  }
0x305: {  	s13 =	sadd.s32 $0x100, s13;
	s14 =	sadd.s32 $0x100, s14;
	[sflag:s8] =	ssyncadd.s32 $0xFFFFF800  }
0x306: {  	_ =	swait.ge [sflag:s9], $0x1000  }
0x307: {  	[sflag:s9] =	ssyncset.done $0x0  }
0x308: {  	[sflag:s9] =	ssyncadd.s32 $0xFFFFF000  }
0x309: {  	_ =	swait.ge [sflag:s10], $0x1000  }
0x30a: {  	[sflag:s10] =	ssyncset.done $0x0  }
0x30b: {  	[sflag:s10] =	ssyncadd.s32 $0xFFFFF000  }
0x30c: {  	_ =	swait.ge [sflag:s8], $0x800  }
0x30d: {  	[sflag:s8] =	ssyncset.done $0x0  }
0x30e: {  	[sflag:s8] =	ssyncadd.s32 $0xFFFFF800  }
0x30f: {  	[bflag:$0x0] =	sbarrier.arrive $0xFFFF  }
0x310: {  	s12 =	sshrl.u32 s6, $0x3;
	s13 =	rddreg [dreg:$0x12]  }
0x311: {  	[hbm:s13], [sflag:s11] =	dma.local [spmem:s12], $0xA00  }
0x312: {  	_ =	swait.ge [sflag:s24], $0xA00  }
0x313: {  	[sflag:s24] =	ssyncset.done $0x0  }
0x314: {  	s20 =	sshrl.u32 s7, $0x3;
	s21 =	rddreg [dreg:$0x13];
	[sflag:s24] =	ssyncadd.s32 $0xFFFFF600  }
0x315: {  	[hbm:s21], [sflag:s11] =	dma.local [spmem:s20], $0x500  }
0x316: {  	_ =	swait.ge [sflag:s24], $0x500  }
0x317: {  	s5 =	sadd.s32 $0x1, s5;
	s22 =	rddreg [dreg:$0x14]  }
0x318: {  	p0 =	sne.s32 s5, s22  }
.Ltmp4:
0x319: {  	_ = 	snop;
	(pc) =	sbr.rel @p0 .LBB2_1-.Ltmp4, $3  }
0x31a: {  	_ =	sdelay $0x1  }
0x31b: {  	[sflag:s24] =	ssyncset.done $0x0  }
0x31c: {  	[sflag:s24] =	ssyncadd.s32 $0xFFFFFB00  }
0x31d: {  	_ =	sfence.sel $0x180000  }
0x31e: {  	[bflag:$0x0] =	sbarrier.arrive $0xFFFF  }
0x31f: {  	_ =	strace $0x90000047  }
0x320: {  	s0 =	stileid.u32;
	[bflag:$0x2] =	sbarrier.arrive $0xFFFF  }
0x321: {  	p0 =	sne.s32 s0, $0x0;
	s0 =	rddreg [dreg:$0x5]  }
0x322: {  	s0 =	sadd.s32 @!p0 $0x100000, s0  }
0x323: {  	[sflag:s0] =	ssyncadd.tile.s32 @!p0 $0x1;
	_ =	shalt  }
.Lfunc_end2:
_tile_overlayer_lowered:
.L_overlay_start_2:
0x324: {  	(tag) =	ssettag $0x2  }
0x325: {  	s0 =	rddreg [dreg:$0x0];
	s2 =	stileid.u32  }
0x326: {  	s1 =	rddreg [dreg:$0x1];
	p0 =	sne.s32 s2, $0x0  }
0x327: {  	s3 =	rddreg [dreg:$0x2];
	[bflag:$0x3] =	sbarrier.arrive $0xFFFF;
	s2 =	simm.s32 @!p0 $0x1C06  }
0x328: {  	[timem:s3], [sflag:s2] =	dma.local @!p0 [hbm:s0], s1  }
0x329: {  	s0 =	simm.s32 @!p0 $0x6  }
0x32a: {  	_ =	swait.ge @!p0 [sflag:s0], s1  }
0x32b: {  	s1 =	ssub.s32 @!p0 $0x0, s1;
	[sflag:s0] =	ssyncset.done @!p0 $0x0  }
0x32c: {  	[sflag:s0] =	ssyncadd.s32 @!p0 s1  }
0x32d: {  	[bflag:$0x3] =	sbarrier.arrive $0xFFFF  }
0x32e: {  	_ =	shalt  }

</sc_bundles>
